<compile_context>
chip_gen: v7x
topology: tpu7x:2x2x1
jax: 0.10.2.dev20260603
libtpu: 0.0.44.dev20260713+nightly
codegen_flags: <defaults>
</compile_context>

<pallas_src>
import functools

import jax
import jax.numpy as jnp
from jax import lax
from jax.experimental import pallas as pl
from jax.experimental.pallas import tpu as pltpu
from jax.experimental.pallas import tpu_sc as plsc

N = 10000
M = 10000
E = 320000
IN_C, HID_C, OUT_C = 128, 128, 64

NC, NS = 2, 16
NW = NC * NS
EPW = E // NW
CH = 100
NCH = EPW // CH
MP = 10240
RPS = MP // NS

_mesh = plsc.VectorSubcoreMesh(core_axis_name="c", subcore_axis_name="s")
_sc_params = pltpu.CompilerParams(use_tc_tiling_on_sc=False,
                                 disable_bounds_checks=True,
                                 disable_semaphore_checks=True)


def _zero_fill(buf, width):
    zero16 = jnp.zeros((16,), jnp.float32)

    def row(i, carry):
        for g in range(width // 16):
            buf[i, pl.ds(g * 16, 16)] = zero16
        return carry

    lax.fori_loop(0, buf.shape[0], row, 0)


def _sc_propagate(table, sidx3, didx3, width, with_degrees=False):

    out_type = jax.ShapeDtypeStruct((NC, MP, width), jnp.float32)
    deg_type = jax.ShapeDtypeStruct((NC, MP), jnp.float32)
    if with_degrees:
        out_type = (out_type, deg_type, deg_type)
    deg_scratch = [
        pltpu.VMEM((CH,), jnp.float32),
        pltpu.VMEM_SHARED((MP,), jnp.float32),
        pltpu.VMEM_SHARED((MP,), jnp.float32),
        pltpu.SemaphoreType.DMA,
        pltpu.SemaphoreType.DMA,
    ] if with_degrees else []

    @functools.partial(
        pl.kernel,
        out_type=out_type,
        mesh=_mesh,
        compiler_params=_sc_params,
        scratch_types=[
            pltpu.VMEM((NCH, CH), jnp.int32),
            pltpu.VMEM((NCH, CH), jnp.int32),
            pltpu.VMEM((CH, width), jnp.float32),
            pltpu.VMEM((CH, width), jnp.float32),
            pltpu.VMEM_SHARED((MP, width), jnp.float32),
            pltpu.SemaphoreType.DMA,
            pltpu.SemaphoreType.DMA,
            pltpu.SemaphoreType.DMA,
            pltpu.SemaphoreType.DMA,
        ] + deg_scratch,
    )
    def k(table_hbm, sidx_hbm, didx_hbm, out_hbm, *rest):
        if with_degrees:
            (sdout, ddout, sv, dv, rows0, rows1, acc, sem0, sem1,
             ssem0, ssem1, ones_v, sdacc, ddacc, sdsem, ddsem) = rest
        else:
            sv, dv, rows0, rows1, acc, sem0, sem1, ssem0, ssem1 = rest
        cid = lax.axis_index("c")
        sid = lax.axis_index("s")
        wid = cid * NS + sid

        _zero_fill(rows0, width)
        pltpu.sync_copy(sidx_hbm.at[wid], sv)
        pltpu.sync_copy(didx_hbm.at[wid], dv)

        r0 = sid * RPS
        for t in range(RPS // CH):
            pltpu.sync_copy(rows0, acc.at[pl.ds(r0 + t * CH, CH)])
        pltpu.sync_copy(rows0.at[pl.ds(0, RPS - (RPS // CH) * CH)],
                        acc.at[pl.ds(r0 + (RPS // CH) * CH,
                                     RPS - (RPS // CH) * CH)])
        if with_degrees:
            one16 = jnp.ones((16,), jnp.float32)

            def fill_ones(i, carry):
                ones_v[pl.ds(i * 16, 16)] = one16
                return carry

            lax.fori_loop(0, CH // 16, fill_ones, 0)
            ones_v[pl.ds(CH - 16, 16)] = one16
            for t in range(RPS // width):
                pltpu.sync_copy(rows0.at[0], sdacc.at[pl.ds(r0 + t * width,
                                                            width)])
                pltpu.sync_copy(rows0.at[0], ddacc.at[pl.ds(r0 + t * width,
                                                            width)])
        plsc.subcore_barrier()

        pltpu.async_copy(table_hbm.at[sv.at[0]], rows0, sem0)
        pltpu.async_copy(table_hbm.at[sv.at[1]], rows1, sem1)

        def body(i, carry):
            j0 = 2 * i
            j1 = 2 * i + 1
            pltpu.make_async_copy(table_hbm.at[sv.at[j0]], rows0, sem0).wait()
            pltpu.async_copy(rows0, acc.at[dv.at[j0]], ssem0, add=True)
            pltpu.make_async_copy(table_hbm.at[sv.at[j1]], rows1, sem1).wait()
            pltpu.async_copy(rows1, acc.at[dv.at[j1]], ssem1, add=True)
            if with_degrees:
                pltpu.async_copy(ones_v, sdacc.at[sv.at[j0]], sdsem, add=True)
                pltpu.async_copy(ones_v, ddacc.at[dv.at[j0]], ddsem, add=True)
                pltpu.async_copy(ones_v, sdacc.at[sv.at[j1]], sdsem, add=True)
                pltpu.async_copy(ones_v, ddacc.at[dv.at[j1]], ddsem, add=True)

            @pl.when(i < NCH // 2 - 1)
            def _():
                pltpu.make_async_copy(table_hbm.at[sv.at[j0]],
                                      rows0, ssem0).wait()
                pltpu.async_copy(table_hbm.at[sv.at[j0 + 2]], rows0, sem0)
                pltpu.make_async_copy(table_hbm.at[sv.at[j1]],
                                      rows1, ssem1).wait()
                pltpu.async_copy(table_hbm.at[sv.at[j1 + 2]], rows1, sem1)
            return carry

        lax.fori_loop(0, NCH // 2, body, 0)
        pltpu.make_async_copy(table_hbm.at[sv.at[0]], rows0, ssem0).wait()
        pltpu.make_async_copy(table_hbm.at[sv.at[1]], rows1, ssem1).wait()
        if with_degrees:

            def drain(j, carry):
                pltpu.make_async_copy(ones_v, sdacc.at[sv.at[0]],
                                      sdsem).wait()
                pltpu.make_async_copy(ones_v, ddacc.at[dv.at[0]],
                                      ddsem).wait()
                return carry

            lax.fori_loop(0, NCH, drain, 0)
        plsc.subcore_barrier()

        pltpu.sync_copy(acc.at[pl.ds(r0, RPS)], out_hbm.at[cid, pl.ds(r0, RPS)])
        if with_degrees:
            pltpu.sync_copy(sdacc.at[pl.ds(r0, RPS)],
                            sdout.at[cid, pl.ds(r0, RPS)])
            pltpu.sync_copy(ddacc.at[pl.ds(r0, RPS)],
                            ddout.at[cid, pl.ds(r0, RPS)])

    return k(table, sidx3, didx3)


def _tc_matmul1(x, W1):
    def body(x_ref, w_ref, o_ref):
        o_ref[...] = lax.dot_general(
            x_ref[...], w_ref[...], (((1,), (1,)), ((), ())),
            preferred_element_type=jnp.float32)

    return pl.pallas_call(
        body,
        grid=(10,),
        in_specs=[
            pl.BlockSpec((1000, IN_C), lambda i: (i, 0)),
            pl.BlockSpec((HID_C, IN_C), lambda i: (0, 0)),
        ],
        out_specs=pl.BlockSpec((1000, HID_C), lambda i: (i, 0)),
        out_shape=jax.ShapeDtypeStruct((N, HID_C), jnp.float32),
    )(x, W1)


def _tc_combine_scale(p0, p1, g0, g1, width):

    def body(a_ref, b_ref, g0_ref, g1_ref, o_ref):
        deg = g0_ref[...] + g1_ref[...]
        inv = jnp.where(deg > 0, 1.0 / deg, 0.0)
        o_ref[...] = (a_ref[...] + b_ref[...]) * inv

    return pl.pallas_call(
        body,
        grid=(10,),
        in_specs=[
            pl.BlockSpec((1000, width), lambda i: (i, 0)),
            pl.BlockSpec((1000, width), lambda i: (i, 0)),
            pl.BlockSpec((1000, 1), lambda i: (i, 0)),
            pl.BlockSpec((1000, 1), lambda i: (i, 0)),
        ],
        out_specs=pl.BlockSpec((1000, width), lambda i: (i, 0)),
        out_shape=jax.ShapeDtypeStruct((M, width), jnp.float32),
    )(p0, p1, g0, g1)


def _tc_scale_bias_relu_matmul(p0, p1, g0, g1, b1, W2):

    def body(a_ref, b_ref, g0_ref, g1_ref, bias_ref, w_ref, o_ref):
        deg = g0_ref[...] + g1_ref[...]
        inv = jnp.where(deg > 0, 1.0 / deg, 0.0)
        h = (a_ref[...] + b_ref[...]) * inv + bias_ref[...]
        h = jnp.maximum(h, 0.0)
        o_ref[...] = lax.dot_general(
            h, w_ref[...], (((1,), (1,)), ((), ())),
            preferred_element_type=jnp.float32)

    return pl.pallas_call(
        body,
        grid=(10,),
        in_specs=[
            pl.BlockSpec((1000, HID_C), lambda i: (i, 0)),
            pl.BlockSpec((1000, HID_C), lambda i: (i, 0)),
            pl.BlockSpec((1000, 1), lambda i: (i, 0)),
            pl.BlockSpec((1000, 1), lambda i: (i, 0)),
            pl.BlockSpec((1, HID_C), lambda i: (0, 0)),
            pl.BlockSpec((OUT_C, HID_C), lambda i: (0, 0)),
        ],
        out_specs=pl.BlockSpec((1000, OUT_C), lambda i: (i, 0)),
        out_shape=jax.ShapeDtypeStruct((N, OUT_C), jnp.float32),
    )(p0, p1, g0, g1, b1, W2)


def _tc_scale_bias_logsoftmax(p0, p1, g0, g1, b2):
    def body(a_ref, b_ref, g0_ref, g1_ref, bias_ref, o_ref):
        deg = g0_ref[...] + g1_ref[...]
        inv = jnp.where(deg > 0, 1.0 / deg, 0.0)
        z = (a_ref[...] + b_ref[...]) * inv + bias_ref[...]
        m = jnp.max(z, axis=1, keepdims=True)
        e = jnp.exp(z - m)
        s = jnp.sum(e, axis=1, keepdims=True)
        o_ref[...] = z - m - jnp.log(s)

    return pl.pallas_call(
        body,
        grid=(10,),
        in_specs=[
            pl.BlockSpec((1000, OUT_C), lambda i: (i, 0)),
            pl.BlockSpec((1000, OUT_C), lambda i: (i, 0)),
            pl.BlockSpec((1000, 1), lambda i: (i, 0)),
            pl.BlockSpec((1000, 1), lambda i: (i, 0)),
            pl.BlockSpec((1, OUT_C), lambda i: (0, 0)),
        ],
        out_specs=pl.BlockSpec((1000, OUT_C), lambda i: (i, 0)),
        out_shape=jax.ShapeDtypeStruct((N, OUT_C), jnp.float32),
    )(p0, p1, g0, g1, b2)


@jax.jit
def kernel(x, edge_index, W1, b1, W2, b2):
    node_idx3 = edge_index[0].reshape(NW, NCH, CH)
    he_idx3 = edge_index[1].reshape(NW, NCH, CH)
    b1r = b1.reshape(1, HID_C)
    b2r = b2.reshape(1, OUT_C)

    y1 = _tc_matmul1(x, W1)

    hp, dpart, bpart = _sc_propagate(y1, node_idx3, he_idx3, HID_C,
                                     with_degrees=True)
    d0, d1 = dpart[0].reshape(MP, 1), dpart[1].reshape(MP, 1)
    bd0, bd1 = bpart[0].reshape(MP, 1), bpart[1].reshape(MP, 1)
    he1 = _tc_combine_scale(hp[0], hp[1], bd0, bd1, HID_C)

    np_ = _sc_propagate(he1, he_idx3, node_idx3, HID_C)
    y2 = _tc_scale_bias_relu_matmul(np_[0], np_[1], d0, d1, b1r, W2)

    hp2 = _sc_propagate(y2, node_idx3, he_idx3, OUT_C)
    he2 = _tc_combine_scale(hp2[0], hp2[1], bd0, bd1, OUT_C)

    np2 = _sc_propagate(he2, he_idx3, node_idx3, OUT_C)
    return _tc_scale_bias_logsoftmax(np2[0], np2[1], d0, d1, b2r)

# --- scband reference (transcript-rebuilt; emitter-appended) ---
"""Pipeline reference for scband-hgnn-6227702579536 (READ-ONLY COPY).

The authoritative reference and input builder live on the scoring server;
editing this copy changes nothing except your own understanding.
"""

import jax, jax.numpy as jnp
import numpy as np

N = 10000      # number of nodes
M = 10000      # number of hyperedges
E = 320000     # number of (node, hyperedge) incidence entries
IN_C, HID_C, OUT_C = 128, 128, 64


def setup_inputs(seed: int = 0) -> dict:
    key = jax.random.key(seed)
    k1, k2, k3, k4, k5, k6 = jax.random.split(key, 6)
    x = jax.random.normal(k1, (N, IN_C), dtype=jnp.float32)
    edge_index = jax.random.randint(k2, (2, E), 0, N, dtype=jnp.int32)
    # Learned parameters (two HypergraphConv layers: Linear weight + bias each)
    W1 = jax.random.normal(k3, (HID_C, IN_C), dtype=jnp.float32) * (1.0 / np.sqrt(IN_C))
    b1 = jnp.zeros((HID_C,), dtype=jnp.float32)
    W2 = jax.random.normal(k4, (OUT_C, HID_C), dtype=jnp.float32) * (1.0 / np.sqrt(HID_C))
    b2 = jnp.zeros((OUT_C,), dtype=jnp.float32)
    return {"x": x, "edge_index": edge_index, "W1": W1, "b1": b1, "W2": W2, "b2": b2}


def _hypergraph_conv(x, node_idx, he_idx, W, b):
    # X' = D^{-1} H B^{-1} H^T (X Theta) + bias
    x = x @ W.T
    ones = jnp.ones(node_idx.shape[0], dtype=x.dtype)
    deg = jax.ops.segment_sum(ones, node_idx, num_segments=N)      # node degree D
    d_inv = jnp.where(deg > 0, 1.0 / deg, 0.0)
    bdeg = jax.ops.segment_sum(ones, he_idx, num_segments=M)       # hyperedge degree B
    b_inv = jnp.where(bdeg > 0, 1.0 / bdeg, 0.0)
    # node -> hyperedge aggregation (messages scaled by B^{-1} at destination edge)
    msg = x[node_idx] * b_inv[he_idx][:, None]
    he_feat = jax.ops.segment_sum(msg, he_idx, num_segments=M)
    # hyperedge -> node aggregation (messages scaled by D^{-1} at destination node)
    msg2 = he_feat[he_idx] * d_inv[node_idx][:, None]
    out = jax.ops.segment_sum(msg2, node_idx, num_segments=N)
    return out + b


def reference(x, edge_index, W1, b1, W2, b2):
    node_idx = edge_index[0]
    he_idx = edge_index[1]
    h = _hypergraph_conv(x, node_idx, he_idx, W1, b1)
    h = jax.nn.relu(h)
    h = _hypergraph_conv(h, node_idx, he_idx, W2, b2)
    return jax.nn.log_softmax(h, axis=1)

if __name__ == "__main__":
    import jax
    _d = setup_inputs()
    print(jax.jit(kernel)(*tuple(_d.values())))

</pallas_src>

<mosaic_0001>
#map = affine_map<(d0, d1) -> (0, 0)>
#map1 = affine_map<(d0, d1) -> (0, 0, 0)>
module attributes {stable_mosaic.version = 14 : i64} {
  func.func @k(%arg0: i32, %arg1: i32, %arg2: memref<10000x128xf32, #tpu.memory_space<hbm>>, %arg3: memref<32x100x100xi32, #tpu.memory_space<hbm>>, %arg4: memref<32x100x100xi32, #tpu.memory_space<hbm>>, %arg5: memref<2x10240x128xf32, #tpu.memory_space<hbm>>, %arg6: memref<2x10240xf32, #tpu.memory_space<hbm>>, %arg7: memref<2x10240xf32, #tpu.memory_space<hbm>>, %arg8: memref<100x100xi32, #tpu.memory_space<vmem>>, %arg9: memref<100x100xi32, #tpu.memory_space<vmem>>, %arg10: memref<100x128xf32, #tpu.memory_space<vmem>>, %arg11: memref<100x128xf32, #tpu.memory_space<vmem>>, %arg12: memref<10240x128xf32, #tpu.memory_space<vmem_shared>>, %arg13: memref<!tpu.dma_semaphore, #tpu.memory_space<semaphore_mem>>, %arg14: memref<!tpu.dma_semaphore, #tpu.memory_space<semaphore_mem>>, %arg15: memref<!tpu.dma_semaphore, #tpu.memory_space<semaphore_mem>>, %arg16: memref<!tpu.dma_semaphore, #tpu.memory_space<semaphore_mem>>, %arg17: memref<100xf32, #tpu.memory_space<vmem>>, %arg18: memref<10240xf32, #tpu.memory_space<vmem_shared>>, %arg19: memref<10240xf32, #tpu.memory_space<vmem_shared>>, %arg20: memref<!tpu.dma_semaphore, #tpu.memory_space<semaphore_mem>>, %arg21: memref<!tpu.dma_semaphore, #tpu.memory_space<semaphore_mem>>) attributes {dimension_semantics = [#tpu.dimension_semantics<core_parallel>, #tpu.dimension_semantics<subcore_parallel>], iteration_bounds = array<i64: 2, 16>, scalar_prefetch = 0 : i64, scratch_operands = 14 : i64, tpu.core_type = #tpu.core_type<sc_vector_subcore>, window_params = [{transform_indices = #map}, {transform_indices = #map1}, {transform_indices = #map1}, {transform_indices = #map1}, {transform_indices = #map}, {transform_indices = #map}]} {
    %mul3A = arith.constant 16 : i32
    %mul3A_0 = arith.muli %arg0, %mul3A : i32
    %add3A = arith.addi %mul3A_0, %arg1 : i32
    %broadcast_in_dim3A = arith.constant 0.000000e+00 : f32
    %broadcast_in_dim3A_1 = vector.broadcast %broadcast_in_dim3A : f32 to vector<16xf32>
    %scan3A = arith.constant 0 : i32
    %scan3A_2 = arith.constant 0 : i32
    %scan3A_3 = arith.constant 100 : i32
    %scan3A_4 = arith.addi %scan3A_2, %scan3A_3 : i32
    %scan3A_5 = arith.constant 1 : i32
    scf.for %scan3A_102 = %scan3A_2 to %scan3A_4 step %scan3A_5  : i32 {
      %swap3A_103 = arith.index_cast %scan3A_102 : i32 to index
      %swap3A_104 = arith.constant 0 : index
      %swap3A_105 = tpu.vector_load %arg10[%swap3A_103, %swap3A_104] {strides = array<i32>} : memref<100x128xf32, #tpu.memory_space<vmem>>, vector<1x16xf32>,
      %swap3A_106 = vector.shape_cast %swap3A_105 : vector<1x16xf32> to vector<16xf32>
      %swap3A_107 = vector.shape_cast %broadcast_in_dim3A_1 : vector<16xf32> to vector<1x16xf32>
      tpu.vector_store %arg10[%swap3A_103, %swap3A_104], %swap3A_107 {strides = array<i32>} : memref<100x128xf32, #tpu.memory_space<vmem>>, vector<1x16xf32>,
      %swap3A_108 = arith.index_cast %scan3A_102 : i32 to index
      %swap3A_109 = arith.constant 16 : index
      %swap3A_110 = tpu.vector_load %arg10[%swap3A_108, %swap3A_109] {strides = array<i32>} : memref<100x128xf32, #tpu.memory_space<vmem>>, vector<1x16xf32>,
      %swap3A_111 = vector.shape_cast %swap3A_110 : vector<1x16xf32> to vector<16xf32>
      %swap3A_112 = vector.shape_cast %broadcast_in_dim3A_1 : vector<16xf32> to vector<1x16xf32>
      tpu.vector_store %arg10[%swap3A_108, %swap3A_109], %swap3A_112 {strides = array<i32>} : memref<100x128xf32, #tpu.memory_space<vmem>>, vector<1x16xf32>,
      %swap3A_113 = arith.index_cast %scan3A_102 : i32 to index
      %swap3A_114 = arith.constant 32 : index
      %swap3A_115 = tpu.vector_load %arg10[%swap3A_113, %swap3A_114] {strides = array<i32>} : memref<100x128xf32, #tpu.memory_space<vmem>>, vector<1x16xf32>,
      %swap3A_116 = vector.shape_cast %swap3A_115 : vector<1x16xf32> to vector<16xf32>
      %swap3A_117 = vector.shape_cast %broadcast_in_dim3A_1 : vector<16xf32> to vector<1x16xf32>
      tpu.vector_store %arg10[%swap3A_113, %swap3A_114], %swap3A_117 {strides = array<i32>} : memref<100x128xf32, #tpu.memory_space<vmem>>, vector<1x16xf32>,
      %swap3A_118 = arith.index_cast %scan3A_102 : i32 to index
      %swap3A_119 = arith.constant 48 : index
      %swap3A_120 = tpu.vector_load %arg10[%swap3A_118, %swap3A_119] {strides = array<i32>} : memref<100x128xf32, #tpu.memory_space<vmem>>, vector<1x16xf32>,
      %swap3A_121 = vector.shape_cast %swap3A_120 : vector<1x16xf32> to vector<16xf32>
      %swap3A_122 = vector.shape_cast %broadcast_in_dim3A_1 : vector<16xf32> to vector<1x16xf32>
      tpu.vector_store %arg10[%swap3A_118, %swap3A_119], %swap3A_122 {strides = array<i32>} : memref<100x128xf32, #tpu.memory_space<vmem>>, vector<1x16xf32>,
      %swap3A_123 = arith.index_cast %scan3A_102 : i32 to index
      %swap3A_124 = arith.constant 64 : index
      %swap3A_125 = tpu.vector_load %arg10[%swap3A_123, %swap3A_124] {strides = array<i32>} : memref<100x128xf32, #tpu.memory_space<vmem>>, vector<1x16xf32>,
      %swap3A_126 = vector.shape_cast %swap3A_125 : vector<1x16xf32> to vector<16xf32>
      %swap3A_127 = vector.shape_cast %broadcast_in_dim3A_1 : vector<16xf32> to vector<1x16xf32>
      tpu.vector_store %arg10[%swap3A_123, %swap3A_124], %swap3A_127 {strides = array<i32>} : memref<100x128xf32, #tpu.memory_space<vmem>>, vector<1x16xf32>,
      %swap3A_128 = arith.index_cast %scan3A_102 : i32 to index
      %swap3A_129 = arith.constant 80 : index
      %swap3A_130 = tpu.vector_load %arg10[%swap3A_128, %swap3A_129] {strides = array<i32>} : memref<100x128xf32, #tpu.memory_space<vmem>>, vector<1x16xf32>,
      %swap3A_131 = vector.shape_cast %swap3A_130 : vector<1x16xf32> to vector<16xf32>
      %swap3A_132 = vector.shape_cast %broadcast_in_dim3A_1 : vector<16xf32> to vector<1x16xf32>
      tpu.vector_store %arg10[%swap3A_128, %swap3A_129], %swap3A_132 {strides = array<i32>} : memref<100x128xf32, #tpu.memory_space<vmem>>, vector<1x16xf32>,
      %swap3A_133 = arith.index_cast %scan3A_102 : i32 to index
      %swap3A_134 = arith.constant 96 : index
      %swap3A_135 = tpu.vector_load %arg10[%swap3A_133, %swap3A_134] {strides = array<i32>} : memref<100x128xf32, #tpu.memory_space<vmem>>, vector<1x16xf32>,
      %swap3A_136 = vector.shape_cast %swap3A_135 : vector<1x16xf32> to vector<16xf32>
      %swap3A_137 = vector.shape_cast %broadcast_in_dim3A_1 : vector<16xf32> to vector<1x16xf32>
      tpu.vector_store %arg10[%swap3A_133, %swap3A_134], %swap3A_137 {strides = array<i32>} : memref<100x128xf32, #tpu.memory_space<vmem>>, vector<1x16xf32>,
      %swap3A_138 = arith.index_cast %scan3A_102 : i32 to index
      %swap3A_139 = arith.constant 112 : index
      %swap3A_140 = tpu.vector_load %arg10[%swap3A_138, %swap3A_139] {strides = array<i32>} : memref<100x128xf32, #tpu.memory_space<vmem>>, vector<1x16xf32>,
      %swap3A_141 = vector.shape_cast %swap3A_140 : vector<1x16xf32> to vector<16xf32>
      %swap3A_142 = vector.shape_cast %broadcast_in_dim3A_1 : vector<16xf32> to vector<1x16xf32>
      tpu.vector_store %arg10[%swap3A_138, %swap3A_139], %swap3A_142 {strides = array<i32>} : memref<100x128xf32, #tpu.memory_space<vmem>>, vector<1x16xf32>,
    }
    %scan3A_6 = arith.constant 100 : i32
    "tpu.region"() ({
      %run_scoped3A_102 = tpu.sem_alloc : memref<!tpu.dma_semaphore, #tpu.memory_space<semaphore_mem>>
      %dma_start3A_103 = arith.constant 0 : i32
      %dma_start3A_104 = arith.constant 0 : i32
      %dma_start3A_105 = tpu.memref_slice %arg3[%add3A, %dma_start3A_103, %dma_start3A_104] : memref<32x100x100xi32, #tpu.memory_space<hbm>> -> memref<1x100x100xi32, #tpu.memory_space<hbm>>
      %dma_start3A_106 = tpu.memref_squeeze %dma_start3A_105 : memref<1x100x100xi32, #tpu.memory_space<hbm>> -> memref<100x100xi32, #tpu.memory_space<hbm>>
      %dma_start3A_107 = arith.constant 0 : i32
      %dma_start3A_108 = arith.constant 0 : i32
      %dma_start3A_109 = tpu.memref_slice %arg3[%add3A, %dma_start3A_107, %dma_start3A_108] : memref<32x100x100xi32, #tpu.memory_space<hbm>> -> memref<1x100x100xi32, #tpu.memory_space<hbm>>
      %dma_start3A_110 = tpu.memref_squeeze %dma_start3A_109 : memref<1x100x100xi32, #tpu.memory_space<hbm>> -> memref<100x100xi32, #tpu.memory_space<hbm>>
      tpu.enqueue_dma source(%dma_start3A_110 : memref<100x100xi32, #tpu.memory_space<hbm>>) target(%arg8 : memref<100x100xi32, #tpu.memory_space<vmem>>) target_semaphore(%run_scoped3A_102 : memref<!tpu.dma_semaphore, #tpu.memory_space<semaphore_mem>>)
      %dma_wait3A_111 = arith.constant 0 : i32
      %dma_wait3A_112 = arith.constant 0 : i32
      %dma_wait3A_113 = tpu.memref_slice %arg3[%add3A, %dma_wait3A_111, %dma_wait3A_112] : memref<32x100x100xi32, #tpu.memory_space<hbm>> -> memref<1x100x100xi32, #tpu.memory_space<hbm>>
      %dma_wait3A_114 = tpu.memref_squeeze %dma_wait3A_113 : memref<1x100x100xi32, #tpu.memory_space<hbm>> -> memref<100x100xi32, #tpu.memory_space<hbm>>
      %dma_wait3A_115 = arith.constant 0 : i32
      %dma_wait3A_116 = arith.constant 0 : i32
      %dma_wait3A_117 = tpu.memref_slice %arg3[%add3A, %dma_wait3A_115, %dma_wait3A_116] : memref<32x100x100xi32, #tpu.memory_space<hbm>> -> memref<1x100x100xi32, #tpu.memory_space<hbm>>
      %dma_wait3A_118 = tpu.memref_squeeze %dma_wait3A_117 : memref<1x100x100xi32, #tpu.memory_space<hbm>> -> memref<100x100xi32, #tpu.memory_space<hbm>>
      tpu.wait_dma2 semaphore(%run_scoped3A_102 : memref<!tpu.dma_semaphore, #tpu.memory_space<semaphore_mem>>) src(%dma_wait3A_118 : memref<100x100xi32, #tpu.memory_space<hbm>>) dst(%arg8 : memref<100x100xi32, #tpu.memory_space<vmem>>)
      tpu.yield
    }) : () -> ()
    "tpu.region"() ({
      %run_scoped3A_102 = tpu.sem_alloc : memref<!tpu.dma_semaphore, #tpu.memory_space<semaphore_mem>>
      %dma_start3A_103 = arith.constant 0 : i32
      %dma_start3A_104 = arith.constant 0 : i32
      %dma_start3A_105 = tpu.memref_slice %arg4[%add3A, %dma_start3A_103, %dma_start3A_104] : memref<32x100x100xi32, #tpu.memory_space<hbm>> -> memref<1x100x100xi32, #tpu.memory_space<hbm>>
      %dma_start3A_106 = tpu.memref_squeeze %dma_start3A_105 : memref<1x100x100xi32, #tpu.memory_space<hbm>> -> memref<100x100xi32, #tpu.memory_space<hbm>>
      %dma_start3A_107 = arith.constant 0 : i32
      %dma_start3A_108 = arith.constant 0 : i32
      %dma_start3A_109 = tpu.memref_slice %arg4[%add3A, %dma_start3A_107, %dma_start3A_108] : memref<32x100x100xi32, #tpu.memory_space<hbm>> -> memref<1x100x100xi32, #tpu.memory_space<hbm>>
      %dma_start3A_110 = tpu.memref_squeeze %dma_start3A_109 : memref<1x100x100xi32, #tpu.memory_space<hbm>> -> memref<100x100xi32, #tpu.memory_space<hbm>>
      tpu.enqueue_dma source(%dma_start3A_110 : memref<100x100xi32, #tpu.memory_space<hbm>>) target(%arg9 : memref<100x100xi32, #tpu.memory_space<vmem>>) target_semaphore(%run_scoped3A_102 : memref<!tpu.dma_semaphore, #tpu.memory_space<semaphore_mem>>)
      %dma_wait3A_111 = arith.constant 0 : i32
      %dma_wait3A_112 = arith.constant 0 : i32
      %dma_wait3A_113 = tpu.memref_slice %arg4[%add3A, %dma_wait3A_111, %dma_wait3A_112] : memref<32x100x100xi32, #tpu.memory_space<hbm>> -> memref<1x100x100xi32, #tpu.memory_space<hbm>>
      %dma_wait3A_114 = tpu.memref_squeeze %dma_wait3A_113 : memref<1x100x100xi32, #tpu.memory_space<hbm>> -> memref<100x100xi32, #tpu.memory_space<hbm>>
      %dma_wait3A_115 = arith.constant 0 : i32
      %dma_wait3A_116 = arith.constant 0 : i32
      %dma_wait3A_117 = tpu.memref_slice %arg4[%add3A, %dma_wait3A_115, %dma_wait3A_116] : memref<32x100x100xi32, #tpu.memory_space<hbm>> -> memref<1x100x100xi32, #tpu.memory_space<hbm>>
      %dma_wait3A_118 = tpu.memref_squeeze %dma_wait3A_117 : memref<1x100x100xi32, #tpu.memory_space<hbm>> -> memref<100x100xi32, #tpu.memory_space<hbm>>
      tpu.wait_dma2 semaphore(%run_scoped3A_102 : memref<!tpu.dma_semaphore, #tpu.memory_space<semaphore_mem>>) src(%dma_wait3A_118 : memref<100x100xi32, #tpu.memory_space<hbm>>) dst(%arg9 : memref<100x100xi32, #tpu.memory_space<vmem>>)
      tpu.yield
    }) : () -> ()
    %mul3A_7 = arith.constant 640 : i32
    %mul3A_8 = arith.muli %arg1, %mul3A_7 : i32
    %add3A_9 = arith.constant 0 : i32
    %add3A_10 = arith.addi %mul3A_8, %add3A_9 : i32
    "tpu.region"() ({
      %run_scoped3A_102 = tpu.sem_alloc : memref<!tpu.dma_semaphore, #tpu.memory_space<semaphore_mem>>
      %dma_start3A_103 = arith.constant 0 : i32
      %dma_start3A_104 = tpu.memref_slice %arg12[%add3A_10, %dma_start3A_103] : memref<10240x128xf32, #tpu.memory_space<vmem_shared>> -> memref<100x128xf32, #tpu.memory_space<vmem_shared>>
      %dma_start3A_105 = arith.constant 0 : i32
      %dma_start3A_106 = tpu.memref_slice %arg12[%add3A_10, %dma_start3A_105] : memref<10240x128xf32, #tpu.memory_space<vmem_shared>> -> memref<100x128xf32, #tpu.memory_space<vmem_shared>>
      tpu.enqueue_dma source(%arg10 : memref<100x128xf32, #tpu.memory_space<vmem>>) target(%dma_start3A_106 : memref<100x128xf32, #tpu.memory_space<vmem_shared>>) target_semaphore(%run_scoped3A_102 : memref<!tpu.dma_semaphore, #tpu.memory_space<semaphore_mem>>)
      %dma_wait3A_107 = arith.constant 0 : i32
      %dma_wait3A_108 = tpu.memref_slice %arg12[%add3A_10, %dma_wait3A_107] : memref<10240x128xf32, #tpu.memory_space<vmem_shared>> -> memref<100x128xf32, #tpu.memory_space<vmem_shared>>
      %dma_wait3A_109 = arith.constant 0 : i32
      %dma_wait3A_110 = tpu.memref_slice %arg12[%add3A_10, %dma_wait3A_109] : memref<10240x128xf32, #tpu.memory_space<vmem_shared>> -> memref<100x128xf32, #tpu.memory_space<vmem_shared>>
      tpu.wait_dma2 semaphore(%run_scoped3A_102 : memref<!tpu.dma_semaphore, #tpu.memory_space<semaphore_mem>>) src(%arg10 : memref<100x128xf32, #tpu.memory_space<vmem>>) dst(%dma_wait3A_110 : memref<100x128xf32, #tpu.memory_space<vmem_shared>>)
      tpu.yield
    }) : () -> ()
    %add3A_11 = arith.constant 100 : i32
    %add3A_12 = arith.addi %mul3A_8, %add3A_11 : i32
    "tpu.region"() ({
      %run_scoped3A_102 = tpu.sem_alloc : memref<!tpu.dma_semaphore, #tpu.memory_space<semaphore_mem>>
      %dma_start3A_103 = arith.constant 0 : i32
      %dma_start3A_104 = tpu.memref_slice %arg12[%add3A_12, %dma_start3A_103] : memref<10240x128xf32, #tpu.memory_space<vmem_shared>> -> memref<100x128xf32, #tpu.memory_space<vmem_shared>>
      %dma_start3A_105 = arith.constant 0 : i32
      %dma_start3A_106 = tpu.memref_slice %arg12[%add3A_12, %dma_start3A_105] : memref<10240x128xf32, #tpu.memory_space<vmem_shared>> -> memref<100x128xf32, #tpu.memory_space<vmem_shared>>
      tpu.enqueue_dma source(%arg10 : memref<100x128xf32, #tpu.memory_space<vmem>>) target(%dma_start3A_106 : memref<100x128xf32, #tpu.memory_space<vmem_shared>>) target_semaphore(%run_scoped3A_102 : memref<!tpu.dma_semaphore, #tpu.memory_space<semaphore_mem>>)
      %dma_wait3A_107 = arith.constant 0 : i32
      %dma_wait3A_108 = tpu.memref_slice %arg12[%add3A_12, %dma_wait3A_107] : memref<10240x128xf32, #tpu.memory_space<vmem_shared>> -> memref<100x128xf32, #tpu.memory_space<vmem_shared>>
      %dma_wait3A_109 = arith.constant 0 : i32
      %dma_wait3A_110 = tpu.memref_slice %arg12[%add3A_12, %dma_wait3A_109] : memref<10240x128xf32, #tpu.memory_space<vmem_shared>> -> memref<100x128xf32, #tpu.memory_space<vmem_shared>>
      tpu.wait_dma2 semaphore(%run_scoped3A_102 : memref<!tpu.dma_semaphore, #tpu.memory_space<semaphore_mem>>) src(%arg10 : memref<100x128xf32, #tpu.memory_space<vmem>>) dst(%dma_wait3A_110 : memref<100x128xf32, #tpu.memory_space<vmem_shared>>)
      tpu.yield
    }) : () -> ()
    %add3A_13 = arith.constant 200 : i32
    %add3A_14 = arith.addi %mul3A_8, %add3A_13 : i32
    "tpu.region"() ({
      %run_scoped3A_102 = tpu.sem_alloc : memref<!tpu.dma_semaphore, #tpu.memory_space<semaphore_mem>>
      %dma_start3A_103 = arith.constant 0 : i32
      %dma_start3A_104 = tpu.memref_slice %arg12[%add3A_14, %dma_start3A_103] : memref<10240x128xf32, #tpu.memory_space<vmem_shared>> -> memref<100x128xf32, #tpu.memory_space<vmem_shared>>
      %dma_start3A_105 = arith.constant 0 : i32
      %dma_start3A_106 = tpu.memref_slice %arg12[%add3A_14, %dma_start3A_105] : memref<10240x128xf32, #tpu.memory_space<vmem_shared>> -> memref<100x128xf32, #tpu.memory_space<vmem_shared>>
      tpu.enqueue_dma source(%arg10 : memref<100x128xf32, #tpu.memory_space<vmem>>) target(%dma_start3A_106 : memref<100x128xf32, #tpu.memory_space<vmem_shared>>) target_semaphore(%run_scoped3A_102 : memref<!tpu.dma_semaphore, #tpu.memory_space<semaphore_mem>>)
      %dma_wait3A_107 = arith.constant 0 : i32
      %dma_wait3A_108 = tpu.memref_slice %arg12[%add3A_14, %dma_wait3A_107] : memref<10240x128xf32, #tpu.memory_space<vmem_shared>> -> memref<100x128xf32, #tpu.memory_space<vmem_shared>>
      %dma_wait3A_109 = arith.constant 0 : i32
      %dma_wait3A_110 = tpu.memref_slice %arg12[%add3A_14, %dma_wait3A_109] : memref<10240x128xf32, #tpu.memory_space<vmem_shared>> -> memref<100x128xf32, #tpu.memory_space<vmem_shared>>
      tpu.wait_dma2 semaphore(%run_scoped3A_102 : memref<!tpu.dma_semaphore, #tpu.memory_space<semaphore_mem>>) src(%arg10 : memref<100x128xf32, #tpu.memory_space<vmem>>) dst(%dma_wait3A_110 : memref<100x128xf32, #tpu.memory_space<vmem_shared>>)
      tpu.yield
    }) : () -> ()
    %add3A_15 = arith.constant 300 : i32
    %add3A_16 = arith.addi %mul3A_8, %add3A_15 : i32
    "tpu.region"() ({
      %run_scoped3A_102 = tpu.sem_alloc : memref<!tpu.dma_semaphore, #tpu.memory_space<semaphore_mem>>
      %dma_start3A_103 = arith.constant 0 : i32
      %dma_start3A_104 = tpu.memref_slice %arg12[%add3A_16, %dma_start3A_103] : memref<10240x128xf32, #tpu.memory_space<vmem_shared>> -> memref<100x128xf32, #tpu.memory_space<vmem_shared>>
      %dma_start3A_105 = arith.constant 0 : i32
      %dma_start3A_106 = tpu.memref_slice %arg12[%add3A_16, %dma_start3A_105] : memref<10240x128xf32, #tpu.memory_space<vmem_shared>> -> memref<100x128xf32, #tpu.memory_space<vmem_shared>>
      tpu.enqueue_dma source(%arg10 : memref<100x128xf32, #tpu.memory_space<vmem>>) target(%dma_start3A_106 : memref<100x128xf32, #tpu.memory_space<vmem_shared>>) target_semaphore(%run_scoped3A_102 : memref<!tpu.dma_semaphore, #tpu.memory_space<semaphore_mem>>)
      %dma_wait3A_107 = arith.constant 0 : i32
      %dma_wait3A_108 = tpu.memref_slice %arg12[%add3A_16, %dma_wait3A_107] : memref<10240x128xf32, #tpu.memory_space<vmem_shared>> -> memref<100x128xf32, #tpu.memory_space<vmem_shared>>
      %dma_wait3A_109 = arith.constant 0 : i32
      %dma_wait3A_110 = tpu.memref_slice %arg12[%add3A_16, %dma_wait3A_109] : memref<10240x128xf32, #tpu.memory_space<vmem_shared>> -> memref<100x128xf32, #tpu.memory_space<vmem_shared>>
      tpu.wait_dma2 semaphore(%run_scoped3A_102 : memref<!tpu.dma_semaphore, #tpu.memory_space<semaphore_mem>>) src(%arg10 : memref<100x128xf32, #tpu.memory_space<vmem>>) dst(%dma_wait3A_110 : memref<100x128xf32, #tpu.memory_space<vmem_shared>>)
      tpu.yield
    }) : () -> ()
    %add3A_17 = arith.constant 400 : i32
    %add3A_18 = arith.addi %mul3A_8, %add3A_17 : i32
    "tpu.region"() ({
      %run_scoped3A_102 = tpu.sem_alloc : memref<!tpu.dma_semaphore, #tpu.memory_space<semaphore_mem>>
      %dma_start3A_103 = arith.constant 0 : i32
      %dma_start3A_104 = tpu.memref_slice %arg12[%add3A_18, %dma_start3A_103] : memref<10240x128xf32, #tpu.memory_space<vmem_shared>> -> memref<100x128xf32, #tpu.memory_space<vmem_shared>>
      %dma_start3A_105 = arith.constant 0 : i32
      %dma_start3A_106 = tpu.memref_slice %arg12[%add3A_18, %dma_start3A_105] : memref<10240x128xf32, #tpu.memory_space<vmem_shared>> -> memref<100x128xf32, #tpu.memory_space<vmem_shared>>
      tpu.enqueue_dma source(%arg10 : memref<100x128xf32, #tpu.memory_space<vmem>>) target(%dma_start3A_106 : memref<100x128xf32, #tpu.memory_space<vmem_shared>>) target_semaphore(%run_scoped3A_102 : memref<!tpu.dma_semaphore, #tpu.memory_space<semaphore_mem>>)
      %dma_wait3A_107 = arith.constant 0 : i32
      %dma_wait3A_108 = tpu.memref_slice %arg12[%add3A_18, %dma_wait3A_107] : memref<10240x128xf32, #tpu.memory_space<vmem_shared>> -> memref<100x128xf32, #tpu.memory_space<vmem_shared>>
      %dma_wait3A_109 = arith.constant 0 : i32
      %dma_wait3A_110 = tpu.memref_slice %arg12[%add3A_18, %dma_wait3A_109] : memref<10240x128xf32, #tpu.memory_space<vmem_shared>> -> memref<100x128xf32, #tpu.memory_space<vmem_shared>>
      tpu.wait_dma2 semaphore(%run_scoped3A_102 : memref<!tpu.dma_semaphore, #tpu.memory_space<semaphore_mem>>) src(%arg10 : memref<100x128xf32, #tpu.memory_space<vmem>>) dst(%dma_wait3A_110 : memref<100x128xf32, #tpu.memory_space<vmem_shared>>)
      tpu.yield
    }) : () -> ()
    %add3A_19 = arith.constant 500 : i32
    %add3A_20 = arith.addi %mul3A_8, %add3A_19 : i32
    "tpu.region"() ({
      %run_scoped3A_102 = tpu.sem_alloc : memref<!tpu.dma_semaphore, #tpu.memory_space<semaphore_mem>>
      %dma_start3A_103 = arith.constant 0 : i32
      %dma_start3A_104 = tpu.memref_slice %arg12[%add3A_20, %dma_start3A_103] : memref<10240x128xf32, #tpu.memory_space<vmem_shared>> -> memref<100x128xf32, #tpu.memory_space<vmem_shared>>
      %dma_start3A_105 = arith.constant 0 : i32
      %dma_start3A_106 = tpu.memref_slice %arg12[%add3A_20, %dma_start3A_105] : memref<10240x128xf32, #tpu.memory_space<vmem_shared>> -> memref<100x128xf32, #tpu.memory_space<vmem_shared>>
      tpu.enqueue_dma source(%arg10 : memref<100x128xf32, #tpu.memory_space<vmem>>) target(%dma_start3A_106 : memref<100x128xf32, #tpu.memory_space<vmem_shared>>) target_semaphore(%run_scoped3A_102 : memref<!tpu.dma_semaphore, #tpu.memory_space<semaphore_mem>>)
      %dma_wait3A_107 = arith.constant 0 : i32
      %dma_wait3A_108 = tpu.memref_slice %arg12[%add3A_20, %dma_wait3A_107] : memref<10240x128xf32, #tpu.memory_space<vmem_shared>> -> memref<100x128xf32, #tpu.memory_space<vmem_shared>>
      %dma_wait3A_109 = arith.constant 0 : i32
      %dma_wait3A_110 = tpu.memref_slice %arg12[%add3A_20, %dma_wait3A_109] : memref<10240x128xf32, #tpu.memory_space<vmem_shared>> -> memref<100x128xf32, #tpu.memory_space<vmem_shared>>
      tpu.wait_dma2 semaphore(%run_scoped3A_102 : memref<!tpu.dma_semaphore, #tpu.memory_space<semaphore_mem>>) src(%arg10 : memref<100x128xf32, #tpu.memory_space<vmem>>) dst(%dma_wait3A_110 : memref<100x128xf32, #tpu.memory_space<vmem_shared>>)
      tpu.yield
    }) : () -> ()
    %add3A_21 = arith.constant 600 : i32
    %add3A_22 = arith.addi %mul3A_8, %add3A_21 : i32
    "tpu.region"() ({
      %run_scoped3A_102 = tpu.sem_alloc : memref<!tpu.dma_semaphore, #tpu.memory_space<semaphore_mem>>
      %dma_start3A_103 = arith.constant 0 : i32
      %dma_start3A_104 = arith.constant 0 : i32
      %dma_start3A_105 = tpu.memref_slice %arg10[%dma_start3A_103, %dma_start3A_104] : memref<100x128xf32, #tpu.memory_space<vmem>> -> memref<40x128xf32, #tpu.memory_space<vmem>>
      %dma_start3A_106 = arith.constant 0 : i32
      %dma_start3A_107 = tpu.memref_slice %arg12[%add3A_22, %dma_start3A_106] : memref<10240x128xf32, #tpu.memory_space<vmem_shared>> -> memref<40x128xf32, #tpu.memory_space<vmem_shared>>
      %dma_start3A_108 = arith.constant 0 : i32
      %dma_start3A_109 = tpu.memref_slice %arg12[%add3A_22, %dma_start3A_108] : memref<10240x128xf32, #tpu.memory_space<vmem_shared>> -> memref<40x128xf32, #tpu.memory_space<vmem_shared>>
      %dma_start3A_110 = arith.constant 0 : i32
      %dma_start3A_111 = arith.constant 0 : i32
      %dma_start3A_112 = tpu.memref_slice %arg10[%dma_start3A_110, %dma_start3A_111] : memref<100x128xf32, #tpu.memory_space<vmem>> -> memref<40x128xf32, #tpu.memory_space<vmem>>
      tpu.enqueue_dma source(%dma_start3A_112 : memref<40x128xf32, #tpu.memory_space<vmem>>) target(%dma_start3A_109 : memref<40x128xf32, #tpu.memory_space<vmem_shared>>) target_semaphore(%run_scoped3A_102 : memref<!tpu.dma_semaphore, #tpu.memory_space<semaphore_mem>>)
      %dma_wait3A_113 = arith.constant 0 : i32
      %dma_wait3A_114 = arith.constant 0 : i32
      %dma_wait3A_115 = tpu.memref_slice %arg10[%dma_wait3A_113, %dma_wait3A_114] : memref<100x128xf32, #tpu.memory_space<vmem>> -> memref<40x128xf32, #tpu.memory_space<vmem>>
      %dma_wait3A_116 = arith.constant 0 : i32
      %dma_wait3A_117 = tpu.memref_slice %arg12[%add3A_22, %dma_wait3A_116] : memref<10240x128xf32, #tpu.memory_space<vmem_shared>> -> memref<40x128xf32, #tpu.memory_space<vmem_shared>>
      %dma_wait3A_118 = arith.constant 0 : i32
      %dma_wait3A_119 = tpu.memref_slice %arg12[%add3A_22, %dma_wait3A_118] : memref<10240x128xf32, #tpu.memory_space<vmem_shared>> -> memref<40x128xf32, #tpu.memory_space<vmem_shared>>
      %dma_wait3A_120 = arith.constant 0 : i32
      %dma_wait3A_121 = arith.constant 0 : i32
      %dma_wait3A_122 = tpu.memref_slice %arg10[%dma_wait3A_120, %dma_wait3A_121] : memref<100x128xf32, #tpu.memory_space<vmem>> -> memref<40x128xf32, #tpu.memory_space<vmem>>
      tpu.wait_dma2 semaphore(%run_scoped3A_102 : memref<!tpu.dma_semaphore, #tpu.memory_space<semaphore_mem>>) src(%dma_wait3A_122 : memref<40x128xf32, #tpu.memory_space<vmem>>) dst(%dma_wait3A_119 : memref<40x128xf32, #tpu.memory_space<vmem_shared>>)
      tpu.yield
    }) : () -> ()
    %broadcast_in_dim3A_23 = arith.constant 1.000000e+00 : f32
    %broadcast_in_dim3A_24 = vector.broadcast %broadcast_in_dim3A_23 : f32 to vector<16xf32>
    %scan3A_25 = arith.constant 0 : i32
    %scan3A_26 = arith.constant 0 : i32
    %scan3A_27 = arith.constant 6 : i32
    %scan3A_28 = arith.addi %scan3A_26, %scan3A_27 : i32
    %scan3A_29 = arith.constant 1 : i32
    scf.for %scan3A_102 = %scan3A_26 to %scan3A_28 step %scan3A_29  : i32 {
      %mul3A_103 = arith.constant 16 : i32
      %mul3A_104 = arith.muli %scan3A_102, %mul3A_103 : i32
      %swap3A_105 = arith.index_cast %mul3A_104 : i32 to index
      %swap3A_106 = tpu.vector_load %arg17[%swap3A_105] {strides = array<i32>} : memref<100xf32, #tpu.memory_space<vmem>>, vector<16xf32>,
      %swap3A_107 = vector.shape_cast %swap3A_106 : vector<16xf32> to vector<16xf32>
      %swap3A_108 = vector.shape_cast %broadcast_in_dim3A_24 : vector<16xf32> to vector<16xf32>
      tpu.vector_store %arg17[%swap3A_105], %swap3A_108 {strides = array<i32>} : memref<100xf32, #tpu.memory_space<vmem>>, vector<16xf32>,
    }
    %scan3A_30 = arith.constant 6 : i32
    %swap3A = arith.constant 84 : index
    %swap3A_31 = tpu.vector_load %arg17[%swap3A] {strides = array<i32>} : memref<100xf32, #tpu.memory_space<vmem>>, vector<16xf32>,
    %swap3A_32 = vector.shape_cast %swap3A_31 : vector<16xf32> to vector<16xf32>
    %swap3A_33 = vector.shape_cast %broadcast_in_dim3A_24 : vector<16xf32> to vector<16xf32>
    tpu.vector_store %arg17[%swap3A], %swap3A_33 {strides = array<i32>} : memref<100xf32, #tpu.memory_space<vmem>>, vector<16xf32>,
    %add3A_34 = arith.constant 0 : i32
    %add3A_35 = arith.addi %mul3A_8, %add3A_34 : i32
    %run_scoped3A = arith.constant 0 : i32
    "tpu.region"() ({
      %run_scoped3A_102 = tpu.sem_alloc : memref<!tpu.dma_semaphore, #tpu.memory_space<semaphore_mem>>
      %dma_start3A_103 = arith.constant 0 : i32
      %dma_start3A_104 = tpu.memref_slice %arg10[%run_scoped3A, %dma_start3A_103] : memref<100x128xf32, #tpu.memory_space<vmem>> -> memref<1x128xf32, #tpu.memory_space<vmem>>
      %dma_start3A_105 = tpu.memref_squeeze %dma_start3A_104 : memref<1x128xf32, #tpu.memory_space<vmem>> -> memref<128xf32, #tpu.memory_space<vmem>>
      %dma_start3A_106 = tpu.memref_slice %arg18[%add3A_35] : memref<10240xf32, #tpu.memory_space<vmem_shared>> -> memref<128xf32, #tpu.memory_space<vmem_shared>>
      %dma_start3A_107 = tpu.memref_slice %arg18[%add3A_35] : memref<10240xf32, #tpu.memory_space<vmem_shared>> -> memref<128xf32, #tpu.memory_space<vmem_shared>>
      %dma_start3A_108 = arith.constant 0 : i32
      %dma_start3A_109 = tpu.memref_slice %arg10[%run_scoped3A, %dma_start3A_108] : memref<100x128xf32, #tpu.memory_space<vmem>> -> memref<1x128xf32, #tpu.memory_space<vmem>>
      %dma_start3A_110 = tpu.memref_squeeze %dma_start3A_109 : memref<1x128xf32, #tpu.memory_space<vmem>> -> memref<128xf32, #tpu.memory_space<vmem>>
      tpu.enqueue_dma source(%dma_start3A_110 : memref<128xf32, #tpu.memory_space<vmem>>) target(%dma_start3A_107 : memref<128xf32, #tpu.memory_space<vmem_shared>>) target_semaphore(%run_scoped3A_102 : memref<!tpu.dma_semaphore, #tpu.memory_space<semaphore_mem>>)
      %dma_wait3A_111 = arith.constant 0 : i32
      %dma_wait3A_112 = tpu.memref_slice %arg10[%run_scoped3A, %dma_wait3A_111] : memref<100x128xf32, #tpu.memory_space<vmem>> -> memref<1x128xf32, #tpu.memory_space<vmem>>
      %dma_wait3A_113 = tpu.memref_squeeze %dma_wait3A_112 : memref<1x128xf32, #tpu.memory_space<vmem>> -> memref<128xf32, #tpu.memory_space<vmem>>
      %dma_wait3A_114 = tpu.memref_slice %arg18[%add3A_35] : memref<10240xf32, #tpu.memory_space<vmem_shared>> -> memref<128xf32, #tpu.memory_space<vmem_shared>>
      %dma_wait3A_115 = tpu.memref_slice %arg18[%add3A_35] : memref<10240xf32, #tpu.memory_space<vmem_shared>> -> memref<128xf32, #tpu.memory_space<vmem_shared>>
      %dma_wait3A_116 = arith.constant 0 : i32
      %dma_wait3A_117 = tpu.memref_slice %arg10[%run_scoped3A, %dma_wait3A_116] : memref<100x128xf32, #tpu.memory_space<vmem>> -> memref<1x128xf32, #tpu.memory_space<vmem>>
      %dma_wait3A_118 = tpu.memref_squeeze %dma_wait3A_117 : memref<1x128xf32, #tpu.memory_space<vmem>> -> memref<128xf32, #tpu.memory_space<vmem>>
      tpu.wait_dma2 semaphore(%run_scoped3A_102 : memref<!tpu.dma_semaphore, #tpu.memory_space<semaphore_mem>>) src(%dma_wait3A_118 : memref<128xf32, #tpu.memory_space<vmem>>) dst(%dma_wait3A_115 : memref<128xf32, #tpu.memory_space<vmem_shared>>)
      tpu.yield
    }) : () -> ()
    %add3A_36 = arith.constant 0 : i32
    %add3A_37 = arith.addi %mul3A_8, %add3A_36 : i32
    %run_scoped3A_38 = arith.constant 0 : i32
    "tpu.region"() ({
      %run_scoped3A_102 = tpu.sem_alloc : memref<!tpu.dma_semaphore, #tpu.memory_space<semaphore_mem>>
      %dma_start3A_103 = arith.constant 0 : i32
      %dma_start3A_104 = tpu.memref_slice %arg10[%run_scoped3A_38, %dma_start3A_103] : memref<100x128xf32, #tpu.memory_space<vmem>> -> memref<1x128xf32, #tpu.memory_space<vmem>>
      %dma_start3A_105 = tpu.memref_squeeze %dma_start3A_104 : memref<1x128xf32, #tpu.memory_space<vmem>> -> memref<128xf32, #tpu.memory_space<vmem>>
      %dma_start3A_106 = tpu.memref_slice %arg19[%add3A_37] : memref<10240xf32, #tpu.memory_space<vmem_shared>> -> memref<128xf32, #tpu.memory_space<vmem_shared>>
      %dma_start3A_107 = tpu.memref_slice %arg19[%add3A_37] : memref<10240xf32, #tpu.memory_space<vmem_shared>> -> memref<128xf32, #tpu.memory_space<vmem_shared>>
      %dma_start3A_108 = arith.constant 0 : i32
      %dma_start3A_109 = tpu.memref_slice %arg10[%run_scoped3A_38, %dma_start3A_108] : memref<100x128xf32, #tpu.memory_space<vmem>> -> memref<1x128xf32, #tpu.memory_space<vmem>>
      %dma_start3A_110 = tpu.memref_squeeze %dma_start3A_109 : memref<1x128xf32, #tpu.memory_space<vmem>> -> memref<128xf32, #tpu.memory_space<vmem>>
      tpu.enqueue_dma source(%dma_start3A_110 : memref<128xf32, #tpu.memory_space<vmem>>) target(%dma_start3A_107 : memref<128xf32, #tpu.memory_space<vmem_shared>>) target_semaphore(%run_scoped3A_102 : memref<!tpu.dma_semaphore, #tpu.memory_space<semaphore_mem>>)
      %dma_wait3A_111 = arith.constant 0 : i32
      %dma_wait3A_112 = tpu.memref_slice %arg10[%run_scoped3A_38, %dma_wait3A_111] : memref<100x128xf32, #tpu.memory_space<vmem>> -> memref<1x128xf32, #tpu.memory_space<vmem>>
      %dma_wait3A_113 = tpu.memref_squeeze %dma_wait3A_112 : memref<1x128xf32, #tpu.memory_space<vmem>> -> memref<128xf32, #tpu.memory_space<vmem>>
      %dma_wait3A_114 = tpu.memref_slice %arg19[%add3A_37] : memref<10240xf32, #tpu.memory_space<vmem_shared>> -> memref<128xf32, #tpu.memory_space<vmem_shared>>
      %dma_wait3A_115 = tpu.memref_slice %arg19[%add3A_37] : memref<10240xf32, #tpu.memory_space<vmem_shared>> -> memref<128xf32, #tpu.memory_space<vmem_shared>>
      %dma_wait3A_116 = arith.constant 0 : i32
      %dma_wait3A_117 = tpu.memref_slice %arg10[%run_scoped3A_38, %dma_wait3A_116] : memref<100x128xf32, #tpu.memory_space<vmem>> -> memref<1x128xf32, #tpu.memory_space<vmem>>
      %dma_wait3A_118 = tpu.memref_squeeze %dma_wait3A_117 : memref<1x128xf32, #tpu.memory_space<vmem>> -> memref<128xf32, #tpu.memory_space<vmem>>
      tpu.wait_dma2 semaphore(%run_scoped3A_102 : memref<!tpu.dma_semaphore, #tpu.memory_space<semaphore_mem>>) src(%dma_wait3A_118 : memref<128xf32, #tpu.memory_space<vmem>>) dst(%dma_wait3A_115 : memref<128xf32, #tpu.memory_space<vmem_shared>>)
      tpu.yield
    }) : () -> ()
    %add3A_39 = arith.constant 128 : i32
    %add3A_40 = arith.addi %mul3A_8, %add3A_39 : i32
    %run_scoped3A_41 = arith.constant 0 : i32
    "tpu.region"() ({
      %run_scoped3A_102 = tpu.sem_alloc : memref<!tpu.dma_semaphore, #tpu.memory_space<semaphore_mem>>
      %dma_start3A_103 = arith.constant 0 : i32
      %dma_start3A_104 = tpu.memref_slice %arg10[%run_scoped3A_41, %dma_start3A_103] : memref<100x128xf32, #tpu.memory_space<vmem>> -> memref<1x128xf32, #tpu.memory_space<vmem>>
      %dma_start3A_105 = tpu.memref_squeeze %dma_start3A_104 : memref<1x128xf32, #tpu.memory_space<vmem>> -> memref<128xf32, #tpu.memory_space<vmem>>
      %dma_start3A_106 = tpu.memref_slice %arg18[%add3A_40] : memref<10240xf32, #tpu.memory_space<vmem_shared>> -> memref<128xf32, #tpu.memory_space<vmem_shared>>
      %dma_start3A_107 = tpu.memref_slice %arg18[%add3A_40] : memref<10240xf32, #tpu.memory_space<vmem_shared>> -> memref<128xf32, #tpu.memory_space<vmem_shared>>
      %dma_start3A_108 = arith.constant 0 : i32
      %dma_start3A_109 = tpu.memref_slice %arg10[%run_scoped3A_41, %dma_start3A_108] : memref<100x128xf32, #tpu.memory_space<vmem>> -> memref<1x128xf32, #tpu.memory_space<vmem>>
      %dma_start3A_110 = tpu.memref_squeeze %dma_start3A_109 : memref<1x128xf32, #tpu.memory_space<vmem>> -> memref<128xf32, #tpu.memory_space<vmem>>
      tpu.enqueue_dma source(%dma_start3A_110 : memref<128xf32, #tpu.memory_space<vmem>>) target(%dma_start3A_107 : memref<128xf32, #tpu.memory_space<vmem_shared>>) target_semaphore(%run_scoped3A_102 : memref<!tpu.dma_semaphore, #tpu.memory_space<semaphore_mem>>)
      %dma_wait3A_111 = arith.constant 0 : i32
      %dma_wait3A_112 = tpu.memref_slice %arg10[%run_scoped3A_41, %dma_wait3A_111] : memref<100x128xf32, #tpu.memory_space<vmem>> -> memref<1x128xf32, #tpu.memory_space<vmem>>
      %dma_wait3A_113 = tpu.memref_squeeze %dma_wait3A_112 : memref<1x128xf32, #tpu.memory_space<vmem>> -> memref<128xf32, #tpu.memory_space<vmem>>
      %dma_wait3A_114 = tpu.memref_slice %arg18[%add3A_40] : memref<10240xf32, #tpu.memory_space<vmem_shared>> -> memref<128xf32, #tpu.memory_space<vmem_shared>>
      %dma_wait3A_115 = tpu.memref_slice %arg18[%add3A_40] : memref<10240xf32, #tpu.memory_space<vmem_shared>> -> memref<128xf32, #tpu.memory_space<vmem_shared>>
      %dma_wait3A_116 = arith.constant 0 : i32
      %dma_wait3A_117 = tpu.memref_slice %arg10[%run_scoped3A_41, %dma_wait3A_116] : memref<100x128xf32, #tpu.memory_space<vmem>> -> memref<1x128xf32, #tpu.memory_space<vmem>>
      %dma_wait3A_118 = tpu.memref_squeeze %dma_wait3A_117 : memref<1x128xf32, #tpu.memory_space<vmem>> -> memref<128xf32, #tpu.memory_space<vmem>>
      tpu.wait_dma2 semaphore(%run_scoped3A_102 : memref<!tpu.dma_semaphore, #tpu.memory_space<semaphore_mem>>) src(%dma_wait3A_118 : memref<128xf32, #tpu.memory_space<vmem>>) dst(%dma_wait3A_115 : memref<128xf32, #tpu.memory_space<vmem_shared>>)
      tpu.yield
    }) : () -> ()
    %add3A_42 = arith.constant 128 : i32
    %add3A_43 = arith.addi %mul3A_8, %add3A_42 : i32
    %run_scoped3A_44 = arith.constant 0 : i32
    "tpu.region"() ({
      %run_scoped3A_102 = tpu.sem_alloc : memref<!tpu.dma_semaphore, #tpu.memory_space<semaphore_mem>>
      %dma_start3A_103 = arith.constant 0 : i32
      %dma_start3A_104 = tpu.memref_slice %arg10[%run_scoped3A_44, %dma_start3A_103] : memref<100x128xf32, #tpu.memory_space<vmem>> -> memref<1x128xf32, #tpu.memory_space<vmem>>
      %dma_start3A_105 = tpu.memref_squeeze %dma_start3A_104 : memref<1x128xf32, #tpu.memory_space<vmem>> -> memref<128xf32, #tpu.memory_space<vmem>>
      %dma_start3A_106 = tpu.memref_slice %arg19[%add3A_43] : memref<10240xf32, #tpu.memory_space<vmem_shared>> -> memref<128xf32, #tpu.memory_space<vmem_shared>>
      %dma_start3A_107 = tpu.memref_slice %arg19[%add3A_43] : memref<10240xf32, #tpu.memory_space<vmem_shared>> -> memref<128xf32, #tpu.memory_space<vmem_shared>>
      %dma_start3A_108 = arith.constant 0 : i32
      %dma_start3A_109 = tpu.memref_slice %arg10[%run_scoped3A_44, %dma_start3A_108] : memref<100x128xf32, #tpu.memory_space<vmem>> -> memref<1x128xf32, #tpu.memory_space<vmem>>
      %dma_start3A_110 = tpu.memref_squeeze %dma_start3A_109 : memref<1x128xf32, #tpu.memory_space<vmem>> -> memref<128xf32, #tpu.memory_space<vmem>>
      tpu.enqueue_dma source(%dma_start3A_110 : memref<128xf32, #tpu.memory_space<vmem>>) target(%dma_start3A_107 : memref<128xf32, #tpu.memory_space<vmem_shared>>) target_semaphore(%run_scoped3A_102 : memref<!tpu.dma_semaphore, #tpu.memory_space<semaphore_mem>>)
      %dma_wait3A_111 = arith.constant 0 : i32
      %dma_wait3A_112 = tpu.memref_slice %arg10[%run_scoped3A_44, %dma_wait3A_111] : memref<100x128xf32, #tpu.memory_space<vmem>> -> memref<1x128xf32, #tpu.memory_space<vmem>>
      %dma_wait3A_113 = tpu.memref_squeeze %dma_wait3A_112 : memref<1x128xf32, #tpu.memory_space<vmem>> -> memref<128xf32, #tpu.memory_space<vmem>>
      %dma_wait3A_114 = tpu.memref_slice %arg19[%add3A_43] : memref<10240xf32, #tpu.memory_space<vmem_shared>> -> memref<128xf32, #tpu.memory_space<vmem_shared>>
      %dma_wait3A_115 = tpu.memref_slice %arg19[%add3A_43] : memref<10240xf32, #tpu.memory_space<vmem_shared>> -> memref<128xf32, #tpu.memory_space<vmem_shared>>
      %dma_wait3A_116 = arith.constant 0 : i32
      %dma_wait3A_117 = tpu.memref_slice %arg10[%run_scoped3A_44, %dma_wait3A_116] : memref<100x128xf32, #tpu.memory_space<vmem>> -> memref<1x128xf32, #tpu.memory_space<vmem>>
      %dma_wait3A_118 = tpu.memref_squeeze %dma_wait3A_117 : memref<1x128xf32, #tpu.memory_space<vmem>> -> memref<128xf32, #tpu.memory_space<vmem>>
      tpu.wait_dma2 semaphore(%run_scoped3A_102 : memref<!tpu.dma_semaphore, #tpu.memory_space<semaphore_mem>>) src(%dma_wait3A_118 : memref<128xf32, #tpu.memory_space<vmem>>) dst(%dma_wait3A_115 : memref<128xf32, #tpu.memory_space<vmem_shared>>)
      tpu.yield
    }) : () -> ()
    %add3A_45 = arith.constant 256 : i32
    %add3A_46 = arith.addi %mul3A_8, %add3A_45 : i32
    %run_scoped3A_47 = arith.constant 0 : i32
    "tpu.region"() ({
      %run_scoped3A_102 = tpu.sem_alloc : memref<!tpu.dma_semaphore, #tpu.memory_space<semaphore_mem>>
      %dma_start3A_103 = arith.constant 0 : i32
      %dma_start3A_104 = tpu.memref_slice %arg10[%run_scoped3A_47, %dma_start3A_103] : memref<100x128xf32, #tpu.memory_space<vmem>> -> memref<1x128xf32, #tpu.memory_space<vmem>>
      %dma_start3A_105 = tpu.memref_squeeze %dma_start3A_104 : memref<1x128xf32, #tpu.memory_space<vmem>> -> memref<128xf32, #tpu.memory_space<vmem>>
      %dma_start3A_106 = tpu.memref_slice %arg18[%add3A_46] : memref<10240xf32, #tpu.memory_space<vmem_shared>> -> memref<128xf32, #tpu.memory_space<vmem_shared>>
      %dma_start3A_107 = tpu.memref_slice %arg18[%add3A_46] : memref<10240xf32, #tpu.memory_space<vmem_shared>> -> memref<128xf32, #tpu.memory_space<vmem_shared>>
      %dma_start3A_108 = arith.constant 0 : i32
      %dma_start3A_109 = tpu.memref_slice %arg10[%run_scoped3A_47, %dma_start3A_108] : memref<100x128xf32, #tpu.memory_space<vmem>> -> memref<1x128xf32, #tpu.memory_space<vmem>>
      %dma_start3A_110 = tpu.memref_squeeze %dma_start3A_109 : memref<1x128xf32, #tpu.memory_space<vmem>> -> memref<128xf32, #tpu.memory_space<vmem>>
      tpu.enqueue_dma source(%dma_start3A_110 : memref<128xf32, #tpu.memory_space<vmem>>) target(%dma_start3A_107 : memref<128xf32, #tpu.memory_space<vmem_shared>>) target_semaphore(%run_scoped3A_102 : memref<!tpu.dma_semaphore, #tpu.memory_space<semaphore_mem>>)
      %dma_wait3A_111 = arith.constant 0 : i32
      %dma_wait3A_112 = tpu.memref_slice %arg10[%run_scoped3A_47, %dma_wait3A_111] : memref<100x128xf32, #tpu.memory_space<vmem>> -> memref<1x128xf32, #tpu.memory_space<vmem>>
      %dma_wait3A_113 = tpu.memref_squeeze %dma_wait3A_112 : memref<1x128xf32, #tpu.memory_space<vmem>> -> memref<128xf32, #tpu.memory_space<vmem>>
      %dma_wait3A_114 = tpu.memref_slice %arg18[%add3A_46] : memref<10240xf32, #tpu.memory_space<vmem_shared>> -> memref<128xf32, #tpu.memory_space<vmem_shared>>
      %dma_wait3A_115 = tpu.memref_slice %arg18[%add3A_46] : memref<10240xf32, #tpu.memory_space<vmem_shared>> -> memref<128xf32, #tpu.memory_space<vmem_shared>>
      %dma_wait3A_116 = arith.constant 0 : i32
      %dma_wait3A_117 = tpu.memref_slice %arg10[%run_scoped3A_47, %dma_wait3A_116] : memref<100x128xf32, #tpu.memory_space<vmem>> -> memref<1x128xf32, #tpu.memory_space<vmem>>
      %dma_wait3A_118 = tpu.memref_squeeze %dma_wait3A_117 : memref<1x128xf32, #tpu.memory_space<vmem>> -> memref<128xf32, #tpu.memory_space<vmem>>
      tpu.wait_dma2 semaphore(%run_scoped3A_102 : memref<!tpu.dma_semaphore, #tpu.memory_space<semaphore_mem>>) src(%dma_wait3A_118 : memref<128xf32, #tpu.memory_space<vmem>>) dst(%dma_wait3A_115 : memref<128xf32, #tpu.memory_space<vmem_shared>>)
      tpu.yield
    }) : () -> ()
    %add3A_48 = arith.constant 256 : i32
    %add3A_49 = arith.addi %mul3A_8, %add3A_48 : i32
    %run_scoped3A_50 = arith.constant 0 : i32
    "tpu.region"() ({
      %run_scoped3A_102 = tpu.sem_alloc : memref<!tpu.dma_semaphore, #tpu.memory_space<semaphore_mem>>
      %dma_start3A_103 = arith.constant 0 : i32
      %dma_start3A_104 = tpu.memref_slice %arg10[%run_scoped3A_50, %dma_start3A_103] : memref<100x128xf32, #tpu.memory_space<vmem>> -> memref<1x128xf32, #tpu.memory_space<vmem>>
      %dma_start3A_105 = tpu.memref_squeeze %dma_start3A_104 : memref<1x128xf32, #tpu.memory_space<vmem>> -> memref<128xf32, #tpu.memory_space<vmem>>
      %dma_start3A_106 = tpu.memref_slice %arg19[%add3A_49] : memref<10240xf32, #tpu.memory_space<vmem_shared>> -> memref<128xf32, #tpu.memory_space<vmem_shared>>
      %dma_start3A_107 = tpu.memref_slice %arg19[%add3A_49] : memref<10240xf32, #tpu.memory_space<vmem_shared>> -> memref<128xf32, #tpu.memory_space<vmem_shared>>
      %dma_start3A_108 = arith.constant 0 : i32
      %dma_start3A_109 = tpu.memref_slice %arg10[%run_scoped3A_50, %dma_start3A_108] : memref<100x128xf32, #tpu.memory_space<vmem>> -> memref<1x128xf32, #tpu.memory_space<vmem>>
      %dma_start3A_110 = tpu.memref_squeeze %dma_start3A_109 : memref<1x128xf32, #tpu.memory_space<vmem>> -> memref<128xf32, #tpu.memory_space<vmem>>
      tpu.enqueue_dma source(%dma_start3A_110 : memref<128xf32, #tpu.memory_space<vmem>>) target(%dma_start3A_107 : memref<128xf32, #tpu.memory_space<vmem_shared>>) target_semaphore(%run_scoped3A_102 : memref<!tpu.dma_semaphore, #tpu.memory_space<semaphore_mem>>)
      %dma_wait3A_111 = arith.constant 0 : i32
      %dma_wait3A_112 = tpu.memref_slice %arg10[%run_scoped3A_50, %dma_wait3A_111] : memref<100x128xf32, #tpu.memory_space<vmem>> -> memref<1x128xf32, #tpu.memory_space<vmem>>
      %dma_wait3A_113 = tpu.memref_squeeze %dma_wait3A_112 : memref<1x128xf32, #tpu.memory_space<vmem>> -> memref<128xf32, #tpu.memory_space<vmem>>
      %dma_wait3A_114 = tpu.memref_slice %arg19[%add3A_49] : memref<10240xf32, #tpu.memory_space<vmem_shared>> -> memref<128xf32, #tpu.memory_space<vmem_shared>>
      %dma_wait3A_115 = tpu.memref_slice %arg19[%add3A_49] : memref<10240xf32, #tpu.memory_space<vmem_shared>> -> memref<128xf32, #tpu.memory_space<vmem_shared>>
      %dma_wait3A_116 = arith.constant 0 : i32
      %dma_wait3A_117 = tpu.memref_slice %arg10[%run_scoped3A_50, %dma_wait3A_116] : memref<100x128xf32, #tpu.memory_space<vmem>> -> memref<1x128xf32, #tpu.memory_space<vmem>>
      %dma_wait3A_118 = tpu.memref_squeeze %dma_wait3A_117 : memref<1x128xf32, #tpu.memory_space<vmem>> -> memref<128xf32, #tpu.memory_space<vmem>>
      tpu.wait_dma2 semaphore(%run_scoped3A_102 : memref<!tpu.dma_semaphore, #tpu.memory_space<semaphore_mem>>) src(%dma_wait3A_118 : memref<128xf32, #tpu.memory_space<vmem>>) dst(%dma_wait3A_115 : memref<128xf32, #tpu.memory_space<vmem_shared>>)
      tpu.yield
    }) : () -> ()
    %add3A_51 = arith.constant 384 : i32
    %add3A_52 = arith.addi %mul3A_8, %add3A_51 : i32
    %run_scoped3A_53 = arith.constant 0 : i32
    "tpu.region"() ({
      %run_scoped3A_102 = tpu.sem_alloc : memref<!tpu.dma_semaphore, #tpu.memory_space<semaphore_mem>>
      %dma_start3A_103 = arith.constant 0 : i32
      %dma_start3A_104 = tpu.memref_slice %arg10[%run_scoped3A_53, %dma_start3A_103] : memref<100x128xf32, #tpu.memory_space<vmem>> -> memref<1x128xf32, #tpu.memory_space<vmem>>
      %dma_start3A_105 = tpu.memref_squeeze %dma_start3A_104 : memref<1x128xf32, #tpu.memory_space<vmem>> -> memref<128xf32, #tpu.memory_space<vmem>>
      %dma_start3A_106 = tpu.memref_slice %arg18[%add3A_52] : memref<10240xf32, #tpu.memory_space<vmem_shared>> -> memref<128xf32, #tpu.memory_space<vmem_shared>>
      %dma_start3A_107 = tpu.memref_slice %arg18[%add3A_52] : memref<10240xf32, #tpu.memory_space<vmem_shared>> -> memref<128xf32, #tpu.memory_space<vmem_shared>>
      %dma_start3A_108 = arith.constant 0 : i32
      %dma_start3A_109 = tpu.memref_slice %arg10[%run_scoped3A_53, %dma_start3A_108] : memref<100x128xf32, #tpu.memory_space<vmem>> -> memref<1x128xf32, #tpu.memory_space<vmem>>
      %dma_start3A_110 = tpu.memref_squeeze %dma_start3A_109 : memref<1x128xf32, #tpu.memory_space<vmem>> -> memref<128xf32, #tpu.memory_space<vmem>>
      tpu.enqueue_dma source(%dma_start3A_110 : memref<128xf32, #tpu.memory_space<vmem>>) target(%dma_start3A_107 : memref<128xf32, #tpu.memory_space<vmem_shared>>) target_semaphore(%run_scoped3A_102 : memref<!tpu.dma_semaphore, #tpu.memory_space<semaphore_mem>>)
      %dma_wait3A_111 = arith.constant 0 : i32
      %dma_wait3A_112 = tpu.memref_slice %arg10[%run_scoped3A_53, %dma_wait3A_111] : memref<100x128xf32, #tpu.memory_space<vmem>> -> memref<1x128xf32, #tpu.memory_space<vmem>>
      %dma_wait3A_113 = tpu.memref_squeeze %dma_wait3A_112 : memref<1x128xf32, #tpu.memory_space<vmem>> -> memref<128xf32, #tpu.memory_space<vmem>>
      %dma_wait3A_114 = tpu.memref_slice %arg18[%add3A_52] : memref<10240xf32, #tpu.memory_space<vmem_shared>> -> memref<128xf32, #tpu.memory_space<vmem_shared>>
      %dma_wait3A_115 = tpu.memref_slice %arg18[%add3A_52] : memref<10240xf32, #tpu.memory_space<vmem_shared>> -> memref<128xf32, #tpu.memory_space<vmem_shared>>
      %dma_wait3A_116 = arith.constant 0 : i32
      %dma_wait3A_117 = tpu.memref_slice %arg10[%run_scoped3A_53, %dma_wait3A_116] : memref<100x128xf32, #tpu.memory_space<vmem>> -> memref<1x128xf32, #tpu.memory_space<vmem>>
      %dma_wait3A_118 = tpu.memref_squeeze %dma_wait3A_117 : memref<1x128xf32, #tpu.memory_space<vmem>> -> memref<128xf32, #tpu.memory_space<vmem>>
      tpu.wait_dma2 semaphore(%run_scoped3A_102 : memref<!tpu.dma_semaphore, #tpu.memory_space<semaphore_mem>>) src(%dma_wait3A_118 : memref<128xf32, #tpu.memory_space<vmem>>) dst(%dma_wait3A_115 : memref<128xf32, #tpu.memory_space<vmem_shared>>)
      tpu.yield
    }) : () -> ()
    %add3A_54 = arith.constant 384 : i32
    %add3A_55 = arith.addi %mul3A_8, %add3A_54 : i32
    %run_scoped3A_56 = arith.constant 0 : i32
    "tpu.region"() ({
      %run_scoped3A_102 = tpu.sem_alloc : memref<!tpu.dma_semaphore, #tpu.memory_space<semaphore_mem>>
      %dma_start3A_103 = arith.constant 0 : i32
      %dma_start3A_104 = tpu.memref_slice %arg10[%run_scoped3A_56, %dma_start3A_103] : memref<100x128xf32, #tpu.memory_space<vmem>> -> memref<1x128xf32, #tpu.memory_space<vmem>>
      %dma_start3A_105 = tpu.memref_squeeze %dma_start3A_104 : memref<1x128xf32, #tpu.memory_space<vmem>> -> memref<128xf32, #tpu.memory_space<vmem>>
      %dma_start3A_106 = tpu.memref_slice %arg19[%add3A_55] : memref<10240xf32, #tpu.memory_space<vmem_shared>> -> memref<128xf32, #tpu.memory_space<vmem_shared>>
      %dma_start3A_107 = tpu.memref_slice %arg19[%add3A_55] : memref<10240xf32, #tpu.memory_space<vmem_shared>> -> memref<128xf32, #tpu.memory_space<vmem_shared>>
      %dma_start3A_108 = arith.constant 0 : i32
      %dma_start3A_109 = tpu.memref_slice %arg10[%run_scoped3A_56, %dma_start3A_108] : memref<100x128xf32, #tpu.memory_space<vmem>> -> memref<1x128xf32, #tpu.memory_space<vmem>>
      %dma_start3A_110 = tpu.memref_squeeze %dma_start3A_109 : memref<1x128xf32, #tpu.memory_space<vmem>> -> memref<128xf32, #tpu.memory_space<vmem>>
      tpu.enqueue_dma source(%dma_start3A_110 : memref<128xf32, #tpu.memory_space<vmem>>) target(%dma_start3A_107 : memref<128xf32, #tpu.memory_space<vmem_shared>>) target_semaphore(%run_scoped3A_102 : memref<!tpu.dma_semaphore, #tpu.memory_space<semaphore_mem>>)
      %dma_wait3A_111 = arith.constant 0 : i32
      %dma_wait3A_112 = tpu.memref_slice %arg10[%run_scoped3A_56, %dma_wait3A_111] : memref<100x128xf32, #tpu.memory_space<vmem>> -> memref<1x128xf32, #tpu.memory_space<vmem>>
      %dma_wait3A_113 = tpu.memref_squeeze %dma_wait3A_112 : memref<1x128xf32, #tpu.memory_space<vmem>> -> memref<128xf32, #tpu.memory_space<vmem>>
      %dma_wait3A_114 = tpu.memref_slice %arg19[%add3A_55] : memref<10240xf32, #tpu.memory_space<vmem_shared>> -> memref<128xf32, #tpu.memory_space<vmem_shared>>
      %dma_wait3A_115 = tpu.memref_slice %arg19[%add3A_55] : memref<10240xf32, #tpu.memory_space<vmem_shared>> -> memref<128xf32, #tpu.memory_space<vmem_shared>>
      %dma_wait3A_116 = arith.constant 0 : i32
      %dma_wait3A_117 = tpu.memref_slice %arg10[%run_scoped3A_56, %dma_wait3A_116] : memref<100x128xf32, #tpu.memory_space<vmem>> -> memref<1x128xf32, #tpu.memory_space<vmem>>
      %dma_wait3A_118 = tpu.memref_squeeze %dma_wait3A_117 : memref<1x128xf32, #tpu.memory_space<vmem>> -> memref<128xf32, #tpu.memory_space<vmem>>
      tpu.wait_dma2 semaphore(%run_scoped3A_102 : memref<!tpu.dma_semaphore, #tpu.memory_space<semaphore_mem>>) src(%dma_wait3A_118 : memref<128xf32, #tpu.memory_space<vmem>>) dst(%dma_wait3A_115 : memref<128xf32, #tpu.memory_space<vmem_shared>>)
      tpu.yield
    }) : () -> ()
    %add3A_57 = arith.constant 512 : i32
    %add3A_58 = arith.addi %mul3A_8, %add3A_57 : i32
    %run_scoped3A_59 = arith.constant 0 : i32
    "tpu.region"() ({
      %run_scoped3A_102 = tpu.sem_alloc : memref<!tpu.dma_semaphore, #tpu.memory_space<semaphore_mem>>
      %dma_start3A_103 = arith.constant 0 : i32
      %dma_start3A_104 = tpu.memref_slice %arg10[%run_scoped3A_59, %dma_start3A_103] : memref<100x128xf32, #tpu.memory_space<vmem>> -> memref<1x128xf32, #tpu.memory_space<vmem>>
      %dma_start3A_105 = tpu.memref_squeeze %dma_start3A_104 : memref<1x128xf32, #tpu.memory_space<vmem>> -> memref<128xf32, #tpu.memory_space<vmem>>
      %dma_start3A_106 = tpu.memref_slice %arg18[%add3A_58] : memref<10240xf32, #tpu.memory_space<vmem_shared>> -> memref<128xf32, #tpu.memory_space<vmem_shared>>
      %dma_start3A_107 = tpu.memref_slice %arg18[%add3A_58] : memref<10240xf32, #tpu.memory_space<vmem_shared>> -> memref<128xf32, #tpu.memory_space<vmem_shared>>
      %dma_start3A_108 = arith.constant 0 : i32
      %dma_start3A_109 = tpu.memref_slice %arg10[%run_scoped3A_59, %dma_start3A_108] : memref<100x128xf32, #tpu.memory_space<vmem>> -> memref<1x128xf32, #tpu.memory_space<vmem>>
      %dma_start3A_110 = tpu.memref_squeeze %dma_start3A_109 : memref<1x128xf32, #tpu.memory_space<vmem>> -> memref<128xf32, #tpu.memory_space<vmem>>
      tpu.enqueue_dma source(%dma_start3A_110 : memref<128xf32, #tpu.memory_space<vmem>>) target(%dma_start3A_107 : memref<128xf32, #tpu.memory_space<vmem_shared>>) target_semaphore(%run_scoped3A_102 : memref<!tpu.dma_semaphore, #tpu.memory_space<semaphore_mem>>)
      %dma_wait3A_111 = arith.constant 0 : i32
      %dma_wait3A_112 = tpu.memref_slice %arg10[%run_scoped3A_59, %dma_wait3A_111] : memref<100x128xf32, #tpu.memory_space<vmem>> -> memref<1x128xf32, #tpu.memory_space<vmem>>
      %dma_wait3A_113 = tpu.memref_squeeze %dma_wait3A_112 : memref<1x128xf32, #tpu.memory_space<vmem>> -> memref<128xf32, #tpu.memory_space<vmem>>
      %dma_wait3A_114 = tpu.memref_slice %arg18[%add3A_58] : memref<10240xf32, #tpu.memory_space<vmem_shared>> -> memref<128xf32, #tpu.memory_space<vmem_shared>>
      %dma_wait3A_115 = tpu.memref_slice %arg18[%add3A_58] : memref<10240xf32, #tpu.memory_space<vmem_shared>> -> memref<128xf32, #tpu.memory_space<vmem_shared>>
      %dma_wait3A_116 = arith.constant 0 : i32
      %dma_wait3A_117 = tpu.memref_slice %arg10[%run_scoped3A_59, %dma_wait3A_116] : memref<100x128xf32, #tpu.memory_space<vmem>> -> memref<1x128xf32, #tpu.memory_space<vmem>>
      %dma_wait3A_118 = tpu.memref_squeeze %dma_wait3A_117 : memref<1x128xf32, #tpu.memory_space<vmem>> -> memref<128xf32, #tpu.memory_space<vmem>>
      tpu.wait_dma2 semaphore(%run_scoped3A_102 : memref<!tpu.dma_semaphore, #tpu.memory_space<semaphore_mem>>) src(%dma_wait3A_118 : memref<128xf32, #tpu.memory_space<vmem>>) dst(%dma_wait3A_115 : memref<128xf32, #tpu.memory_space<vmem_shared>>)
      tpu.yield
    }) : () -> ()
    %add3A_60 = arith.constant 512 : i32
    %add3A_61 = arith.addi %mul3A_8, %add3A_60 : i32
    %run_scoped3A_62 = arith.constant 0 : i32
    "tpu.region"() ({
      %run_scoped3A_102 = tpu.sem_alloc : memref<!tpu.dma_semaphore, #tpu.memory_space<semaphore_mem>>
      %dma_start3A_103 = arith.constant 0 : i32
      %dma_start3A_104 = tpu.memref_slice %arg10[%run_scoped3A_62, %dma_start3A_103] : memref<100x128xf32, #tpu.memory_space<vmem>> -> memref<1x128xf32, #tpu.memory_space<vmem>>
      %dma_start3A_105 = tpu.memref_squeeze %dma_start3A_104 : memref<1x128xf32, #tpu.memory_space<vmem>> -> memref<128xf32, #tpu.memory_space<vmem>>
      %dma_start3A_106 = tpu.memref_slice %arg19[%add3A_61] : memref<10240xf32, #tpu.memory_space<vmem_shared>> -> memref<128xf32, #tpu.memory_space<vmem_shared>>
      %dma_start3A_107 = tpu.memref_slice %arg19[%add3A_61] : memref<10240xf32, #tpu.memory_space<vmem_shared>> -> memref<128xf32, #tpu.memory_space<vmem_shared>>
      %dma_start3A_108 = arith.constant 0 : i32
      %dma_start3A_109 = tpu.memref_slice %arg10[%run_scoped3A_62, %dma_start3A_108] : memref<100x128xf32, #tpu.memory_space<vmem>> -> memref<1x128xf32, #tpu.memory_space<vmem>>
      %dma_start3A_110 = tpu.memref_squeeze %dma_start3A_109 : memref<1x128xf32, #tpu.memory_space<vmem>> -> memref<128xf32, #tpu.memory_space<vmem>>
      tpu.enqueue_dma source(%dma_start3A_110 : memref<128xf32, #tpu.memory_space<vmem>>) target(%dma_start3A_107 : memref<128xf32, #tpu.memory_space<vmem_shared>>) target_semaphore(%run_scoped3A_102 : memref<!tpu.dma_semaphore, #tpu.memory_space<semaphore_mem>>)
      %dma_wait3A_111 = arith.constant 0 : i32
      %dma_wait3A_112 = tpu.memref_slice %arg10[%run_scoped3A_62, %dma_wait3A_111] : memref<100x128xf32, #tpu.memory_space<vmem>> -> memref<1x128xf32, #tpu.memory_space<vmem>>
      %dma_wait3A_113 = tpu.memref_squeeze %dma_wait3A_112 : memref<1x128xf32, #tpu.memory_space<vmem>> -> memref<128xf32, #tpu.memory_space<vmem>>
      %dma_wait3A_114 = tpu.memref_slice %arg19[%add3A_61] : memref<10240xf32, #tpu.memory_space<vmem_shared>> -> memref<128xf32, #tpu.memory_space<vmem_shared>>
      %dma_wait3A_115 = tpu.memref_slice %arg19[%add3A_61] : memref<10240xf32, #tpu.memory_space<vmem_shared>> -> memref<128xf32, #tpu.memory_space<vmem_shared>>
      %dma_wait3A_116 = arith.constant 0 : i32
      %dma_wait3A_117 = tpu.memref_slice %arg10[%run_scoped3A_62, %dma_wait3A_116] : memref<100x128xf32, #tpu.memory_space<vmem>> -> memref<1x128xf32, #tpu.memory_space<vmem>>
      %dma_wait3A_118 = tpu.memref_squeeze %dma_wait3A_117 : memref<1x128xf32, #tpu.memory_space<vmem>> -> memref<128xf32, #tpu.memory_space<vmem>>
      tpu.wait_dma2 semaphore(%run_scoped3A_102 : memref<!tpu.dma_semaphore, #tpu.memory_space<semaphore_mem>>) src(%dma_wait3A_118 : memref<128xf32, #tpu.memory_space<vmem>>) dst(%dma_wait3A_115 : memref<128xf32, #tpu.memory_space<vmem_shared>>)
      tpu.yield
    }) : () -> ()
    %barrier3A = arith.constant 0 : index
    tpu.barrier barrier_id(%barrier3A)
    %dma_start3A = arith.constant 0 : i32
    %dma_start3A_63 = arith.constant 0 : i32
    %dma_start3A_64 = tpu.memref_slice %arg8[%dma_start3A, %dma_start3A_63] : memref<100x100xi32, #tpu.memory_space<vmem>> -> memref<1x100xi32, #tpu.memory_space<vmem>>
    %dma_start3A_65 = tpu.memref_squeeze %dma_start3A_64 : memref<1x100xi32, #tpu.memory_space<vmem>> -> memref<100xi32, #tpu.memory_space<vmem>>
    %dma_start3A_66 = arith.constant 0 : i32
    %dma_start3A_67 = arith.constant 0 : i32
    %dma_start3A_68 = tpu.memref_slice %arg2[%dma_start3A_66, %dma_start3A_67] : memref<10000x128xf32, #tpu.memory_space<hbm>> -> memref<10000x128xf32, #tpu.memory_space<hbm>>
    tpu.enqueue_indirect_dma source(%dma_start3A_68 : memref<10000x128xf32, #tpu.memory_space<hbm>>) target(%arg10 : memref<100x128xf32, #tpu.memory_space<vmem>>) offsets(%dma_start3A_65 : memref<100xi32, #tpu.memory_space<vmem>>) semaphore(%arg13 : memref<!tpu.dma_semaphore, #tpu.memory_space<semaphore_mem>>)
    %dma_start3A_69 = arith.constant 1 : i32
    %dma_start3A_70 = arith.constant 0 : i32
    %dma_start3A_71 = tpu.memref_slice %arg8[%dma_start3A_69, %dma_start3A_70] : memref<100x100xi32, #tpu.memory_space<vmem>> -> memref<1x100xi32, #tpu.memory_space<vmem>>
    %dma_start3A_72 = tpu.memref_squeeze %dma_start3A_71 : memref<1x100xi32, #tpu.memory_space<vmem>> -> memref<100xi32, #tpu.memory_space<vmem>>
    %dma_start3A_73 = arith.constant 0 : i32
    %dma_start3A_74 = arith.constant 0 : i32
    %dma_start3A_75 = tpu.memref_slice %arg2[%dma_start3A_73, %dma_start3A_74] : memref<10000x128xf32, #tpu.memory_space<hbm>> -> memref<10000x128xf32, #tpu.memory_space<hbm>>
    tpu.enqueue_indirect_dma source(%dma_start3A_75 : memref<10000x128xf32, #tpu.memory_space<hbm>>) target(%arg11 : memref<100x128xf32, #tpu.memory_space<vmem>>) offsets(%dma_start3A_72 : memref<100xi32, #tpu.memory_space<vmem>>) semaphore(%arg14 : memref<!tpu.dma_semaphore, #tpu.memory_space<semaphore_mem>>)
    %scan3A_76 = arith.constant 0 : i32
    %scan3A_77 = arith.constant 0 : i32
    %scan3A_78 = arith.constant 50 : i32
    %scan3A_79 = arith.addi %scan3A_77, %scan3A_78 : i32
    %scan3A_80 = arith.constant 1 : i32
    scf.for %scan3A_102 = %scan3A_77 to %scan3A_79 step %scan3A_80  : i32 {
      %mul3A_103 = arith.constant 2 : i32
      %mul3A_104 = arith.muli %mul3A_103, %scan3A_102 : i32
      %mul3A_105 = arith.constant 2 : i32
      %mul3A_106 = arith.muli %mul3A_105, %scan3A_102 : i32
      %add3A_107 = arith.constant 1 : i32
      %add3A_108 = arith.addi %mul3A_106, %add3A_107 : i32
      %dma_wait3A_109 = arith.constant 0 : i32
      %dma_wait3A_110 = tpu.memref_slice %arg8[%mul3A_104, %dma_wait3A_109] : memref<100x100xi32, #tpu.memory_space<vmem>> -> memref<1x100xi32, #tpu.memory_space<vmem>>
      %dma_wait3A_111 = tpu.memref_squeeze %dma_wait3A_110 : memref<1x100xi32, #tpu.memory_space<vmem>> -> memref<100xi32, #tpu.memory_space<vmem>>
      %dma_wait3A_112 = arith.constant 0 : i32
      %dma_wait3A_113 = arith.constant 0 : i32
      %dma_wait3A_114 = tpu.memref_slice %arg2[%dma_wait3A_112, %dma_wait3A_113] : memref<10000x128xf32, #tpu.memory_space<hbm>> -> memref<10000x128xf32, #tpu.memory_space<hbm>>
      tpu.wait_indirect_dma semaphore(%arg13 : memref<!tpu.dma_semaphore, #tpu.memory_space<semaphore_mem>>) src(%dma_wait3A_114 : memref<10000x128xf32, #tpu.memory_space<hbm>>) dst(%arg10 : memref<100x128xf32, #tpu.memory_space<vmem>>)
      %dma_start3A_115 = arith.constant 0 : i32
      %dma_start3A_116 = tpu.memref_slice %arg9[%mul3A_104, %dma_start3A_115] : memref<100x100xi32, #tpu.memory_space<vmem>> -> memref<1x100xi32, #tpu.memory_space<vmem>>
      %dma_start3A_117 = tpu.memref_squeeze %dma_start3A_116 : memref<1x100xi32, #tpu.memory_space<vmem>> -> memref<100xi32, #tpu.memory_space<vmem>>
      %dma_start3A_118 = arith.constant 0 : i32
      %dma_start3A_119 = arith.constant 0 : i32
      %dma_start3A_120 = tpu.memref_slice %arg12[%dma_start3A_118, %dma_start3A_119] : memref<10240x128xf32, #tpu.memory_space<vmem_shared>> -> memref<10240x128xf32, #tpu.memory_space<vmem_shared>>
      tpu.enqueue_indirect_dma source(%arg10 : memref<100x128xf32, #tpu.memory_space<vmem>>) target(%dma_start3A_120 : memref<10240x128xf32, #tpu.memory_space<vmem_shared>>) offsets(%dma_start3A_117 : memref<100xi32, #tpu.memory_space<vmem>>) semaphore(%arg15 : memref<!tpu.dma_semaphore, #tpu.memory_space<semaphore_mem>>) {add = true}
      %dma_wait3A_121 = arith.constant 0 : i32
      %dma_wait3A_122 = tpu.memref_slice %arg8[%add3A_108, %dma_wait3A_121] : memref<100x100xi32, #tpu.memory_space<vmem>> -> memref<1x100xi32, #tpu.memory_space<vmem>>
      %dma_wait3A_123 = tpu.memref_squeeze %dma_wait3A_122 : memref<1x100xi32, #tpu.memory_space<vmem>> -> memref<100xi32, #tpu.memory_space<vmem>>
      %dma_wait3A_124 = arith.constant 0 : i32
      %dma_wait3A_125 = arith.constant 0 : i32
      %dma_wait3A_126 = tpu.memref_slice %arg2[%dma_wait3A_124, %dma_wait3A_125] : memref<10000x128xf32, #tpu.memory_space<hbm>> -> memref<10000x128xf32, #tpu.memory_space<hbm>>
      tpu.wait_indirect_dma semaphore(%arg14 : memref<!tpu.dma_semaphore, #tpu.memory_space<semaphore_mem>>) src(%dma_wait3A_126 : memref<10000x128xf32, #tpu.memory_space<hbm>>) dst(%arg11 : memref<100x128xf32, #tpu.memory_space<vmem>>)
      %dma_start3A_127 = arith.constant 0 : i32
      %dma_start3A_128 = tpu.memref_slice %arg9[%add3A_108, %dma_start3A_127] : memref<100x100xi32, #tpu.memory_space<vmem>> -> memref<1x100xi32, #tpu.memory_space<vmem>>
      %dma_start3A_129 = tpu.memref_squeeze %dma_start3A_128 : memref<1x100xi32, #tpu.memory_space<vmem>> -> memref<100xi32, #tpu.memory_space<vmem>>
      %dma_start3A_130 = arith.constant 0 : i32
      %dma_start3A_131 = arith.constant 0 : i32
      %dma_start3A_132 = tpu.memref_slice %arg12[%dma_start3A_130, %dma_start3A_131] : memref<10240x128xf32, #tpu.memory_space<vmem_shared>> -> memref<10240x128xf32, #tpu.memory_space<vmem_shared>>
      tpu.enqueue_indirect_dma source(%arg11 : memref<100x128xf32, #tpu.memory_space<vmem>>) target(%dma_start3A_132 : memref<10240x128xf32, #tpu.memory_space<vmem_shared>>) offsets(%dma_start3A_129 : memref<100xi32, #tpu.memory_space<vmem>>) semaphore(%arg16 : memref<!tpu.dma_semaphore, #tpu.memory_space<semaphore_mem>>) {add = true}
      %dma_start3A_133 = arith.constant 0 : i32
      %dma_start3A_134 = tpu.memref_slice %arg8[%mul3A_104, %dma_start3A_133] : memref<100x100xi32, #tpu.memory_space<vmem>> -> memref<1x100xi32, #tpu.memory_space<vmem>>
      %dma_start3A_135 = tpu.memref_squeeze %dma_start3A_134 : memref<1x100xi32, #tpu.memory_space<vmem>> -> memref<100xi32, #tpu.memory_space<vmem>>
      %dma_start3A_136 = arith.constant 0 : i32
      %dma_start3A_137 = tpu.memref_slice %arg18[%dma_start3A_136] : memref<10240xf32, #tpu.memory_space<vmem_shared>> -> memref<10240xf32, #tpu.memory_space<vmem_shared>>
      tpu.enqueue_indirect_dma source(%arg17 : memref<100xf32, #tpu.memory_space<vmem>>) target(%dma_start3A_137 : memref<10240xf32, #tpu.memory_space<vmem_shared>>) offsets(%dma_start3A_135 : memref<100xi32, #tpu.memory_space<vmem>>) semaphore(%arg20 : memref<!tpu.dma_semaphore, #tpu.memory_space<semaphore_mem>>) {add = true}
      %dma_start3A_138 = arith.constant 0 : i32
      %dma_start3A_139 = tpu.memref_slice %arg9[%mul3A_104, %dma_start3A_138] : memref<100x100xi32, #tpu.memory_space<vmem>> -> memref<1x100xi32, #tpu.memory_space<vmem>>
      %dma_start3A_140 = tpu.memref_squeeze %dma_start3A_139 : memref<1x100xi32, #tpu.memory_space<vmem>> -> memref<100xi32, #tpu.memory_space<vmem>>
      %dma_start3A_141 = arith.constant 0 : i32
      %dma_start3A_142 = tpu.memref_slice %arg19[%dma_start3A_141] : memref<10240xf32, #tpu.memory_space<vmem_shared>> -> memref<10240xf32, #tpu.memory_space<vmem_shared>>
      tpu.enqueue_indirect_dma source(%arg17 : memref<100xf32, #tpu.memory_space<vmem>>) target(%dma_start3A_142 : memref<10240xf32, #tpu.memory_space<vmem_shared>>) offsets(%dma_start3A_140 : memref<100xi32, #tpu.memory_space<vmem>>) semaphore(%arg21 : memref<!tpu.dma_semaphore, #tpu.memory_space<semaphore_mem>>) {add = true}
      %dma_start3A_143 = arith.constant 0 : i32
      %dma_start3A_144 = tpu.memref_slice %arg8[%add3A_108, %dma_start3A_143] : memref<100x100xi32, #tpu.memory_space<vmem>> -> memref<1x100xi32, #tpu.memory_space<vmem>>
      %dma_start3A_145 = tpu.memref_squeeze %dma_start3A_144 : memref<1x100xi32, #tpu.memory_space<vmem>> -> memref<100xi32, #tpu.memory_space<vmem>>
      %dma_start3A_146 = arith.constant 0 : i32
      %dma_start3A_147 = tpu.memref_slice %arg18[%dma_start3A_146] : memref<10240xf32, #tpu.memory_space<vmem_shared>> -> memref<10240xf32, #tpu.memory_space<vmem_shared>>
      tpu.enqueue_indirect_dma source(%arg17 : memref<100xf32, #tpu.memory_space<vmem>>) target(%dma_start3A_147 : memref<10240xf32, #tpu.memory_space<vmem_shared>>) offsets(%dma_start3A_145 : memref<100xi32, #tpu.memory_space<vmem>>) semaphore(%arg20 : memref<!tpu.dma_semaphore, #tpu.memory_space<semaphore_mem>>) {add = true}
      %dma_start3A_148 = arith.constant 0 : i32
      %dma_start3A_149 = tpu.memref_slice %arg9[%add3A_108, %dma_start3A_148] : memref<100x100xi32, #tpu.memory_space<vmem>> -> memref<1x100xi32, #tpu.memory_space<vmem>>
      %dma_start3A_150 = tpu.memref_squeeze %dma_start3A_149 : memref<1x100xi32, #tpu.memory_space<vmem>> -> memref<100xi32, #tpu.memory_space<vmem>>
      %dma_start3A_151 = arith.constant 0 : i32
      %dma_start3A_152 = tpu.memref_slice %arg19[%dma_start3A_151] : memref<10240xf32, #tpu.memory_space<vmem_shared>> -> memref<10240xf32, #tpu.memory_space<vmem_shared>>
      tpu.enqueue_indirect_dma source(%arg17 : memref<100xf32, #tpu.memory_space<vmem>>) target(%dma_start3A_152 : memref<10240xf32, #tpu.memory_space<vmem_shared>>) offsets(%dma_start3A_150 : memref<100xi32, #tpu.memory_space<vmem>>) semaphore(%arg21 : memref<!tpu.dma_semaphore, #tpu.memory_space<semaphore_mem>>) {add = true}
      %lt3A = arith.constant 49 : i32
      %lt3A_153 = arith.cmpi slt, %scan3A_102, %lt3A : i32
      %convert_element_type3A = arith.extui %lt3A_153 : i1 to i32
      %cond3A = arith.constant 0 : i32
      %cond3A_154 = arith.cmpi ne, %convert_element_type3A, %cond3A : i32
      scf.if %cond3A_154 {
        %dma_wait3A_155 = arith.constant 0 : i32
        %dma_wait3A_156 = tpu.memref_slice %arg8[%mul3A_104, %dma_wait3A_155] : memref<100x100xi32, #tpu.memory_space<vmem>> -> memref<1x100xi32, #tpu.memory_space<vmem>>
        %dma_wait3A_157 = tpu.memref_squeeze %dma_wait3A_156 : memref<1x100xi32, #tpu.memory_space<vmem>> -> memref<100xi32, #tpu.memory_space<vmem>>
        %dma_wait3A_158 = arith.constant 0 : i32
        %dma_wait3A_159 = arith.constant 0 : i32
        %dma_wait3A_160 = tpu.memref_slice %arg2[%dma_wait3A_158, %dma_wait3A_159] : memref<10000x128xf32, #tpu.memory_space<hbm>> -> memref<10000x128xf32, #tpu.memory_space<hbm>>
        tpu.wait_indirect_dma semaphore(%arg15 : memref<!tpu.dma_semaphore, #tpu.memory_space<semaphore_mem>>) src(%dma_wait3A_160 : memref<10000x128xf32, #tpu.memory_space<hbm>>) dst(%arg10 : memref<100x128xf32, #tpu.memory_space<vmem>>)
        %add3A_161 = arith.constant 2 : i32
        %add3A_162 = arith.addi %mul3A_104, %add3A_161 : i32
        %dma_start3A_163 = arith.constant 0 : i32
        %dma_start3A_164 = tpu.memref_slice %arg8[%add3A_162, %dma_start3A_163] : memref<100x100xi32, #tpu.memory_space<vmem>> -> memref<1x100xi32, #tpu.memory_space<vmem>>
        %dma_start3A_165 = tpu.memref_squeeze %dma_start3A_164 : memref<1x100xi32, #tpu.memory_space<vmem>> -> memref<100xi32, #tpu.memory_space<vmem>>
        %dma_start3A_166 = arith.constant 0 : i32
        %dma_start3A_167 = arith.constant 0 : i32
        %dma_start3A_168 = tpu.memref_slice %arg2[%dma_start3A_166, %dma_start3A_167] : memref<10000x128xf32, #tpu.memory_space<hbm>> -> memref<10000x128xf32, #tpu.memory_space<hbm>>
        tpu.enqueue_indirect_dma source(%dma_start3A_168 : memref<10000x128xf32, #tpu.memory_space<hbm>>) target(%arg10 : memref<100x128xf32, #tpu.memory_space<vmem>>) offsets(%dma_start3A_165 : memref<100xi32, #tpu.memory_space<vmem>>) semaphore(%arg13 : memref<!tpu.dma_semaphore, #tpu.memory_space<semaphore_mem>>)
        %dma_wait3A_169 = arith.constant 0 : i32
        %dma_wait3A_170 = tpu.memref_slice %arg8[%add3A_108, %dma_wait3A_169] : memref<100x100xi32, #tpu.memory_space<vmem>> -> memref<1x100xi32, #tpu.memory_space<vmem>>
        %dma_wait3A_171 = tpu.memref_squeeze %dma_wait3A_170 : memref<1x100xi32, #tpu.memory_space<vmem>> -> memref<100xi32, #tpu.memory_space<vmem>>
        %dma_wait3A_172 = arith.constant 0 : i32
        %dma_wait3A_173 = arith.constant 0 : i32
        %dma_wait3A_174 = tpu.memref_slice %arg2[%dma_wait3A_172, %dma_wait3A_173] : memref<10000x128xf32, #tpu.memory_space<hbm>> -> memref<10000x128xf32, #tpu.memory_space<hbm>>
        tpu.wait_indirect_dma semaphore(%arg16 : memref<!tpu.dma_semaphore, #tpu.memory_space<semaphore_mem>>) src(%dma_wait3A_174 : memref<10000x128xf32, #tpu.memory_space<hbm>>) dst(%arg11 : memref<100x128xf32, #tpu.memory_space<vmem>>)
        %add3A_175 = arith.constant 2 : i32
        %add3A_176 = arith.addi %add3A_108, %add3A_175 : i32
        %dma_start3A_177 = arith.constant 0 : i32
        %dma_start3A_178 = tpu.memref_slice %arg8[%add3A_176, %dma_start3A_177] : memref<100x100xi32, #tpu.memory_space<vmem>> -> memref<1x100xi32, #tpu.memory_space<vmem>>
        %dma_start3A_179 = tpu.memref_squeeze %dma_start3A_178 : memref<1x100xi32, #tpu.memory_space<vmem>> -> memref<100xi32, #tpu.memory_space<vmem>>
        %dma_start3A_180 = arith.constant 0 : i32
        %dma_start3A_181 = arith.constant 0 : i32
        %dma_start3A_182 = tpu.memref_slice %arg2[%dma_start3A_180, %dma_start3A_181] : memref<10000x128xf32, #tpu.memory_space<hbm>> -> memref<10000x128xf32, #tpu.memory_space<hbm>>
        tpu.enqueue_indirect_dma source(%dma_start3A_182 : memref<10000x128xf32, #tpu.memory_space<hbm>>) target(%arg11 : memref<100x128xf32, #tpu.memory_space<vmem>>) offsets(%dma_start3A_179 : memref<100xi32, #tpu.memory_space<vmem>>) semaphore(%arg14 : memref<!tpu.dma_semaphore, #tpu.memory_space<semaphore_mem>>)
      } else {
      }
    }
    %scan3A_81 = arith.constant 50 : i32
    %dma_wait3A = arith.constant 0 : i32
    %dma_wait3A_82 = arith.constant 0 : i32
    %dma_wait3A_83 = tpu.memref_slice %arg8[%dma_wait3A, %dma_wait3A_82] : memref<100x100xi32, #tpu.memory_space<vmem>> -> memref<1x100xi32, #tpu.memory_space<vmem>>
    %dma_wait3A_84 = tpu.memref_squeeze %dma_wait3A_83 : memref<1x100xi32, #tpu.memory_space<vmem>> -> memref<100xi32, #tpu.memory_space<vmem>>
    %dma_wait3A_85 = arith.constant 0 : i32
    %dma_wait3A_86 = arith.constant 0 : i32
    %dma_wait3A_87 = tpu.memref_slice %arg2[%dma_wait3A_85, %dma_wait3A_86] : memref<10000x128xf32, #tpu.memory_space<hbm>> -> memref<10000x128xf32, #tpu.memory_space<hbm>>
    tpu.wait_indirect_dma semaphore(%arg15 : memref<!tpu.dma_semaphore, #tpu.memory_space<semaphore_mem>>) src(%dma_wait3A_87 : memref<10000x128xf32, #tpu.memory_space<hbm>>) dst(%arg10 : memref<100x128xf32, #tpu.memory_space<vmem>>)
    %dma_wait3A_88 = arith.constant 1 : i32
    %dma_wait3A_89 = arith.constant 0 : i32
    %dma_wait3A_90 = tpu.memref_slice %arg8[%dma_wait3A_88, %dma_wait3A_89] : memref<100x100xi32, #tpu.memory_space<vmem>> -> memref<1x100xi32, #tpu.memory_space<vmem>>
    %dma_wait3A_91 = tpu.memref_squeeze %dma_wait3A_90 : memref<1x100xi32, #tpu.memory_space<vmem>> -> memref<100xi32, #tpu.memory_space<vmem>>
    %dma_wait3A_92 = arith.constant 0 : i32
    %dma_wait3A_93 = arith.constant 0 : i32
    %dma_wait3A_94 = tpu.memref_slice %arg2[%dma_wait3A_92, %dma_wait3A_93] : memref<10000x128xf32, #tpu.memory_space<hbm>> -> memref<10000x128xf32, #tpu.memory_space<hbm>>
    tpu.wait_indirect_dma semaphore(%arg16 : memref<!tpu.dma_semaphore, #tpu.memory_space<semaphore_mem>>) src(%dma_wait3A_94 : memref<10000x128xf32, #tpu.memory_space<hbm>>) dst(%arg11 : memref<100x128xf32, #tpu.memory_space<vmem>>)
    %scan3A_95 = arith.constant 0 : i32
    %scan3A_96 = arith.constant 0 : i32
    %scan3A_97 = arith.constant 100 : i32
    %scan3A_98 = arith.addi %scan3A_96, %scan3A_97 : i32
    %scan3A_99 = arith.constant 1 : i32
    scf.for %scan3A_102 = %scan3A_96 to %scan3A_98 step %scan3A_99  : i32 {
      %dma_wait3A_103 = arith.constant 0 : i32
      %dma_wait3A_104 = arith.constant 0 : i32
      %dma_wait3A_105 = tpu.memref_slice %arg8[%dma_wait3A_103, %dma_wait3A_104] : memref<100x100xi32, #tpu.memory_space<vmem>> -> memref<1x100xi32, #tpu.memory_space<vmem>>
      %dma_wait3A_106 = tpu.memref_squeeze %dma_wait3A_105 : memref<1x100xi32, #tpu.memory_space<vmem>> -> memref<100xi32, #tpu.memory_space<vmem>>
      %dma_wait3A_107 = arith.constant 0 : i32
      %dma_wait3A_108 = tpu.memref_slice %arg18[%dma_wait3A_107] : memref<10240xf32, #tpu.memory_space<vmem_shared>> -> memref<10240xf32, #tpu.memory_space<vmem_shared>>
      tpu.wait_indirect_dma semaphore(%arg20 : memref<!tpu.dma_semaphore, #tpu.memory_space<semaphore_mem>>) src(%arg17 : memref<100xf32, #tpu.memory_space<vmem>>) dst(%dma_wait3A_108 : memref<10240xf32, #tpu.memory_space<vmem_shared>>)
      %dma_wait3A_109 = arith.constant 0 : i32
      %dma_wait3A_110 = arith.constant 0 : i32
      %dma_wait3A_111 = tpu.memref_slice %arg9[%dma_wait3A_109, %dma_wait3A_110] : memref<100x100xi32, #tpu.memory_space<vmem>> -> memref<1x100xi32, #tpu.memory_space<vmem>>
      %dma_wait3A_112 = tpu.memref_squeeze %dma_wait3A_111 : memref<1x100xi32, #tpu.memory_space<vmem>> -> memref<100xi32, #tpu.memory_space<vmem>>
      %dma_wait3A_113 = arith.constant 0 : i32
      %dma_wait3A_114 = tpu.memref_slice %arg19[%dma_wait3A_113] : memref<10240xf32, #tpu.memory_space<vmem_shared>> -> memref<10240xf32, #tpu.memory_space<vmem_shared>>
      tpu.wait_indirect_dma semaphore(%arg21 : memref<!tpu.dma_semaphore, #tpu.memory_space<semaphore_mem>>) src(%arg17 : memref<100xf32, #tpu.memory_space<vmem>>) dst(%dma_wait3A_114 : memref<10240xf32, #tpu.memory_space<vmem_shared>>)
    }
    %scan3A_100 = arith.constant 100 : i32
    %barrier3A_101 = arith.constant 0 : index
    tpu.barrier barrier_id(%barrier3A_101)
    "tpu.region"() ({
      %run_scoped3A_102 = tpu.sem_alloc : memref<!tpu.dma_semaphore, #tpu.memory_space<semaphore_mem>>
      %dma_start3A_103 = arith.constant 0 : i32
      %dma_start3A_104 = tpu.memref_slice %arg5[%arg0, %mul3A_8, %dma_start3A_103] : memref<2x10240x128xf32, #tpu.memory_space<hbm>> -> memref<1x640x128xf32, #tpu.memory_space<hbm>>
      %dma_start3A_105 = tpu.memref_squeeze %dma_start3A_104 : memref<1x640x128xf32, #tpu.memory_space<hbm>> -> memref<640x128xf32, #tpu.memory_space<hbm>>
      %dma_start3A_106 = arith.constant 0 : i32
      %dma_start3A_107 = tpu.memref_slice %arg12[%mul3A_8, %dma_start3A_106] : memref<10240x128xf32, #tpu.memory_space<vmem_shared>> -> memref<640x128xf32, #tpu.memory_space<vmem_shared>>
      tpu.enqueue_dma source(%dma_start3A_107 : memref<640x128xf32, #tpu.memory_space<vmem_shared>>) target(%dma_start3A_105 : memref<640x128xf32, #tpu.memory_space<hbm>>) target_semaphore(%run_scoped3A_102 : memref<!tpu.dma_semaphore, #tpu.memory_space<semaphore_mem>>)
      %dma_wait3A_108 = arith.constant 0 : i32
      %dma_wait3A_109 = tpu.memref_slice %arg5[%arg0, %mul3A_8, %dma_wait3A_108] : memref<2x10240x128xf32, #tpu.memory_space<hbm>> -> memref<1x640x128xf32, #tpu.memory_space<hbm>>
      %dma_wait3A_110 = tpu.memref_squeeze %dma_wait3A_109 : memref<1x640x128xf32, #tpu.memory_space<hbm>> -> memref<640x128xf32, #tpu.memory_space<hbm>>
      %dma_wait3A_111 = arith.constant 0 : i32
      %dma_wait3A_112 = tpu.memref_slice %arg12[%mul3A_8, %dma_wait3A_111] : memref<10240x128xf32, #tpu.memory_space<vmem_shared>> -> memref<640x128xf32, #tpu.memory_space<vmem_shared>>
      tpu.wait_dma2 semaphore(%run_scoped3A_102 : memref<!tpu.dma_semaphore, #tpu.memory_space<semaphore_mem>>) src(%dma_wait3A_112 : memref<640x128xf32, #tpu.memory_space<vmem_shared>>) dst(%dma_wait3A_110 : memref<640x128xf32, #tpu.memory_space<hbm>>)
      tpu.yield
    }) : () -> ()
    "tpu.region"() ({
      %run_scoped3A_102 = tpu.sem_alloc : memref<!tpu.dma_semaphore, #tpu.memory_space<semaphore_mem>>
      %dma_start3A_103 = tpu.memref_slice %arg6[%arg0, %mul3A_8] : memref<2x10240xf32, #tpu.memory_space<hbm>> -> memref<1x640xf32, #tpu.memory_space<hbm>>
      %dma_start3A_104 = tpu.memref_squeeze %dma_start3A_103 : memref<1x640xf32, #tpu.memory_space<hbm>> -> memref<640xf32, #tpu.memory_space<hbm>>
      %dma_start3A_105 = tpu.memref_slice %arg18[%mul3A_8] : memref<10240xf32, #tpu.memory_space<vmem_shared>> -> memref<640xf32, #tpu.memory_space<vmem_shared>>
      tpu.enqueue_dma source(%dma_start3A_105 : memref<640xf32, #tpu.memory_space<vmem_shared>>) target(%dma_start3A_104 : memref<640xf32, #tpu.memory_space<hbm>>) target_semaphore(%run_scoped3A_102 : memref<!tpu.dma_semaphore, #tpu.memory_space<semaphore_mem>>)
      %dma_wait3A_106 = tpu.memref_slice %arg6[%arg0, %mul3A_8] : memref<2x10240xf32, #tpu.memory_space<hbm>> -> memref<1x640xf32, #tpu.memory_space<hbm>>
      %dma_wait3A_107 = tpu.memref_squeeze %dma_wait3A_106 : memref<1x640xf32, #tpu.memory_space<hbm>> -> memref<640xf32, #tpu.memory_space<hbm>>
      %dma_wait3A_108 = tpu.memref_slice %arg18[%mul3A_8] : memref<10240xf32, #tpu.memory_space<vmem_shared>> -> memref<640xf32, #tpu.memory_space<vmem_shared>>
      tpu.wait_dma2 semaphore(%run_scoped3A_102 : memref<!tpu.dma_semaphore, #tpu.memory_space<semaphore_mem>>) src(%dma_wait3A_108 : memref<640xf32, #tpu.memory_space<vmem_shared>>) dst(%dma_wait3A_107 : memref<640xf32, #tpu.memory_space<hbm>>)
      tpu.yield
    }) : () -> ()
    "tpu.region"() ({
      %run_scoped3A_102 = tpu.sem_alloc : memref<!tpu.dma_semaphore, #tpu.memory_space<semaphore_mem>>
      %dma_start3A_103 = tpu.memref_slice %arg7[%arg0, %mul3A_8] : memref<2x10240xf32, #tpu.memory_space<hbm>> -> memref<1x640xf32, #tpu.memory_space<hbm>>
      %dma_start3A_104 = tpu.memref_squeeze %dma_start3A_103 : memref<1x640xf32, #tpu.memory_space<hbm>> -> memref<640xf32, #tpu.memory_space<hbm>>
      %dma_start3A_105 = tpu.memref_slice %arg19[%mul3A_8] : memref<10240xf32, #tpu.memory_space<vmem_shared>> -> memref<640xf32, #tpu.memory_space<vmem_shared>>
      tpu.enqueue_dma source(%dma_start3A_105 : memref<640xf32, #tpu.memory_space<vmem_shared>>) target(%dma_start3A_104 : memref<640xf32, #tpu.memory_space<hbm>>) target_semaphore(%run_scoped3A_102 : memref<!tpu.dma_semaphore, #tpu.memory_space<semaphore_mem>>)
      %dma_wait3A_106 = tpu.memref_slice %arg7[%arg0, %mul3A_8] : memref<2x10240xf32, #tpu.memory_space<hbm>> -> memref<1x640xf32, #tpu.memory_space<hbm>>
      %dma_wait3A_107 = tpu.memref_squeeze %dma_wait3A_106 : memref<1x640xf32, #tpu.memory_space<hbm>> -> memref<640xf32, #tpu.memory_space<hbm>>
      %dma_wait3A_108 = tpu.memref_slice %arg19[%mul3A_8] : memref<10240xf32, #tpu.memory_space<vmem_shared>> -> memref<640xf32, #tpu.memory_space<vmem_shared>>
      tpu.wait_dma2 semaphore(%run_scoped3A_102 : memref<!tpu.dma_semaphore, #tpu.memory_space<semaphore_mem>>) src(%dma_wait3A_108 : memref<640xf32, #tpu.memory_space<vmem_shared>>) dst(%dma_wait3A_107 : memref<640xf32, #tpu.memory_space<hbm>>)
      tpu.yield
    }) : () -> ()
    return
  }
}

#map = affine_map<(d0, d1) -> (0, 0)>
#map1 = affine_map<(d0, d1) -> (0, 0, 0)>
module attributes {stable_mosaic.version = 14 : i64} {
  func.func @k(%arg0: i32, %arg1: i32, %arg2: memref<10000x128xf32, #tpu.memory_space<hbm>>, %arg3: memref<32x100x100xi32, #tpu.memory_space<hbm>>, %arg4: memref<32x100x100xi32, #tpu.memory_space<hbm>>, %arg5: memref<2x10240x128xf32, #tpu.memory_space<hbm>>, %arg6: memref<100x100xi32, #tpu.memory_space<vmem>>, %arg7: memref<100x100xi32, #tpu.memory_space<vmem>>, %arg8: memref<100x128xf32, #tpu.memory_space<vmem>>, %arg9: memref<100x128xf32, #tpu.memory_space<vmem>>, %arg10: memref<10240x128xf32, #tpu.memory_space<vmem_shared>>, %arg11: memref<!tpu.dma_semaphore, #tpu.memory_space<semaphore_mem>>, %arg12: memref<!tpu.dma_semaphore, #tpu.memory_space<semaphore_mem>>, %arg13: memref<!tpu.dma_semaphore, #tpu.memory_space<semaphore_mem>>, %arg14: memref<!tpu.dma_semaphore, #tpu.memory_space<semaphore_mem>>) attributes {dimension_semantics = [#tpu.dimension_semantics<core_parallel>, #tpu.dimension_semantics<subcore_parallel>], iteration_bounds = array<i64: 2, 16>, scalar_prefetch = 0 : i64, scratch_operands = 9 : i64, tpu.core_type = #tpu.core_type<sc_vector_subcore>, window_params = [{transform_indices = #map}, {transform_indices = #map1}, {transform_indices = #map1}, {transform_indices = #map1}]} {
    %mul3A = arith.constant 16 : i32
    %mul3A_0 = arith.muli %arg0, %mul3A : i32
    %add3A = arith.addi %mul3A_0, %arg1 : i32
    %broadcast_in_dim3A = arith.constant 0.000000e+00 : f32
    %broadcast_in_dim3A_1 = vector.broadcast %broadcast_in_dim3A : f32 to vector<16xf32>
    %scan3A = arith.constant 0 : i32
    %scan3A_2 = arith.constant 0 : i32
    %scan3A_3 = arith.constant 100 : i32
    %scan3A_4 = arith.addi %scan3A_2, %scan3A_3 : i32
    %scan3A_5 = arith.constant 1 : i32
    scf.for %scan3A_56 = %scan3A_2 to %scan3A_4 step %scan3A_5  : i32 {
      %swap3A = arith.index_cast %scan3A_56 : i32 to index
      %swap3A_57 = arith.constant 0 : index
      %swap3A_58 = tpu.vector_load %arg8[%swap3A, %swap3A_57] {strides = array<i32>} : memref<100x128xf32, #tpu.memory_space<vmem>>, vector<1x16xf32>,
      %swap3A_59 = vector.shape_cast %swap3A_58 : vector<1x16xf32> to vector<16xf32>
      %swap3A_60 = vector.shape_cast %broadcast_in_dim3A_1 : vector<16xf32> to vector<1x16xf32>
      tpu.vector_store %arg8[%swap3A, %swap3A_57], %swap3A_60 {strides = array<i32>} : memref<100x128xf32, #tpu.memory_space<vmem>>, vector<1x16xf32>,
      %swap3A_61 = arith.index_cast %scan3A_56 : i32 to index
      %swap3A_62 = arith.constant 16 : index
      %swap3A_63 = tpu.vector_load %arg8[%swap3A_61, %swap3A_62] {strides = array<i32>} : memref<100x128xf32, #tpu.memory_space<vmem>>, vector<1x16xf32>,
      %swap3A_64 = vector.shape_cast %swap3A_63 : vector<1x16xf32> to vector<16xf32>
      %swap3A_65 = vector.shape_cast %broadcast_in_dim3A_1 : vector<16xf32> to vector<1x16xf32>
      tpu.vector_store %arg8[%swap3A_61, %swap3A_62], %swap3A_65 {strides = array<i32>} : memref<100x128xf32, #tpu.memory_space<vmem>>, vector<1x16xf32>,
      %swap3A_66 = arith.index_cast %scan3A_56 : i32 to index
      %swap3A_67 = arith.constant 32 : index
      %swap3A_68 = tpu.vector_load %arg8[%swap3A_66, %swap3A_67] {strides = array<i32>} : memref<100x128xf32, #tpu.memory_space<vmem>>, vector<1x16xf32>,
      %swap3A_69 = vector.shape_cast %swap3A_68 : vector<1x16xf32> to vector<16xf32>
      %swap3A_70 = vector.shape_cast %broadcast_in_dim3A_1 : vector<16xf32> to vector<1x16xf32>
      tpu.vector_store %arg8[%swap3A_66, %swap3A_67], %swap3A_70 {strides = array<i32>} : memref<100x128xf32, #tpu.memory_space<vmem>>, vector<1x16xf32>,
      %swap3A_71 = arith.index_cast %scan3A_56 : i32 to index
      %swap3A_72 = arith.constant 48 : index
      %swap3A_73 = tpu.vector_load %arg8[%swap3A_71, %swap3A_72] {strides = array<i32>} : memref<100x128xf32, #tpu.memory_space<vmem>>, vector<1x16xf32>,
      %swap3A_74 = vector.shape_cast %swap3A_73 : vector<1x16xf32> to vector<16xf32>
      %swap3A_75 = vector.shape_cast %broadcast_in_dim3A_1 : vector<16xf32> to vector<1x16xf32>
      tpu.vector_store %arg8[%swap3A_71, %swap3A_72], %swap3A_75 {strides = array<i32>} : memref<100x128xf32, #tpu.memory_space<vmem>>, vector<1x16xf32>,
      %swap3A_76 = arith.index_cast %scan3A_56 : i32 to index
      %swap3A_77 = arith.constant 64 : index
      %swap3A_78 = tpu.vector_load %arg8[%swap3A_76, %swap3A_77] {strides = array<i32>} : memref<100x128xf32, #tpu.memory_space<vmem>>, vector<1x16xf32>,
      %swap3A_79 = vector.shape_cast %swap3A_78 : vector<1x16xf32> to vector<16xf32>
      %swap3A_80 = vector.shape_cast %broadcast_in_dim3A_1 : vector<16xf32> to vector<1x16xf32>
      tpu.vector_store %arg8[%swap3A_76, %swap3A_77], %swap3A_80 {strides = array<i32>} : memref<100x128xf32, #tpu.memory_space<vmem>>, vector<1x16xf32>,
      %swap3A_81 = arith.index_cast %scan3A_56 : i32 to index
      %swap3A_82 = arith.constant 80 : index
      %swap3A_83 = tpu.vector_load %arg8[%swap3A_81, %swap3A_82] {strides = array<i32>} : memref<100x128xf32, #tpu.memory_space<vmem>>, vector<1x16xf32>,
      %swap3A_84 = vector.shape_cast %swap3A_83 : vector<1x16xf32> to vector<16xf32>
      %swap3A_85 = vector.shape_cast %broadcast_in_dim3A_1 : vector<16xf32> to vector<1x16xf32>
      tpu.vector_store %arg8[%swap3A_81, %swap3A_82], %swap3A_85 {strides = array<i32>} : memref<100x128xf32, #tpu.memory_space<vmem>>, vector<1x16xf32>,
      %swap3A_86 = arith.index_cast %scan3A_56 : i32 to index
      %swap3A_87 = arith.constant 96 : index
      %swap3A_88 = tpu.vector_load %arg8[%swap3A_86, %swap3A_87] {strides = array<i32>} : memref<100x128xf32, #tpu.memory_space<vmem>>, vector<1x16xf32>,
      %swap3A_89 = vector.shape_cast %swap3A_88 : vector<1x16xf32> to vector<16xf32>
      %swap3A_90 = vector.shape_cast %broadcast_in_dim3A_1 : vector<16xf32> to vector<1x16xf32>
      tpu.vector_store %arg8[%swap3A_86, %swap3A_87], %swap3A_90 {strides = array<i32>} : memref<100x128xf32, #tpu.memory_space<vmem>>, vector<1x16xf32>,
      %swap3A_91 = arith.index_cast %scan3A_56 : i32 to index
      %swap3A_92 = arith.constant 112 : index
      %swap3A_93 = tpu.vector_load %arg8[%swap3A_91, %swap3A_92] {strides = array<i32>} : memref<100x128xf32, #tpu.memory_space<vmem>>, vector<1x16xf32>,
      %swap3A_94 = vector.shape_cast %swap3A_93 : vector<1x16xf32> to vector<16xf32>
      %swap3A_95 = vector.shape_cast %broadcast_in_dim3A_1 : vector<16xf32> to vector<1x16xf32>
      tpu.vector_store %arg8[%swap3A_91, %swap3A_92], %swap3A_95 {strides = array<i32>} : memref<100x128xf32, #tpu.memory_space<vmem>>, vector<1x16xf32>,
    }
    %scan3A_6 = arith.constant 100 : i32
    "tpu.region"() ({
      %run_scoped3A = tpu.sem_alloc : memref<!tpu.dma_semaphore, #tpu.memory_space<semaphore_mem>>
      %dma_start3A_56 = arith.constant 0 : i32
      %dma_start3A_57 = arith.constant 0 : i32
      %dma_start3A_58 = tpu.memref_slice %arg3[%add3A, %dma_start3A_56, %dma_start3A_57] : memref<32x100x100xi32, #tpu.memory_space<hbm>> -> memref<1x100x100xi32, #tpu.memory_space<hbm>>
      %dma_start3A_59 = tpu.memref_squeeze %dma_start3A_58 : memref<1x100x100xi32, #tpu.memory_space<hbm>> -> memref<100x100xi32, #tpu.memory_space<hbm>>
      %dma_start3A_60 = arith.constant 0 : i32
      %dma_start3A_61 = arith.constant 0 : i32
      %dma_start3A_62 = tpu.memref_slice %arg3[%add3A, %dma_start3A_60, %dma_start3A_61] : memref<32x100x100xi32, #tpu.memory_space<hbm>> -> memref<1x100x100xi32, #tpu.memory_space<hbm>>
      %dma_start3A_63 = tpu.memref_squeeze %dma_start3A_62 : memref<1x100x100xi32, #tpu.memory_space<hbm>> -> memref<100x100xi32, #tpu.memory_space<hbm>>
      tpu.enqueue_dma source(%dma_start3A_63 : memref<100x100xi32, #tpu.memory_space<hbm>>) target(%arg6 : memref<100x100xi32, #tpu.memory_space<vmem>>) target_semaphore(%run_scoped3A : memref<!tpu.dma_semaphore, #tpu.memory_space<semaphore_mem>>)
      %dma_wait3A_64 = arith.constant 0 : i32
      %dma_wait3A_65 = arith.constant 0 : i32
      %dma_wait3A_66 = tpu.memref_slice %arg3[%add3A, %dma_wait3A_64, %dma_wait3A_65] : memref<32x100x100xi32, #tpu.memory_space<hbm>> -> memref<1x100x100xi32, #tpu.memory_space<hbm>>
      %dma_wait3A_67 = tpu.memref_squeeze %dma_wait3A_66 : memref<1x100x100xi32, #tpu.memory_space<hbm>> -> memref<100x100xi32, #tpu.memory_space<hbm>>
      %dma_wait3A_68 = arith.constant 0 : i32
      %dma_wait3A_69 = arith.constant 0 : i32
      %dma_wait3A_70 = tpu.memref_slice %arg3[%add3A, %dma_wait3A_68, %dma_wait3A_69] : memref<32x100x100xi32, #tpu.memory_space<hbm>> -> memref<1x100x100xi32, #tpu.memory_space<hbm>>
      %dma_wait3A_71 = tpu.memref_squeeze %dma_wait3A_70 : memref<1x100x100xi32, #tpu.memory_space<hbm>> -> memref<100x100xi32, #tpu.memory_space<hbm>>
      tpu.wait_dma2 semaphore(%run_scoped3A : memref<!tpu.dma_semaphore, #tpu.memory_space<semaphore_mem>>) src(%dma_wait3A_71 : memref<100x100xi32, #tpu.memory_space<hbm>>) dst(%arg6 : memref<100x100xi32, #tpu.memory_space<vmem>>)
      tpu.yield
    }) : () -> ()
    "tpu.region"() ({
      %run_scoped3A = tpu.sem_alloc : memref<!tpu.dma_semaphore, #tpu.memory_space<semaphore_mem>>
      %dma_start3A_56 = arith.constant 0 : i32
      %dma_start3A_57 = arith.constant 0 : i32
      %dma_start3A_58 = tpu.memref_slice %arg4[%add3A, %dma_start3A_56, %dma_start3A_57] : memref<32x100x100xi32, #tpu.memory_space<hbm>> -> memref<1x100x100xi32, #tpu.memory_space<hbm>>
      %dma_start3A_59 = tpu.memref_squeeze %dma_start3A_58 : memref<1x100x100xi32, #tpu.memory_space<hbm>> -> memref<100x100xi32, #tpu.memory_space<hbm>>
      %dma_start3A_60 = arith.constant 0 : i32
      %dma_start3A_61 = arith.constant 0 : i32
      %dma_start3A_62 = tpu.memref_slice %arg4[%add3A, %dma_start3A_60, %dma_start3A_61] : memref<32x100x100xi32, #tpu.memory_space<hbm>> -> memref<1x100x100xi32, #tpu.memory_space<hbm>>
      %dma_start3A_63 = tpu.memref_squeeze %dma_start3A_62 : memref<1x100x100xi32, #tpu.memory_space<hbm>> -> memref<100x100xi32, #tpu.memory_space<hbm>>
      tpu.enqueue_dma source(%dma_start3A_63 : memref<100x100xi32, #tpu.memory_space<hbm>>) target(%arg7 : memref<100x100xi32, #tpu.memory_space<vmem>>) target_semaphore(%run_scoped3A : memref<!tpu.dma_semaphore, #tpu.memory_space<semaphore_mem>>)
      %dma_wait3A_64 = arith.constant 0 : i32
      %dma_wait3A_65 = arith.constant 0 : i32
      %dma_wait3A_66 = tpu.memref_slice %arg4[%add3A, %dma_wait3A_64, %dma_wait3A_65] : memref<32x100x100xi32, #tpu.memory_space<hbm>> -> memref<1x100x100xi32, #tpu.memory_space<hbm>>
      %dma_wait3A_67 = tpu.memref_squeeze %dma_wait3A_66 : memref<1x100x100xi32, #tpu.memory_space<hbm>> -> memref<100x100xi32, #tpu.memory_space<hbm>>
      %dma_wait3A_68 = arith.constant 0 : i32
      %dma_wait3A_69 = arith.constant 0 : i32
      %dma_wait3A_70 = tpu.memref_slice %arg4[%add3A, %dma_wait3A_68, %dma_wait3A_69] : memref<32x100x100xi32, #tpu.memory_space<hbm>> -> memref<1x100x100xi32, #tpu.memory_space<hbm>>
      %dma_wait3A_71 = tpu.memref_squeeze %dma_wait3A_70 : memref<1x100x100xi32, #tpu.memory_space<hbm>> -> memref<100x100xi32, #tpu.memory_space<hbm>>
      tpu.wait_dma2 semaphore(%run_scoped3A : memref<!tpu.dma_semaphore, #tpu.memory_space<semaphore_mem>>) src(%dma_wait3A_71 : memref<100x100xi32, #tpu.memory_space<hbm>>) dst(%arg7 : memref<100x100xi32, #tpu.memory_space<vmem>>)
      tpu.yield
    }) : () -> ()
    %mul3A_7 = arith.constant 640 : i32
    %mul3A_8 = arith.muli %arg1, %mul3A_7 : i32
    %add3A_9 = arith.constant 0 : i32
    %add3A_10 = arith.addi %mul3A_8, %add3A_9 : i32
    "tpu.region"() ({
      %run_scoped3A = tpu.sem_alloc : memref<!tpu.dma_semaphore, #tpu.memory_space<semaphore_mem>>
      %dma_start3A_56 = arith.constant 0 : i32
      %dma_start3A_57 = tpu.memref_slice %arg10[%add3A_10, %dma_start3A_56] : memref<10240x128xf32, #tpu.memory_space<vmem_shared>> -> memref<100x128xf32, #tpu.memory_space<vmem_shared>>
      %dma_start3A_58 = arith.constant 0 : i32
      %dma_start3A_59 = tpu.memref_slice %arg10[%add3A_10, %dma_start3A_58] : memref<10240x128xf32, #tpu.memory_space<vmem_shared>> -> memref<100x128xf32, #tpu.memory_space<vmem_shared>>
      tpu.enqueue_dma source(%arg8 : memref<100x128xf32, #tpu.memory_space<vmem>>) target(%dma_start3A_59 : memref<100x128xf32, #tpu.memory_space<vmem_shared>>) target_semaphore(%run_scoped3A : memref<!tpu.dma_semaphore, #tpu.memory_space<semaphore_mem>>)
      %dma_wait3A_60 = arith.constant 0 : i32
      %dma_wait3A_61 = tpu.memref_slice %arg10[%add3A_10, %dma_wait3A_60] : memref<10240x128xf32, #tpu.memory_space<vmem_shared>> -> memref<100x128xf32, #tpu.memory_space<vmem_shared>>
      %dma_wait3A_62 = arith.constant 0 : i32
      %dma_wait3A_63 = tpu.memref_slice %arg10[%add3A_10, %dma_wait3A_62] : memref<10240x128xf32, #tpu.memory_space<vmem_shared>> -> memref<100x128xf32, #tpu.memory_space<vmem_shared>>
      tpu.wait_dma2 semaphore(%run_scoped3A : memref<!tpu.dma_semaphore, #tpu.memory_space<semaphore_mem>>) src(%arg8 : memref<100x128xf32, #tpu.memory_space<vmem>>) dst(%dma_wait3A_63 : memref<100x128xf32, #tpu.memory_space<vmem_shared>>)
      tpu.yield
    }) : () -> ()
    %add3A_11 = arith.constant 100 : i32
    %add3A_12 = arith.addi %mul3A_8, %add3A_11 : i32
    "tpu.region"() ({
      %run_scoped3A = tpu.sem_alloc : memref<!tpu.dma_semaphore, #tpu.memory_space<semaphore_mem>>
      %dma_start3A_56 = arith.constant 0 : i32
      %dma_start3A_57 = tpu.memref_slice %arg10[%add3A_12, %dma_start3A_56] : memref<10240x128xf32, #tpu.memory_space<vmem_shared>> -> memref<100x128xf32, #tpu.memory_space<vmem_shared>>
      %dma_start3A_58 = arith.constant 0 : i32
      %dma_start3A_59 = tpu.memref_slice %arg10[%add3A_12, %dma_start3A_58] : memref<10240x128xf32, #tpu.memory_space<vmem_shared>> -> memref<100x128xf32, #tpu.memory_space<vmem_shared>>
      tpu.enqueue_dma source(%arg8 : memref<100x128xf32, #tpu.memory_space<vmem>>) target(%dma_start3A_59 : memref<100x128xf32, #tpu.memory_space<vmem_shared>>) target_semaphore(%run_scoped3A : memref<!tpu.dma_semaphore, #tpu.memory_space<semaphore_mem>>)
      %dma_wait3A_60 = arith.constant 0 : i32
      %dma_wait3A_61 = tpu.memref_slice %arg10[%add3A_12, %dma_wait3A_60] : memref<10240x128xf32, #tpu.memory_space<vmem_shared>> -> memref<100x128xf32, #tpu.memory_space<vmem_shared>>
      %dma_wait3A_62 = arith.constant 0 : i32
      %dma_wait3A_63 = tpu.memref_slice %arg10[%add3A_12, %dma_wait3A_62] : memref<10240x128xf32, #tpu.memory_space<vmem_shared>> -> memref<100x128xf32, #tpu.memory_space<vmem_shared>>
      tpu.wait_dma2 semaphore(%run_scoped3A : memref<!tpu.dma_semaphore, #tpu.memory_space<semaphore_mem>>) src(%arg8 : memref<100x128xf32, #tpu.memory_space<vmem>>) dst(%dma_wait3A_63 : memref<100x128xf32, #tpu.memory_space<vmem_shared>>)
      tpu.yield
    }) : () -> ()
    %add3A_13 = arith.constant 200 : i32
    %add3A_14 = arith.addi %mul3A_8, %add3A_13 : i32
    "tpu.region"() ({
      %run_scoped3A = tpu.sem_alloc : memref<!tpu.dma_semaphore, #tpu.memory_space<semaphore_mem>>
      %dma_start3A_56 = arith.constant 0 : i32
      %dma_start3A_57 = tpu.memref_slice %arg10[%add3A_14, %dma_start3A_56] : memref<10240x128xf32, #tpu.memory_space<vmem_shared>> -> memref<100x128xf32, #tpu.memory_space<vmem_shared>>
      %dma_start3A_58 = arith.constant 0 : i32
      %dma_start3A_59 = tpu.memref_slice %arg10[%add3A_14, %dma_start3A_58] : memref<10240x128xf32, #tpu.memory_space<vmem_shared>> -> memref<100x128xf32, #tpu.memory_space<vmem_shared>>
      tpu.enqueue_dma source(%arg8 : memref<100x128xf32, #tpu.memory_space<vmem>>) target(%dma_start3A_59 : memref<100x128xf32, #tpu.memory_space<vmem_shared>>) target_semaphore(%run_scoped3A : memref<!tpu.dma_semaphore, #tpu.memory_space<semaphore_mem>>)
      %dma_wait3A_60 = arith.constant 0 : i32
      %dma_wait3A_61 = tpu.memref_slice %arg10[%add3A_14, %dma_wait3A_60] : memref<10240x128xf32, #tpu.memory_space<vmem_shared>> -> memref<100x128xf32, #tpu.memory_space<vmem_shared>>
      %dma_wait3A_62 = arith.constant 0 : i32
      %dma_wait3A_63 = tpu.memref_slice %arg10[%add3A_14, %dma_wait3A_62] : memref<10240x128xf32, #tpu.memory_space<vmem_shared>> -> memref<100x128xf32, #tpu.memory_space<vmem_shared>>
      tpu.wait_dma2 semaphore(%run_scoped3A : memref<!tpu.dma_semaphore, #tpu.memory_space<semaphore_mem>>) src(%arg8 : memref<100x128xf32, #tpu.memory_space<vmem>>) dst(%dma_wait3A_63 : memref<100x128xf32, #tpu.memory_space<vmem_shared>>)
      tpu.yield
    }) : () -> ()
    %add3A_15 = arith.constant 300 : i32
    %add3A_16 = arith.addi %mul3A_8, %add3A_15 : i32
    "tpu.region"() ({
      %run_scoped3A = tpu.sem_alloc : memref<!tpu.dma_semaphore, #tpu.memory_space<semaphore_mem>>
      %dma_start3A_56 = arith.constant 0 : i32
      %dma_start3A_57 = tpu.memref_slice %arg10[%add3A_16, %dma_start3A_56] : memref<10240x128xf32, #tpu.memory_space<vmem_shared>> -> memref<100x128xf32, #tpu.memory_space<vmem_shared>>
      %dma_start3A_58 = arith.constant 0 : i32
      %dma_start3A_59 = tpu.memref_slice %arg10[%add3A_16, %dma_start3A_58] : memref<10240x128xf32, #tpu.memory_space<vmem_shared>> -> memref<100x128xf32, #tpu.memory_space<vmem_shared>>
      tpu.enqueue_dma source(%arg8 : memref<100x128xf32, #tpu.memory_space<vmem>>) target(%dma_start3A_59 : memref<100x128xf32, #tpu.memory_space<vmem_shared>>) target_semaphore(%run_scoped3A : memref<!tpu.dma_semaphore, #tpu.memory_space<semaphore_mem>>)
      %dma_wait3A_60 = arith.constant 0 : i32
      %dma_wait3A_61 = tpu.memref_slice %arg10[%add3A_16, %dma_wait3A_60] : memref<10240x128xf32, #tpu.memory_space<vmem_shared>> -> memref<100x128xf32, #tpu.memory_space<vmem_shared>>
      %dma_wait3A_62 = arith.constant 0 : i32
      %dma_wait3A_63 = tpu.memref_slice %arg10[%add3A_16, %dma_wait3A_62] : memref<10240x128xf32, #tpu.memory_space<vmem_shared>> -> memref<100x128xf32, #tpu.memory_space<vmem_shared>>
      tpu.wait_dma2 semaphore(%run_scoped3A : memref<!tpu.dma_semaphore, #tpu.memory_space<semaphore_mem>>) src(%arg8 : memref<100x128xf32, #tpu.memory_space<vmem>>) dst(%dma_wait3A_63 : memref<100x128xf32, #tpu.memory_space<vmem_shared>>)
      tpu.yield
    }) : () -> ()
    %add3A_17 = arith.constant 400 : i32
    %add3A_18 = arith.addi %mul3A_8, %add3A_17 : i32
    "tpu.region"() ({
      %run_scoped3A = tpu.sem_alloc : memref<!tpu.dma_semaphore, #tpu.memory_space<semaphore_mem>>
      %dma_start3A_56 = arith.constant 0 : i32
      %dma_start3A_57 = tpu.memref_slice %arg10[%add3A_18, %dma_start3A_56] : memref<10240x128xf32, #tpu.memory_space<vmem_shared>> -> memref<100x128xf32, #tpu.memory_space<vmem_shared>>
      %dma_start3A_58 = arith.constant 0 : i32
      %dma_start3A_59 = tpu.memref_slice %arg10[%add3A_18, %dma_start3A_58] : memref<10240x128xf32, #tpu.memory_space<vmem_shared>> -> memref<100x128xf32, #tpu.memory_space<vmem_shared>>
      tpu.enqueue_dma source(%arg8 : memref<100x128xf32, #tpu.memory_space<vmem>>) target(%dma_start3A_59 : memref<100x128xf32, #tpu.memory_space<vmem_shared>>) target_semaphore(%run_scoped3A : memref<!tpu.dma_semaphore, #tpu.memory_space<semaphore_mem>>)
      %dma_wait3A_60 = arith.constant 0 : i32
      %dma_wait3A_61 = tpu.memref_slice %arg10[%add3A_18, %dma_wait3A_60] : memref<10240x128xf32, #tpu.memory_space<vmem_shared>> -> memref<100x128xf32, #tpu.memory_space<vmem_shared>>
      %dma_wait3A_62 = arith.constant 0 : i32
      %dma_wait3A_63 = tpu.memref_slice %arg10[%add3A_18, %dma_wait3A_62] : memref<10240x128xf32, #tpu.memory_space<vmem_shared>> -> memref<100x128xf32, #tpu.memory_space<vmem_shared>>
      tpu.wait_dma2 semaphore(%run_scoped3A : memref<!tpu.dma_semaphore, #tpu.memory_space<semaphore_mem>>) src(%arg8 : memref<100x128xf32, #tpu.memory_space<vmem>>) dst(%dma_wait3A_63 : memref<100x128xf32, #tpu.memory_space<vmem_shared>>)
      tpu.yield
    }) : () -> ()
    %add3A_19 = arith.constant 500 : i32
    %add3A_20 = arith.addi %mul3A_8, %add3A_19 : i32
    "tpu.region"() ({
      %run_scoped3A = tpu.sem_alloc : memref<!tpu.dma_semaphore, #tpu.memory_space<semaphore_mem>>
      %dma_start3A_56 = arith.constant 0 : i32
      %dma_start3A_57 = tpu.memref_slice %arg10[%add3A_20, %dma_start3A_56] : memref<10240x128xf32, #tpu.memory_space<vmem_shared>> -> memref<100x128xf32, #tpu.memory_space<vmem_shared>>
      %dma_start3A_58 = arith.constant 0 : i32
      %dma_start3A_59 = tpu.memref_slice %arg10[%add3A_20, %dma_start3A_58] : memref<10240x128xf32, #tpu.memory_space<vmem_shared>> -> memref<100x128xf32, #tpu.memory_space<vmem_shared>>
      tpu.enqueue_dma source(%arg8 : memref<100x128xf32, #tpu.memory_space<vmem>>) target(%dma_start3A_59 : memref<100x128xf32, #tpu.memory_space<vmem_shared>>) target_semaphore(%run_scoped3A : memref<!tpu.dma_semaphore, #tpu.memory_space<semaphore_mem>>)
      %dma_wait3A_60 = arith.constant 0 : i32
      %dma_wait3A_61 = tpu.memref_slice %arg10[%add3A_20, %dma_wait3A_60] : memref<10240x128xf32, #tpu.memory_space<vmem_shared>> -> memref<100x128xf32, #tpu.memory_space<vmem_shared>>
      %dma_wait3A_62 = arith.constant 0 : i32
      %dma_wait3A_63 = tpu.memref_slice %arg10[%add3A_20, %dma_wait3A_62] : memref<10240x128xf32, #tpu.memory_space<vmem_shared>> -> memref<100x128xf32, #tpu.memory_space<vmem_shared>>
      tpu.wait_dma2 semaphore(%run_scoped3A : memref<!tpu.dma_semaphore, #tpu.memory_space<semaphore_mem>>) src(%arg8 : memref<100x128xf32, #tpu.memory_space<vmem>>) dst(%dma_wait3A_63 : memref<100x128xf32, #tpu.memory_space<vmem_shared>>)
      tpu.yield
    }) : () -> ()
    %add3A_21 = arith.constant 600 : i32
    %add3A_22 = arith.addi %mul3A_8, %add3A_21 : i32
    "tpu.region"() ({
      %run_scoped3A = tpu.sem_alloc : memref<!tpu.dma_semaphore, #tpu.memory_space<semaphore_mem>>
      %dma_start3A_56 = arith.constant 0 : i32
      %dma_start3A_57 = arith.constant 0 : i32
      %dma_start3A_58 = tpu.memref_slice %arg8[%dma_start3A_56, %dma_start3A_57] : memref<100x128xf32, #tpu.memory_space<vmem>> -> memref<40x128xf32, #tpu.memory_space<vmem>>
      %dma_start3A_59 = arith.constant 0 : i32
      %dma_start3A_60 = tpu.memref_slice %arg10[%add3A_22, %dma_start3A_59] : memref<10240x128xf32, #tpu.memory_space<vmem_shared>> -> memref<40x128xf32, #tpu.memory_space<vmem_shared>>
      %dma_start3A_61 = arith.constant 0 : i32
      %dma_start3A_62 = tpu.memref_slice %arg10[%add3A_22, %dma_start3A_61] : memref<10240x128xf32, #tpu.memory_space<vmem_shared>> -> memref<40x128xf32, #tpu.memory_space<vmem_shared>>
      %dma_start3A_63 = arith.constant 0 : i32
      %dma_start3A_64 = arith.constant 0 : i32
      %dma_start3A_65 = tpu.memref_slice %arg8[%dma_start3A_63, %dma_start3A_64] : memref<100x128xf32, #tpu.memory_space<vmem>> -> memref<40x128xf32, #tpu.memory_space<vmem>>
      tpu.enqueue_dma source(%dma_start3A_65 : memref<40x128xf32, #tpu.memory_space<vmem>>) target(%dma_start3A_62 : memref<40x128xf32, #tpu.memory_space<vmem_shared>>) target_semaphore(%run_scoped3A : memref<!tpu.dma_semaphore, #tpu.memory_space<semaphore_mem>>)
      %dma_wait3A_66 = arith.constant 0 : i32
      %dma_wait3A_67 = arith.constant 0 : i32
      %dma_wait3A_68 = tpu.memref_slice %arg8[%dma_wait3A_66, %dma_wait3A_67] : memref<100x128xf32, #tpu.memory_space<vmem>> -> memref<40x128xf32, #tpu.memory_space<vmem>>
      %dma_wait3A_69 = arith.constant 0 : i32
      %dma_wait3A_70 = tpu.memref_slice %arg10[%add3A_22, %dma_wait3A_69] : memref<10240x128xf32, #tpu.memory_space<vmem_shared>> -> memref<40x128xf32, #tpu.memory_space<vmem_shared>>
      %dma_wait3A_71 = arith.constant 0 : i32
      %dma_wait3A_72 = tpu.memref_slice %arg10[%add3A_22, %dma_wait3A_71] : memref<10240x128xf32, #tpu.memory_space<vmem_shared>> -> memref<40x128xf32, #tpu.memory_space<vmem_shared>>
      %dma_wait3A_73 = arith.constant 0 : i32
      %dma_wait3A_74 = arith.constant 0 : i32
      %dma_wait3A_75 = tpu.memref_slice %arg8[%dma_wait3A_73, %dma_wait3A_74] : memref<100x128xf32, #tpu.memory_space<vmem>> -> memref<40x128xf32, #tpu.memory_space<vmem>>
      tpu.wait_dma2 semaphore(%run_scoped3A : memref<!tpu.dma_semaphore, #tpu.memory_space<semaphore_mem>>) src(%dma_wait3A_75 : memref<40x128xf32, #tpu.memory_space<vmem>>) dst(%dma_wait3A_72 : memref<40x128xf32, #tpu.memory_space<vmem_shared>>)
      tpu.yield
    }) : () -> ()
    %barrier3A = arith.constant 0 : index
    tpu.barrier barrier_id(%barrier3A)
    %dma_start3A = arith.constant 0 : i32
    %dma_start3A_23 = arith.constant 0 : i32
    %dma_start3A_24 = tpu.memref_slice %arg6[%dma_start3A, %dma_start3A_23] : memref<100x100xi32, #tpu.memory_space<vmem>> -> memref<1x100xi32, #tpu.memory_space<vmem>>
    %dma_start3A_25 = tpu.memref_squeeze %dma_start3A_24 : memref<1x100xi32, #tpu.memory_space<vmem>> -> memref<100xi32, #tpu.memory_space<vmem>>
    %dma_start3A_26 = arith.constant 0 : i32
    %dma_start3A_27 = arith.constant 0 : i32
    %dma_start3A_28 = tpu.memref_slice %arg2[%dma_start3A_26, %dma_start3A_27] : memref<10000x128xf32, #tpu.memory_space<hbm>> -> memref<10000x128xf32, #tpu.memory_space<hbm>>
    tpu.enqueue_indirect_dma source(%dma_start3A_28 : memref<10000x128xf32, #tpu.memory_space<hbm>>) target(%arg8 : memref<100x128xf32, #tpu.memory_space<vmem>>) offsets(%dma_start3A_25 : memref<100xi32, #tpu.memory_space<vmem>>) semaphore(%arg11 : memref<!tpu.dma_semaphore, #tpu.memory_space<semaphore_mem>>)
    %dma_start3A_29 = arith.constant 1 : i32
    %dma_start3A_30 = arith.constant 0 : i32
    %dma_start3A_31 = tpu.memref_slice %arg6[%dma_start3A_29, %dma_start3A_30] : memref<100x100xi32, #tpu.memory_space<vmem>> -> memref<1x100xi32, #tpu.memory_space<vmem>>
    %dma_start3A_32 = tpu.memref_squeeze %dma_start3A_31 : memref<1x100xi32, #tpu.memory_space<vmem>> -> memref<100xi32, #tpu.memory_space<vmem>>
    %dma_start3A_33 = arith.constant 0 : i32
    %dma_start3A_34 = arith.constant 0 : i32
    %dma_start3A_35 = tpu.memref_slice %arg2[%dma_start3A_33, %dma_start3A_34] : memref<10000x128xf32, #tpu.memory_space<hbm>> -> memref<10000x128xf32, #tpu.memory_space<hbm>>
    tpu.enqueue_indirect_dma source(%dma_start3A_35 : memref<10000x128xf32, #tpu.memory_space<hbm>>) target(%arg9 : memref<100x128xf32, #tpu.memory_space<vmem>>) offsets(%dma_start3A_32 : memref<100xi32, #tpu.memory_space<vmem>>) semaphore(%arg12 : memref<!tpu.dma_semaphore, #tpu.memory_space<semaphore_mem>>)
    %scan3A_36 = arith.constant 0 : i32
    %scan3A_37 = arith.constant 0 : i32
    %scan3A_38 = arith.constant 50 : i32
    %scan3A_39 = arith.addi %scan3A_37, %scan3A_38 : i32
    %scan3A_40 = arith.constant 1 : i32
    scf.for %scan3A_56 = %scan3A_37 to %scan3A_39 step %scan3A_40  : i32 {
      %mul3A_57 = arith.constant 2 : i32
      %mul3A_58 = arith.muli %mul3A_57, %scan3A_56 : i32
      %mul3A_59 = arith.constant 2 : i32
      %mul3A_60 = arith.muli %mul3A_59, %scan3A_56 : i32
      %add3A_61 = arith.constant 1 : i32
      %add3A_62 = arith.addi %mul3A_60, %add3A_61 : i32
      %dma_wait3A_63 = arith.constant 0 : i32
      %dma_wait3A_64 = tpu.memref_slice %arg6[%mul3A_58, %dma_wait3A_63] : memref<100x100xi32, #tpu.memory_space<vmem>> -> memref<1x100xi32, #tpu.memory_space<vmem>>
      %dma_wait3A_65 = tpu.memref_squeeze %dma_wait3A_64 : memref<1x100xi32, #tpu.memory_space<vmem>> -> memref<100xi32, #tpu.memory_space<vmem>>
      %dma_wait3A_66 = arith.constant 0 : i32
      %dma_wait3A_67 = arith.constant 0 : i32
      %dma_wait3A_68 = tpu.memref_slice %arg2[%dma_wait3A_66, %dma_wait3A_67] : memref<10000x128xf32, #tpu.memory_space<hbm>> -> memref<10000x128xf32, #tpu.memory_space<hbm>>
      tpu.wait_indirect_dma semaphore(%arg11 : memref<!tpu.dma_semaphore, #tpu.memory_space<semaphore_mem>>) src(%dma_wait3A_68 : memref<10000x128xf32, #tpu.memory_space<hbm>>) dst(%arg8 : memref<100x128xf32, #tpu.memory_space<vmem>>)
      %dma_start3A_69 = arith.constant 0 : i32
      %dma_start3A_70 = tpu.memref_slice %arg7[%mul3A_58, %dma_start3A_69] : memref<100x100xi32, #tpu.memory_space<vmem>> -> memref<1x100xi32, #tpu.memory_space<vmem>>
      %dma_start3A_71 = tpu.memref_squeeze %dma_start3A_70 : memref<1x100xi32, #tpu.memory_space<vmem>> -> memref<100xi32, #tpu.memory_space<vmem>>
      %dma_start3A_72 = arith.constant 0 : i32
      %dma_start3A_73 = arith.constant 0 : i32
      %dma_start3A_74 = tpu.memref_slice %arg10[%dma_start3A_72, %dma_start3A_73] : memref<10240x128xf32, #tpu.memory_space<vmem_shared>> -> memref<10240x128xf32, #tpu.memory_space<vmem_shared>>
      tpu.enqueue_indirect_dma source(%arg8 : memref<100x128xf32, #tpu.memory_space<vmem>>) target(%dma_start3A_74 : memref<10240x128xf32, #tpu.memory_space<vmem_shared>>) offsets(%dma_start3A_71 : memref<100xi32, #tpu.memory_space<vmem>>) semaphore(%arg13 : memref<!tpu.dma_semaphore, #tpu.memory_space<semaphore_mem>>) {add = true}
      %dma_wait3A_75 = arith.constant 0 : i32
      %dma_wait3A_76 = tpu.memref_slice %arg6[%add3A_62, %dma_wait3A_75] : memref<100x100xi32, #tpu.memory_space<vmem>> -> memref<1x100xi32, #tpu.memory_space<vmem>>
      %dma_wait3A_77 = tpu.memref_squeeze %dma_wait3A_76 : memref<1x100xi32, #tpu.memory_space<vmem>> -> memref<100xi32, #tpu.memory_space<vmem>>
      %dma_wait3A_78 = arith.constant 0 : i32
      %dma_wait3A_79 = arith.constant 0 : i32
      %dma_wait3A_80 = tpu.memref_slice %arg2[%dma_wait3A_78, %dma_wait3A_79] : memref<10000x128xf32, #tpu.memory_space<hbm>> -> memref<10000x128xf32, #tpu.memory_space<hbm>>
      tpu.wait_indirect_dma semaphore(%arg12 : memref<!tpu.dma_semaphore, #tpu.memory_space<semaphore_mem>>) src(%dma_wait3A_80 : memref<10000x128xf32, #tpu.memory_space<hbm>>) dst(%arg9 : memref<100x128xf32, #tpu.memory_space<vmem>>)
      %dma_start3A_81 = arith.constant 0 : i32
      %dma_start3A_82 = tpu.memref_slice %arg7[%add3A_62, %dma_start3A_81] : memref<100x100xi32, #tpu.memory_space<vmem>> -> memref<1x100xi32, #tpu.memory_space<vmem>>
      %dma_start3A_83 = tpu.memref_squeeze %dma_start3A_82 : memref<1x100xi32, #tpu.memory_space<vmem>> -> memref<100xi32, #tpu.memory_space<vmem>>
      %dma_start3A_84 = arith.constant 0 : i32
      %dma_start3A_85 = arith.constant 0 : i32
      %dma_start3A_86 = tpu.memref_slice %arg10[%dma_start3A_84, %dma_start3A_85] : memref<10240x128xf32, #tpu.memory_space<vmem_shared>> -> memref<10240x128xf32, #tpu.memory_space<vmem_shared>>
      tpu.enqueue_indirect_dma source(%arg9 : memref<100x128xf32, #tpu.memory_space<vmem>>) target(%dma_start3A_86 : memref<10240x128xf32, #tpu.memory_space<vmem_shared>>) offsets(%dma_start3A_83 : memref<100xi32, #tpu.memory_space<vmem>>) semaphore(%arg14 : memref<!tpu.dma_semaphore, #tpu.memory_space<semaphore_mem>>) {add = true}
      %lt3A = arith.constant 49 : i32
      %lt3A_87 = arith.cmpi slt, %scan3A_56, %lt3A : i32
      %convert_element_type3A = arith.extui %lt3A_87 : i1 to i32
      %cond3A = arith.constant 0 : i32
      %cond3A_88 = arith.cmpi ne, %convert_element_type3A, %cond3A : i32
      scf.if %cond3A_88 {
        %dma_wait3A_89 = arith.constant 0 : i32
        %dma_wait3A_90 = tpu.memref_slice %arg6[%mul3A_58, %dma_wait3A_89] : memref<100x100xi32, #tpu.memory_space<vmem>> -> memref<1x100xi32, #tpu.memory_space<vmem>>
        %dma_wait3A_91 = tpu.memref_squeeze %dma_wait3A_90 : memref<1x100xi32, #tpu.memory_space<vmem>> -> memref<100xi32, #tpu.memory_space<vmem>>
        %dma_wait3A_92 = arith.constant 0 : i32
        %dma_wait3A_93 = arith.constant 0 : i32
        %dma_wait3A_94 = tpu.memref_slice %arg2[%dma_wait3A_92, %dma_wait3A_93] : memref<10000x128xf32, #tpu.memory_space<hbm>> -> memref<10000x128xf32, #tpu.memory_space<hbm>>
        tpu.wait_indirect_dma semaphore(%arg13 : memref<!tpu.dma_semaphore, #tpu.memory_space<semaphore_mem>>) src(%dma_wait3A_94 : memref<10000x128xf32, #tpu.memory_space<hbm>>) dst(%arg8 : memref<100x128xf32, #tpu.memory_space<vmem>>)
        %add3A_95 = arith.constant 2 : i32
        %add3A_96 = arith.addi %mul3A_58, %add3A_95 : i32
        %dma_start3A_97 = arith.constant 0 : i32
        %dma_start3A_98 = tpu.memref_slice %arg6[%add3A_96, %dma_start3A_97] : memref<100x100xi32, #tpu.memory_space<vmem>> -> memref<1x100xi32, #tpu.memory_space<vmem>>
        %dma_start3A_99 = tpu.memref_squeeze %dma_start3A_98 : memref<1x100xi32, #tpu.memory_space<vmem>> -> memref<100xi32, #tpu.memory_space<vmem>>
        %dma_start3A_100 = arith.constant 0 : i32
        %dma_start3A_101 = arith.constant 0 : i32
        %dma_start3A_102 = tpu.memref_slice %arg2[%dma_start3A_100, %dma_start3A_101] : memref<10000x128xf32, #tpu.memory_space<hbm>> -> memref<10000x128xf32, #tpu.memory_space<hbm>>
        tpu.enqueue_indirect_dma source(%dma_start3A_102 : memref<10000x128xf32, #tpu.memory_space<hbm>>) target(%arg8 : memref<100x128xf32, #tpu.memory_space<vmem>>) offsets(%dma_start3A_99 : memref<100xi32, #tpu.memory_space<vmem>>) semaphore(%arg11 : memref<!tpu.dma_semaphore, #tpu.memory_space<semaphore_mem>>)
        %dma_wait3A_103 = arith.constant 0 : i32
        %dma_wait3A_104 = tpu.memref_slice %arg6[%add3A_62, %dma_wait3A_103] : memref<100x100xi32, #tpu.memory_space<vmem>> -> memref<1x100xi32, #tpu.memory_space<vmem>>
        %dma_wait3A_105 = tpu.memref_squeeze %dma_wait3A_104 : memref<1x100xi32, #tpu.memory_space<vmem>> -> memref<100xi32, #tpu.memory_space<vmem>>
        %dma_wait3A_106 = arith.constant 0 : i32
        %dma_wait3A_107 = arith.constant 0 : i32
        %dma_wait3A_108 = tpu.memref_slice %arg2[%dma_wait3A_106, %dma_wait3A_107] : memref<10000x128xf32, #tpu.memory_space<hbm>> -> memref<10000x128xf32, #tpu.memory_space<hbm>>
        tpu.wait_indirect_dma semaphore(%arg14 : memref<!tpu.dma_semaphore, #tpu.memory_space<semaphore_mem>>) src(%dma_wait3A_108 : memref<10000x128xf32, #tpu.memory_space<hbm>>) dst(%arg9 : memref<100x128xf32, #tpu.memory_space<vmem>>)
        %add3A_109 = arith.constant 2 : i32
        %add3A_110 = arith.addi %add3A_62, %add3A_109 : i32
        %dma_start3A_111 = arith.constant 0 : i32
        %dma_start3A_112 = tpu.memref_slice %arg6[%add3A_110, %dma_start3A_111] : memref<100x100xi32, #tpu.memory_space<vmem>> -> memref<1x100xi32, #tpu.memory_space<vmem>>
        %dma_start3A_113 = tpu.memref_squeeze %dma_start3A_112 : memref<1x100xi32, #tpu.memory_space<vmem>> -> memref<100xi32, #tpu.memory_space<vmem>>
        %dma_start3A_114 = arith.constant 0 : i32
        %dma_start3A_115 = arith.constant 0 : i32
        %dma_start3A_116 = tpu.memref_slice %arg2[%dma_start3A_114, %dma_start3A_115] : memref<10000x128xf32, #tpu.memory_space<hbm>> -> memref<10000x128xf32, #tpu.memory_space<hbm>>
        tpu.enqueue_indirect_dma source(%dma_start3A_116 : memref<10000x128xf32, #tpu.memory_space<hbm>>) target(%arg9 : memref<100x128xf32, #tpu.memory_space<vmem>>) offsets(%dma_start3A_113 : memref<100xi32, #tpu.memory_space<vmem>>) semaphore(%arg12 : memref<!tpu.dma_semaphore, #tpu.memory_space<semaphore_mem>>)
      } else {
      }
    }
    %scan3A_41 = arith.constant 50 : i32
    %dma_wait3A = arith.constant 0 : i32
    %dma_wait3A_42 = arith.constant 0 : i32
    %dma_wait3A_43 = tpu.memref_slice %arg6[%dma_wait3A, %dma_wait3A_42] : memref<100x100xi32, #tpu.memory_space<vmem>> -> memref<1x100xi32, #tpu.memory_space<vmem>>
    %dma_wait3A_44 = tpu.memref_squeeze %dma_wait3A_43 : memref<1x100xi32, #tpu.memory_space<vmem>> -> memref<100xi32, #tpu.memory_space<vmem>>
    %dma_wait3A_45 = arith.constant 0 : i32
    %dma_wait3A_46 = arith.constant 0 : i32
    %dma_wait3A_47 = tpu.memref_slice %arg2[%dma_wait3A_45, %dma_wait3A_46] : memref<10000x128xf32, #tpu.memory_space<hbm>> -> memref<10000x128xf32, #tpu.memory_space<hbm>>
    tpu.wait_indirect_dma semaphore(%arg13 : memref<!tpu.dma_semaphore, #tpu.memory_space<semaphore_mem>>) src(%dma_wait3A_47 : memref<10000x128xf32, #tpu.memory_space<hbm>>) dst(%arg8 : memref<100x128xf32, #tpu.memory_space<vmem>>)
    %dma_wait3A_48 = arith.constant 1 : i32
    %dma_wait3A_49 = arith.constant 0 : i32
    %dma_wait3A_50 = tpu.memref_slice %arg6[%dma_wait3A_48, %dma_wait3A_49] : memref<100x100xi32, #tpu.memory_space<vmem>> -> memref<1x100xi32, #tpu.memory_space<vmem>>
    %dma_wait3A_51 = tpu.memref_squeeze %dma_wait3A_50 : memref<1x100xi32, #tpu.memory_space<vmem>> -> memref<100xi32, #tpu.memory_space<vmem>>
    %dma_wait3A_52 = arith.constant 0 : i32
    %dma_wait3A_53 = arith.constant 0 : i32
    %dma_wait3A_54 = tpu.memref_slice %arg2[%dma_wait3A_52, %dma_wait3A_53] : memref<10000x128xf32, #tpu.memory_space<hbm>> -> memref<10000x128xf32, #tpu.memory_space<hbm>>
    tpu.wait_indirect_dma semaphore(%arg14 : memref<!tpu.dma_semaphore, #tpu.memory_space<semaphore_mem>>) src(%dma_wait3A_54 : memref<10000x128xf32, #tpu.memory_space<hbm>>) dst(%arg9 : memref<100x128xf32, #tpu.memory_space<vmem>>)
    %barrier3A_55 = arith.constant 0 : index
    tpu.barrier barrier_id(%barrier3A_55)
    "tpu.region"() ({
      %run_scoped3A = tpu.sem_alloc : memref<!tpu.dma_semaphore, #tpu.memory_space<semaphore_mem>>
      %dma_start3A_56 = arith.constant 0 : i32
      %dma_start3A_57 = tpu.memref_slice %arg5[%arg0, %mul3A_8, %dma_start3A_56] : memref<2x10240x128xf32, #tpu.memory_space<hbm>> -> memref<1x640x128xf32, #tpu.memory_space<hbm>>
      %dma_start3A_58 = tpu.memref_squeeze %dma_start3A_57 : memref<1x640x128xf32, #tpu.memory_space<hbm>> -> memref<640x128xf32, #tpu.memory_space<hbm>>
      %dma_start3A_59 = arith.constant 0 : i32
      %dma_start3A_60 = tpu.memref_slice %arg10[%mul3A_8, %dma_start3A_59] : memref<10240x128xf32, #tpu.memory_space<vmem_shared>> -> memref<640x128xf32, #tpu.memory_space<vmem_shared>>
      tpu.enqueue_dma source(%dma_start3A_60 : memref<640x128xf32, #tpu.memory_space<vmem_shared>>) target(%dma_start3A_58 : memref<640x128xf32, #tpu.memory_space<hbm>>) target_semaphore(%run_scoped3A : memref<!tpu.dma_semaphore, #tpu.memory_space<semaphore_mem>>)
      %dma_wait3A_61 = arith.constant 0 : i32
      %dma_wait3A_62 = tpu.memref_slice %arg5[%arg0, %mul3A_8, %dma_wait3A_61] : memref<2x10240x128xf32, #tpu.memory_space<hbm>> -> memref<1x640x128xf32, #tpu.memory_space<hbm>>
      %dma_wait3A_63 = tpu.memref_squeeze %dma_wait3A_62 : memref<1x640x128xf32, #tpu.memory_space<hbm>> -> memref<640x128xf32, #tpu.memory_space<hbm>>
      %dma_wait3A_64 = arith.constant 0 : i32
      %dma_wait3A_65 = tpu.memref_slice %arg10[%mul3A_8, %dma_wait3A_64] : memref<10240x128xf32, #tpu.memory_space<vmem_shared>> -> memref<640x128xf32, #tpu.memory_space<vmem_shared>>
      tpu.wait_dma2 semaphore(%run_scoped3A : memref<!tpu.dma_semaphore, #tpu.memory_space<semaphore_mem>>) src(%dma_wait3A_65 : memref<640x128xf32, #tpu.memory_space<vmem_shared>>) dst(%dma_wait3A_63 : memref<640x128xf32, #tpu.memory_space<hbm>>)
      tpu.yield
    }) : () -> ()
    return
  }
}

#map = affine_map<(d0, d1) -> (0, 0)>
#map1 = affine_map<(d0, d1) -> (0, 0, 0)>
module attributes {stable_mosaic.version = 14 : i64} {
  func.func @k(%arg0: i32, %arg1: i32, %arg2: memref<10000x64xf32, #tpu.memory_space<hbm>>, %arg3: memref<32x100x100xi32, #tpu.memory_space<hbm>>, %arg4: memref<32x100x100xi32, #tpu.memory_space<hbm>>, %arg5: memref<2x10240x64xf32, #tpu.memory_space<hbm>>, %arg6: memref<100x100xi32, #tpu.memory_space<vmem>>, %arg7: memref<100x100xi32, #tpu.memory_space<vmem>>, %arg8: memref<100x64xf32, #tpu.memory_space<vmem>>, %arg9: memref<100x64xf32, #tpu.memory_space<vmem>>, %arg10: memref<10240x64xf32, #tpu.memory_space<vmem_shared>>, %arg11: memref<!tpu.dma_semaphore, #tpu.memory_space<semaphore_mem>>, %arg12: memref<!tpu.dma_semaphore, #tpu.memory_space<semaphore_mem>>, %arg13: memref<!tpu.dma_semaphore, #tpu.memory_space<semaphore_mem>>, %arg14: memref<!tpu.dma_semaphore, #tpu.memory_space<semaphore_mem>>) attributes {dimension_semantics = [#tpu.dimension_semantics<core_parallel>, #tpu.dimension_semantics<subcore_parallel>], iteration_bounds = array<i64: 2, 16>, scalar_prefetch = 0 : i64, scratch_operands = 9 : i64, tpu.core_type = #tpu.core_type<sc_vector_subcore>, window_params = [{transform_indices = #map}, {transform_indices = #map1}, {transform_indices = #map1}, {transform_indices = #map1}]} {
    %mul3A = arith.constant 16 : i32
    %mul3A_0 = arith.muli %arg0, %mul3A : i32
    %add3A = arith.addi %mul3A_0, %arg1 : i32
    %broadcast_in_dim3A = arith.constant 0.000000e+00 : f32
    %broadcast_in_dim3A_1 = vector.broadcast %broadcast_in_dim3A : f32 to vector<16xf32>
    %scan3A = arith.constant 0 : i32
    %scan3A_2 = arith.constant 0 : i32
    %scan3A_3 = arith.constant 100 : i32
    %scan3A_4 = arith.addi %scan3A_2, %scan3A_3 : i32
    %scan3A_5 = arith.constant 1 : i32
    scf.for %scan3A_56 = %scan3A_2 to %scan3A_4 step %scan3A_5  : i32 {
      %swap3A = arith.index_cast %scan3A_56 : i32 to index
      %swap3A_57 = arith.constant 0 : index
      %swap3A_58 = tpu.vector_load %arg8[%swap3A, %swap3A_57] {strides = array<i32>} : memref<100x64xf32, #tpu.memory_space<vmem>>, vector<1x16xf32>,
      %swap3A_59 = vector.shape_cast %swap3A_58 : vector<1x16xf32> to vector<16xf32>
      %swap3A_60 = vector.shape_cast %broadcast_in_dim3A_1 : vector<16xf32> to vector<1x16xf32>
      tpu.vector_store %arg8[%swap3A, %swap3A_57], %swap3A_60 {strides = array<i32>} : memref<100x64xf32, #tpu.memory_space<vmem>>, vector<1x16xf32>,
      %swap3A_61 = arith.index_cast %scan3A_56 : i32 to index
      %swap3A_62 = arith.constant 16 : index
      %swap3A_63 = tpu.vector_load %arg8[%swap3A_61, %swap3A_62] {strides = array<i32>} : memref<100x64xf32, #tpu.memory_space<vmem>>, vector<1x16xf32>,
      %swap3A_64 = vector.shape_cast %swap3A_63 : vector<1x16xf32> to vector<16xf32>
      %swap3A_65 = vector.shape_cast %broadcast_in_dim3A_1 : vector<16xf32> to vector<1x16xf32>
      tpu.vector_store %arg8[%swap3A_61, %swap3A_62], %swap3A_65 {strides = array<i32>} : memref<100x64xf32, #tpu.memory_space<vmem>>, vector<1x16xf32>,
      %swap3A_66 = arith.index_cast %scan3A_56 : i32 to index
      %swap3A_67 = arith.constant 32 : index
      %swap3A_68 = tpu.vector_load %arg8[%swap3A_66, %swap3A_67] {strides = array<i32>} : memref<100x64xf32, #tpu.memory_space<vmem>>, vector<1x16xf32>,
      %swap3A_69 = vector.shape_cast %swap3A_68 : vector<1x16xf32> to vector<16xf32>
      %swap3A_70 = vector.shape_cast %broadcast_in_dim3A_1 : vector<16xf32> to vector<1x16xf32>
      tpu.vector_store %arg8[%swap3A_66, %swap3A_67], %swap3A_70 {strides = array<i32>} : memref<100x64xf32, #tpu.memory_space<vmem>>, vector<1x16xf32>,
      %swap3A_71 = arith.index_cast %scan3A_56 : i32 to index
      %swap3A_72 = arith.constant 48 : index
      %swap3A_73 = tpu.vector_load %arg8[%swap3A_71, %swap3A_72] {strides = array<i32>} : memref<100x64xf32, #tpu.memory_space<vmem>>, vector<1x16xf32>,
      %swap3A_74 = vector.shape_cast %swap3A_73 : vector<1x16xf32> to vector<16xf32>
      %swap3A_75 = vector.shape_cast %broadcast_in_dim3A_1 : vector<16xf32> to vector<1x16xf32>
      tpu.vector_store %arg8[%swap3A_71, %swap3A_72], %swap3A_75 {strides = array<i32>} : memref<100x64xf32, #tpu.memory_space<vmem>>, vector<1x16xf32>,
    }
    %scan3A_6 = arith.constant 100 : i32
    "tpu.region"() ({
      %run_scoped3A = tpu.sem_alloc : memref<!tpu.dma_semaphore, #tpu.memory_space<semaphore_mem>>
      %dma_start3A_56 = arith.constant 0 : i32
      %dma_start3A_57 = arith.constant 0 : i32
      %dma_start3A_58 = tpu.memref_slice %arg3[%add3A, %dma_start3A_56, %dma_start3A_57] : memref<32x100x100xi32, #tpu.memory_space<hbm>> -> memref<1x100x100xi32, #tpu.memory_space<hbm>>
      %dma_start3A_59 = tpu.memref_squeeze %dma_start3A_58 : memref<1x100x100xi32, #tpu.memory_space<hbm>> -> memref<100x100xi32, #tpu.memory_space<hbm>>
      %dma_start3A_60 = arith.constant 0 : i32
      %dma_start3A_61 = arith.constant 0 : i32
      %dma_start3A_62 = tpu.memref_slice %arg3[%add3A, %dma_start3A_60, %dma_start3A_61] : memref<32x100x100xi32, #tpu.memory_space<hbm>> -> memref<1x100x100xi32, #tpu.memory_space<hbm>>
      %dma_start3A_63 = tpu.memref_squeeze %dma_start3A_62 : memref<1x100x100xi32, #tpu.memory_space<hbm>> -> memref<100x100xi32, #tpu.memory_space<hbm>>
      tpu.enqueue_dma source(%dma_start3A_63 : memref<100x100xi32, #tpu.memory_space<hbm>>) target(%arg6 : memref<100x100xi32, #tpu.memory_space<vmem>>) target_semaphore(%run_scoped3A : memref<!tpu.dma_semaphore, #tpu.memory_space<semaphore_mem>>)
      %dma_wait3A_64 = arith.constant 0 : i32
      %dma_wait3A_65 = arith.constant 0 : i32
      %dma_wait3A_66 = tpu.memref_slice %arg3[%add3A, %dma_wait3A_64, %dma_wait3A_65] : memref<32x100x100xi32, #tpu.memory_space<hbm>> -> memref<1x100x100xi32, #tpu.memory_space<hbm>>
      %dma_wait3A_67 = tpu.memref_squeeze %dma_wait3A_66 : memref<1x100x100xi32, #tpu.memory_space<hbm>> -> memref<100x100xi32, #tpu.memory_space<hbm>>
      %dma_wait3A_68 = arith.constant 0 : i32
      %dma_wait3A_69 = arith.constant 0 : i32
      %dma_wait3A_70 = tpu.memref_slice %arg3[%add3A, %dma_wait3A_68, %dma_wait3A_69] : memref<32x100x100xi32, #tpu.memory_space<hbm>> -> memref<1x100x100xi32, #tpu.memory_space<hbm>>
      %dma_wait3A_71 = tpu.memref_squeeze %dma_wait3A_70 : memref<1x100x100xi32, #tpu.memory_space<hbm>> -> memref<100x100xi32, #tpu.memory_space<hbm>>
      tpu.wait_dma2 semaphore(%run_scoped3A : memref<!tpu.dma_semaphore, #tpu.memory_space<semaphore_mem>>) src(%dma_wait3A_71 : memref<100x100xi32, #tpu.memory_space<hbm>>) dst(%arg6 : memref<100x100xi32, #tpu.memory_space<vmem>>)
      tpu.yield
    }) : () -> ()
    "tpu.region"() ({
      %run_scoped3A = tpu.sem_alloc : memref<!tpu.dma_semaphore, #tpu.memory_space<semaphore_mem>>
      %dma_start3A_56 = arith.constant 0 : i32
      %dma_start3A_57 = arith.constant 0 : i32
      %dma_start3A_58 = tpu.memref_slice %arg4[%add3A, %dma_start3A_56, %dma_start3A_57] : memref<32x100x100xi32, #tpu.memory_space<hbm>> -> memref<1x100x100xi32, #tpu.memory_space<hbm>>
      %dma_start3A_59 = tpu.memref_squeeze %dma_start3A_58 : memref<1x100x100xi32, #tpu.memory_space<hbm>> -> memref<100x100xi32, #tpu.memory_space<hbm>>
      %dma_start3A_60 = arith.constant 0 : i32
      %dma_start3A_61 = arith.constant 0 : i32
      %dma_start3A_62 = tpu.memref_slice %arg4[%add3A, %dma_start3A_60, %dma_start3A_61] : memref<32x100x100xi32, #tpu.memory_space<hbm>> -> memref<1x100x100xi32, #tpu.memory_space<hbm>>
      %dma_start3A_63 = tpu.memref_squeeze %dma_start3A_62 : memref<1x100x100xi32, #tpu.memory_space<hbm>> -> memref<100x100xi32, #tpu.memory_space<hbm>>
      tpu.enqueue_dma source(%dma_start3A_63 : memref<100x100xi32, #tpu.memory_space<hbm>>) target(%arg7 : memref<100x100xi32, #tpu.memory_space<vmem>>) target_semaphore(%run_scoped3A : memref<!tpu.dma_semaphore, #tpu.memory_space<semaphore_mem>>)
      %dma_wait3A_64 = arith.constant 0 : i32
      %dma_wait3A_65 = arith.constant 0 : i32
      %dma_wait3A_66 = tpu.memref_slice %arg4[%add3A, %dma_wait3A_64, %dma_wait3A_65] : memref<32x100x100xi32, #tpu.memory_space<hbm>> -> memref<1x100x100xi32, #tpu.memory_space<hbm>>
      %dma_wait3A_67 = tpu.memref_squeeze %dma_wait3A_66 : memref<1x100x100xi32, #tpu.memory_space<hbm>> -> memref<100x100xi32, #tpu.memory_space<hbm>>
      %dma_wait3A_68 = arith.constant 0 : i32
      %dma_wait3A_69 = arith.constant 0 : i32
      %dma_wait3A_70 = tpu.memref_slice %arg4[%add3A, %dma_wait3A_68, %dma_wait3A_69] : memref<32x100x100xi32, #tpu.memory_space<hbm>> -> memref<1x100x100xi32, #tpu.memory_space<hbm>>
      %dma_wait3A_71 = tpu.memref_squeeze %dma_wait3A_70 : memref<1x100x100xi32, #tpu.memory_space<hbm>> -> memref<100x100xi32, #tpu.memory_space<hbm>>
      tpu.wait_dma2 semaphore(%run_scoped3A : memref<!tpu.dma_semaphore, #tpu.memory_space<semaphore_mem>>) src(%dma_wait3A_71 : memref<100x100xi32, #tpu.memory_space<hbm>>) dst(%arg7 : memref<100x100xi32, #tpu.memory_space<vmem>>)
      tpu.yield
    }) : () -> ()
    %mul3A_7 = arith.constant 640 : i32
    %mul3A_8 = arith.muli %arg1, %mul3A_7 : i32
    %add3A_9 = arith.constant 0 : i32
    %add3A_10 = arith.addi %mul3A_8, %add3A_9 : i32
    "tpu.region"() ({
      %run_scoped3A = tpu.sem_alloc : memref<!tpu.dma_semaphore, #tpu.memory_space<semaphore_mem>>
      %dma_start3A_56 = arith.constant 0 : i32
      %dma_start3A_57 = tpu.memref_slice %arg10[%add3A_10, %dma_start3A_56] : memref<10240x64xf32, #tpu.memory_space<vmem_shared>> -> memref<100x64xf32, #tpu.memory_space<vmem_shared>>
      %dma_start3A_58 = arith.constant 0 : i32
      %dma_start3A_59 = tpu.memref_slice %arg10[%add3A_10, %dma_start3A_58] : memref<10240x64xf32, #tpu.memory_space<vmem_shared>> -> memref<100x64xf32, #tpu.memory_space<vmem_shared>>
      tpu.enqueue_dma source(%arg8 : memref<100x64xf32, #tpu.memory_space<vmem>>) target(%dma_start3A_59 : memref<100x64xf32, #tpu.memory_space<vmem_shared>>) target_semaphore(%run_scoped3A : memref<!tpu.dma_semaphore, #tpu.memory_space<semaphore_mem>>)
      %dma_wait3A_60 = arith.constant 0 : i32
      %dma_wait3A_61 = tpu.memref_slice %arg10[%add3A_10, %dma_wait3A_60] : memref<10240x64xf32, #tpu.memory_space<vmem_shared>> -> memref<100x64xf32, #tpu.memory_space<vmem_shared>>
      %dma_wait3A_62 = arith.constant 0 : i32
      %dma_wait3A_63 = tpu.memref_slice %arg10[%add3A_10, %dma_wait3A_62] : memref<10240x64xf32, #tpu.memory_space<vmem_shared>> -> memref<100x64xf32, #tpu.memory_space<vmem_shared>>
      tpu.wait_dma2 semaphore(%run_scoped3A : memref<!tpu.dma_semaphore, #tpu.memory_space<semaphore_mem>>) src(%arg8 : memref<100x64xf32, #tpu.memory_space<vmem>>) dst(%dma_wait3A_63 : memref<100x64xf32, #tpu.memory_space<vmem_shared>>)
      tpu.yield
    }) : () -> ()
    %add3A_11 = arith.constant 100 : i32
    %add3A_12 = arith.addi %mul3A_8, %add3A_11 : i32
    "tpu.region"() ({
      %run_scoped3A = tpu.sem_alloc : memref<!tpu.dma_semaphore, #tpu.memory_space<semaphore_mem>>
      %dma_start3A_56 = arith.constant 0 : i32
      %dma_start3A_57 = tpu.memref_slice %arg10[%add3A_12, %dma_start3A_56] : memref<10240x64xf32, #tpu.memory_space<vmem_shared>> -> memref<100x64xf32, #tpu.memory_space<vmem_shared>>
      %dma_start3A_58 = arith.constant 0 : i32
      %dma_start3A_59 = tpu.memref_slice %arg10[%add3A_12, %dma_start3A_58] : memref<10240x64xf32, #tpu.memory_space<vmem_shared>> -> memref<100x64xf32, #tpu.memory_space<vmem_shared>>
      tpu.enqueue_dma source(%arg8 : memref<100x64xf32, #tpu.memory_space<vmem>>) target(%dma_start3A_59 : memref<100x64xf32, #tpu.memory_space<vmem_shared>>) target_semaphore(%run_scoped3A : memref<!tpu.dma_semaphore, #tpu.memory_space<semaphore_mem>>)
      %dma_wait3A_60 = arith.constant 0 : i32
      %dma_wait3A_61 = tpu.memref_slice %arg10[%add3A_12, %dma_wait3A_60] : memref<10240x64xf32, #tpu.memory_space<vmem_shared>> -> memref<100x64xf32, #tpu.memory_space<vmem_shared>>
      %dma_wait3A_62 = arith.constant 0 : i32
      %dma_wait3A_63 = tpu.memref_slice %arg10[%add3A_12, %dma_wait3A_62] : memref<10240x64xf32, #tpu.memory_space<vmem_shared>> -> memref<100x64xf32, #tpu.memory_space<vmem_shared>>
      tpu.wait_dma2 semaphore(%run_scoped3A : memref<!tpu.dma_semaphore, #tpu.memory_space<semaphore_mem>>) src(%arg8 : memref<100x64xf32, #tpu.memory_space<vmem>>) dst(%dma_wait3A_63 : memref<100x64xf32, #tpu.memory_space<vmem_shared>>)
      tpu.yield
    }) : () -> ()
    %add3A_13 = arith.constant 200 : i32
    %add3A_14 = arith.addi %mul3A_8, %add3A_13 : i32
    "tpu.region"() ({
      %run_scoped3A = tpu.sem_alloc : memref<!tpu.dma_semaphore, #tpu.memory_space<semaphore_mem>>
      %dma_start3A_56 = arith.constant 0 : i32
      %dma_start3A_57 = tpu.memref_slice %arg10[%add3A_14, %dma_start3A_56] : memref<10240x64xf32, #tpu.memory_space<vmem_shared>> -> memref<100x64xf32, #tpu.memory_space<vmem_shared>>
      %dma_start3A_58 = arith.constant 0 : i32
      %dma_start3A_59 = tpu.memref_slice %arg10[%add3A_14, %dma_start3A_58] : memref<10240x64xf32, #tpu.memory_space<vmem_shared>> -> memref<100x64xf32, #tpu.memory_space<vmem_shared>>
      tpu.enqueue_dma source(%arg8 : memref<100x64xf32, #tpu.memory_space<vmem>>) target(%dma_start3A_59 : memref<100x64xf32, #tpu.memory_space<vmem_shared>>) target_semaphore(%run_scoped3A : memref<!tpu.dma_semaphore, #tpu.memory_space<semaphore_mem>>)
      %dma_wait3A_60 = arith.constant 0 : i32
      %dma_wait3A_61 = tpu.memref_slice %arg10[%add3A_14, %dma_wait3A_60] : memref<10240x64xf32, #tpu.memory_space<vmem_shared>> -> memref<100x64xf32, #tpu.memory_space<vmem_shared>>
      %dma_wait3A_62 = arith.constant 0 : i32
      %dma_wait3A_63 = tpu.memref_slice %arg10[%add3A_14, %dma_wait3A_62] : memref<10240x64xf32, #tpu.memory_space<vmem_shared>> -> memref<100x64xf32, #tpu.memory_space<vmem_shared>>
      tpu.wait_dma2 semaphore(%run_scoped3A : memref<!tpu.dma_semaphore, #tpu.memory_space<semaphore_mem>>) src(%arg8 : memref<100x64xf32, #tpu.memory_space<vmem>>) dst(%dma_wait3A_63 : memref<100x64xf32, #tpu.memory_space<vmem_shared>>)
      tpu.yield
    }) : () -> ()
    %add3A_15 = arith.constant 300 : i32
    %add3A_16 = arith.addi %mul3A_8, %add3A_15 : i32
    "tpu.region"() ({
      %run_scoped3A = tpu.sem_alloc : memref<!tpu.dma_semaphore, #tpu.memory_space<semaphore_mem>>
      %dma_start3A_56 = arith.constant 0 : i32
      %dma_start3A_57 = tpu.memref_slice %arg10[%add3A_16, %dma_start3A_56] : memref<10240x64xf32, #tpu.memory_space<vmem_shared>> -> memref<100x64xf32, #tpu.memory_space<vmem_shared>>
      %dma_start3A_58 = arith.constant 0 : i32
      %dma_start3A_59 = tpu.memref_slice %arg10[%add3A_16, %dma_start3A_58] : memref<10240x64xf32, #tpu.memory_space<vmem_shared>> -> memref<100x64xf32, #tpu.memory_space<vmem_shared>>
      tpu.enqueue_dma source(%arg8 : memref<100x64xf32, #tpu.memory_space<vmem>>) target(%dma_start3A_59 : memref<100x64xf32, #tpu.memory_space<vmem_shared>>) target_semaphore(%run_scoped3A : memref<!tpu.dma_semaphore, #tpu.memory_space<semaphore_mem>>)
      %dma_wait3A_60 = arith.constant 0 : i32
      %dma_wait3A_61 = tpu.memref_slice %arg10[%add3A_16, %dma_wait3A_60] : memref<10240x64xf32, #tpu.memory_space<vmem_shared>> -> memref<100x64xf32, #tpu.memory_space<vmem_shared>>
      %dma_wait3A_62 = arith.constant 0 : i32
      %dma_wait3A_63 = tpu.memref_slice %arg10[%add3A_16, %dma_wait3A_62] : memref<10240x64xf32, #tpu.memory_space<vmem_shared>> -> memref<100x64xf32, #tpu.memory_space<vmem_shared>>
      tpu.wait_dma2 semaphore(%run_scoped3A : memref<!tpu.dma_semaphore, #tpu.memory_space<semaphore_mem>>) src(%arg8 : memref<100x64xf32, #tpu.memory_space<vmem>>) dst(%dma_wait3A_63 : memref<100x64xf32, #tpu.memory_space<vmem_shared>>)
      tpu.yield
    }) : () -> ()
    %add3A_17 = arith.constant 400 : i32
    %add3A_18 = arith.addi %mul3A_8, %add3A_17 : i32
    "tpu.region"() ({
      %run_scoped3A = tpu.sem_alloc : memref<!tpu.dma_semaphore, #tpu.memory_space<semaphore_mem>>
      %dma_start3A_56 = arith.constant 0 : i32
      %dma_start3A_57 = tpu.memref_slice %arg10[%add3A_18, %dma_start3A_56] : memref<10240x64xf32, #tpu.memory_space<vmem_shared>> -> memref<100x64xf32, #tpu.memory_space<vmem_shared>>
      %dma_start3A_58 = arith.constant 0 : i32
      %dma_start3A_59 = tpu.memref_slice %arg10[%add3A_18, %dma_start3A_58] : memref<10240x64xf32, #tpu.memory_space<vmem_shared>> -> memref<100x64xf32, #tpu.memory_space<vmem_shared>>
      tpu.enqueue_dma source(%arg8 : memref<100x64xf32, #tpu.memory_space<vmem>>) target(%dma_start3A_59 : memref<100x64xf32, #tpu.memory_space<vmem_shared>>) target_semaphore(%run_scoped3A : memref<!tpu.dma_semaphore, #tpu.memory_space<semaphore_mem>>)
      %dma_wait3A_60 = arith.constant 0 : i32
      %dma_wait3A_61 = tpu.memref_slice %arg10[%add3A_18, %dma_wait3A_60] : memref<10240x64xf32, #tpu.memory_space<vmem_shared>> -> memref<100x64xf32, #tpu.memory_space<vmem_shared>>
      %dma_wait3A_62 = arith.constant 0 : i32
      %dma_wait3A_63 = tpu.memref_slice %arg10[%add3A_18, %dma_wait3A_62] : memref<10240x64xf32, #tpu.memory_space<vmem_shared>> -> memref<100x64xf32, #tpu.memory_space<vmem_shared>>
      tpu.wait_dma2 semaphore(%run_scoped3A : memref<!tpu.dma_semaphore, #tpu.memory_space<semaphore_mem>>) src(%arg8 : memref<100x64xf32, #tpu.memory_space<vmem>>) dst(%dma_wait3A_63 : memref<100x64xf32, #tpu.memory_space<vmem_shared>>)
      tpu.yield
    }) : () -> ()
    %add3A_19 = arith.constant 500 : i32
    %add3A_20 = arith.addi %mul3A_8, %add3A_19 : i32
    "tpu.region"() ({
      %run_scoped3A = tpu.sem_alloc : memref<!tpu.dma_semaphore, #tpu.memory_space<semaphore_mem>>
      %dma_start3A_56 = arith.constant 0 : i32
      %dma_start3A_57 = tpu.memref_slice %arg10[%add3A_20, %dma_start3A_56] : memref<10240x64xf32, #tpu.memory_space<vmem_shared>> -> memref<100x64xf32, #tpu.memory_space<vmem_shared>>
      %dma_start3A_58 = arith.constant 0 : i32
      %dma_start3A_59 = tpu.memref_slice %arg10[%add3A_20, %dma_start3A_58] : memref<10240x64xf32, #tpu.memory_space<vmem_shared>> -> memref<100x64xf32, #tpu.memory_space<vmem_shared>>
      tpu.enqueue_dma source(%arg8 : memref<100x64xf32, #tpu.memory_space<vmem>>) target(%dma_start3A_59 : memref<100x64xf32, #tpu.memory_space<vmem_shared>>) target_semaphore(%run_scoped3A : memref<!tpu.dma_semaphore, #tpu.memory_space<semaphore_mem>>)
      %dma_wait3A_60 = arith.constant 0 : i32
      %dma_wait3A_61 = tpu.memref_slice %arg10[%add3A_20, %dma_wait3A_60] : memref<10240x64xf32, #tpu.memory_space<vmem_shared>> -> memref<100x64xf32, #tpu.memory_space<vmem_shared>>
      %dma_wait3A_62 = arith.constant 0 : i32
      %dma_wait3A_63 = tpu.memref_slice %arg10[%add3A_20, %dma_wait3A_62] : memref<10240x64xf32, #tpu.memory_space<vmem_shared>> -> memref<100x64xf32, #tpu.memory_space<vmem_shared>>
      tpu.wait_dma2 semaphore(%run_scoped3A : memref<!tpu.dma_semaphore, #tpu.memory_space<semaphore_mem>>) src(%arg8 : memref<100x64xf32, #tpu.memory_space<vmem>>) dst(%dma_wait3A_63 : memref<100x64xf32, #tpu.memory_space<vmem_shared>>)
      tpu.yield
    }) : () -> ()
    %add3A_21 = arith.constant 600 : i32
    %add3A_22 = arith.addi %mul3A_8, %add3A_21 : i32
    "tpu.region"() ({
      %run_scoped3A = tpu.sem_alloc : memref<!tpu.dma_semaphore, #tpu.memory_space<semaphore_mem>>
      %dma_start3A_56 = arith.constant 0 : i32
      %dma_start3A_57 = arith.constant 0 : i32
      %dma_start3A_58 = tpu.memref_slice %arg8[%dma_start3A_56, %dma_start3A_57] : memref<100x64xf32, #tpu.memory_space<vmem>> -> memref<40x64xf32, #tpu.memory_space<vmem>>
      %dma_start3A_59 = arith.constant 0 : i32
      %dma_start3A_60 = tpu.memref_slice %arg10[%add3A_22, %dma_start3A_59] : memref<10240x64xf32, #tpu.memory_space<vmem_shared>> -> memref<40x64xf32, #tpu.memory_space<vmem_shared>>
      %dma_start3A_61 = arith.constant 0 : i32
      %dma_start3A_62 = tpu.memref_slice %arg10[%add3A_22, %dma_start3A_61] : memref<10240x64xf32, #tpu.memory_space<vmem_shared>> -> memref<40x64xf32, #tpu.memory_space<vmem_shared>>
      %dma_start3A_63 = arith.constant 0 : i32
      %dma_start3A_64 = arith.constant 0 : i32
      %dma_start3A_65 = tpu.memref_slice %arg8[%dma_start3A_63, %dma_start3A_64] : memref<100x64xf32, #tpu.memory_space<vmem>> -> memref<40x64xf32, #tpu.memory_space<vmem>>
      tpu.enqueue_dma source(%dma_start3A_65 : memref<40x64xf32, #tpu.memory_space<vmem>>) target(%dma_start3A_62 : memref<40x64xf32, #tpu.memory_space<vmem_shared>>) target_semaphore(%run_scoped3A : memref<!tpu.dma_semaphore, #tpu.memory_space<semaphore_mem>>)
      %dma_wait3A_66 = arith.constant 0 : i32
      %dma_wait3A_67 = arith.constant 0 : i32
      %dma_wait3A_68 = tpu.memref_slice %arg8[%dma_wait3A_66, %dma_wait3A_67] : memref<100x64xf32, #tpu.memory_space<vmem>> -> memref<40x64xf32, #tpu.memory_space<vmem>>
      %dma_wait3A_69 = arith.constant 0 : i32
      %dma_wait3A_70 = tpu.memref_slice %arg10[%add3A_22, %dma_wait3A_69] : memref<10240x64xf32, #tpu.memory_space<vmem_shared>> -> memref<40x64xf32, #tpu.memory_space<vmem_shared>>
      %dma_wait3A_71 = arith.constant 0 : i32
      %dma_wait3A_72 = tpu.memref_slice %arg10[%add3A_22, %dma_wait3A_71] : memref<10240x64xf32, #tpu.memory_space<vmem_shared>> -> memref<40x64xf32, #tpu.memory_space<vmem_shared>>
      %dma_wait3A_73 = arith.constant 0 : i32
      %dma_wait3A_74 = arith.constant 0 : i32
      %dma_wait3A_75 = tpu.memref_slice %arg8[%dma_wait3A_73, %dma_wait3A_74] : memref<100x64xf32, #tpu.memory_space<vmem>> -> memref<40x64xf32, #tpu.memory_space<vmem>>
      tpu.wait_dma2 semaphore(%run_scoped3A : memref<!tpu.dma_semaphore, #tpu.memory_space<semaphore_mem>>) src(%dma_wait3A_75 : memref<40x64xf32, #tpu.memory_space<vmem>>) dst(%dma_wait3A_72 : memref<40x64xf32, #tpu.memory_space<vmem_shared>>)
      tpu.yield
    }) : () -> ()
    %barrier3A = arith.constant 0 : index
    tpu.barrier barrier_id(%barrier3A)
    %dma_start3A = arith.constant 0 : i32
    %dma_start3A_23 = arith.constant 0 : i32
    %dma_start3A_24 = tpu.memref_slice %arg6[%dma_start3A, %dma_start3A_23] : memref<100x100xi32, #tpu.memory_space<vmem>> -> memref<1x100xi32, #tpu.memory_space<vmem>>
    %dma_start3A_25 = tpu.memref_squeeze %dma_start3A_24 : memref<1x100xi32, #tpu.memory_space<vmem>> -> memref<100xi32, #tpu.memory_space<vmem>>
    %dma_start3A_26 = arith.constant 0 : i32
    %dma_start3A_27 = arith.constant 0 : i32
    %dma_start3A_28 = tpu.memref_slice %arg2[%dma_start3A_26, %dma_start3A_27] : memref<10000x64xf32, #tpu.memory_space<hbm>> -> memref<10000x64xf32, #tpu.memory_space<hbm>>
    tpu.enqueue_indirect_dma source(%dma_start3A_28 : memref<10000x64xf32, #tpu.memory_space<hbm>>) target(%arg8 : memref<100x64xf32, #tpu.memory_space<vmem>>) offsets(%dma_start3A_25 : memref<100xi32, #tpu.memory_space<vmem>>) semaphore(%arg11 : memref<!tpu.dma_semaphore, #tpu.memory_space<semaphore_mem>>)
    %dma_start3A_29 = arith.constant 1 : i32
    %dma_start3A_30 = arith.constant 0 : i32
    %dma_start3A_31 = tpu.memref_slice %arg6[%dma_start3A_29, %dma_start3A_30] : memref<100x100xi32, #tpu.memory_space<vmem>> -> memref<1x100xi32, #tpu.memory_space<vmem>>
    %dma_start3A_32 = tpu.memref_squeeze %dma_start3A_31 : memref<1x100xi32, #tpu.memory_space<vmem>> -> memref<100xi32, #tpu.memory_space<vmem>>
    %dma_start3A_33 = arith.constant 0 : i32
    %dma_start3A_34 = arith.constant 0 : i32
    %dma_start3A_35 = tpu.memref_slice %arg2[%dma_start3A_33, %dma_start3A_34] : memref<10000x64xf32, #tpu.memory_space<hbm>> -> memref<10000x64xf32, #tpu.memory_space<hbm>>
    tpu.enqueue_indirect_dma source(%dma_start3A_35 : memref<10000x64xf32, #tpu.memory_space<hbm>>) target(%arg9 : memref<100x64xf32, #tpu.memory_space<vmem>>) offsets(%dma_start3A_32 : memref<100xi32, #tpu.memory_space<vmem>>) semaphore(%arg12 : memref<!tpu.dma_semaphore, #tpu.memory_space<semaphore_mem>>)
    %scan3A_36 = arith.constant 0 : i32
    %scan3A_37 = arith.constant 0 : i32
    %scan3A_38 = arith.constant 50 : i32
    %scan3A_39 = arith.addi %scan3A_37, %scan3A_38 : i32
    %scan3A_40 = arith.constant 1 : i32
    scf.for %scan3A_56 = %scan3A_37 to %scan3A_39 step %scan3A_40  : i32 {
      %mul3A_57 = arith.constant 2 : i32
      %mul3A_58 = arith.muli %mul3A_57, %scan3A_56 : i32
      %mul3A_59 = arith.constant 2 : i32
      %mul3A_60 = arith.muli %mul3A_59, %scan3A_56 : i32
      %add3A_61 = arith.constant 1 : i32
      %add3A_62 = arith.addi %mul3A_60, %add3A_61 : i32
      %dma_wait3A_63 = arith.constant 0 : i32
      %dma_wait3A_64 = tpu.memref_slice %arg6[%mul3A_58, %dma_wait3A_63] : memref<100x100xi32, #tpu.memory_space<vmem>> -> memref<1x100xi32, #tpu.memory_space<vmem>>
      %dma_wait3A_65 = tpu.memref_squeeze %dma_wait3A_64 : memref<1x100xi32, #tpu.memory_space<vmem>> -> memref<100xi32, #tpu.memory_space<vmem>>
      %dma_wait3A_66 = arith.constant 0 : i32
      %dma_wait3A_67 = arith.constant 0 : i32
      %dma_wait3A_68 = tpu.memref_slice %arg2[%dma_wait3A_66, %dma_wait3A_67] : memref<10000x64xf32, #tpu.memory_space<hbm>> -> memref<10000x64xf32, #tpu.memory_space<hbm>>
      tpu.wait_indirect_dma semaphore(%arg11 : memref<!tpu.dma_semaphore, #tpu.memory_space<semaphore_mem>>) src(%dma_wait3A_68 : memref<10000x64xf32, #tpu.memory_space<hbm>>) dst(%arg8 : memref<100x64xf32, #tpu.memory_space<vmem>>)
      %dma_start3A_69 = arith.constant 0 : i32
      %dma_start3A_70 = tpu.memref_slice %arg7[%mul3A_58, %dma_start3A_69] : memref<100x100xi32, #tpu.memory_space<vmem>> -> memref<1x100xi32, #tpu.memory_space<vmem>>
      %dma_start3A_71 = tpu.memref_squeeze %dma_start3A_70 : memref<1x100xi32, #tpu.memory_space<vmem>> -> memref<100xi32, #tpu.memory_space<vmem>>
      %dma_start3A_72 = arith.constant 0 : i32
      %dma_start3A_73 = arith.constant 0 : i32
      %dma_start3A_74 = tpu.memref_slice %arg10[%dma_start3A_72, %dma_start3A_73] : memref<10240x64xf32, #tpu.memory_space<vmem_shared>> -> memref<10240x64xf32, #tpu.memory_space<vmem_shared>>
      tpu.enqueue_indirect_dma source(%arg8 : memref<100x64xf32, #tpu.memory_space<vmem>>) target(%dma_start3A_74 : memref<10240x64xf32, #tpu.memory_space<vmem_shared>>) offsets(%dma_start3A_71 : memref<100xi32, #tpu.memory_space<vmem>>) semaphore(%arg13 : memref<!tpu.dma_semaphore, #tpu.memory_space<semaphore_mem>>) {add = true}
      %dma_wait3A_75 = arith.constant 0 : i32
      %dma_wait3A_76 = tpu.memref_slice %arg6[%add3A_62, %dma_wait3A_75] : memref<100x100xi32, #tpu.memory_space<vmem>> -> memref<1x100xi32, #tpu.memory_space<vmem>>
      %dma_wait3A_77 = tpu.memref_squeeze %dma_wait3A_76 : memref<1x100xi32, #tpu.memory_space<vmem>> -> memref<100xi32, #tpu.memory_space<vmem>>
      %dma_wait3A_78 = arith.constant 0 : i32
      %dma_wait3A_79 = arith.constant 0 : i32
      %dma_wait3A_80 = tpu.memref_slice %arg2[%dma_wait3A_78, %dma_wait3A_79] : memref<10000x64xf32, #tpu.memory_space<hbm>> -> memref<10000x64xf32, #tpu.memory_space<hbm>>
      tpu.wait_indirect_dma semaphore(%arg12 : memref<!tpu.dma_semaphore, #tpu.memory_space<semaphore_mem>>) src(%dma_wait3A_80 : memref<10000x64xf32, #tpu.memory_space<hbm>>) dst(%arg9 : memref<100x64xf32, #tpu.memory_space<vmem>>)
      %dma_start3A_81 = arith.constant 0 : i32
      %dma_start3A_82 = tpu.memref_slice %arg7[%add3A_62, %dma_start3A_81] : memref<100x100xi32, #tpu.memory_space<vmem>> -> memref<1x100xi32, #tpu.memory_space<vmem>>
      %dma_start3A_83 = tpu.memref_squeeze %dma_start3A_82 : memref<1x100xi32, #tpu.memory_space<vmem>> -> memref<100xi32, #tpu.memory_space<vmem>>
      %dma_start3A_84 = arith.constant 0 : i32
      %dma_start3A_85 = arith.constant 0 : i32
      %dma_start3A_86 = tpu.memref_slice %arg10[%dma_start3A_84, %dma_start3A_85] : memref<10240x64xf32, #tpu.memory_space<vmem_shared>> -> memref<10240x64xf32, #tpu.memory_space<vmem_shared>>
      tpu.enqueue_indirect_dma source(%arg9 : memref<100x64xf32, #tpu.memory_space<vmem>>) target(%dma_start3A_86 : memref<10240x64xf32, #tpu.memory_space<vmem_shared>>) offsets(%dma_start3A_83 : memref<100xi32, #tpu.memory_space<vmem>>) semaphore(%arg14 : memref<!tpu.dma_semaphore, #tpu.memory_space<semaphore_mem>>) {add = true}
      %lt3A = arith.constant 49 : i32
      %lt3A_87 = arith.cmpi slt, %scan3A_56, %lt3A : i32
      %convert_element_type3A = arith.extui %lt3A_87 : i1 to i32
      %cond3A = arith.constant 0 : i32
      %cond3A_88 = arith.cmpi ne, %convert_element_type3A, %cond3A : i32
      scf.if %cond3A_88 {
        %dma_wait3A_89 = arith.constant 0 : i32
        %dma_wait3A_90 = tpu.memref_slice %arg6[%mul3A_58, %dma_wait3A_89] : memref<100x100xi32, #tpu.memory_space<vmem>> -> memref<1x100xi32, #tpu.memory_space<vmem>>
        %dma_wait3A_91 = tpu.memref_squeeze %dma_wait3A_90 : memref<1x100xi32, #tpu.memory_space<vmem>> -> memref<100xi32, #tpu.memory_space<vmem>>
        %dma_wait3A_92 = arith.constant 0 : i32
        %dma_wait3A_93 = arith.constant 0 : i32
        %dma_wait3A_94 = tpu.memref_slice %arg2[%dma_wait3A_92, %dma_wait3A_93] : memref<10000x64xf32, #tpu.memory_space<hbm>> -> memref<10000x64xf32, #tpu.memory_space<hbm>>
        tpu.wait_indirect_dma semaphore(%arg13 : memref<!tpu.dma_semaphore, #tpu.memory_space<semaphore_mem>>) src(%dma_wait3A_94 : memref<10000x64xf32, #tpu.memory_space<hbm>>) dst(%arg8 : memref<100x64xf32, #tpu.memory_space<vmem>>)
        %add3A_95 = arith.constant 2 : i32
        %add3A_96 = arith.addi %mul3A_58, %add3A_95 : i32
        %dma_start3A_97 = arith.constant 0 : i32
        %dma_start3A_98 = tpu.memref_slice %arg6[%add3A_96, %dma_start3A_97] : memref<100x100xi32, #tpu.memory_space<vmem>> -> memref<1x100xi32, #tpu.memory_space<vmem>>
        %dma_start3A_99 = tpu.memref_squeeze %dma_start3A_98 : memref<1x100xi32, #tpu.memory_space<vmem>> -> memref<100xi32, #tpu.memory_space<vmem>>
        %dma_start3A_100 = arith.constant 0 : i32
        %dma_start3A_101 = arith.constant 0 : i32
        %dma_start3A_102 = tpu.memref_slice %arg2[%dma_start3A_100, %dma_start3A_101] : memref<10000x64xf32, #tpu.memory_space<hbm>> -> memref<10000x64xf32, #tpu.memory_space<hbm>>
        tpu.enqueue_indirect_dma source(%dma_start3A_102 : memref<10000x64xf32, #tpu.memory_space<hbm>>) target(%arg8 : memref<100x64xf32, #tpu.memory_space<vmem>>) offsets(%dma_start3A_99 : memref<100xi32, #tpu.memory_space<vmem>>) semaphore(%arg11 : memref<!tpu.dma_semaphore, #tpu.memory_space<semaphore_mem>>)
        %dma_wait3A_103 = arith.constant 0 : i32
        %dma_wait3A_104 = tpu.memref_slice %arg6[%add3A_62, %dma_wait3A_103] : memref<100x100xi32, #tpu.memory_space<vmem>> -> memref<1x100xi32, #tpu.memory_space<vmem>>
        %dma_wait3A_105 = tpu.memref_squeeze %dma_wait3A_104 : memref<1x100xi32, #tpu.memory_space<vmem>> -> memref<100xi32, #tpu.memory_space<vmem>>
        %dma_wait3A_106 = arith.constant 0 : i32
        %dma_wait3A_107 = arith.constant 0 : i32
        %dma_wait3A_108 = tpu.memref_slice %arg2[%dma_wait3A_106, %dma_wait3A_107] : memref<10000x64xf32, #tpu.memory_space<hbm>> -> memref<10000x64xf32, #tpu.memory_space<hbm>>
        tpu.wait_indirect_dma semaphore(%arg14 : memref<!tpu.dma_semaphore, #tpu.memory_space<semaphore_mem>>) src(%dma_wait3A_108 : memref<10000x64xf32, #tpu.memory_space<hbm>>) dst(%arg9 : memref<100x64xf32, #tpu.memory_space<vmem>>)
        %add3A_109 = arith.constant 2 : i32
        %add3A_110 = arith.addi %add3A_62, %add3A_109 : i32
        %dma_start3A_111 = arith.constant 0 : i32
        %dma_start3A_112 = tpu.memref_slice %arg6[%add3A_110, %dma_start3A_111] : memref<100x100xi32, #tpu.memory_space<vmem>> -> memref<1x100xi32, #tpu.memory_space<vmem>>
        %dma_start3A_113 = tpu.memref_squeeze %dma_start3A_112 : memref<1x100xi32, #tpu.memory_space<vmem>> -> memref<100xi32, #tpu.memory_space<vmem>>
        %dma_start3A_114 = arith.constant 0 : i32
        %dma_start3A_115 = arith.constant 0 : i32
        %dma_start3A_116 = tpu.memref_slice %arg2[%dma_start3A_114, %dma_start3A_115] : memref<10000x64xf32, #tpu.memory_space<hbm>> -> memref<10000x64xf32, #tpu.memory_space<hbm>>
        tpu.enqueue_indirect_dma source(%dma_start3A_116 : memref<10000x64xf32, #tpu.memory_space<hbm>>) target(%arg9 : memref<100x64xf32, #tpu.memory_space<vmem>>) offsets(%dma_start3A_113 : memref<100xi32, #tpu.memory_space<vmem>>) semaphore(%arg12 : memref<!tpu.dma_semaphore, #tpu.memory_space<semaphore_mem>>)
      } else {
      }
    }
    %scan3A_41 = arith.constant 50 : i32
    %dma_wait3A = arith.constant 0 : i32
    %dma_wait3A_42 = arith.constant 0 : i32
    %dma_wait3A_43 = tpu.memref_slice %arg6[%dma_wait3A, %dma_wait3A_42] : memref<100x100xi32, #tpu.memory_space<vmem>> -> memref<1x100xi32, #tpu.memory_space<vmem>>
    %dma_wait3A_44 = tpu.memref_squeeze %dma_wait3A_43 : memref<1x100xi32, #tpu.memory_space<vmem>> -> memref<100xi32, #tpu.memory_space<vmem>>
    %dma_wait3A_45 = arith.constant 0 : i32
    %dma_wait3A_46 = arith.constant 0 : i32
    %dma_wait3A_47 = tpu.memref_slice %arg2[%dma_wait3A_45, %dma_wait3A_46] : memref<10000x64xf32, #tpu.memory_space<hbm>> -> memref<10000x64xf32, #tpu.memory_space<hbm>>
    tpu.wait_indirect_dma semaphore(%arg13 : memref<!tpu.dma_semaphore, #tpu.memory_space<semaphore_mem>>) src(%dma_wait3A_47 : memref<10000x64xf32, #tpu.memory_space<hbm>>) dst(%arg8 : memref<100x64xf32, #tpu.memory_space<vmem>>)
    %dma_wait3A_48 = arith.constant 1 : i32
    %dma_wait3A_49 = arith.constant 0 : i32
    %dma_wait3A_50 = tpu.memref_slice %arg6[%dma_wait3A_48, %dma_wait3A_49] : memref<100x100xi32, #tpu.memory_space<vmem>> -> memref<1x100xi32, #tpu.memory_space<vmem>>
    %dma_wait3A_51 = tpu.memref_squeeze %dma_wait3A_50 : memref<1x100xi32, #tpu.memory_space<vmem>> -> memref<100xi32, #tpu.memory_space<vmem>>
    %dma_wait3A_52 = arith.constant 0 : i32
    %dma_wait3A_53 = arith.constant 0 : i32
    %dma_wait3A_54 = tpu.memref_slice %arg2[%dma_wait3A_52, %dma_wait3A_53] : memref<10000x64xf32, #tpu.memory_space<hbm>> -> memref<10000x64xf32, #tpu.memory_space<hbm>>
    tpu.wait_indirect_dma semaphore(%arg14 : memref<!tpu.dma_semaphore, #tpu.memory_space<semaphore_mem>>) src(%dma_wait3A_54 : memref<10000x64xf32, #tpu.memory_space<hbm>>) dst(%arg9 : memref<100x64xf32, #tpu.memory_space<vmem>>)
    %barrier3A_55 = arith.constant 0 : index
    tpu.barrier barrier_id(%barrier3A_55)
    "tpu.region"() ({
      %run_scoped3A = tpu.sem_alloc : memref<!tpu.dma_semaphore, #tpu.memory_space<semaphore_mem>>
      %dma_start3A_56 = arith.constant 0 : i32
      %dma_start3A_57 = tpu.memref_slice %arg5[%arg0, %mul3A_8, %dma_start3A_56] : memref<2x10240x64xf32, #tpu.memory_space<hbm>> -> memref<1x640x64xf32, #tpu.memory_space<hbm>>
      %dma_start3A_58 = tpu.memref_squeeze %dma_start3A_57 : memref<1x640x64xf32, #tpu.memory_space<hbm>> -> memref<640x64xf32, #tpu.memory_space<hbm>>
      %dma_start3A_59 = arith.constant 0 : i32
      %dma_start3A_60 = tpu.memref_slice %arg10[%mul3A_8, %dma_start3A_59] : memref<10240x64xf32, #tpu.memory_space<vmem_shared>> -> memref<640x64xf32, #tpu.memory_space<vmem_shared>>
      tpu.enqueue_dma source(%dma_start3A_60 : memref<640x64xf32, #tpu.memory_space<vmem_shared>>) target(%dma_start3A_58 : memref<640x64xf32, #tpu.memory_space<hbm>>) target_semaphore(%run_scoped3A : memref<!tpu.dma_semaphore, #tpu.memory_space<semaphore_mem>>)
      %dma_wait3A_61 = arith.constant 0 : i32
      %dma_wait3A_62 = tpu.memref_slice %arg5[%arg0, %mul3A_8, %dma_wait3A_61] : memref<2x10240x64xf32, #tpu.memory_space<hbm>> -> memref<1x640x64xf32, #tpu.memory_space<hbm>>
      %dma_wait3A_63 = tpu.memref_squeeze %dma_wait3A_62 : memref<1x640x64xf32, #tpu.memory_space<hbm>> -> memref<640x64xf32, #tpu.memory_space<hbm>>
      %dma_wait3A_64 = arith.constant 0 : i32
      %dma_wait3A_65 = tpu.memref_slice %arg10[%mul3A_8, %dma_wait3A_64] : memref<10240x64xf32, #tpu.memory_space<vmem_shared>> -> memref<640x64xf32, #tpu.memory_space<vmem_shared>>
      tpu.wait_dma2 semaphore(%run_scoped3A : memref<!tpu.dma_semaphore, #tpu.memory_space<semaphore_mem>>) src(%dma_wait3A_65 : memref<640x64xf32, #tpu.memory_space<vmem_shared>>) dst(%dma_wait3A_63 : memref<640x64xf32, #tpu.memory_space<hbm>>)
      tpu.yield
    }) : () -> ()
    return
  }
}

#map = affine_map<(d0, d1) -> (0, 0)>
#map1 = affine_map<(d0, d1) -> (0, 0, 0)>
module attributes {stable_mosaic.version = 14 : i64} {
  func.func @k(%arg0: i32, %arg1: i32, %arg2: memref<10000x64xf32, #tpu.memory_space<hbm>>, %arg3: memref<32x100x100xi32, #tpu.memory_space<hbm>>, %arg4: memref<32x100x100xi32, #tpu.memory_space<hbm>>, %arg5: memref<2x10240x64xf32, #tpu.memory_space<hbm>>, %arg6: memref<100x100xi32, #tpu.memory_space<vmem>>, %arg7: memref<100x100xi32, #tpu.memory_space<vmem>>, %arg8: memref<100x64xf32, #tpu.memory_space<vmem>>, %arg9: memref<100x64xf32, #tpu.memory_space<vmem>>, %arg10: memref<10240x64xf32, #tpu.memory_space<vmem_shared>>, %arg11: memref<!tpu.dma_semaphore, #tpu.memory_space<semaphore_mem>>, %arg12: memref<!tpu.dma_semaphore, #tpu.memory_space<semaphore_mem>>, %arg13: memref<!tpu.dma_semaphore, #tpu.memory_space<semaphore_mem>>, %arg14: memref<!tpu.dma_semaphore, #tpu.memory_space<semaphore_mem>>) attributes {dimension_semantics = [#tpu.dimension_semantics<core_parallel>, #tpu.dimension_semantics<subcore_parallel>], iteration_bounds = array<i64: 2, 16>, scalar_prefetch = 0 : i64, scratch_operands = 9 : i64, tpu.core_type = #tpu.core_type<sc_vector_subcore>, window_params = [{transform_indices = #map}, {transform_indices = #map1}, {transform_indices = #map1}, {transform_indices = #map1}]} {
    %mul3A = arith.constant 16 : i32
    %mul3A_0 = arith.muli %arg0, %mul3A : i32
    %add3A = arith.addi %mul3A_0, %arg1 : i32
    %broadcast_in_dim3A = arith.constant 0.000000e+00 : f32
    %broadcast_in_dim3A_1 = vector.broadcast %broadcast_in_dim3A : f32 to vector<16xf32>
    %scan3A = arith.constant 0 : i32
    %scan3A_2 = arith.constant 0 : i32
    %scan3A_3 = arith.constant 100 : i32
    %scan3A_4 = arith.addi %scan3A_2, %scan3A_3 : i32
    %scan3A_5 = arith.constant 1 : i32
    scf.for %scan3A_56 = %scan3A_2 to %scan3A_4 step %scan3A_5  : i32 {
      %swap3A = arith.index_cast %scan3A_56 : i32 to index
      %swap3A_57 = arith.constant 0 : index
      %swap3A_58 = tpu.vector_load %arg8[%swap3A, %swap3A_57] {strides = array<i32>} : memref<100x64xf32, #tpu.memory_space<vmem>>, vector<1x16xf32>,
      %swap3A_59 = vector.shape_cast %swap3A_58 : vector<1x16xf32> to vector<16xf32>
      %swap3A_60 = vector.shape_cast %broadcast_in_dim3A_1 : vector<16xf32> to vector<1x16xf32>
      tpu.vector_store %arg8[%swap3A, %swap3A_57], %swap3A_60 {strides = array<i32>} : memref<100x64xf32, #tpu.memory_space<vmem>>, vector<1x16xf32>,
      %swap3A_61 = arith.index_cast %scan3A_56 : i32 to index
      %swap3A_62 = arith.constant 16 : index
      %swap3A_63 = tpu.vector_load %arg8[%swap3A_61, %swap3A_62] {strides = array<i32>} : memref<100x64xf32, #tpu.memory_space<vmem>>, vector<1x16xf32>,
      %swap3A_64 = vector.shape_cast %swap3A_63 : vector<1x16xf32> to vector<16xf32>
      %swap3A_65 = vector.shape_cast %broadcast_in_dim3A_1 : vector<16xf32> to vector<1x16xf32>
      tpu.vector_store %arg8[%swap3A_61, %swap3A_62], %swap3A_65 {strides = array<i32>} : memref<100x64xf32, #tpu.memory_space<vmem>>, vector<1x16xf32>,
      %swap3A_66 = arith.index_cast %scan3A_56 : i32 to index
      %swap3A_67 = arith.constant 32 : index
      %swap3A_68 = tpu.vector_load %arg8[%swap3A_66, %swap3A_67] {strides = array<i32>} : memref<100x64xf32, #tpu.memory_space<vmem>>, vector<1x16xf32>,
      %swap3A_69 = vector.shape_cast %swap3A_68 : vector<1x16xf32> to vector<16xf32>
      %swap3A_70 = vector.shape_cast %broadcast_in_dim3A_1 : vector<16xf32> to vector<1x16xf32>
      tpu.vector_store %arg8[%swap3A_66, %swap3A_67], %swap3A_70 {strides = array<i32>} : memref<100x64xf32, #tpu.memory_space<vmem>>, vector<1x16xf32>,
      %swap3A_71 = arith.index_cast %scan3A_56 : i32 to index
      %swap3A_72 = arith.constant 48 : index
      %swap3A_73 = tpu.vector_load %arg8[%swap3A_71, %swap3A_72] {strides = array<i32>} : memref<100x64xf32, #tpu.memory_space<vmem>>, vector<1x16xf32>,
      %swap3A_74 = vector.shape_cast %swap3A_73 : vector<1x16xf32> to vector<16xf32>
      %swap3A_75 = vector.shape_cast %broadcast_in_dim3A_1 : vector<16xf32> to vector<1x16xf32>
      tpu.vector_store %arg8[%swap3A_71, %swap3A_72], %swap3A_75 {strides = array<i32>} : memref<100x64xf32, #tpu.memory_space<vmem>>, vector<1x16xf32>,
    }
    %scan3A_6 = arith.constant 100 : i32
    "tpu.region"() ({
      %run_scoped3A = tpu.sem_alloc : memref<!tpu.dma_semaphore, #tpu.memory_space<semaphore_mem>>
      %dma_start3A_56 = arith.constant 0 : i32
      %dma_start3A_57 = arith.constant 0 : i32
      %dma_start3A_58 = tpu.memref_slice %arg3[%add3A, %dma_start3A_56, %dma_start3A_57] : memref<32x100x100xi32, #tpu.memory_space<hbm>> -> memref<1x100x100xi32, #tpu.memory_space<hbm>>
      %dma_start3A_59 = tpu.memref_squeeze %dma_start3A_58 : memref<1x100x100xi32, #tpu.memory_space<hbm>> -> memref<100x100xi32, #tpu.memory_space<hbm>>
      %dma_start3A_60 = arith.constant 0 : i32
      %dma_start3A_61 = arith.constant 0 : i32
      %dma_start3A_62 = tpu.memref_slice %arg3[%add3A, %dma_start3A_60, %dma_start3A_61] : memref<32x100x100xi32, #tpu.memory_space<hbm>> -> memref<1x100x100xi32, #tpu.memory_space<hbm>>
      %dma_start3A_63 = tpu.memref_squeeze %dma_start3A_62 : memref<1x100x100xi32, #tpu.memory_space<hbm>> -> memref<100x100xi32, #tpu.memory_space<hbm>>
      tpu.enqueue_dma source(%dma_start3A_63 : memref<100x100xi32, #tpu.memory_space<hbm>>) target(%arg6 : memref<100x100xi32, #tpu.memory_space<vmem>>) target_semaphore(%run_scoped3A : memref<!tpu.dma_semaphore, #tpu.memory_space<semaphore_mem>>)
      %dma_wait3A_64 = arith.constant 0 : i32
      %dma_wait3A_65 = arith.constant 0 : i32
      %dma_wait3A_66 = tpu.memref_slice %arg3[%add3A, %dma_wait3A_64, %dma_wait3A_65] : memref<32x100x100xi32, #tpu.memory_space<hbm>> -> memref<1x100x100xi32, #tpu.memory_space<hbm>>
      %dma_wait3A_67 = tpu.memref_squeeze %dma_wait3A_66 : memref<1x100x100xi32, #tpu.memory_space<hbm>> -> memref<100x100xi32, #tpu.memory_space<hbm>>
      %dma_wait3A_68 = arith.constant 0 : i32
      %dma_wait3A_69 = arith.constant 0 : i32
      %dma_wait3A_70 = tpu.memref_slice %arg3[%add3A, %dma_wait3A_68, %dma_wait3A_69] : memref<32x100x100xi32, #tpu.memory_space<hbm>> -> memref<1x100x100xi32, #tpu.memory_space<hbm>>
      %dma_wait3A_71 = tpu.memref_squeeze %dma_wait3A_70 : memref<1x100x100xi32, #tpu.memory_space<hbm>> -> memref<100x100xi32, #tpu.memory_space<hbm>>
      tpu.wait_dma2 semaphore(%run_scoped3A : memref<!tpu.dma_semaphore, #tpu.memory_space<semaphore_mem>>) src(%dma_wait3A_71 : memref<100x100xi32, #tpu.memory_space<hbm>>) dst(%arg6 : memref<100x100xi32, #tpu.memory_space<vmem>>)
      tpu.yield
    }) : () -> ()
    "tpu.region"() ({
      %run_scoped3A = tpu.sem_alloc : memref<!tpu.dma_semaphore, #tpu.memory_space<semaphore_mem>>
      %dma_start3A_56 = arith.constant 0 : i32
      %dma_start3A_57 = arith.constant 0 : i32
      %dma_start3A_58 = tpu.memref_slice %arg4[%add3A, %dma_start3A_56, %dma_start3A_57] : memref<32x100x100xi32, #tpu.memory_space<hbm>> -> memref<1x100x100xi32, #tpu.memory_space<hbm>>
      %dma_start3A_59 = tpu.memref_squeeze %dma_start3A_58 : memref<1x100x100xi32, #tpu.memory_space<hbm>> -> memref<100x100xi32, #tpu.memory_space<hbm>>
      %dma_start3A_60 = arith.constant 0 : i32
      %dma_start3A_61 = arith.constant 0 : i32
      %dma_start3A_62 = tpu.memref_slice %arg4[%add3A, %dma_start3A_60, %dma_start3A_61] : memref<32x100x100xi32, #tpu.memory_space<hbm>> -> memref<1x100x100xi32, #tpu.memory_space<hbm>>
      %dma_start3A_63 = tpu.memref_squeeze %dma_start3A_62 : memref<1x100x100xi32, #tpu.memory_space<hbm>> -> memref<100x100xi32, #tpu.memory_space<hbm>>
      tpu.enqueue_dma source(%dma_start3A_63 : memref<100x100xi32, #tpu.memory_space<hbm>>) target(%arg7 : memref<100x100xi32, #tpu.memory_space<vmem>>) target_semaphore(%run_scoped3A : memref<!tpu.dma_semaphore, #tpu.memory_space<semaphore_mem>>)
      %dma_wait3A_64 = arith.constant 0 : i32
      %dma_wait3A_65 = arith.constant 0 : i32
      %dma_wait3A_66 = tpu.memref_slice %arg4[%add3A, %dma_wait3A_64, %dma_wait3A_65] : memref<32x100x100xi32, #tpu.memory_space<hbm>> -> memref<1x100x100xi32, #tpu.memory_space<hbm>>
      %dma_wait3A_67 = tpu.memref_squeeze %dma_wait3A_66 : memref<1x100x100xi32, #tpu.memory_space<hbm>> -> memref<100x100xi32, #tpu.memory_space<hbm>>
      %dma_wait3A_68 = arith.constant 0 : i32
      %dma_wait3A_69 = arith.constant 0 : i32
      %dma_wait3A_70 = tpu.memref_slice %arg4[%add3A, %dma_wait3A_68, %dma_wait3A_69] : memref<32x100x100xi32, #tpu.memory_space<hbm>> -> memref<1x100x100xi32, #tpu.memory_space<hbm>>
      %dma_wait3A_71 = tpu.memref_squeeze %dma_wait3A_70 : memref<1x100x100xi32, #tpu.memory_space<hbm>> -> memref<100x100xi32, #tpu.memory_space<hbm>>
      tpu.wait_dma2 semaphore(%run_scoped3A : memref<!tpu.dma_semaphore, #tpu.memory_space<semaphore_mem>>) src(%dma_wait3A_71 : memref<100x100xi32, #tpu.memory_space<hbm>>) dst(%arg7 : memref<100x100xi32, #tpu.memory_space<vmem>>)
      tpu.yield
    }) : () -> ()
    %mul3A_7 = arith.constant 640 : i32
    %mul3A_8 = arith.muli %arg1, %mul3A_7 : i32
    %add3A_9 = arith.constant 0 : i32
    %add3A_10 = arith.addi %mul3A_8, %add3A_9 : i32
    "tpu.region"() ({
      %run_scoped3A = tpu.sem_alloc : memref<!tpu.dma_semaphore, #tpu.memory_space<semaphore_mem>>
      %dma_start3A_56 = arith.constant 0 : i32
      %dma_start3A_57 = tpu.memref_slice %arg10[%add3A_10, %dma_start3A_56] : memref<10240x64xf32, #tpu.memory_space<vmem_shared>> -> memref<100x64xf32, #tpu.memory_space<vmem_shared>>
      %dma_start3A_58 = arith.constant 0 : i32
      %dma_start3A_59 = tpu.memref_slice %arg10[%add3A_10, %dma_start3A_58] : memref<10240x64xf32, #tpu.memory_space<vmem_shared>> -> memref<100x64xf32, #tpu.memory_space<vmem_shared>>
      tpu.enqueue_dma source(%arg8 : memref<100x64xf32, #tpu.memory_space<vmem>>) target(%dma_start3A_59 : memref<100x64xf32, #tpu.memory_space<vmem_shared>>) target_semaphore(%run_scoped3A : memref<!tpu.dma_semaphore, #tpu.memory_space<semaphore_mem>>)
      %dma_wait3A_60 = arith.constant 0 : i32
      %dma_wait3A_61 = tpu.memref_slice %arg10[%add3A_10, %dma_wait3A_60] : memref<10240x64xf32, #tpu.memory_space<vmem_shared>> -> memref<100x64xf32, #tpu.memory_space<vmem_shared>>
      %dma_wait3A_62 = arith.constant 0 : i32
      %dma_wait3A_63 = tpu.memref_slice %arg10[%add3A_10, %dma_wait3A_62] : memref<10240x64xf32, #tpu.memory_space<vmem_shared>> -> memref<100x64xf32, #tpu.memory_space<vmem_shared>>
      tpu.wait_dma2 semaphore(%run_scoped3A : memref<!tpu.dma_semaphore, #tpu.memory_space<semaphore_mem>>) src(%arg8 : memref<100x64xf32, #tpu.memory_space<vmem>>) dst(%dma_wait3A_63 : memref<100x64xf32, #tpu.memory_space<vmem_shared>>)
      tpu.yield
    }) : () -> ()
    %add3A_11 = arith.constant 100 : i32
    %add3A_12 = arith.addi %mul3A_8, %add3A_11 : i32
    "tpu.region"() ({
      %run_scoped3A = tpu.sem_alloc : memref<!tpu.dma_semaphore, #tpu.memory_space<semaphore_mem>>
      %dma_start3A_56 = arith.constant 0 : i32
      %dma_start3A_57 = tpu.memref_slice %arg10[%add3A_12, %dma_start3A_56] : memref<10240x64xf32, #tpu.memory_space<vmem_shared>> -> memref<100x64xf32, #tpu.memory_space<vmem_shared>>
      %dma_start3A_58 = arith.constant 0 : i32
      %dma_start3A_59 = tpu.memref_slice %arg10[%add3A_12, %dma_start3A_58] : memref<10240x64xf32, #tpu.memory_space<vmem_shared>> -> memref<100x64xf32, #tpu.memory_space<vmem_shared>>
      tpu.enqueue_dma source(%arg8 : memref<100x64xf32, #tpu.memory_space<vmem>>) target(%dma_start3A_59 : memref<100x64xf32, #tpu.memory_space<vmem_shared>>) target_semaphore(%run_scoped3A : memref<!tpu.dma_semaphore, #tpu.memory_space<semaphore_mem>>)
      %dma_wait3A_60 = arith.constant 0 : i32
      %dma_wait3A_61 = tpu.memref_slice %arg10[%add3A_12, %dma_wait3A_60] : memref<10240x64xf32, #tpu.memory_space<vmem_shared>> -> memref<100x64xf32, #tpu.memory_space<vmem_shared>>
      %dma_wait3A_62 = arith.constant 0 : i32
      %dma_wait3A_63 = tpu.memref_slice %arg10[%add3A_12, %dma_wait3A_62] : memref<10240x64xf32, #tpu.memory_space<vmem_shared>> -> memref<100x64xf32, #tpu.memory_space<vmem_shared>>
      tpu.wait_dma2 semaphore(%run_scoped3A : memref<!tpu.dma_semaphore, #tpu.memory_space<semaphore_mem>>) src(%arg8 : memref<100x64xf32, #tpu.memory_space<vmem>>) dst(%dma_wait3A_63 : memref<100x64xf32, #tpu.memory_space<vmem_shared>>)
      tpu.yield
    }) : () -> ()
    %add3A_13 = arith.constant 200 : i32
    %add3A_14 = arith.addi %mul3A_8, %add3A_13 : i32
    "tpu.region"() ({
      %run_scoped3A = tpu.sem_alloc : memref<!tpu.dma_semaphore, #tpu.memory_space<semaphore_mem>>
      %dma_start3A_56 = arith.constant 0 : i32
      %dma_start3A_57 = tpu.memref_slice %arg10[%add3A_14, %dma_start3A_56] : memref<10240x64xf32, #tpu.memory_space<vmem_shared>> -> memref<100x64xf32, #tpu.memory_space<vmem_shared>>
      %dma_start3A_58 = arith.constant 0 : i32
      %dma_start3A_59 = tpu.memref_slice %arg10[%add3A_14, %dma_start3A_58] : memref<10240x64xf32, #tpu.memory_space<vmem_shared>> -> memref<100x64xf32, #tpu.memory_space<vmem_shared>>
      tpu.enqueue_dma source(%arg8 : memref<100x64xf32, #tpu.memory_space<vmem>>) target(%dma_start3A_59 : memref<100x64xf32, #tpu.memory_space<vmem_shared>>) target_semaphore(%run_scoped3A : memref<!tpu.dma_semaphore, #tpu.memory_space<semaphore_mem>>)
      %dma_wait3A_60 = arith.constant 0 : i32
      %dma_wait3A_61 = tpu.memref_slice %arg10[%add3A_14, %dma_wait3A_60] : memref<10240x64xf32, #tpu.memory_space<vmem_shared>> -> memref<100x64xf32, #tpu.memory_space<vmem_shared>>
      %dma_wait3A_62 = arith.constant 0 : i32
      %dma_wait3A_63 = tpu.memref_slice %arg10[%add3A_14, %dma_wait3A_62] : memref<10240x64xf32, #tpu.memory_space<vmem_shared>> -> memref<100x64xf32, #tpu.memory_space<vmem_shared>>
      tpu.wait_dma2 semaphore(%run_scoped3A : memref<!tpu.dma_semaphore, #tpu.memory_space<semaphore_mem>>) src(%arg8 : memref<100x64xf32, #tpu.memory_space<vmem>>) dst(%dma_wait3A_63 : memref<100x64xf32, #tpu.memory_space<vmem_shared>>)
      tpu.yield
    }) : () -> ()
    %add3A_15 = arith.constant 300 : i32
    %add3A_16 = arith.addi %mul3A_8, %add3A_15 : i32
    "tpu.region"() ({
      %run_scoped3A = tpu.sem_alloc : memref<!tpu.dma_semaphore, #tpu.memory_space<semaphore_mem>>
      %dma_start3A_56 = arith.constant 0 : i32
      %dma_start3A_57 = tpu.memref_slice %arg10[%add3A_16, %dma_start3A_56] : memref<10240x64xf32, #tpu.memory_space<vmem_shared>> -> memref<100x64xf32, #tpu.memory_space<vmem_shared>>
      %dma_start3A_58 = arith.constant 0 : i32
      %dma_start3A_59 = tpu.memref_slice %arg10[%add3A_16, %dma_start3A_58] : memref<10240x64xf32, #tpu.memory_space<vmem_shared>> -> memref<100x64xf32, #tpu.memory_space<vmem_shared>>
      tpu.enqueue_dma source(%arg8 : memref<100x64xf32, #tpu.memory_space<vmem>>) target(%dma_start3A_59 : memref<100x64xf32, #tpu.memory_space<vmem_shared>>) target_semaphore(%run_scoped3A : memref<!tpu.dma_semaphore, #tpu.memory_space<semaphore_mem>>)
      %dma_wait3A_60 = arith.constant 0 : i32
      %dma_wait3A_61 = tpu.memref_slice %arg10[%add3A_16, %dma_wait3A_60] : memref<10240x64xf32, #tpu.memory_space<vmem_shared>> -> memref<100x64xf32, #tpu.memory_space<vmem_shared>>
      %dma_wait3A_62 = arith.constant 0 : i32
      %dma_wait3A_63 = tpu.memref_slice %arg10[%add3A_16, %dma_wait3A_62] : memref<10240x64xf32, #tpu.memory_space<vmem_shared>> -> memref<100x64xf32, #tpu.memory_space<vmem_shared>>
      tpu.wait_dma2 semaphore(%run_scoped3A : memref<!tpu.dma_semaphore, #tpu.memory_space<semaphore_mem>>) src(%arg8 : memref<100x64xf32, #tpu.memory_space<vmem>>) dst(%dma_wait3A_63 : memref<100x64xf32, #tpu.memory_space<vmem_shared>>)
      tpu.yield
    }) : () -> ()
    %add3A_17 = arith.constant 400 : i32
    %add3A_18 = arith.addi %mul3A_8, %add3A_17 : i32
    "tpu.region"() ({
      %run_scoped3A = tpu.sem_alloc : memref<!tpu.dma_semaphore, #tpu.memory_space<semaphore_mem>>
      %dma_start3A_56 = arith.constant 0 : i32
      %dma_start3A_57 = tpu.memref_slice %arg10[%add3A_18, %dma_start3A_56] : memref<10240x64xf32, #tpu.memory_space<vmem_shared>> -> memref<100x64xf32, #tpu.memory_space<vmem_shared>>
      %dma_start3A_58 = arith.constant 0 : i32
      %dma_start3A_59 = tpu.memref_slice %arg10[%add3A_18, %dma_start3A_58] : memref<10240x64xf32, #tpu.memory_space<vmem_shared>> -> memref<100x64xf32, #tpu.memory_space<vmem_shared>>
      tpu.enqueue_dma source(%arg8 : memref<100x64xf32, #tpu.memory_space<vmem>>) target(%dma_start3A_59 : memref<100x64xf32, #tpu.memory_space<vmem_shared>>) target_semaphore(%run_scoped3A : memref<!tpu.dma_semaphore, #tpu.memory_space<semaphore_mem>>)
      %dma_wait3A_60 = arith.constant 0 : i32
      %dma_wait3A_61 = tpu.memref_slice %arg10[%add3A_18, %dma_wait3A_60] : memref<10240x64xf32, #tpu.memory_space<vmem_shared>> -> memref<100x64xf32, #tpu.memory_space<vmem_shared>>
      %dma_wait3A_62 = arith.constant 0 : i32
      %dma_wait3A_63 = tpu.memref_slice %arg10[%add3A_18, %dma_wait3A_62] : memref<10240x64xf32, #tpu.memory_space<vmem_shared>> -> memref<100x64xf32, #tpu.memory_space<vmem_shared>>
      tpu.wait_dma2 semaphore(%run_scoped3A : memref<!tpu.dma_semaphore, #tpu.memory_space<semaphore_mem>>) src(%arg8 : memref<100x64xf32, #tpu.memory_space<vmem>>) dst(%dma_wait3A_63 : memref<100x64xf32, #tpu.memory_space<vmem_shared>>)
      tpu.yield
    }) : () -> ()
    %add3A_19 = arith.constant 500 : i32
    %add3A_20 = arith.addi %mul3A_8, %add3A_19 : i32
    "tpu.region"() ({
      %run_scoped3A = tpu.sem_alloc : memref<!tpu.dma_semaphore, #tpu.memory_space<semaphore_mem>>
      %dma_start3A_56 = arith.constant 0 : i32
      %dma_start3A_57 = tpu.memref_slice %arg10[%add3A_20, %dma_start3A_56] : memref<10240x64xf32, #tpu.memory_space<vmem_shared>> -> memref<100x64xf32, #tpu.memory_space<vmem_shared>>
      %dma_start3A_58 = arith.constant 0 : i32
      %dma_start3A_59 = tpu.memref_slice %arg10[%add3A_20, %dma_start3A_58] : memref<10240x64xf32, #tpu.memory_space<vmem_shared>> -> memref<100x64xf32, #tpu.memory_space<vmem_shared>>
      tpu.enqueue_dma source(%arg8 : memref<100x64xf32, #tpu.memory_space<vmem>>) target(%dma_start3A_59 : memref<100x64xf32, #tpu.memory_space<vmem_shared>>) target_semaphore(%run_scoped3A : memref<!tpu.dma_semaphore, #tpu.memory_space<semaphore_mem>>)
      %dma_wait3A_60 = arith.constant 0 : i32
      %dma_wait3A_61 = tpu.memref_slice %arg10[%add3A_20, %dma_wait3A_60] : memref<10240x64xf32, #tpu.memory_space<vmem_shared>> -> memref<100x64xf32, #tpu.memory_space<vmem_shared>>
      %dma_wait3A_62 = arith.constant 0 : i32
      %dma_wait3A_63 = tpu.memref_slice %arg10[%add3A_20, %dma_wait3A_62] : memref<10240x64xf32, #tpu.memory_space<vmem_shared>> -> memref<100x64xf32, #tpu.memory_space<vmem_shared>>
      tpu.wait_dma2 semaphore(%run_scoped3A : memref<!tpu.dma_semaphore, #tpu.memory_space<semaphore_mem>>) src(%arg8 : memref<100x64xf32, #tpu.memory_space<vmem>>) dst(%dma_wait3A_63 : memref<100x64xf32, #tpu.memory_space<vmem_shared>>)
      tpu.yield
    }) : () -> ()
    %add3A_21 = arith.constant 600 : i32
    %add3A_22 = arith.addi %mul3A_8, %add3A_21 : i32
    "tpu.region"() ({
      %run_scoped3A = tpu.sem_alloc : memref<!tpu.dma_semaphore, #tpu.memory_space<semaphore_mem>>
      %dma_start3A_56 = arith.constant 0 : i32
      %dma_start3A_57 = arith.constant 0 : i32
      %dma_start3A_58 = tpu.memref_slice %arg8[%dma_start3A_56, %dma_start3A_57] : memref<100x64xf32, #tpu.memory_space<vmem>> -> memref<40x64xf32, #tpu.memory_space<vmem>>
      %dma_start3A_59 = arith.constant 0 : i32
      %dma_start3A_60 = tpu.memref_slice %arg10[%add3A_22, %dma_start3A_59] : memref<10240x64xf32, #tpu.memory_space<vmem_shared>> -> memref<40x64xf32, #tpu.memory_space<vmem_shared>>
      %dma_start3A_61 = arith.constant 0 : i32
      %dma_start3A_62 = tpu.memref_slice %arg10[%add3A_22, %dma_start3A_61] : memref<10240x64xf32, #tpu.memory_space<vmem_shared>> -> memref<40x64xf32, #tpu.memory_space<vmem_shared>>
      %dma_start3A_63 = arith.constant 0 : i32
      %dma_start3A_64 = arith.constant 0 : i32
      %dma_start3A_65 = tpu.memref_slice %arg8[%dma_start3A_63, %dma_start3A_64] : memref<100x64xf32, #tpu.memory_space<vmem>> -> memref<40x64xf32, #tpu.memory_space<vmem>>
      tpu.enqueue_dma source(%dma_start3A_65 : memref<40x64xf32, #tpu.memory_space<vmem>>) target(%dma_start3A_62 : memref<40x64xf32, #tpu.memory_space<vmem_shared>>) target_semaphore(%run_scoped3A : memref<!tpu.dma_semaphore, #tpu.memory_space<semaphore_mem>>)
      %dma_wait3A_66 = arith.constant 0 : i32
      %dma_wait3A_67 = arith.constant 0 : i32
      %dma_wait3A_68 = tpu.memref_slice %arg8[%dma_wait3A_66, %dma_wait3A_67] : memref<100x64xf32, #tpu.memory_space<vmem>> -> memref<40x64xf32, #tpu.memory_space<vmem>>
      %dma_wait3A_69 = arith.constant 0 : i32
      %dma_wait3A_70 = tpu.memref_slice %arg10[%add3A_22, %dma_wait3A_69] : memref<10240x64xf32, #tpu.memory_space<vmem_shared>> -> memref<40x64xf32, #tpu.memory_space<vmem_shared>>
      %dma_wait3A_71 = arith.constant 0 : i32
      %dma_wait3A_72 = tpu.memref_slice %arg10[%add3A_22, %dma_wait3A_71] : memref<10240x64xf32, #tpu.memory_space<vmem_shared>> -> memref<40x64xf32, #tpu.memory_space<vmem_shared>>
      %dma_wait3A_73 = arith.constant 0 : i32
      %dma_wait3A_74 = arith.constant 0 : i32
      %dma_wait3A_75 = tpu.memref_slice %arg8[%dma_wait3A_73, %dma_wait3A_74] : memref<100x64xf32, #tpu.memory_space<vmem>> -> memref<40x64xf32, #tpu.memory_space<vmem>>
      tpu.wait_dma2 semaphore(%run_scoped3A : memref<!tpu.dma_semaphore, #tpu.memory_space<semaphore_mem>>) src(%dma_wait3A_75 : memref<40x64xf32, #tpu.memory_space<vmem>>) dst(%dma_wait3A_72 : memref<40x64xf32, #tpu.memory_space<vmem_shared>>)
      tpu.yield
    }) : () -> ()
    %barrier3A = arith.constant 0 : index
    tpu.barrier barrier_id(%barrier3A)
    %dma_start3A = arith.constant 0 : i32
    %dma_start3A_23 = arith.constant 0 : i32
    %dma_start3A_24 = tpu.memref_slice %arg6[%dma_start3A, %dma_start3A_23] : memref<100x100xi32, #tpu.memory_space<vmem>> -> memref<1x100xi32, #tpu.memory_space<vmem>>
    %dma_start3A_25 = tpu.memref_squeeze %dma_start3A_24 : memref<1x100xi32, #tpu.memory_space<vmem>> -> memref<100xi32, #tpu.memory_space<vmem>>
    %dma_start3A_26 = arith.constant 0 : i32
    %dma_start3A_27 = arith.constant 0 : i32
    %dma_start3A_28 = tpu.memref_slice %arg2[%dma_start3A_26, %dma_start3A_27] : memref<10000x64xf32, #tpu.memory_space<hbm>> -> memref<10000x64xf32, #tpu.memory_space<hbm>>
    tpu.enqueue_indirect_dma source(%dma_start3A_28 : memref<10000x64xf32, #tpu.memory_space<hbm>>) target(%arg8 : memref<100x64xf32, #tpu.memory_space<vmem>>) offsets(%dma_start3A_25 : memref<100xi32, #tpu.memory_space<vmem>>) semaphore(%arg11 : memref<!tpu.dma_semaphore, #tpu.memory_space<semaphore_mem>>)
    %dma_start3A_29 = arith.constant 1 : i32
    %dma_start3A_30 = arith.constant 0 : i32
    %dma_start3A_31 = tpu.memref_slice %arg6[%dma_start3A_29, %dma_start3A_30] : memref<100x100xi32, #tpu.memory_space<vmem>> -> memref<1x100xi32, #tpu.memory_space<vmem>>
    %dma_start3A_32 = tpu.memref_squeeze %dma_start3A_31 : memref<1x100xi32, #tpu.memory_space<vmem>> -> memref<100xi32, #tpu.memory_space<vmem>>
    %dma_start3A_33 = arith.constant 0 : i32
    %dma_start3A_34 = arith.constant 0 : i32
    %dma_start3A_35 = tpu.memref_slice %arg2[%dma_start3A_33, %dma_start3A_34] : memref<10000x64xf32, #tpu.memory_space<hbm>> -> memref<10000x64xf32, #tpu.memory_space<hbm>>
    tpu.enqueue_indirect_dma source(%dma_start3A_35 : memref<10000x64xf32, #tpu.memory_space<hbm>>) target(%arg9 : memref<100x64xf32, #tpu.memory_space<vmem>>) offsets(%dma_start3A_32 : memref<100xi32, #tpu.memory_space<vmem>>) semaphore(%arg12 : memref<!tpu.dma_semaphore, #tpu.memory_space<semaphore_mem>>)
    %scan3A_36 = arith.constant 0 : i32
    %scan3A_37 = arith.constant 0 : i32
    %scan3A_38 = arith.constant 50 : i32
    %scan3A_39 = arith.addi %scan3A_37, %scan3A_38 : i32
    %scan3A_40 = arith.constant 1 : i32
    scf.for %scan3A_56 = %scan3A_37 to %scan3A_39 step %scan3A_40  : i32 {
      %mul3A_57 = arith.constant 2 : i32
      %mul3A_58 = arith.muli %mul3A_57, %scan3A_56 : i32
      %mul3A_59 = arith.constant 2 : i32
      %mul3A_60 = arith.muli %mul3A_59, %scan3A_56 : i32
      %add3A_61 = arith.constant 1 : i32
      %add3A_62 = arith.addi %mul3A_60, %add3A_61 : i32
      %dma_wait3A_63 = arith.constant 0 : i32
      %dma_wait3A_64 = tpu.memref_slice %arg6[%mul3A_58, %dma_wait3A_63] : memref<100x100xi32, #tpu.memory_space<vmem>> -> memref<1x100xi32, #tpu.memory_space<vmem>>
      %dma_wait3A_65 = tpu.memref_squeeze %dma_wait3A_64 : memref<1x100xi32, #tpu.memory_space<vmem>> -> memref<100xi32, #tpu.memory_space<vmem>>
      %dma_wait3A_66 = arith.constant 0 : i32
      %dma_wait3A_67 = arith.constant 0 : i32
      %dma_wait3A_68 = tpu.memref_slice %arg2[%dma_wait3A_66, %dma_wait3A_67] : memref<10000x64xf32, #tpu.memory_space<hbm>> -> memref<10000x64xf32, #tpu.memory_space<hbm>>
      tpu.wait_indirect_dma semaphore(%arg11 : memref<!tpu.dma_semaphore, #tpu.memory_space<semaphore_mem>>) src(%dma_wait3A_68 : memref<10000x64xf32, #tpu.memory_space<hbm>>) dst(%arg8 : memref<100x64xf32, #tpu.memory_space<vmem>>)
      %dma_start3A_69 = arith.constant 0 : i32
      %dma_start3A_70 = tpu.memref_slice %arg7[%mul3A_58, %dma_start3A_69] : memref<100x100xi32, #tpu.memory_space<vmem>> -> memref<1x100xi32, #tpu.memory_space<vmem>>
      %dma_start3A_71 = tpu.memref_squeeze %dma_start3A_70 : memref<1x100xi32, #tpu.memory_space<vmem>> -> memref<100xi32, #tpu.memory_space<vmem>>
      %dma_start3A_72 = arith.constant 0 : i32
      %dma_start3A_73 = arith.constant 0 : i32
      %dma_start3A_74 = tpu.memref_slice %arg10[%dma_start3A_72, %dma_start3A_73] : memref<10240x64xf32, #tpu.memory_space<vmem_shared>> -> memref<10240x64xf32, #tpu.memory_space<vmem_shared>>
      tpu.enqueue_indirect_dma source(%arg8 : memref<100x64xf32, #tpu.memory_space<vmem>>) target(%dma_start3A_74 : memref<10240x64xf32, #tpu.memory_space<vmem_shared>>) offsets(%dma_start3A_71 : memref<100xi32, #tpu.memory_space<vmem>>) semaphore(%arg13 : memref<!tpu.dma_semaphore, #tpu.memory_space<semaphore_mem>>) {add = true}
      %dma_wait3A_75 = arith.constant 0 : i32
      %dma_wait3A_76 = tpu.memref_slice %arg6[%add3A_62, %dma_wait3A_75] : memref<100x100xi32, #tpu.memory_space<vmem>> -> memref<1x100xi32, #tpu.memory_space<vmem>>
      %dma_wait3A_77 = tpu.memref_squeeze %dma_wait3A_76 : memref<1x100xi32, #tpu.memory_space<vmem>> -> memref<100xi32, #tpu.memory_space<vmem>>
      %dma_wait3A_78 = arith.constant 0 : i32
      %dma_wait3A_79 = arith.constant 0 : i32
      %dma_wait3A_80 = tpu.memref_slice %arg2[%dma_wait3A_78, %dma_wait3A_79] : memref<10000x64xf32, #tpu.memory_space<hbm>> -> memref<10000x64xf32, #tpu.memory_space<hbm>>
      tpu.wait_indirect_dma semaphore(%arg12 : memref<!tpu.dma_semaphore, #tpu.memory_space<semaphore_mem>>) src(%dma_wait3A_80 : memref<10000x64xf32, #tpu.memory_space<hbm>>) dst(%arg9 : memref<100x64xf32, #tpu.memory_space<vmem>>)
      %dma_start3A_81 = arith.constant 0 : i32
      %dma_start3A_82 = tpu.memref_slice %arg7[%add3A_62, %dma_start3A_81] : memref<100x100xi32, #tpu.memory_space<vmem>> -> memref<1x100xi32, #tpu.memory_space<vmem>>
      %dma_start3A_83 = tpu.memref_squeeze %dma_start3A_82 : memref<1x100xi32, #tpu.memory_space<vmem>> -> memref<100xi32, #tpu.memory_space<vmem>>
      %dma_start3A_84 = arith.constant 0 : i32
      %dma_start3A_85 = arith.constant 0 : i32
      %dma_start3A_86 = tpu.memref_slice %arg10[%dma_start3A_84, %dma_start3A_85] : memref<10240x64xf32, #tpu.memory_space<vmem_shared>> -> memref<10240x64xf32, #tpu.memory_space<vmem_shared>>
      tpu.enqueue_indirect_dma source(%arg9 : memref<100x64xf32, #tpu.memory_space<vmem>>) target(%dma_start3A_86 : memref<10240x64xf32, #tpu.memory_space<vmem_shared>>) offsets(%dma_start3A_83 : memref<100xi32, #tpu.memory_space<vmem>>) semaphore(%arg14 : memref<!tpu.dma_semaphore, #tpu.memory_space<semaphore_mem>>) {add = true}
      %lt3A = arith.constant 49 : i32
      %lt3A_87 = arith.cmpi slt, %scan3A_56, %lt3A : i32
      %convert_element_type3A = arith.extui %lt3A_87 : i1 to i32
      %cond3A = arith.constant 0 : i32
      %cond3A_88 = arith.cmpi ne, %convert_element_type3A, %cond3A : i32
      scf.if %cond3A_88 {
        %dma_wait3A_89 = arith.constant 0 : i32
        %dma_wait3A_90 = tpu.memref_slice %arg6[%mul3A_58, %dma_wait3A_89] : memref<100x100xi32, #tpu.memory_space<vmem>> -> memref<1x100xi32, #tpu.memory_space<vmem>>
        %dma_wait3A_91 = tpu.memref_squeeze %dma_wait3A_90 : memref<1x100xi32, #tpu.memory_space<vmem>> -> memref<100xi32, #tpu.memory_space<vmem>>
        %dma_wait3A_92 = arith.constant 0 : i32
        %dma_wait3A_93 = arith.constant 0 : i32
        %dma_wait3A_94 = tpu.memref_slice %arg2[%dma_wait3A_92, %dma_wait3A_93] : memref<10000x64xf32, #tpu.memory_space<hbm>> -> memref<10000x64xf32, #tpu.memory_space<hbm>>
        tpu.wait_indirect_dma semaphore(%arg13 : memref<!tpu.dma_semaphore, #tpu.memory_space<semaphore_mem>>) src(%dma_wait3A_94 : memref<10000x64xf32, #tpu.memory_space<hbm>>) dst(%arg8 : memref<100x64xf32, #tpu.memory_space<vmem>>)
        %add3A_95 = arith.constant 2 : i32
        %add3A_96 = arith.addi %mul3A_58, %add3A_95 : i32
        %dma_start3A_97 = arith.constant 0 : i32
        %dma_start3A_98 = tpu.memref_slice %arg6[%add3A_96, %dma_start3A_97] : memref<100x100xi32, #tpu.memory_space<vmem>> -> memref<1x100xi32, #tpu.memory_space<vmem>>
        %dma_start3A_99 = tpu.memref_squeeze %dma_start3A_98 : memref<1x100xi32, #tpu.memory_space<vmem>> -> memref<100xi32, #tpu.memory_space<vmem>>
        %dma_start3A_100 = arith.constant 0 : i32
        %dma_start3A_101 = arith.constant 0 : i32
        %dma_start3A_102 = tpu.memref_slice %arg2[%dma_start3A_100, %dma_start3A_101] : memref<10000x64xf32, #tpu.memory_space<hbm>> -> memref<10000x64xf32, #tpu.memory_space<hbm>>
        tpu.enqueue_indirect_dma source(%dma_start3A_102 : memref<10000x64xf32, #tpu.memory_space<hbm>>) target(%arg8 : memref<100x64xf32, #tpu.memory_space<vmem>>) offsets(%dma_start3A_99 : memref<100xi32, #tpu.memory_space<vmem>>) semaphore(%arg11 : memref<!tpu.dma_semaphore, #tpu.memory_space<semaphore_mem>>)
        %dma_wait3A_103 = arith.constant 0 : i32
        %dma_wait3A_104 = tpu.memref_slice %arg6[%add3A_62, %dma_wait3A_103] : memref<100x100xi32, #tpu.memory_space<vmem>> -> memref<1x100xi32, #tpu.memory_space<vmem>>
        %dma_wait3A_105 = tpu.memref_squeeze %dma_wait3A_104 : memref<1x100xi32, #tpu.memory_space<vmem>> -> memref<100xi32, #tpu.memory_space<vmem>>
        %dma_wait3A_106 = arith.constant 0 : i32
        %dma_wait3A_107 = arith.constant 0 : i32
        %dma_wait3A_108 = tpu.memref_slice %arg2[%dma_wait3A_106, %dma_wait3A_107] : memref<10000x64xf32, #tpu.memory_space<hbm>> -> memref<10000x64xf32, #tpu.memory_space<hbm>>
        tpu.wait_indirect_dma semaphore(%arg14 : memref<!tpu.dma_semaphore, #tpu.memory_space<semaphore_mem>>) src(%dma_wait3A_108 : memref<10000x64xf32, #tpu.memory_space<hbm>>) dst(%arg9 : memref<100x64xf32, #tpu.memory_space<vmem>>)
        %add3A_109 = arith.constant 2 : i32
        %add3A_110 = arith.addi %add3A_62, %add3A_109 : i32
        %dma_start3A_111 = arith.constant 0 : i32
        %dma_start3A_112 = tpu.memref_slice %arg6[%add3A_110, %dma_start3A_111] : memref<100x100xi32, #tpu.memory_space<vmem>> -> memref<1x100xi32, #tpu.memory_space<vmem>>
        %dma_start3A_113 = tpu.memref_squeeze %dma_start3A_112 : memref<1x100xi32, #tpu.memory_space<vmem>> -> memref<100xi32, #tpu.memory_space<vmem>>
        %dma_start3A_114 = arith.constant 0 : i32
        %dma_start3A_115 = arith.constant 0 : i32
        %dma_start3A_116 = tpu.memref_slice %arg2[%dma_start3A_114, %dma_start3A_115] : memref<10000x64xf32, #tpu.memory_space<hbm>> -> memref<10000x64xf32, #tpu.memory_space<hbm>>
        tpu.enqueue_indirect_dma source(%dma_start3A_116 : memref<10000x64xf32, #tpu.memory_space<hbm>>) target(%arg9 : memref<100x64xf32, #tpu.memory_space<vmem>>) offsets(%dma_start3A_113 : memref<100xi32, #tpu.memory_space<vmem>>) semaphore(%arg12 : memref<!tpu.dma_semaphore, #tpu.memory_space<semaphore_mem>>)
      } else {
      }
    }
    %scan3A_41 = arith.constant 50 : i32
    %dma_wait3A = arith.constant 0 : i32
    %dma_wait3A_42 = arith.constant 0 : i32
    %dma_wait3A_43 = tpu.memref_slice %arg6[%dma_wait3A, %dma_wait3A_42] : memref<100x100xi32, #tpu.memory_space<vmem>> -> memref<1x100xi32, #tpu.memory_space<vmem>>
    %dma_wait3A_44 = tpu.memref_squeeze %dma_wait3A_43 : memref<1x100xi32, #tpu.memory_space<vmem>> -> memref<100xi32, #tpu.memory_space<vmem>>
    %dma_wait3A_45 = arith.constant 0 : i32
    %dma_wait3A_46 = arith.constant 0 : i32
    %dma_wait3A_47 = tpu.memref_slice %arg2[%dma_wait3A_45, %dma_wait3A_46] : memref<10000x64xf32, #tpu.memory_space<hbm>> -> memref<10000x64xf32, #tpu.memory_space<hbm>>
    tpu.wait_indirect_dma semaphore(%arg13 : memref<!tpu.dma_semaphore, #tpu.memory_space<semaphore_mem>>) src(%dma_wait3A_47 : memref<10000x64xf32, #tpu.memory_space<hbm>>) dst(%arg8 : memref<100x64xf32, #tpu.memory_space<vmem>>)
    %dma_wait3A_48 = arith.constant 1 : i32
    %dma_wait3A_49 = arith.constant 0 : i32
    %dma_wait3A_50 = tpu.memref_slice %arg6[%dma_wait3A_48, %dma_wait3A_49] : memref<100x100xi32, #tpu.memory_space<vmem>> -> memref<1x100xi32, #tpu.memory_space<vmem>>
    %dma_wait3A_51 = tpu.memref_squeeze %dma_wait3A_50 : memref<1x100xi32, #tpu.memory_space<vmem>> -> memref<100xi32, #tpu.memory_space<vmem>>
    %dma_wait3A_52 = arith.constant 0 : i32
    %dma_wait3A_53 = arith.constant 0 : i32
    %dma_wait3A_54 = tpu.memref_slice %arg2[%dma_wait3A_52, %dma_wait3A_53] : memref<10000x64xf32, #tpu.memory_space<hbm>> -> memref<10000x64xf32, #tpu.memory_space<hbm>>
    tpu.wait_indirect_dma semaphore(%arg14 : memref<!tpu.dma_semaphore, #tpu.memory_space<semaphore_mem>>) src(%dma_wait3A_54 : memref<10000x64xf32, #tpu.memory_space<hbm>>) dst(%arg9 : memref<100x64xf32, #tpu.memory_space<vmem>>)
    %barrier3A_55 = arith.constant 0 : index
    tpu.barrier barrier_id(%barrier3A_55)
    "tpu.region"() ({
      %run_scoped3A = tpu.sem_alloc : memref<!tpu.dma_semaphore, #tpu.memory_space<semaphore_mem>>
      %dma_start3A_56 = arith.constant 0 : i32
      %dma_start3A_57 = tpu.memref_slice %arg5[%arg0, %mul3A_8, %dma_start3A_56] : memref<2x10240x64xf32, #tpu.memory_space<hbm>> -> memref<1x640x64xf32, #tpu.memory_space<hbm>>
      %dma_start3A_58 = tpu.memref_squeeze %dma_start3A_57 : memref<1x640x64xf32, #tpu.memory_space<hbm>> -> memref<640x64xf32, #tpu.memory_space<hbm>>
      %dma_start3A_59 = arith.constant 0 : i32
      %dma_start3A_60 = tpu.memref_slice %arg10[%mul3A_8, %dma_start3A_59] : memref<10240x64xf32, #tpu.memory_space<vmem_shared>> -> memref<640x64xf32, #tpu.memory_space<vmem_shared>>
      tpu.enqueue_dma source(%dma_start3A_60 : memref<640x64xf32, #tpu.memory_space<vmem_shared>>) target(%dma_start3A_58 : memref<640x64xf32, #tpu.memory_space<hbm>>) target_semaphore(%run_scoped3A : memref<!tpu.dma_semaphore, #tpu.memory_space<semaphore_mem>>)
      %dma_wait3A_61 = arith.constant 0 : i32
      %dma_wait3A_62 = tpu.memref_slice %arg5[%arg0, %mul3A_8, %dma_wait3A_61] : memref<2x10240x64xf32, #tpu.memory_space<hbm>> -> memref<1x640x64xf32, #tpu.memory_space<hbm>>
      %dma_wait3A_63 = tpu.memref_squeeze %dma_wait3A_62 : memref<1x640x64xf32, #tpu.memory_space<hbm>> -> memref<640x64xf32, #tpu.memory_space<hbm>>
      %dma_wait3A_64 = arith.constant 0 : i32
      %dma_wait3A_65 = tpu.memref_slice %arg10[%mul3A_8, %dma_wait3A_64] : memref<10240x64xf32, #tpu.memory_space<vmem_shared>> -> memref<640x64xf32, #tpu.memory_space<vmem_shared>>
      tpu.wait_dma2 semaphore(%run_scoped3A : memref<!tpu.dma_semaphore, #tpu.memory_space<semaphore_mem>>) src(%dma_wait3A_65 : memref<640x64xf32, #tpu.memory_space<vmem_shared>>) dst(%dma_wait3A_63 : memref<640x64xf32, #tpu.memory_space<hbm>>)
      tpu.yield
    }) : () -> ()
    return
  }
}

module attributes {stable_mosaic.version = 14 : i64} {
  func.func @body(%arg0: i32, %arg1: memref<1000x128xf32, #tpu.memory_space<vmem>>, %arg2: memref<128x128xf32, #tpu.memory_space<vmem>>, %arg3: memref<1000x128xf32, #tpu.memory_space<vmem>>) attributes {dimension_semantics = [#tpu.dimension_semantics<arbitrary>], iteration_bounds = array<i64: 10>, scalar_prefetch = 0 : i64, scratch_operands = 0 : i64, tpu.core_type = #tpu.core_type<tc>, window_params = [{transform_indices = @transform_0, window_bounds = array<i64: 1000, 128>}, {pipeline_mode = #tpu.pipeline_mode<synchronous>, transform_indices = @transform_1, window_bounds = array<i64: 128, 128>}, {transform_indices = @transform_2, window_bounds = array<i64: 1000, 128>}]} {
    %get3A = arith.constant 0 : index
    %get3A_0 = arith.constant 0 : index
    %get3A_1 = vector.load %arg1[%get3A, %get3A_0] : memref<1000x128xf32, #tpu.memory_space<vmem>>, vector<1000x128xf32>
    %get3A_2 = arith.constant 0 : index
    %get3A_3 = arith.constant 0 : index
    %get3A_4 = vector.load %arg2[%get3A_2, %get3A_3] : memref<128x128xf32, #tpu.memory_space<vmem>>, vector<128x128xf32>
    %dot_general3A = arith.constant dense<0.000000e+00> : vector<1000x128xf32>
    %dot_general3A_5 = tpu.matmul %get3A_1, %get3A_4, %dot_general3A {dimension_numbers = #tpu.dot_dimension_numbers<[1], [1], [0], [0], [0, 0, 1, 0], [], []>, transpose_lhs_hint = false} : vector<1000x128xf32>, vector<128x128xf32>, vector<1000x128xf32> -> vector<1000x128xf32>
    %swap3A = arith.constant 0 : index
    %swap3A_6 = arith.constant 0 : index
    %swap3A_7 = vector.load %arg3[%swap3A, %swap3A_6] : memref<1000x128xf32, #tpu.memory_space<vmem>>, vector<1000x128xf32>
    tpu.vector_store %arg3[%swap3A, %swap3A_6], %dot_general3A_5 {strides = array<i32>} : memref<1000x128xf32, #tpu.memory_space<vmem>>, vector<1000x128xf32>,
    return
  }
  func.func @transform_0(%arg0: i32) -> (i32, i32) {
    %c0_i32 = arith.constant 0 : i32
    %c0_i32_0 = arith.constant 0 : i32
    return %arg0, %c0_i32 : i32, i32
  }
  func.func @transform_1(%arg0: i32) -> (i32, i32) {
    %c0_i32 = arith.constant 0 : i32
    %c0_i32_0 = arith.constant 0 : i32
    %c0_i32_1 = arith.constant 0 : i32
    return %c0_i32, %c0_i32_0 : i32, i32
  }
  func.func @transform_2(%arg0: i32) -> (i32, i32) {
    %c0_i32 = arith.constant 0 : i32
    %c0_i32_0 = arith.constant 0 : i32
    return %arg0, %c0_i32 : i32, i32
  }
}

module attributes {stable_mosaic.version = 14 : i64} {
  func.func @body(%arg0: i32, %arg1: memref<1000x128xf32, #tpu.memory_space<vmem>>, %arg2: memref<1000x128xf32, #tpu.memory_space<vmem>>, %arg3: memref<1000x1xf32, #tpu.memory_space<vmem>>, %arg4: memref<1000x1xf32, #tpu.memory_space<vmem>>, %arg5: memref<1000x128xf32, #tpu.memory_space<vmem>>) attributes {dimension_semantics = [#tpu.dimension_semantics<arbitrary>], iteration_bounds = array<i64: 10>, scalar_prefetch = 0 : i64, scratch_operands = 0 : i64, tpu.core_type = #tpu.core_type<tc>, window_params = [{transform_indices = @transform_0, window_bounds = array<i64: 1000, 128>}, {transform_indices = @transform_1, window_bounds = array<i64: 1000, 128>}, {transform_indices = @transform_2, window_bounds = array<i64: 1000, 1>}, {transform_indices = @transform_3, window_bounds = array<i64: 1000, 1>}, {transform_indices = @transform_4, window_bounds = array<i64: 1000, 128>}]} {
    %get3A = arith.constant 0 : index
    %get3A_0 = arith.constant 0 : index
    %get3A_1 = vector.load %arg3[%get3A, %get3A_0] : memref<1000x1xf32, #tpu.memory_space<vmem>>, vector<1000x1xf32>
    %get3A_2 = arith.constant 0 : index
    %get3A_3 = arith.constant 0 : index
    %get3A_4 = vector.load %arg4[%get3A_2, %get3A_3] : memref<1000x1xf32, #tpu.memory_space<vmem>>, vector<1000x1xf32>
    %add3A = arith.addf %get3A_1, %get3A_4 : vector<1000x1xf32>
    %gt3A = arith.constant 0.000000e+00 : f32
    %gt3A_5 = vector.broadcast %gt3A : f32 to vector<1000x1xf32>
    %gt3A_6 = arith.cmpf ogt, %add3A, %gt3A_5 : vector<1000x1xf32>
    %div3A = arith.constant 1.000000e+00 : f32
    %div3A_7 = vector.broadcast %div3A : f32 to vector<1000x1xf32>
    %div3A_8 = arith.divf %div3A_7, %add3A : vector<1000x1xf32>
    %jit3A = arith.constant 0.000000e+00 : f32
    %broadcast_in_dim3A = vector.broadcast %jit3A : f32 to vector<1000x1xf32>
    %select_n3A = arith.select %gt3A_6, %div3A_8, %broadcast_in_dim3A : vector<1000x1xi1>, vector<1000x1xf32>
    %get3A_9 = arith.constant 0 : index
    %get3A_10 = arith.constant 0 : index
    %get3A_11 = vector.load %arg1[%get3A_9, %get3A_10] : memref<1000x128xf32, #tpu.memory_space<vmem>>, vector<1000x128xf32>
    %get3A_12 = arith.constant 0 : index
    %get3A_13 = arith.constant 0 : index
    %get3A_14 = vector.load %arg2[%get3A_12, %get3A_13] : memref<1000x128xf32, #tpu.memory_space<vmem>>, vector<1000x128xf32>
    %add3A_15 = arith.addf %get3A_11, %get3A_14 : vector<1000x128xf32>
    %mul3A = vector.broadcast %select_n3A : vector<1000x1xf32> to vector<1000x128xf32>
    %mul3A_16 = arith.mulf %add3A_15, %mul3A : vector<1000x128xf32>
    %swap3A = arith.constant 0 : index
    %swap3A_17 = arith.constant 0 : index
    %swap3A_18 = vector.load %arg5[%swap3A, %swap3A_17] : memref<1000x128xf32, #tpu.memory_space<vmem>>, vector<1000x128xf32>
    tpu.vector_store %arg5[%swap3A, %swap3A_17], %mul3A_16 {strides = array<i32>} : memref<1000x128xf32, #tpu.memory_space<vmem>>, vector<1000x128xf32>,
    return
  }
  func.func @transform_0(%arg0: i32) -> (i32, i32) {
    %c0_i32 = arith.constant 0 : i32
    %c0_i32_0 = arith.constant 0 : i32
    return %arg0, %c0_i32 : i32, i32
  }
  func.func @transform_1(%arg0: i32) -> (i32, i32) {
    %c0_i32 = arith.constant 0 : i32
    %c0_i32_0 = arith.constant 0 : i32
    return %arg0, %c0_i32 : i32, i32
  }
  func.func @transform_2(%arg0: i32) -> (i32, i32) {
    %c0_i32 = arith.constant 0 : i32
    %c0_i32_0 = arith.constant 0 : i32
    return %arg0, %c0_i32 : i32, i32
  }
  func.func @transform_3(%arg0: i32) -> (i32, i32) {
    %c0_i32 = arith.constant 0 : i32
    %c0_i32_0 = arith.constant 0 : i32
    return %arg0, %c0_i32 : i32, i32
  }
  func.func @transform_4(%arg0: i32) -> (i32, i32) {
    %c0_i32 = arith.constant 0 : i32
    %c0_i32_0 = arith.constant 0 : i32
    return %arg0, %c0_i32 : i32, i32
  }
}

module attributes {stable_mosaic.version = 14 : i64} {
  func.func @body(%arg0: i32, %arg1: memref<1000x128xf32, #tpu.memory_space<vmem>>, %arg2: memref<1000x128xf32, #tpu.memory_space<vmem>>, %arg3: memref<1000x1xf32, #tpu.memory_space<vmem>>, %arg4: memref<1000x1xf32, #tpu.memory_space<vmem>>, %arg5: memref<1x128xf32, #tpu.memory_space<vmem>>, %arg6: memref<64x128xf32, #tpu.memory_space<vmem>>, %arg7: memref<1000x64xf32, #tpu.memory_space<vmem>>) attributes {dimension_semantics = [#tpu.dimension_semantics<arbitrary>], iteration_bounds = array<i64: 10>, scalar_prefetch = 0 : i64, scratch_operands = 0 : i64, tpu.core_type = #tpu.core_type<tc>, window_params = [{transform_indices = @transform_0, window_bounds = array<i64: 1000, 128>}, {transform_indices = @transform_1, window_bounds = array<i64: 1000, 128>}, {transform_indices = @transform_2, window_bounds = array<i64: 1000, 1>}, {transform_indices = @transform_3, window_bounds = array<i64: 1000, 1>}, {pipeline_mode = #tpu.pipeline_mode<synchronous>, transform_indices = @transform_4, window_bounds = array<i64: 1, 128>}, {pipeline_mode = #tpu.pipeline_mode<synchronous>, transform_indices = @transform_5, window_bounds = array<i64: 64, 128>}, {transform_indices = @transform_6, window_bounds = array<i64: 1000, 64>}]} {
    %get3A = arith.constant 0 : index
    %get3A_0 = arith.constant 0 : index
    %get3A_1 = vector.load %arg3[%get3A, %get3A_0] : memref<1000x1xf32, #tpu.memory_space<vmem>>, vector<1000x1xf32>
    %get3A_2 = arith.constant 0 : index
    %get3A_3 = arith.constant 0 : index
    %get3A_4 = vector.load %arg4[%get3A_2, %get3A_3] : memref<1000x1xf32, #tpu.memory_space<vmem>>, vector<1000x1xf32>
    %add3A = arith.addf %get3A_1, %get3A_4 : vector<1000x1xf32>
    %gt3A = arith.constant 0.000000e+00 : f32
    %gt3A_5 = vector.broadcast %gt3A : f32 to vector<1000x1xf32>
    %gt3A_6 = arith.cmpf ogt, %add3A, %gt3A_5 : vector<1000x1xf32>
    %div3A = arith.constant 1.000000e+00 : f32
    %div3A_7 = vector.broadcast %div3A : f32 to vector<1000x1xf32>
    %div3A_8 = arith.divf %div3A_7, %add3A : vector<1000x1xf32>
    %jit3A = arith.constant 0.000000e+00 : f32
    %broadcast_in_dim3A = vector.broadcast %jit3A : f32 to vector<1000x1xf32>
    %select_n3A = arith.select %gt3A_6, %div3A_8, %broadcast_in_dim3A : vector<1000x1xi1>, vector<1000x1xf32>
    %get3A_9 = arith.constant 0 : index
    %get3A_10 = arith.constant 0 : index
    %get3A_11 = vector.load %arg1[%get3A_9, %get3A_10] : memref<1000x128xf32, #tpu.memory_space<vmem>>, vector<1000x128xf32>
    %get3A_12 = arith.constant 0 : index
    %get3A_13 = arith.constant 0 : index
    %get3A_14 = vector.load %arg2[%get3A_12, %get3A_13] : memref<1000x128xf32, #tpu.memory_space<vmem>>, vector<1000x128xf32>
    %add3A_15 = arith.addf %get3A_11, %get3A_14 : vector<1000x128xf32>
    %mul3A = vector.broadcast %select_n3A : vector<1000x1xf32> to vector<1000x128xf32>
    %mul3A_16 = arith.mulf %add3A_15, %mul3A : vector<1000x128xf32>
    %get3A_17 = arith.constant 0 : index
    %get3A_18 = arith.constant 0 : index
    %get3A_19 = vector.load %arg5[%get3A_17, %get3A_18] : memref<1x128xf32, #tpu.memory_space<vmem>>, vector<1x128xf32>
    %add3A_20 = vector.broadcast %get3A_19 : vector<1x128xf32> to vector<1000x128xf32>
    %add3A_21 = arith.addf %mul3A_16, %add3A_20 : vector<1000x128xf32>
    %max3A = arith.constant 0.000000e+00 : f32
    %max3A_22 = vector.broadcast %max3A : f32 to vector<1000x128xf32>
    %max3A_23 = arith.maximumf %add3A_21, %max3A_22 : vector<1000x128xf32>
    %get3A_24 = arith.constant 0 : index
    %get3A_25 = arith.constant 0 : index
    %get3A_26 = vector.load %arg6[%get3A_24, %get3A_25] : memref<64x128xf32, #tpu.memory_space<vmem>>, vector<64x128xf32>
    %dot_general3A = arith.constant dense<0.000000e+00> : vector<1000x64xf32>
    %dot_general3A_27 = tpu.matmul %max3A_23, %get3A_26, %dot_general3A {dimension_numbers = #tpu.dot_dimension_numbers<[1], [1], [0], [0], [0, 0, 1, 0], [], []>, transpose_lhs_hint = false} : vector<1000x128xf32>, vector<64x128xf32>, vector<1000x64xf32> -> vector<1000x64xf32>
    %swap3A = arith.constant 0 : index
    %swap3A_28 = arith.constant 0 : index
    %swap3A_29 = vector.load %arg7[%swap3A, %swap3A_28] : memref<1000x64xf32, #tpu.memory_space<vmem>>, vector<1000x64xf32>
    tpu.vector_store %arg7[%swap3A, %swap3A_28], %dot_general3A_27 {strides = array<i32>} : memref<1000x64xf32, #tpu.memory_space<vmem>>, vector<1000x64xf32>,
    return
  }
  func.func @transform_0(%arg0: i32) -> (i32, i32) {
    %c0_i32 = arith.constant 0 : i32
    %c0_i32_0 = arith.constant 0 : i32
    return %arg0, %c0_i32 : i32, i32
  }
  func.func @transform_1(%arg0: i32) -> (i32, i32) {
    %c0_i32 = arith.constant 0 : i32
    %c0_i32_0 = arith.constant 0 : i32
    return %arg0, %c0_i32 : i32, i32
  }
  func.func @transform_2(%arg0: i32) -> (i32, i32) {
    %c0_i32 = arith.constant 0 : i32
    %c0_i32_0 = arith.constant 0 : i32
    return %arg0, %c0_i32 : i32, i32
  }
  func.func @transform_3(%arg0: i32) -> (i32, i32) {
    %c0_i32 = arith.constant 0 : i32
    %c0_i32_0 = arith.constant 0 : i32
    return %arg0, %c0_i32 : i32, i32
  }
  func.func @transform_4(%arg0: i32) -> (i32, i32) {
    %c0_i32 = arith.constant 0 : i32
    %c0_i32_0 = arith.constant 0 : i32
    %c0_i32_1 = arith.constant 0 : i32
    return %c0_i32, %c0_i32_0 : i32, i32
  }
  func.func @transform_5(%arg0: i32) -> (i32, i32) {
    %c0_i32 = arith.constant 0 : i32
    %c0_i32_0 = arith.constant 0 : i32
    %c0_i32_1 = arith.constant 0 : i32
    return %c0_i32, %c0_i32_0 : i32, i32
  }
  func.func @transform_6(%arg0: i32) -> (i32, i32) {
    %c0_i32 = arith.constant 0 : i32
    %c0_i32_0 = arith.constant 0 : i32
    return %arg0, %c0_i32 : i32, i32
  }
}

module attributes {stable_mosaic.version = 14 : i64} {
  func.func @body(%arg0: i32, %arg1: memref<1000x64xf32, #tpu.memory_space<vmem>>, %arg2: memref<1000x64xf32, #tpu.memory_space<vmem>>, %arg3: memref<1000x1xf32, #tpu.memory_space<vmem>>, %arg4: memref<1000x1xf32, #tpu.memory_space<vmem>>, %arg5: memref<1000x64xf32, #tpu.memory_space<vmem>>) attributes {dimension_semantics = [#tpu.dimension_semantics<arbitrary>], iteration_bounds = array<i64: 10>, scalar_prefetch = 0 : i64, scratch_operands = 0 : i64, tpu.core_type = #tpu.core_type<tc>, window_params = [{transform_indices = @transform_0, window_bounds = array<i64: 1000, 64>}, {transform_indices = @transform_1, window_bounds = array<i64: 1000, 64>}, {transform_indices = @transform_2, window_bounds = array<i64: 1000, 1>}, {transform_indices = @transform_3, window_bounds = array<i64: 1000, 1>}, {transform_indices = @transform_4, window_bounds = array<i64: 1000, 64>}]} {
    %get3A = arith.constant 0 : index
    %get3A_0 = arith.constant 0 : index
    %get3A_1 = vector.load %arg3[%get3A, %get3A_0] : memref<1000x1xf32, #tpu.memory_space<vmem>>, vector<1000x1xf32>
    %get3A_2 = arith.constant 0 : index
    %get3A_3 = arith.constant 0 : index
    %get3A_4 = vector.load %arg4[%get3A_2, %get3A_3] : memref<1000x1xf32, #tpu.memory_space<vmem>>, vector<1000x1xf32>
    %add3A = arith.addf %get3A_1, %get3A_4 : vector<1000x1xf32>
    %gt3A = arith.constant 0.000000e+00 : f32
    %gt3A_5 = vector.broadcast %gt3A : f32 to vector<1000x1xf32>
    %gt3A_6 = arith.cmpf ogt, %add3A, %gt3A_5 : vector<1000x1xf32>
    %div3A = arith.constant 1.000000e+00 : f32
    %div3A_7 = vector.broadcast %div3A : f32 to vector<1000x1xf32>
    %div3A_8 = arith.divf %div3A_7, %add3A : vector<1000x1xf32>
    %jit3A = arith.constant 0.000000e+00 : f32
    %broadcast_in_dim3A = vector.broadcast %jit3A : f32 to vector<1000x1xf32>
    %select_n3A = arith.select %gt3A_6, %div3A_8, %broadcast_in_dim3A : vector<1000x1xi1>, vector<1000x1xf32>
    %get3A_9 = arith.constant 0 : index
    %get3A_10 = arith.constant 0 : index
    %get3A_11 = vector.load %arg1[%get3A_9, %get3A_10] : memref<1000x64xf32, #tpu.memory_space<vmem>>, vector<1000x64xf32>
    %get3A_12 = arith.constant 0 : index
    %get3A_13 = arith.constant 0 : index
    %get3A_14 = vector.load %arg2[%get3A_12, %get3A_13] : memref<1000x64xf32, #tpu.memory_space<vmem>>, vector<1000x64xf32>
    %add3A_15 = arith.addf %get3A_11, %get3A_14 : vector<1000x64xf32>
    %mul3A = vector.broadcast %select_n3A : vector<1000x1xf32> to vector<1000x64xf32>
    %mul3A_16 = arith.mulf %add3A_15, %mul3A : vector<1000x64xf32>
    %swap3A = arith.constant 0 : index
    %swap3A_17 = arith.constant 0 : index
    %swap3A_18 = vector.load %arg5[%swap3A, %swap3A_17] : memref<1000x64xf32, #tpu.memory_space<vmem>>, vector<1000x64xf32>
    tpu.vector_store %arg5[%swap3A, %swap3A_17], %mul3A_16 {strides = array<i32>} : memref<1000x64xf32, #tpu.memory_space<vmem>>, vector<1000x64xf32>,
    return
  }
  func.func @transform_0(%arg0: i32) -> (i32, i32) {
    %c0_i32 = arith.constant 0 : i32
    %c0_i32_0 = arith.constant 0 : i32
    return %arg0, %c0_i32 : i32, i32
  }
  func.func @transform_1(%arg0: i32) -> (i32, i32) {
    %c0_i32 = arith.constant 0 : i32
    %c0_i32_0 = arith.constant 0 : i32
    return %arg0, %c0_i32 : i32, i32
  }
  func.func @transform_2(%arg0: i32) -> (i32, i32) {
    %c0_i32 = arith.constant 0 : i32
    %c0_i32_0 = arith.constant 0 : i32
    return %arg0, %c0_i32 : i32, i32
  }
  func.func @transform_3(%arg0: i32) -> (i32, i32) {
    %c0_i32 = arith.constant 0 : i32
    %c0_i32_0 = arith.constant 0 : i32
    return %arg0, %c0_i32 : i32, i32
  }
  func.func @transform_4(%arg0: i32) -> (i32, i32) {
    %c0_i32 = arith.constant 0 : i32
    %c0_i32_0 = arith.constant 0 : i32
    return %arg0, %c0_i32 : i32, i32
  }
}

module attributes {stable_mosaic.version = 14 : i64} {
  func.func @body(%arg0: i32, %arg1: memref<1000x64xf32, #tpu.memory_space<vmem>>, %arg2: memref<1000x64xf32, #tpu.memory_space<vmem>>, %arg3: memref<1000x1xf32, #tpu.memory_space<vmem>>, %arg4: memref<1000x1xf32, #tpu.memory_space<vmem>>, %arg5: memref<1x64xf32, #tpu.memory_space<vmem>>, %arg6: memref<1000x64xf32, #tpu.memory_space<vmem>>) attributes {dimension_semantics = [#tpu.dimension_semantics<arbitrary>], iteration_bounds = array<i64: 10>, scalar_prefetch = 0 : i64, scratch_operands = 0 : i64, tpu.core_type = #tpu.core_type<tc>, window_params = [{transform_indices = @transform_0, window_bounds = array<i64: 1000, 64>}, {transform_indices = @transform_1, window_bounds = array<i64: 1000, 64>}, {transform_indices = @transform_2, window_bounds = array<i64: 1000, 1>}, {transform_indices = @transform_3, window_bounds = array<i64: 1000, 1>}, {pipeline_mode = #tpu.pipeline_mode<synchronous>, transform_indices = @transform_4, window_bounds = array<i64: 1, 64>}, {transform_indices = @transform_5, window_bounds = array<i64: 1000, 64>}]} {
    %get3A = arith.constant 0 : index
    %get3A_0 = arith.constant 0 : index
    %get3A_1 = vector.load %arg3[%get3A, %get3A_0] : memref<1000x1xf32, #tpu.memory_space<vmem>>, vector<1000x1xf32>
    %get3A_2 = arith.constant 0 : index
    %get3A_3 = arith.constant 0 : index
    %get3A_4 = vector.load %arg4[%get3A_2, %get3A_3] : memref<1000x1xf32, #tpu.memory_space<vmem>>, vector<1000x1xf32>
    %add3A = arith.addf %get3A_1, %get3A_4 : vector<1000x1xf32>
    %gt3A = arith.constant 0.000000e+00 : f32
    %gt3A_5 = vector.broadcast %gt3A : f32 to vector<1000x1xf32>
    %gt3A_6 = arith.cmpf ogt, %add3A, %gt3A_5 : vector<1000x1xf32>
    %div3A = arith.constant 1.000000e+00 : f32
    %div3A_7 = vector.broadcast %div3A : f32 to vector<1000x1xf32>
    %div3A_8 = arith.divf %div3A_7, %add3A : vector<1000x1xf32>
    %jit3A = arith.constant 0.000000e+00 : f32
    %broadcast_in_dim3A = vector.broadcast %jit3A : f32 to vector<1000x1xf32>
    %select_n3A = arith.select %gt3A_6, %div3A_8, %broadcast_in_dim3A : vector<1000x1xi1>, vector<1000x1xf32>
    %get3A_9 = arith.constant 0 : index
    %get3A_10 = arith.constant 0 : index
    %get3A_11 = vector.load %arg1[%get3A_9, %get3A_10] : memref<1000x64xf32, #tpu.memory_space<vmem>>, vector<1000x64xf32>
    %get3A_12 = arith.constant 0 : index
    %get3A_13 = arith.constant 0 : index
    %get3A_14 = vector.load %arg2[%get3A_12, %get3A_13] : memref<1000x64xf32, #tpu.memory_space<vmem>>, vector<1000x64xf32>
    %add3A_15 = arith.addf %get3A_11, %get3A_14 : vector<1000x64xf32>
    %mul3A = vector.broadcast %select_n3A : vector<1000x1xf32> to vector<1000x64xf32>
    %mul3A_16 = arith.mulf %add3A_15, %mul3A : vector<1000x64xf32>
    %get3A_17 = arith.constant 0 : index
    %get3A_18 = arith.constant 0 : index
    %get3A_19 = vector.load %arg5[%get3A_17, %get3A_18] : memref<1x64xf32, #tpu.memory_space<vmem>>, vector<1x64xf32>
    %add3A_20 = vector.broadcast %get3A_19 : vector<1x64xf32> to vector<1000x64xf32>
    %add3A_21 = arith.addf %mul3A_16, %add3A_20 : vector<1000x64xf32>
    %reduce_max3A = arith.constant dense<0xFF800000> : vector<1000xf32>
    %reduce_max3A_22 = vector.multi_reduction <maximumf>, %add3A_21, %reduce_max3A [1] : vector<1000x64xf32> to vector<1000xf32>
    %broadcast_in_dim3A_23 = vector.shape_cast %reduce_max3A_22 : vector<1000xf32> to vector<1000x1xf32>
    %sub3A = vector.broadcast %broadcast_in_dim3A_23 : vector<1000x1xf32> to vector<1000x64xf32>
    %sub3A_24 = arith.subf %add3A_21, %sub3A : vector<1000x64xf32>
    %exp3A = math.exp %sub3A_24 : vector<1000x64xf32>
    %reduce_sum3A = arith.constant dense<0.000000e+00> : vector<1000xf32>
    %reduce_sum3A_25 = vector.multi_reduction <add>, %exp3A, %reduce_sum3A [1] : vector<1000x64xf32> to vector<1000xf32>
    %broadcast_in_dim3A_26 = vector.shape_cast %reduce_sum3A_25 : vector<1000xf32> to vector<1000x1xf32>
    %sub3A_27 = vector.broadcast %broadcast_in_dim3A_23 : vector<1000x1xf32> to vector<1000x64xf32>
    %sub3A_28 = arith.subf %add3A_21, %sub3A_27 : vector<1000x64xf32>
    %log3A = math.log %broadcast_in_dim3A_26 : vector<1000x1xf32>
    %sub3A_29 = vector.broadcast %log3A : vector<1000x1xf32> to vector<1000x64xf32>
    %sub3A_30 = arith.subf %sub3A_28, %sub3A_29 : vector<1000x64xf32>
    %swap3A = arith.constant 0 : index
    %swap3A_31 = arith.constant 0 : index
    %swap3A_32 = vector.load %arg6[%swap3A, %swap3A_31] : memref<1000x64xf32, #tpu.memory_space<vmem>>, vector<1000x64xf32>
    tpu.vector_store %arg6[%swap3A, %swap3A_31], %sub3A_30 {strides = array<i32>} : memref<1000x64xf32, #tpu.memory_space<vmem>>, vector<1000x64xf32>,
    return
  }
  func.func @transform_0(%arg0: i32) -> (i32, i32) {
    %c0_i32 = arith.constant 0 : i32
    %c0_i32_0 = arith.constant 0 : i32
    return %arg0, %c0_i32 : i32, i32
  }
  func.func @transform_1(%arg0: i32) -> (i32, i32) {
    %c0_i32 = arith.constant 0 : i32
    %c0_i32_0 = arith.constant 0 : i32
    return %arg0, %c0_i32 : i32, i32
  }
  func.func @transform_2(%arg0: i32) -> (i32, i32) {
    %c0_i32 = arith.constant 0 : i32
    %c0_i32_0 = arith.constant 0 : i32
    return %arg0, %c0_i32 : i32, i32
  }
  func.func @transform_3(%arg0: i32) -> (i32, i32) {
    %c0_i32 = arith.constant 0 : i32
    %c0_i32_0 = arith.constant 0 : i32
    return %arg0, %c0_i32 : i32, i32
  }
  func.func @transform_4(%arg0: i32) -> (i32, i32) {
    %c0_i32 = arith.constant 0 : i32
    %c0_i32_0 = arith.constant 0 : i32
    %c0_i32_1 = arith.constant 0 : i32
    return %c0_i32, %c0_i32_0 : i32, i32
  }
  func.func @transform_5(%arg0: i32) -> (i32, i32) {
    %c0_i32 = arith.constant 0 : i32
    %c0_i32_0 = arith.constant 0 : i32
    return %arg0, %c0_i32 : i32, i32
  }
}

</mosaic_0001>

<sc_bundles>
// kernel: kernel.11.cloned.1.call-start
scs
__scs_entry_jumppad:
0x0: {  	(pc) =	sbr.rel $0x88, $3  }
0x1: {  	(tag) =	ssettag $0x0;
	lr =	simm.s32 $0x1  }
0x2: {  	[smem:$0x3F9B] =	sst lr;
	_ =	strace $0xD0000000  }
0x3: {  	_ = 	snop  }
0x4: {  	_ = 	snop  }
0x5: {  	_ = 	snop  }
0x6: {  	_ = 	snop  }
0x7: {  	_ = 	snop  }
__scs_overlays_trampoline_lowered:
0x8: {  	[smem:$0x3FAA] =	sst s0  }
0x9: {  	[smem:$0x3FAB] =	sst s1  }
0xa: {  	[smem:$0x3FAC] =	sst s2  }
0xb: {  	[smem:$0x3FAD] =	sst s3  }
0xc: {  	[smem:$0x3FAE] =	sst s4  }
0xd: {  	[smem:$0x3FAF] =	sst s5  }
0xe: {  	[smem:$0x3FB0] =	sst s6  }
0xf: {  	[smem:$0x3FB1] =	sst s7  }
0x10: {  	[smem:$0x3FB2] =	sst s8  }
0x11: {  	[smem:$0x3FB3] =	sst s9;
	s0 =	simm.s32 @!p0 $0x0  }
0x12: {  	s1 =	sld [smem:$0x3F99];
	s0 =	simm.s32 @p0 $0x1  }
0x13: {  	[smem:$0x3FB4] =	sst s0;
	s0 =	simm.s32 @!p1 $0x0  }
0x14: {  	s2 =	sld [smem:$0x3F98];
	s0 =	simm.s32 @p1 $0x1  }
0x15: {  	[smem:$0x3FB5] =	sst s0;
	s0 =	simm.s32 @!p2 $0x0  }
0x16: {  	s3 =	sld [smem:$0x3FDB];
	s0 =	simm.s32 @p2 $0x1  }
0x17: {  	s4 =	simm.s32 $0x1BF5;
	[smem:$0x3FB7] =	sst s0  }
0x18: {  	s0 =	sld [smem:$0x3F9A];
	_ =	swait.ge [sflag:s4], $0x0  }
0x19: {  	s7 =	sld [smem:$0x3F9B]  }
0x1a: {  	s8 =	sadd.s32 $0xFFFFE003, lr  }
0x1b: {  	s9 =	sadd.s32 $0xFFFFFEF7, lr;
	s5 =	simm.s32 $0xFFFFFFFF;
	p2 =	slt.u32 s8, $0xFFFFF086  }
0x1c: {  	p1 =	slt.u32 s9, $0xF7A;
	s5 =	simm.s32 @!p2 $0x0  }
0x1d: {  	s5 =	simm.s32 @p1 $0x1;
	p0 =	seq.s32 s7, s2  }
0x1e: {  	s7 =	smul.u32 @!p0 $0xF7A, s2;
	p2 =	seq.s32 @!p0 s5, $0x0  }
0x1f: {  	s9 =	smul.u32 $0xF7A, s1;
	s8 =	simm.s32 @!p0 $0x1BF5;
	p2 =	por !p2, p0  }
0x20: {  	[sflag:s8] =	ssyncset.s32 @!p0 $0xFFFFF086;
	s6 =	sadd.s32 @!p0 s3, s7;
	s7 =	simm.s32 @!p0 $0x108  }
0x21: {  	s3 =	sadd.s32 s3, s9;
	s6 =	sadd.s32 @!p0 $0x88, s6;
	s7 =	simm.s32 @p2 $0x1082  }
0x22: {  	[simem:s7], [sflag:s8] =	dma.local @!p0 [hbm:s6], $0xF7A  }
0x23: {  	s9 =	sor.u32 $0xD0000000, s2;
	s6 =	simm.s32 $0x108;
	_ =	swait.ge @!p0 [sflag:s8], $0x0  }
0x24: {  	s3 =	sadd.s32 $0x88, s3;
	s6 =	simm.s32 @!p1 $0x1082;
	[sflag:s4] =	ssyncset.s32 $0xFFFFF086  }
0x25: {  	[simem:s6], [sflag:s4] =	dma.local [hbm:s3], $0xF7A  }
0x26: {  	[smem:$0x3F9B] =	sst s1;
	(tag) =	ssettag s2;
	_ =	strace s9  }
0x27: {  	s1 =	sld [smem:$0x3FAB]  }
0x28: {  	s2 =	sld [smem:$0x3FAC]  }
0x29: {  	s4 =	sld [smem:$0x3FAE]  }
0x2a: {  	p0 =	seq.s32 s5, $0x0;
	s5 =	sld [smem:$0x3FAF]  }
0x2b: {  	s6 =	sld [smem:$0x3FB0]  }
0x2c: {  	s7 =	sld [smem:$0x3FB1]  }
0x2d: {  	s3 =	simm.s32 $0x108;
	s8 =	sld [smem:$0x3FB2]  }
0x2e: {  	s3 =	simm.s32 @!p0 $0x1082;
	s9 =	sld [smem:$0x3FB3]  }
0x2f: {  	lr =	sadd.s32 s0, s3;
	s0 =	sld [smem:$0x3FAA]  }
0x30: {  	s3 =	sld [smem:$0x3FAD]  }
0x31: {  	[smem:$0x3FB6] =	sst s10  }
0x32: {  	s10 =	sld [smem:$0x3FB4];
	_ =	sdelay $0x3  }
0x33: {  	p0 =	seq.s32 s10, $0x1;
	s10 =	sld [smem:$0x3FB6];
	_ =	sdelay $0x3  }
0x34: {  	[smem:$0x3FB6] =	sst s10  }
0x35: {  	s10 =	sld [smem:$0x3FB5];
	_ =	sdelay $0x3  }
0x36: {  	p1 =	seq.s32 s10, $0x1;
	s10 =	sld [smem:$0x3FB6];
	_ =	sdelay $0x3  }
0x37: {  	[smem:$0x3FB6] =	sst s10  }
0x38: {  	s10 =	sld [smem:$0x3FB7]  }
0x39: {  	_ = 	snop;
	(pc) =	sbr.ind lr, $3  }
0x3a: {  	_ = 	snop  }
0x3b: {  	_ = 	snop  }
0x3c: {  	p2 =	seq.s32 s10, $0x1;
	s10 =	sld [smem:$0x3FB6]  }
0x3d: {  	_ =	shalt  }
0x3e: {  	_ =	shalt  }
0x3f: {  	_ =	shalt  }
0x40: {  	_ =	shalt  }
0x41: {  	_ =	shalt  }
0x42: {  	_ =	shalt  }
0x43: {  	_ =	shalt  }
0x44: {  	_ =	shalt  }
0x45: {  	_ =	shalt  }
0x46: {  	_ =	shalt  }
0x47: {  	_ =	shalt  }
0x48: {  	_ =	shalt  }
0x49: {  	_ =	shalt  }
0x4a: {  	_ =	shalt  }
0x4b: {  	_ =	shalt  }
0x4c: {  	_ =	shalt  }
0x4d: {  	_ =	shalt  }
0x4e: {  	_ =	shalt  }
0x4f: {  	_ =	shalt  }
0x50: {  	_ =	shalt  }
0x51: {  	_ =	shalt  }
0x52: {  	_ =	shalt  }
0x53: {  	_ =	shalt  }
0x54: {  	_ =	shalt  }
0x55: {  	_ =	shalt  }
0x56: {  	_ =	shalt  }
0x57: {  	_ =	shalt  }
0x58: {  	_ =	shalt  }
0x59: {  	_ =	shalt  }
0x5a: {  	_ =	shalt  }
0x5b: {  	_ =	shalt  }
0x5c: {  	_ =	shalt  }
0x5d: {  	_ =	shalt  }
0x5e: {  	_ =	shalt  }
0x5f: {  	_ =	shalt  }
0x60: {  	_ =	shalt  }
0x61: {  	_ =	shalt  }
0x62: {  	_ =	shalt  }
0x63: {  	_ =	shalt  }
0x64: {  	_ =	shalt  }
0x65: {  	_ =	shalt  }
0x66: {  	_ =	shalt  }
0x67: {  	_ =	shalt  }
0x68: {  	_ =	shalt  }
0x69: {  	_ =	shalt  }
0x6a: {  	_ =	shalt  }
0x6b: {  	_ =	shalt  }
0x6c: {  	_ =	shalt  }
0x6d: {  	_ =	shalt  }
0x6e: {  	_ =	shalt  }
0x6f: {  	_ =	shalt  }
0x70: {  	_ =	shalt  }
0x71: {  	_ =	shalt  }
0x72: {  	_ =	shalt  }
0x73: {  	_ =	shalt  }
0x74: {  	_ =	shalt  }
0x75: {  	_ =	shalt  }
0x76: {  	_ =	shalt  }
0x77: {  	_ =	shalt  }
0x78: {  	_ =	shalt  }
0x79: {  	_ =	shalt  }
0x7a: {  	_ =	shalt  }
0x7b: {  	_ =	shalt  }
0x7c: {  	_ =	shalt  }
0x7d: {  	_ =	shalt  }
0x7e: {  	_ =	shalt  }
0x7f: {  	_ =	shalt  }
0x80: {  	_ =	shalt  }
0x81: {  	_ =	shalt  }
0x82: {  	_ =	shalt  }
0x83: {  	_ =	shalt  }
0x84: {  	_ =	shalt  }
0x85: {  	_ =	shalt  }
0x86: {  	_ =	shalt  }
0x87: {  	_ =	shalt  }
.Lfunc_end0:
.L_simem_size_0:
called_computation_lowered:
.L_overlay_start_0:
0x88: {  	s2 =	sld [smem:$0x3FD9]  }
0x89: {  	s3 =	sld [smem:$0x3FFE];
	_ =	sdelay $0x1  }
0x8a: {  	s1 =	srdreg.scid  }
0x8b: {  	s0 =	sand.u32 $0x1, s1  }
0x8c: {  	s17 =	sshll.u32 s0, $0xA;
	s2 =	sadd.s32 s3, s2  }
0x8d: {  	s2 =	sadd.s32 s2, s17  }
0x8e: {  	[smem:$0x3FC2] =	sst s2  }
0x8f: {  	_ = 	snop  }
0x90: {  	s2 =	sld [smem:$0x3FD0];
	(tm) =	ssettm $0x1  }
0x91: {  	s18 =	sld [smem:$0x3FFB];
	_ =	sdelay $0x3  }
0x92: {  	_ =	strace s18  }
0x93: {  	s3 =	sld [smem:$0x3FFC];
	_ =	sdelay $0x3  }
0x94: {  	_ =	strace s3  }
0x95: {  	s3 =	sld [smem:$0x3FFD];
	_ =	sdelay $0x3  }
0x96: {  	_ =	strace s3  }
0x97: {  	_ =	strace $0x8FFFFFFF  }
0x98: {  	s19 =	sld [smem:$0x3FDB];
	_ =	sdelay $0x1  }
0x99: {  	s4 =	simm.s32 $_scs_section_size  }
0x9a: {  	s5 =	simm.s32 $_size__tile_overlayer_lowered;
	s6 =	simm.s32 $_tile_overlayer_lowered  }
0x9b: {  	s22 =	simm.s32 $0x1BFF;
	s21 =	sshll.u32 s6, $0x1;
	s3 =	sadd.s32 s4, s19  }
0x9c: {  	s7 =	simm.s32 $0x0;
	s20 =	sshll.u32 s5, $0x1;
	s5 =	sadd.s32 s21, s3  }
0x9d: {  	[timem:s7], [sflag:s22] =	dma.local [hbm:s5], s20  }
0x9e: {  	_ =	swait.ge [sflag:s22], s20  }
0x9f: {  	s4 =	ssub.s32 $0x0, s20;
	[sflag:s22] =	ssyncset.done $0x0  }
0xa0: {  	[sflag:s22] =	ssyncadd.s32 s4;
	_ =	sdelay $0x1  }
0xa1: {  	s23 =	simm.s32 $0x1B8B  }
0xa2: {  	_ =	swait.ge [sflag:s23], $0x1  }
0xa3: {  	[sflag:s23] =	ssyncset.done $0x0  }
0xa4: {  	s25 =	simm.s32 $0x1B8E;
	s24 =	sld [smem:$0x3FFE];
	[sflag:s23] =	ssyncadd.s32 $0xFFFFFFFF  }
0xa5: {  	s26 =	simm.s32 $execute0_lowered;
	[smem:$0x3FD2] =	sst s25  }
0xa6: {  	s5 =	sshll.u32 s26, $0x1;
	_ =	strace $0x80000046;
	[dreg:$0x1] =	wrdreg $0xFFFFFFFF  }
0xa7: {  	s28 =	simm.s32 $_size_execute0_lowered;
	s3 =	sadd.s32 s3, s5;
	[dreg:$0x0] =	wrdreg $0x0  }
0xa8: {  	s5 =	sshll.u32 s28, $0x1;
	[dreg:$0x2] =	wrdreg s3  }
0xa9: {  	[dreg:$0x3] =	wrdreg s5  }
0xaa: {  	[dreg:$0x4] =	wrdreg $0xC0  }
0xab: {  	_ =	task [dreg:s7], $0x5FFFF  }
0xac: {  	[dreg:$0x1] =	wrdreg $0xFFFFFFFF  }
0xad: {  	[dreg:$0x0] =	wrdreg $0x60  }
0xae: {  	[dreg:$0x2] =	wrdreg s24  }
0xaf: {  	[dreg:$0x3] =	wrdreg s2  }
0xb0: {  	[dreg:$0x4] =	wrdreg $0xB5400  }
0xb1: {  	[dreg:$0x5] =	wrdreg $0x1F5A80  }
0xb2: {  	[dreg:$0x6] =	wrdreg $0x1F8280  }
0xb3: {  	[dreg:$0x7] =	wrdreg $0x9  }
0xb4: {  	_ =	task.clear_ibuf [dreg:s7], $0x8FFFF;
	_ =	strace $0x90000046  }
0xb5: {  	s29 =	simm.s32 $0x9;
	_ =	strace $0x80000048  }
0xb6: {  	_ =	swait.ge [sflag:s29], $0x1  }
0xb7: {  	[sflag:s29] =	ssyncadd.s32 $0xFFFFFFFF  }
0xb8: {  	_ =	strace $0x90000048  }
0xb9: {  	_ =	sfence  }
0xba: {  	s30 =	sld [smem:$0x0];
	_ =	sdelay $0x2  }
0xbb: {  	s31 =	sshll.u32 s1, $0xD;
	s1 =	sshrl.u32 s1, $0x2  }
0xbc: {  	s3 =	sand.u32 $0x4000, s31;
	s1 =	sadd.s32 s1, s30  }
0xbd: {  	s0 =	sor.u32 s3, s0;
	s1 =	sshll.u32 s1, $0x11  }
0xbe: {  	s0 =	sor.u32 s1, s0  }
0xbf: {  	s0 =	sadd.s32 $0x8F2B, s0  }
0xc0: {  	[sflag:s0] =	ssyncadd.remote.s32 $0x1  }
0xc1: {  	_ =	sfence.sel $0xFFFF  }
0xc2: {  	[dreg:$0x0] =	wrdreg $0xFFFFFFFF;
	(pc) =	sbr.abs _section_cstart, $3  }
0xc3: {  	[dreg:$0x1] =	wrdreg $0xFFFFFFFF  }
0xc4: {  	_ =	task.clear_ibuf [dreg:s7], $0x2FFFF;
	_ =	strace $0x9FFFFFFF  }
0xc5: {  	(tm) =	ssettm $0x7FFFFFFF  }
tec
execute0_lowered:
.L_overlay_start_1:
0x0: {  	(tag) =	ssettag $0x1  }
0x1: {  	s0 =	srdreg.scid  }
0x2: {  	s1 =	rddreg [dreg:$0x0];
	s13 =	stileid.u32  }
0x3: {  	s7 =	rddreg [dreg:$0x1];
	s9 =	smul.u32 $0x14000, s13  }
0x4: {  	s2 =	rddreg [dreg:$0x2];
	s0 =	sand.u32 $0x1, s0;
	s10 =	smul.u32 $0x280, s13  }
0x5: {  	s5 =	simm.s32 $0x0;
	s31 =	simm.s32 $0x7;
	s6 =	smul.u32 $0x140000, s0  }
0x6: {  	[smem:$0x7FF] =	sst s5;
	s3 =	sshll.u32 s0, $0x4;
	s12 =	smul.u32 $0x2800, s0  }
0x7: {  	s0 =	ssub.s32 $0x2, s0;
	s4 =	sor.u32 s13, s3;
	s3 =	rddreg [dreg:$0x3]  }
0x8: {  	s13 =	smul.u32 $0x50000, s13;
	s14 =	sshrl.u32 s0, $0x1;
	s15 =	sadd.s32 $0x80, s10  }
0x9: {  	s18 =	sadd.s32 $0x100, s10;
	s21 =	sadd.s32 $0x180, s10;
	s8 =	smul.u32 $0x514, s4  }
0xa: {  	s4 =	rddreg [dreg:$0x4];
	_ =	strace $0x80000047;
	s11 =	sadd.s32 s9, s6  }
0xb: {  	s6 =	sadd.s32 $0x17600, s1;
	s12 =	sadd.s32 s10, s12;
	s0 =	ssub.s32 s0, s14  }
0xc: {  	s9 =	sadd.s32 s9, s2;
	s16 =	sadd.s32 s10, s3;
	s17 =	sadd.s32 s15, s3  }
0xd: {  	s19 =	sadd.s32 s18, s3;
	s11 =	sshrl.u32 s11, $0x3;
	[dreg:$0xe] =	wrdreg s17  }
0xe: {  	s12 =	sshrl.u32 s12, $0x3;
	s13 =	sshrl.u32 s13, $0x2;
	[dreg:$0x11] =	wrdreg s19  }
0xf: {  	s20 =	sadd.s32 s18, s4;
	s30 =	smax.u32 s0, $0x1;
	s0 =	simm.s32 $0x5140  }
0x10: {  	s17 =	simm.s32 $0x5;
	s18 =	simm.s32 $0x6;
	s8 =	sadd.s32 s8, s1  }
0x11: {  	s11 =	sadd.s32 s11, s1;
	s7 =	sadd.s32 s7, s12;
	[dreg:$0x12] =	wrdreg s20  }
0x12: {  	s1 =	sadd.s32 s12, s1;
	s22 =	sadd.s32 $0xD200, s8;
	[dreg:$0x10] =	wrdreg s7  }
0x13: {  	s23 =	sadd.s32 s13, s2;
	s8 =	sadd.s32 $0x2E00, s8;
	[dreg:$0x6] =	wrdreg s22  }
0x14: {  	s12 =	simm.s32 $0x3;
	s13 =	sadd.s32 $0x3200, s23;
	[dreg:$0x7] =	wrdreg s8  }
0x15: {  	s24 =	sadd.s32 $0x6400, s23;
	s25 =	sadd.s32 $0x9600, s23;
	[dreg:$0x8] =	wrdreg s13  }
0x16: {  	s26 =	sadd.s32 $0xC800, s23;
	s14 =	sadd.s32 $0xFA00, s23;
	[dreg:$0x9] =	wrdreg s24  }
0x17: {  	s28 =	sadd.s32 $0x3F200, s11;
	s29 =	sadd.s32 $0x3E800, s1;
	[dreg:$0xa] =	wrdreg s25  }
0x18: {  	s1 =	simm.s32 $0x64;
	s7 =	simm.s32 $0x8340;
	[dreg:$0xb] =	wrdreg s26  }
0x19: {  	s11 =	simm.s32 $0x1F540;
	[dreg:$0xc] =	wrdreg s14;
	s8 =	sadd.s32 $0x12C00, s23  }
0x1a: {  	s22 =	sadd.s32 s10, s4;
	s23 =	sadd.s32 $0x200, s10;
	s26 =	sadd.s32 s21, s3  }
0x1b: {  	s24 =	sadd.s32 s21, s4;
	s10 =	simm.s32 $0x2;
	s13 =	simm.s32 $0x4  }
0x1c: {  	s14 =	simm.s32 $0x5070;
	[dreg:$0xd] =	wrdreg s8;
	s8 =	sadd.s32 s15, s4  }
0x1d: {  	[dreg:$0x13] =	wrdreg s26;
	s25 =	sadd.s32 s23, s3;
	s26 =	sadd.s32 s23, s4  }
0x1e: {  	v0 =	vimm.f32 $0.0e+00;
	v1 =	vimm.f32 $1.000000000e+00;
	s15 =	simm.s32 $0x50D8;
	[dreg:$0xf] =	wrdreg s8;
	s8 =	simm.s32 $0x1  }
.LBB2_1:
0x1f: {  	s19 =	simm.s32 $0x0;
	s20 =	simm.s32 $0x200  }
.LBB2_2:
0x20: {  	p0 =	sne.s32 s20, $0xC600;
	[tilespmem:s19+$0x51B0] =	vst v0  }
0x21: {  	[tilespmem:s19+$0x5140] =	vst v0  }
0x22: {  	[tilespmem:s19+$0x5150] =	vst v0  }
.Ltmp0:
0x23: {  	[tilespmem:s19+$0x5160] =	vst v0;
	(pc) =	sbr.rel @p0 .LBB2_2-.Ltmp0, $4  }
0x24: {  	[tilespmem:s19+$0x5170] =	vst v0  }
0x25: {  	[tilespmem:s19+$0x5180] =	vst v0  }
0x26: {  	[tilespmem:s19+$0x5190] =	vst v0  }
0x27: {  	[tilespmem:s19+$0x51A0] =	vst v0;
	s19 =	sshra.s32 s20, $0x2;
	s20 =	sadd.s32 $0x200, s20  }
0x28: {  	[tilespmem:s19+$0x51B0] =	vst v0  }
0x29: {  	[tilespmem:s19+$0x5140] =	vst v0  }
0x2a: {  	[tilespmem:s19+$0x5150] =	vst v0  }
0x2b: {  	[tilespmem:s19+$0x5160] =	vst v0  }
0x2c: {  	[tilespmem:s19+$0x5170] =	vst v0  }
0x2d: {  	[tilespmem:s19+$0x5180] =	vst v0  }
0x2e: {  	[tilespmem:s19+$0x5190] =	vst v0  }
0x2f: {  	[tilespmem:s19+$0x51A0] =	vst v0;
	s19 =	simm.s32 $0x0;
	s20 =	rddreg [dreg:$0x6]  }
0x30: {  	[tilespmem:s19], [sflag:$0x7] =	stream.linear.gather [hbm4b:s20+s19], $0x28A0, $0x38;
	[tilespmem:$0x1FAA8] =	vst v63  }
0x31: {  	_ =	swait.ge [sflag:s31], $0x28A0  }
0x32: {  	[sflag:s31] =	ssyncset.done $0x0  }
0x33: {  	s21 =	simm.s32 $0x28A0;
	s23 =	rddreg [dreg:$0x7];
	[sflag:s31] =	ssyncadd.s32 $0xFFFFD760  }
0x34: {  	[tilespmem:s21], [sflag:$0x7] =	stream.linear.gather [hbm4b:s23+s19], $0x28A0, $0x38;
	[tilespmem:$0x1FAA8] =	vst v63  }
0x35: {  	_ =	swait.ge [sflag:s31], $0x28A0  }
0x36: {  	[sflag:s31] =	ssyncset.done $0x0  }
0x37: {  	[sflag:s31] =	ssyncadd.s32 $0xFFFFD760  }
0x38: {  	[spmem:s9] =	stream.linear.scatter [tilespmem:s0], [sflag:$0x7], $0x3200, $0x38;
	[tilespmem:$0x1FAA8] =	vst v63  }
0x39: {  	_ =	swait.ge [sflag:s31], $0x3200  }
0x3a: {  	[sflag:s31] =	ssyncset.done $0x0  }
0x3b: {  	s23 =	rddreg [dreg:$0x8];
	[sflag:s31] =	ssyncadd.s32 $0xFFFFCE00  }
0x3c: {  	[spmem:s23] =	stream.linear.scatter [tilespmem:s0], [sflag:$0x7], $0x3200, $0x38;
	[tilespmem:$0x1FAA8] =	vst v63  }
0x3d: {  	_ =	swait.ge [sflag:s31], $0x3200  }
0x3e: {  	[sflag:s31] =	ssyncset.done $0x0  }
0x3f: {  	s21 =	rddreg [dreg:$0x9];
	[sflag:s31] =	ssyncadd.s32 $0xFFFFCE00  }
0x40: {  	[spmem:s21] =	stream.linear.scatter [tilespmem:s0], [sflag:$0x7], $0x3200, $0x38;
	[tilespmem:$0x1FAA8] =	vst v63  }
0x41: {  	_ =	swait.ge [sflag:s31], $0x3200  }
0x42: {  	[sflag:s31] =	ssyncset.done $0x0  }
0x43: {  	s23 =	rddreg [dreg:$0xa];
	[sflag:s31] =	ssyncadd.s32 $0xFFFFCE00  }
0x44: {  	[spmem:s23] =	stream.linear.scatter [tilespmem:s0], [sflag:$0x7], $0x3200, $0x38;
	[tilespmem:$0x1FAA8] =	vst v63  }
0x45: {  	_ =	swait.ge [sflag:s31], $0x3200  }
0x46: {  	[sflag:s31] =	ssyncset.done $0x0  }
0x47: {  	s21 =	rddreg [dreg:$0xb];
	[sflag:s31] =	ssyncadd.s32 $0xFFFFCE00  }
0x48: {  	[spmem:s21] =	stream.linear.scatter [tilespmem:s0], [sflag:$0x7], $0x3200, $0x38;
	[tilespmem:$0x1FAA8] =	vst v63  }
0x49: {  	_ =	swait.ge [sflag:s31], $0x3200  }
0x4a: {  	[sflag:s31] =	ssyncset.done $0x0  }
0x4b: {  	s23 =	rddreg [dreg:$0xc];
	[sflag:s31] =	ssyncadd.s32 $0xFFFFCE00  }
0x4c: {  	[spmem:s23] =	stream.linear.scatter [tilespmem:s0], [sflag:$0x7], $0x3200, $0x38;
	[tilespmem:$0x1FAA8] =	vst v63  }
0x4d: {  	_ =	swait.ge [sflag:s31], $0x3200  }
0x4e: {  	[sflag:s31] =	ssyncset.done $0x0  }
0x4f: {  	s21 =	rddreg [dreg:$0xd];
	[sflag:s31] =	ssyncadd.s32 $0xFFFFCE00  }
0x50: {  	[spmem:s21] =	stream.linear.scatter [tilespmem:s0], [sflag:$0x7], $0x1400, $0x38;
	[tilespmem:$0x1FAA8] =	vst v63  }
0x51: {  	_ =	swait.ge [sflag:s31], $0x1400  }
0x52: {  	[sflag:s31] =	ssyncset.done $0x0  }
0x53: {  	[sflag:s31] =	ssyncadd.s32 $0xFFFFEC00  }
0x54: {  	[tilespmem:$0x1F540] =	vst v1  }
0x55: {  	[tilespmem:$0x1F550] =	vst v1  }
0x56: {  	[tilespmem:$0x1F560] =	vst v1  }
0x57: {  	[tilespmem:$0x1F570] =	vst v1  }
0x58: {  	[tilespmem:$0x1F580] =	vst v1  }
0x59: {  	[tilespmem:$0x1F590] =	vst v1  }
0x5a: {  	[tilespmem:$0x1F594] =	vst v1  }
0x5b: {  	[spmem:s16] =	stream.linear.scatter [tilespmem:s0], [sflag:$0x7], $0x80, $0x38;
	[tilespmem:$0x1FAA8] =	vst v63  }
0x5c: {  	_ =	swait.ge [sflag:s31], $0x80  }
0x5d: {  	[sflag:s31] =	ssyncset.done $0x0  }
0x5e: {  	[sflag:s31] =	ssyncadd.s32 $0xFFFFFF80  }
0x5f: {  	[spmem:s22] =	stream.linear.scatter [tilespmem:s0], [sflag:$0x7], $0x80, $0x38;
	[tilespmem:$0x1FAA8] =	vst v63  }
0x60: {  	_ =	swait.ge [sflag:s31], $0x80  }
0x61: {  	[sflag:s31] =	ssyncset.done $0x0  }
0x62: {  	s23 =	rddreg [dreg:$0xe];
	[sflag:s31] =	ssyncadd.s32 $0xFFFFFF80  }
0x63: {  	[spmem:s23] =	stream.linear.scatter [tilespmem:s0], [sflag:$0x7], $0x80, $0x38;
	[tilespmem:$0x1FAA8] =	vst v63  }
0x64: {  	_ =	swait.ge [sflag:s31], $0x80  }
0x65: {  	[sflag:s31] =	ssyncset.done $0x0  }
0x66: {  	s21 =	rddreg [dreg:$0xf];
	[sflag:s31] =	ssyncadd.s32 $0xFFFFFF80  }
0x67: {  	[spmem:s21] =	stream.linear.scatter [tilespmem:s0], [sflag:$0x7], $0x80, $0x38;
	[tilespmem:$0x1FAA8] =	vst v63  }
0x68: {  	_ =	swait.ge [sflag:s31], $0x80  }
0x69: {  	[sflag:s31] =	ssyncset.done $0x0  }
0x6a: {  	s23 =	rddreg [dreg:$0x11];
	[sflag:s31] =	ssyncadd.s32 $0xFFFFFF80  }
0x6b: {  	[spmem:s23] =	stream.linear.scatter [tilespmem:s0], [sflag:$0x7], $0x80, $0x38;
	[tilespmem:$0x1FAA8] =	vst v63  }
0x6c: {  	_ =	swait.ge [sflag:s31], $0x80  }
0x6d: {  	[sflag:s31] =	ssyncset.done $0x0  }
0x6e: {  	s21 =	rddreg [dreg:$0x12];
	[sflag:s31] =	ssyncadd.s32 $0xFFFFFF80  }
0x6f: {  	[spmem:s21] =	stream.linear.scatter [tilespmem:s0], [sflag:$0x7], $0x80, $0x38;
	[tilespmem:$0x1FAA8] =	vst v63  }
0x70: {  	_ =	swait.ge [sflag:s31], $0x80  }
0x71: {  	[sflag:s31] =	ssyncset.done $0x0  }
0x72: {  	s23 =	rddreg [dreg:$0x13];
	[sflag:s31] =	ssyncadd.s32 $0xFFFFFF80  }
0x73: {  	[spmem:s23] =	stream.linear.scatter [tilespmem:s0], [sflag:$0x7], $0x80, $0x38;
	[tilespmem:$0x1FAA8] =	vst v63  }
0x74: {  	_ =	swait.ge [sflag:s31], $0x80  }
0x75: {  	[sflag:s31] =	ssyncset.done $0x0  }
0x76: {  	[sflag:s31] =	ssyncadd.s32 $0xFFFFFF80  }
0x77: {  	[spmem:s24] =	stream.linear.scatter [tilespmem:s0], [sflag:$0x7], $0x80, $0x38;
	[tilespmem:$0x1FAA8] =	vst v63  }
0x78: {  	_ =	swait.ge [sflag:s31], $0x80  }
0x79: {  	[sflag:s31] =	ssyncset.done $0x0  }
0x7a: {  	[sflag:s31] =	ssyncadd.s32 $0xFFFFFF80  }
0x7b: {  	[spmem:s25] =	stream.linear.scatter [tilespmem:s0], [sflag:$0x7], $0x80, $0x38;
	[tilespmem:$0x1FAA8] =	vst v63  }
0x7c: {  	_ =	swait.ge [sflag:s31], $0x80  }
0x7d: {  	[sflag:s31] =	ssyncset.done $0x0  }
0x7e: {  	[sflag:s31] =	ssyncadd.s32 $0xFFFFFF80  }
0x7f: {  	[spmem:s26] =	stream.linear.scatter [tilespmem:s0], [sflag:$0x7], $0x80, $0x38;
	[tilespmem:$0x1FAA8] =	vst v63  }
0x80: {  	_ =	swait.ge [sflag:s31], $0x80  }
0x81: {  	[sflag:s31] =	ssyncset.done $0x0  }
0x82: {  	[sflag:s31] =	ssyncadd.s32 $0xFFFFFF80  }
0x83: {  	[bflag:$0x0] =	sbarrier.arrive $0xFFFF  }
0x84: {  	[tilespmem:s0], [sflag:$0x1] =	stream.indirect.gather [hbm4b:s6+s1], $0x80, s19, s1, $0xb8;
	[tilespmem:$0x1FAA8] =	vst v63  }
0x85: {  	s21 =	simm.s32 $0x68  }
0x86: {  	[tilespmem:s7], [sflag:$0x2] =	stream.indirect.gather [hbm4b:s6+s1], $0x80, s21, s1, $0xb8;
	[tilespmem:$0x1FAA8] =	vst v63  }
0x87: {  	_ =	swait.ge [sflag:s8], $0x3200  }
0x88: {  	[sflag:s8] =	ssyncset.done $0x0  }
0x89: {  	s19 =	simm.s32 $0x28A0;
	[sflag:s8] =	ssyncadd.s32 $0xFFFFCE00  }
0x8a: {  	[spmem:s2] =	stream.indirect.scatter.add.f32 [tilespmem:s0], [sflag:$0x3], $0x80, s19, s1, $0xb8;
	[tilespmem:$0x1FAA8] =	vst v63  }
0x8b: {  	_ =	swait.ge [sflag:s10], $0x3200  }
0x8c: {  	[sflag:s10] =	ssyncset.done $0x0  }
0x8d: {  	s20 =	simm.s32 $0x2908;
	[sflag:s10] =	ssyncadd.s32 $0xFFFFCE00  }
0x8e: {  	[spmem:s2] =	stream.indirect.scatter.add.f32 [tilespmem:s7], [sflag:$0x4], $0x80, s20, s1, $0xb8;
	[tilespmem:$0x1FAA8] =	vst v63  }
0x8f: {  	s23 =	simm.s32 $0x0  }
0x90: {  	[spmem:s3] =	stream.indirect.scatter.add.f32 [tilespmem:s11], [sflag:$0x5], $0x1, s23, s1, $0xb8;
	[tilespmem:$0x1FAA8] =	vst v63  }
0x91: {  	_ = 	snop  }
0x92: {  	[spmem:s4] =	stream.indirect.scatter.add.f32 [tilespmem:s11], [sflag:$0x6], $0x1, s19, s1, $0xb8;
	[tilespmem:$0x1FAA8] =	vst v63  }
0x93: {  	s21 =	simm.s32 $0x68  }
0x94: {  	[spmem:s3] =	stream.indirect.scatter.add.f32 [tilespmem:s11], [sflag:$0x5], $0x1, s21, s1, $0xb8;
	[tilespmem:$0x1FAA8] =	vst v63  }
0x95: {  	_ = 	snop  }
0x96: {  	[spmem:s4] =	stream.indirect.scatter.add.f32 [tilespmem:s11], [sflag:$0x6], $0x1, s20, s1, $0xb8;
	[tilespmem:$0x1FAA8] =	vst v63  }
0x97: {  	_ =	swait.ge [sflag:s12], $0x3200  }
0x98: {  	[sflag:s12] =	ssyncset.done $0x0  }
0x99: {  	s23 =	simm.s32 $0xD0;
	[sflag:s12] =	ssyncadd.s32 $0xFFFFCE00  }
0x9a: {  	[tilespmem:s0], [sflag:$0x1] =	stream.indirect.gather [hbm4b:s6+s1], $0x80, s23, s1, $0xb8;
	[tilespmem:$0x1FAA8] =	vst v63  }
0x9b: {  	_ =	swait.ge [sflag:s13], $0x3200  }
0x9c: {  	[sflag:s13] =	ssyncset.done $0x0  }
0x9d: {  	s19 =	simm.s32 $0x340;
	s20 =	simm.s32 $0x138;
	[sflag:s13] =	ssyncadd.s32 $0xFFFFCE00  }
.LBB2_4:
0x9e: {  	[tilespmem:s7], [sflag:$0x2] =	stream.indirect.gather [hbm4b:s6+s1], $0x80, s20, s1, $0xb8;
	[tilespmem:$0x1FAA8] =	vst v63  }
0x9f: {  	s20 =	smov.u32 s19  }
0xa0: {  	p0 =	sne.s32 s19, $0x9C00;
	s19 =	sadd.s32 $0x340, s19;
	_ =	swait.ge [sflag:s8], $0x3200  }
0xa1: {  	s20 =	sshra.s32 s20, $0x2;
	[sflag:s8] =	ssyncset.done $0x0  }
0xa2: {  	s21 =	sadd.s32 $0x28A0, s20;
	[sflag:s8] =	ssyncadd.s32 $0xFFFFCE00  }
0xa3: {  	[spmem:s2] =	stream.indirect.scatter.add.f32 [tilespmem:s0], [sflag:$0x3], $0x80, s21, s1, $0xb8;
	[tilespmem:$0x1FAA8] =	vst v63  }
0xa4: {  	_ =	swait.ge [sflag:s10], $0x3200  }
0xa5: {  	[sflag:s10] =	ssyncset.done $0x0  }
0xa6: {  	s23 =	sadd.s32 $0x2908, s20;
	[sflag:s10] =	ssyncadd.s32 $0xFFFFCE00  }
0xa7: {  	[spmem:s2] =	stream.indirect.scatter.add.f32 [tilespmem:s7], [sflag:$0x4], $0x80, s23, s1, $0xb8;
	[tilespmem:$0x1FAA8] =	vst v63  }
0xa8: {  	_ = 	snop  }
0xa9: {  	[spmem:s3] =	stream.indirect.scatter.add.f32 [tilespmem:s11], [sflag:$0x5], $0x1, s20, s1, $0xb8;
	[tilespmem:$0x1FAA8] =	vst v63  }
0xaa: {  	_ = 	snop  }
0xab: {  	[spmem:s4] =	stream.indirect.scatter.add.f32 [tilespmem:s11], [sflag:$0x6], $0x1, s21, s1, $0xb8;
	[tilespmem:$0x1FAA8] =	vst v63  }
0xac: {  	s21 =	sadd.s32 $0x68, s20  }
0xad: {  	[spmem:s3] =	stream.indirect.scatter.add.f32 [tilespmem:s11], [sflag:$0x5], $0x1, s21, s1, $0xb8;
	[tilespmem:$0x1FAA8] =	vst v63  }
0xae: {  	_ = 	snop  }
0xaf: {  	[spmem:s4] =	stream.indirect.scatter.add.f32 [tilespmem:s11], [sflag:$0x6], $0x1, s23, s1, $0xb8;
	[tilespmem:$0x1FAA8] =	vst v63  }
0xb0: {  	_ =	swait.ge [sflag:s12], $0x3200  }
0xb1: {  	[sflag:s12] =	ssyncset.done $0x0  }
.Ltmp1:
0xb2: {  	s21 =	sadd.s32 $0xD0, s20;
	[sflag:s12] =	ssyncadd.s32 $0xFFFFCE00;
	(pc) =	sbr.rel @p0 .LBB2_4-.Ltmp1, $4  }
0xb3: {  	[tilespmem:s0], [sflag:$0x1] =	stream.indirect.gather [hbm4b:s6+s1], $0x80, s21, s1, $0xb8;
	[tilespmem:$0x1FAA8] =	vst v63  }
0xb4: {  	_ =	swait.ge [sflag:s13], $0x3200  }
0xb5: {  	[sflag:s13] =	ssyncset.done $0x0  }
0xb6: {  	s20 =	sadd.s32 $0x138, s20;
	[sflag:s13] =	ssyncadd.s32 $0xFFFFCE00  }
0xb7: {  	[tilespmem:s7], [sflag:$0x2] =	stream.indirect.gather [hbm4b:s6+s1], $0x80, s20, s1, $0xb8;
	[tilespmem:$0x1FAA8] =	vst v63  }
0xb8: {  	_ =	swait.ge [sflag:s8], $0x3200  }
0xb9: {  	[sflag:s8] =	ssyncset.done $0x0  }
0xba: {  	s19 =	simm.s32 $0x64;
	[sflag:s8] =	ssyncadd.s32 $0xFFFFCE00  }
0xbb: {  	[spmem:s2] =	stream.indirect.scatter.add.f32 [tilespmem:s0], [sflag:$0x3], $0x80, s14, s19, $0xb8;
	[tilespmem:$0x1FAA8] =	vst v63  }
0xbc: {  	_ =	swait.ge [sflag:s10], $0x3200  }
0xbd: {  	[sflag:s10] =	ssyncset.done $0x0  }
0xbe: {  	[sflag:s10] =	ssyncadd.s32 $0xFFFFCE00  }
0xbf: {  	[spmem:s2] =	stream.indirect.scatter.add.f32 [tilespmem:s7], [sflag:$0x4], $0x80, s15, s19, $0xb8;
	[tilespmem:$0x1FAA8] =	vst v63  }
0xc0: {  	s21 =	simm.s32 $0x27D0  }
0xc1: {  	[spmem:s3] =	stream.indirect.scatter.add.f32 [tilespmem:s11], [sflag:$0x5], $0x1, s21, s19, $0xb8;
	[tilespmem:$0x1FAA8] =	vst v63  }
0xc2: {  	_ = 	snop  }
0xc3: {  	[spmem:s4] =	stream.indirect.scatter.add.f32 [tilespmem:s11], [sflag:$0x6], $0x1, s14, s19, $0xb8;
	[tilespmem:$0x1FAA8] =	vst v63  }
0xc4: {  	s23 =	simm.s32 $0x2838  }
0xc5: {  	[spmem:s3] =	stream.indirect.scatter.add.f32 [tilespmem:s11], [sflag:$0x5], $0x1, s23, s19, $0xb8;
	[tilespmem:$0x1FAA8] =	vst v63  }
0xc6: {  	_ = 	snop  }
0xc7: {  	[spmem:s4] =	stream.indirect.scatter.add.f32 [tilespmem:s11], [sflag:$0x6], $0x1, s15, s19, $0xb8;
	[tilespmem:$0x1FAA8] =	vst v63  }
0xc8: {  	_ =	swait.ge [sflag:s12], $0x3200  }
0xc9: {  	[sflag:s12] =	ssyncset.done $0x0  }
0xca: {  	[sflag:s12] =	ssyncadd.s32 $0xFFFFCE00  }
0xcb: {  	_ =	swait.ge [sflag:s13], $0x3200  }
0xcc: {  	[sflag:s13] =	ssyncset.done $0x0  }
0xcd: {  	[sflag:s13] =	ssyncadd.s32 $0xFFFFCE00  }
0xce: {  	_ =	swait.ge [sflag:s17], $0x64  }
0xcf: {  	[sflag:s17] =	ssyncset.done $0x0  }
0xd0: {  	[sflag:s17] =	ssyncadd.s32 $0xFFFFFF9C  }
0xd1: {  	_ =	swait.ge [sflag:s18], $0x64  }
0xd2: {  	s19 =	simm.s32 $0x63;
	[sflag:s18] =	ssyncset.done $0x0  }
.LBB2_6:
0xd3: {  	p0 =	sne.s32 s19, $0x1;
	s19 =	sadd.s32 $0xFFFFFFFF, s19;
	[sflag:s18] =	ssyncadd.s32 $0xFFFFFF9C  }
.Ltmp2:
0xd4: {  	_ =	swait.ge [sflag:s17], $0x64;
	(pc) =	sbr.rel @p0 .LBB2_6-.Ltmp2, $4  }
0xd5: {  	[sflag:s17] =	ssyncset.done $0x0  }
0xd6: {  	[sflag:s17] =	ssyncadd.s32 $0xFFFFFF9C  }
0xd7: {  	_ =	swait.ge [sflag:s18], $0x64  }
0xd8: {  	[sflag:s18] =	ssyncset.done $0x0  }
0xd9: {  	s19 =	stileid.u32  }
0xda: {  	[sflag:s18] =	ssyncadd.s32 $0xFFFFFF9C;
	s19 =	sshll.u32 s19, $0x6  }
0xdb: {  	s20 =	sshrl.u32 s9, $0x3;
	[bflag:$0x0] =	sbarrier.arrive $0xFFFF;
	s19 =	sor.u32 $0x1C07, s19  }
0xdc: {  	[hbm:s28], [sflag:s19] =	dma.local [spmem:s20], $0x2800  }
0xdd: {  	_ =	swait.ge [sflag:s31], $0x2800  }
0xde: {  	[sflag:s31] =	ssyncset.done $0x0  }
0xdf: {  	s23 =	sshrl.u32 s16, $0x3;
	s21 =	rddreg [dreg:$0x10];
	[sflag:s31] =	ssyncadd.s32 $0xFFFFD800  }
0xe0: {  	[hbm:s21], [sflag:s19] =	dma.local [spmem:s23], $0x50  }
0xe1: {  	s5 =	sadd.s32 $0x1, s5;
	_ =	swait.ge [sflag:s31], $0x50  }
0xe2: {  	p0 =	sne.s32 s5, s30;
	[sflag:s31] =	ssyncset.done $0x0  }
.Ltmp3:
0xe3: {  	s23 =	sshrl.u32 s22, $0x3;
	[sflag:s31] =	ssyncadd.s32 $0xFFFFFFB0;
	(pc) =	sbr.rel @p0 .LBB2_1-.Ltmp3, $4  }
0xe4: {  	[hbm:s29], [sflag:s19] =	dma.local [spmem:s23], $0x50  }
0xe5: {  	_ =	swait.ge [sflag:s31], $0x50  }
0xe6: {  	[sflag:s31] =	ssyncset.done $0x0  }
0xe7: {  	[sflag:s31] =	ssyncadd.s32 $0xFFFFFFB0  }
0xe8: {  	_ =	sfence.sel $0x180000  }
0xe9: {  	[bflag:$0x0] =	sbarrier.arrive $0xFFFF  }
0xea: {  	_ =	strace $0x90000047  }
0xeb: {  	s0 =	stileid.u32;
	[bflag:$0x2] =	sbarrier.arrive $0xFFFF  }
0xec: {  	p0 =	sne.s32 s0, $0x0;
	s0 =	rddreg [dreg:$0x5]  }
0xed: {  	s0 =	sadd.s32 @!p0 $0x100000, s0  }
0xee: {  	[sflag:s0] =	ssyncadd.tile.s32 @!p0 $0x1;
	_ =	shalt  }
.Lfunc_end2:
_tile_overlayer_lowered:
.L_overlay_start_2:
0xef: {  	(tag) =	ssettag $0x2  }
0xf0: {  	s0 =	rddreg [dreg:$0x0];
	s2 =	stileid.u32  }
0xf1: {  	s1 =	rddreg [dreg:$0x1];
	p0 =	sne.s32 s2, $0x0  }
0xf2: {  	s3 =	rddreg [dreg:$0x2];
	[bflag:$0x3] =	sbarrier.arrive $0xFFFF;
	s2 =	simm.s32 @!p0 $0x1C07  }
0xf3: {  	[timem:s3], [sflag:s2] =	dma.local @!p0 [hbm:s0], s1  }
0xf4: {  	s0 =	simm.s32 @!p0 $0x7  }
0xf5: {  	_ =	swait.ge @!p0 [sflag:s0], s1  }
0xf6: {  	s1 =	ssub.s32 @!p0 $0x0, s1;
	[sflag:s0] =	ssyncset.done @!p0 $0x0  }
0xf7: {  	[sflag:s0] =	ssyncadd.s32 @!p0 s1  }
0xf8: {  	[bflag:$0x3] =	sbarrier.arrive $0xFFFF  }
0xf9: {  	_ =	shalt  }

// kernel: kernel.14.cloned.1.call-start
scs
__scs_entry_jumppad:
0x0: {  	(pc) =	sbr.rel $0x88, $3  }
0x1: {  	(tag) =	ssettag $0x0;
	lr =	simm.s32 $0x1  }
0x2: {  	[smem:$0x3F9B] =	sst lr;
	_ =	strace $0xD0000000  }
0x3: {  	_ = 	snop  }
0x4: {  	_ = 	snop  }
0x5: {  	_ = 	snop  }
0x6: {  	_ = 	snop  }
0x7: {  	_ = 	snop  }
__scs_overlays_trampoline_lowered:
0x8: {  	[smem:$0x3FAA] =	sst s0  }
0x9: {  	[smem:$0x3FAB] =	sst s1  }
0xa: {  	[smem:$0x3FAC] =	sst s2  }
0xb: {  	[smem:$0x3FAD] =	sst s3  }
0xc: {  	[smem:$0x3FAE] =	sst s4  }
0xd: {  	[smem:$0x3FAF] =	sst s5  }
0xe: {  	[smem:$0x3FB0] =	sst s6  }
0xf: {  	[smem:$0x3FB1] =	sst s7  }
0x10: {  	[smem:$0x3FB2] =	sst s8  }
0x11: {  	[smem:$0x3FB3] =	sst s9;
	s0 =	simm.s32 @!p0 $0x0  }
0x12: {  	s1 =	sld [smem:$0x3F99];
	s0 =	simm.s32 @p0 $0x1  }
0x13: {  	[smem:$0x3FB4] =	sst s0;
	s0 =	simm.s32 @!p1 $0x0  }
0x14: {  	s2 =	sld [smem:$0x3F98];
	s0 =	simm.s32 @p1 $0x1  }
0x15: {  	[smem:$0x3FB5] =	sst s0;
	s0 =	simm.s32 @!p2 $0x0  }
0x16: {  	s3 =	sld [smem:$0x3FDB];
	s0 =	simm.s32 @p2 $0x1  }
0x17: {  	s4 =	simm.s32 $0x1BF5;
	[smem:$0x3FB7] =	sst s0  }
0x18: {  	s0 =	sld [smem:$0x3F9A];
	_ =	swait.ge [sflag:s4], $0x0  }
0x19: {  	s7 =	sld [smem:$0x3F9B]  }
0x1a: {  	s8 =	sadd.s32 $0xFFFFE003, lr  }
0x1b: {  	s9 =	sadd.s32 $0xFFFFFEF7, lr;
	s5 =	simm.s32 $0xFFFFFFFF;
	p2 =	slt.u32 s8, $0xFFFFF086  }
0x1c: {  	p1 =	slt.u32 s9, $0xF7A;
	s5 =	simm.s32 @!p2 $0x0  }
0x1d: {  	s5 =	simm.s32 @p1 $0x1;
	p0 =	seq.s32 s7, s2  }
0x1e: {  	s7 =	smul.u32 @!p0 $0xF7A, s2;
	p2 =	seq.s32 @!p0 s5, $0x0  }
0x1f: {  	s9 =	smul.u32 $0xF7A, s1;
	s8 =	simm.s32 @!p0 $0x1BF5;
	p2 =	por !p2, p0  }
0x20: {  	[sflag:s8] =	ssyncset.s32 @!p0 $0xFFFFF086;
	s6 =	sadd.s32 @!p0 s3, s7;
	s7 =	simm.s32 @!p0 $0x108  }
0x21: {  	s3 =	sadd.s32 s3, s9;
	s6 =	sadd.s32 @!p0 $0x88, s6;
	s7 =	simm.s32 @p2 $0x1082  }
0x22: {  	[simem:s7], [sflag:s8] =	dma.local @!p0 [hbm:s6], $0xF7A  }
0x23: {  	s9 =	sor.u32 $0xD0000000, s2;
	s6 =	simm.s32 $0x108;
	_ =	swait.ge @!p0 [sflag:s8], $0x0  }
0x24: {  	s3 =	sadd.s32 $0x88, s3;
	s6 =	simm.s32 @!p1 $0x1082;
	[sflag:s4] =	ssyncset.s32 $0xFFFFF086  }
0x25: {  	[simem:s6], [sflag:s4] =	dma.local [hbm:s3], $0xF7A  }
0x26: {  	[smem:$0x3F9B] =	sst s1;
	(tag) =	ssettag s2;
	_ =	strace s9  }
0x27: {  	s1 =	sld [smem:$0x3FAB]  }
0x28: {  	s2 =	sld [smem:$0x3FAC]  }
0x29: {  	s4 =	sld [smem:$0x3FAE]  }
0x2a: {  	p0 =	seq.s32 s5, $0x0;
	s5 =	sld [smem:$0x3FAF]  }
0x2b: {  	s6 =	sld [smem:$0x3FB0]  }
0x2c: {  	s7 =	sld [smem:$0x3FB1]  }
0x2d: {  	s3 =	simm.s32 $0x108;
	s8 =	sld [smem:$0x3FB2]  }
0x2e: {  	s3 =	simm.s32 @!p0 $0x1082;
	s9 =	sld [smem:$0x3FB3]  }
0x2f: {  	lr =	sadd.s32 s0, s3;
	s0 =	sld [smem:$0x3FAA]  }
0x30: {  	s3 =	sld [smem:$0x3FAD]  }
0x31: {  	[smem:$0x3FB6] =	sst s10  }
0x32: {  	s10 =	sld [smem:$0x3FB4];
	_ =	sdelay $0x3  }
0x33: {  	p0 =	seq.s32 s10, $0x1;
	s10 =	sld [smem:$0x3FB6];
	_ =	sdelay $0x3  }
0x34: {  	[smem:$0x3FB6] =	sst s10  }
0x35: {  	s10 =	sld [smem:$0x3FB5];
	_ =	sdelay $0x3  }
0x36: {  	p1 =	seq.s32 s10, $0x1;
	s10 =	sld [smem:$0x3FB6];
	_ =	sdelay $0x3  }
0x37: {  	[smem:$0x3FB6] =	sst s10  }
0x38: {  	s10 =	sld [smem:$0x3FB7]  }
0x39: {  	_ = 	snop;
	(pc) =	sbr.ind lr, $3  }
0x3a: {  	_ = 	snop  }
0x3b: {  	_ = 	snop  }
0x3c: {  	p2 =	seq.s32 s10, $0x1;
	s10 =	sld [smem:$0x3FB6]  }
0x3d: {  	_ =	shalt  }
0x3e: {  	_ =	shalt  }
0x3f: {  	_ =	shalt  }
0x40: {  	_ =	shalt  }
0x41: {  	_ =	shalt  }
0x42: {  	_ =	shalt  }
0x43: {  	_ =	shalt  }
0x44: {  	_ =	shalt  }
0x45: {  	_ =	shalt  }
0x46: {  	_ =	shalt  }
0x47: {  	_ =	shalt  }
0x48: {  	_ =	shalt  }
0x49: {  	_ =	shalt  }
0x4a: {  	_ =	shalt  }
0x4b: {  	_ =	shalt  }
0x4c: {  	_ =	shalt  }
0x4d: {  	_ =	shalt  }
0x4e: {  	_ =	shalt  }
0x4f: {  	_ =	shalt  }
0x50: {  	_ =	shalt  }
0x51: {  	_ =	shalt  }
0x52: {  	_ =	shalt  }
0x53: {  	_ =	shalt  }
0x54: {  	_ =	shalt  }
0x55: {  	_ =	shalt  }
0x56: {  	_ =	shalt  }
0x57: {  	_ =	shalt  }
0x58: {  	_ =	shalt  }
0x59: {  	_ =	shalt  }
0x5a: {  	_ =	shalt  }
0x5b: {  	_ =	shalt  }
0x5c: {  	_ =	shalt  }
0x5d: {  	_ =	shalt  }
0x5e: {  	_ =	shalt  }
0x5f: {  	_ =	shalt  }
0x60: {  	_ =	shalt  }
0x61: {  	_ =	shalt  }
0x62: {  	_ =	shalt  }
0x63: {  	_ =	shalt  }
0x64: {  	_ =	shalt  }
0x65: {  	_ =	shalt  }
0x66: {  	_ =	shalt  }
0x67: {  	_ =	shalt  }
0x68: {  	_ =	shalt  }
0x69: {  	_ =	shalt  }
0x6a: {  	_ =	shalt  }
0x6b: {  	_ =	shalt  }
0x6c: {  	_ =	shalt  }
0x6d: {  	_ =	shalt  }
0x6e: {  	_ =	shalt  }
0x6f: {  	_ =	shalt  }
0x70: {  	_ =	shalt  }
0x71: {  	_ =	shalt  }
0x72: {  	_ =	shalt  }
0x73: {  	_ =	shalt  }
0x74: {  	_ =	shalt  }
0x75: {  	_ =	shalt  }
0x76: {  	_ =	shalt  }
0x77: {  	_ =	shalt  }
0x78: {  	_ =	shalt  }
0x79: {  	_ =	shalt  }
0x7a: {  	_ =	shalt  }
0x7b: {  	_ =	shalt  }
0x7c: {  	_ =	shalt  }
0x7d: {  	_ =	shalt  }
0x7e: {  	_ =	shalt  }
0x7f: {  	_ =	shalt  }
0x80: {  	_ =	shalt  }
0x81: {  	_ =	shalt  }
0x82: {  	_ =	shalt  }
0x83: {  	_ =	shalt  }
0x84: {  	_ =	shalt  }
0x85: {  	_ =	shalt  }
0x86: {  	_ =	shalt  }
0x87: {  	_ =	shalt  }
.Lfunc_end0:
.L_simem_size_0:
called_computation.1_lowered:
.L_overlay_start_0:
0x88: {  	s2 =	sld [smem:$0x3FD9]  }
0x89: {  	s3 =	sld [smem:$0x3FFE];
	_ =	sdelay $0x1  }
0x8a: {  	s1 =	srdreg.scid  }
0x8b: {  	s0 =	sand.u32 $0x1, s1  }
0x8c: {  	s16 =	sshll.u32 s0, $0xA;
	s2 =	sadd.s32 s3, s2  }
0x8d: {  	s2 =	sadd.s32 s2, s16  }
0x8e: {  	[smem:$0x3FC2] =	sst s2  }
0x8f: {  	_ = 	snop  }
0x90: {  	(tm) =	ssettm $0x1  }
0x91: {  	s17 =	sld [smem:$0x3FFB];
	_ =	sdelay $0x3  }
0x92: {  	_ =	strace s17  }
0x93: {  	s2 =	sld [smem:$0x3FFC];
	_ =	sdelay $0x3  }
0x94: {  	_ =	strace s2  }
0x95: {  	s2 =	sld [smem:$0x3FFD];
	_ =	sdelay $0x3  }
0x96: {  	_ =	strace s2  }
0x97: {  	_ =	strace $0x8FFFFFFF  }
0x98: {  	s18 =	sld [smem:$0x3FDB];
	_ =	sdelay $0x1  }
0x99: {  	s19 =	simm.s32 $_scs_section_size  }
0x9a: {  	s4 =	simm.s32 $_size__tile_overlayer_lowered;
	s5 =	simm.s32 $_tile_overlayer_lowered  }
0x9b: {  	s22 =	simm.s32 $0x1BFF;
	s21 =	sshll.u32 s5, $0x1;
	s2 =	sadd.s32 s19, s18  }
0x9c: {  	s6 =	simm.s32 $0x0;
	s20 =	sshll.u32 s4, $0x1;
	s4 =	sadd.s32 s21, s2  }
0x9d: {  	[timem:s6], [sflag:s22] =	dma.local [hbm:s4], s20  }
0x9e: {  	_ =	swait.ge [sflag:s22], s20  }
0x9f: {  	s3 =	ssub.s32 $0x0, s20;
	[sflag:s22] =	ssyncset.done $0x0  }
0xa0: {  	[sflag:s22] =	ssyncadd.s32 s3;
	_ =	sdelay $0x1  }
0xa1: {  	s23 =	simm.s32 $0x1B8B  }
0xa2: {  	_ =	swait.ge [sflag:s23], $0x1  }
0xa3: {  	[sflag:s23] =	ssyncset.done $0x0  }
0xa4: {  	s25 =	simm.s32 $0x1B8E;
	s24 =	sld [smem:$0x3FFE];
	[sflag:s23] =	ssyncadd.s32 $0xFFFFFFFF  }
0xa5: {  	s26 =	simm.s32 $execute0_lowered;
	[smem:$0x3FD2] =	sst s25  }
0xa6: {  	s4 =	sshll.u32 s26, $0x1;
	_ =	strace $0x80000049;
	[dreg:$0x1] =	wrdreg $0xFFFFFFFF  }
0xa7: {  	s28 =	simm.s32 $_size_execute0_lowered;
	s2 =	sadd.s32 s2, s4;
	[dreg:$0x0] =	wrdreg $0x0  }
0xa8: {  	s4 =	sshll.u32 s28, $0x1;
	[dreg:$0x2] =	wrdreg s2  }
0xa9: {  	[dreg:$0x3] =	wrdreg s4  }
0xaa: {  	[dreg:$0x4] =	wrdreg $0xC0  }
0xab: {  	_ =	task [dreg:s6], $0x5FFFF  }
0xac: {  	[dreg:$0x1] =	wrdreg $0xFFFFFFFF  }
0xad: {  	[dreg:$0x0] =	wrdreg $0x60  }
0xae: {  	[dreg:$0x2] =	wrdreg s24  }
0xaf: {  	[dreg:$0x3] =	wrdreg $0xB5400  }
0xb0: {  	[dreg:$0x4] =	wrdreg $0x9  }
0xb1: {  	_ =	task.clear_ibuf [dreg:s6], $0x5FFFF;
	_ =	strace $0x90000049  }
0xb2: {  	s29 =	simm.s32 $0x9;
	_ =	strace $0x8000004B  }
0xb3: {  	_ =	swait.ge [sflag:s29], $0x1  }
0xb4: {  	[sflag:s29] =	ssyncadd.s32 $0xFFFFFFFF  }
0xb5: {  	_ =	strace $0x9000004B  }
0xb6: {  	_ =	sfence  }
0xb7: {  	s30 =	sld [smem:$0x0];
	_ =	sdelay $0x2  }
0xb8: {  	s31 =	sshll.u32 s1, $0xD;
	s1 =	sshrl.u32 s1, $0x2  }
0xb9: {  	s3 =	sand.u32 $0x4000, s31;
	s1 =	sadd.s32 s1, s30  }
0xba: {  	s0 =	sor.u32 s3, s0;
	s1 =	sshll.u32 s1, $0x11  }
0xbb: {  	s0 =	sor.u32 s1, s0  }
0xbc: {  	s0 =	sadd.s32 $0x8F2B, s0  }
0xbd: {  	[sflag:s0] =	ssyncadd.remote.s32 $0x1  }
0xbe: {  	_ =	sfence.sel $0xFFFF  }
0xbf: {  	[dreg:$0x0] =	wrdreg $0xFFFFFFFF;
	(pc) =	sbr.abs _section_cstart, $3  }
0xc0: {  	[dreg:$0x1] =	wrdreg $0xFFFFFFFF  }
0xc1: {  	_ =	task.clear_ibuf [dreg:s6], $0x2FFFF;
	_ =	strace $0x9FFFFFFF  }
0xc2: {  	(tm) =	ssettm $0x7FFFFFFF  }
0xc3: {  	_ =	shalt  }
tec
execute0_lowered:
.L_overlay_start_1:
0x0: {  	(tag) =	ssettag $0x1  }
0x1: {  	s5 =	rddreg [dreg:$0x0]  }
0x2: {  	s2 =	rddreg [dreg:$0x1];
	s3 =	srdreg.scid  }
0x3: {  	s0 =	rddreg [dreg:$0x2];
	s1 =	stileid.u32;
	s16 =	simm.s32 $0x5  }
0x4: {  	s17 =	simm.s32 $0x28A0;
	s18 =	simm.s32 $0x5140;
	s19 =	simm.s32 $0x64  }
0x5: {  	s20 =	simm.s32 $0x68;
	s21 =	simm.s32 $0x8340;
	s22 =	simm.s32 $0x1  }
0x6: {  	s23 =	simm.s32 $0x2;
	s24 =	simm.s32 $0x3;
	s25 =	simm.s32 $0x4  }
0x7: {  	s26 =	simm.s32 $0x5070;
	s28 =	simm.s32 $0x50D8;
	s7 =	smul.u32 $0x14000, s1  }
0x8: {  	s6 =	sand.u32 $0x1, s3;
	s3 =	simm.s32 $0x0;
	s10 =	smul.u32 $0x50000, s1  }
0x9: {  	s4 =	sshll.u32 s6, $0x4;
	[smem:$0x7FF] =	sst s3;
	s9 =	smul.u32 $0x140000, s6  }
0xa: {  	s6 =	ssub.s32 $0x2, s6;
	s8 =	sor.u32 s1, s4;
	_ =	strace $0x8000004A  }
0xb: {  	s4 =	sadd.s32 $0x3F600, s5;
	s11 =	sshrl.u32 s6, $0x1;
	s31 =	sshrl.u32 s10, $0x2  }
0xc: {  	s8 =	smul.u32 $0x514, s8;
	s9 =	sadd.s32 s7, s9;
	s15 =	ssub.s32 s6, s11  }
0xd: {  	s13 =	sadd.s32 s31, s2;
	s7 =	sadd.s32 s7, s2;
	s9 =	sshrl.u32 s9, $0x3  }
0xe: {  	s10 =	sadd.s32 $0x9600, s13;
	s11 =	sadd.s32 $0xC800, s13;
	s12 =	sadd.s32 $0xFA00, s13  }
0xf: {  	s15 =	smax.u32 s15, $0x1;
	s8 =	sadd.s32 s8, s5;
	s14 =	sadd.s32 s9, s5  }
0x10: {  	s9 =	sadd.s32 $0x6400, s13;
	s5 =	sadd.s32 $0x2E00, s8;
	s6 =	sadd.s32 $0xD200, s8  }
0x11: {  	v0 =	vimm.f32 $0.0e+00;
	s8 =	sadd.s32 $0x3200, s13;
	s13 =	sadd.s32 $0x12C00, s13;
	s14 =	sadd.s32 $0x66800, s14  }
.LBB2_1:
0x12: {  	s29 =	simm.s32 $0x0;
	s30 =	simm.s32 $0x200  }
.LBB2_2:
0x13: {  	p0 =	sne.s32 s30, $0xC600;
	[tilespmem:s29+$0x51B0] =	vst v0  }
0x14: {  	[tilespmem:s29+$0x5140] =	vst v0  }
0x15: {  	[tilespmem:s29+$0x5150] =	vst v0  }
.Ltmp0:
0x16: {  	[tilespmem:s29+$0x5160] =	vst v0;
	(pc) =	sbr.rel @p0 .LBB2_2-.Ltmp0, $4  }
0x17: {  	[tilespmem:s29+$0x5170] =	vst v0  }
0x18: {  	[tilespmem:s29+$0x5180] =	vst v0  }
0x19: {  	[tilespmem:s29+$0x5190] =	vst v0  }
0x1a: {  	[tilespmem:s29+$0x51A0] =	vst v0;
	s29 =	sshra.s32 s30, $0x2;
	s30 =	sadd.s32 $0x200, s30  }
0x1b: {  	[tilespmem:s29+$0x51B0] =	vst v0  }
0x1c: {  	[tilespmem:s29+$0x5140] =	vst v0  }
0x1d: {  	[tilespmem:s29+$0x5150] =	vst v0  }
0x1e: {  	[tilespmem:s29+$0x5160] =	vst v0  }
0x1f: {  	[tilespmem:s29+$0x5170] =	vst v0  }
0x20: {  	[tilespmem:s29+$0x5180] =	vst v0  }
0x21: {  	[tilespmem:s29+$0x5190] =	vst v0  }
0x22: {  	[tilespmem:s29+$0x51A0] =	vst v0;
	s29 =	simm.s32 $0x0  }
0x23: {  	[tilespmem:s29], [sflag:$0x5] =	stream.linear.gather [hbm4b:s5+s29], $0x28A0, $0x38;
	[tilespmem:$0x1F540] =	vst v63  }
0x24: {  	_ =	swait.ge [sflag:s16], $0x28A0  }
0x25: {  	[sflag:s16] =	ssyncset.done $0x0  }
0x26: {  	[sflag:s16] =	ssyncadd.s32 $0xFFFFD760  }
0x27: {  	[tilespmem:s17], [sflag:$0x5] =	stream.linear.gather [hbm4b:s6+s29], $0x28A0, $0x38;
	[tilespmem:$0x1F540] =	vst v63  }
0x28: {  	_ =	swait.ge [sflag:s16], $0x28A0  }
0x29: {  	[sflag:s16] =	ssyncset.done $0x0  }
0x2a: {  	[sflag:s16] =	ssyncadd.s32 $0xFFFFD760  }
0x2b: {  	[spmem:s7] =	stream.linear.scatter [tilespmem:s18], [sflag:$0x5], $0x3200, $0x38;
	[tilespmem:$0x1F540] =	vst v63  }
0x2c: {  	_ =	swait.ge [sflag:s16], $0x3200  }
0x2d: {  	[sflag:s16] =	ssyncset.done $0x0  }
0x2e: {  	[sflag:s16] =	ssyncadd.s32 $0xFFFFCE00  }
0x2f: {  	[spmem:s8] =	stream.linear.scatter [tilespmem:s18], [sflag:$0x5], $0x3200, $0x38;
	[tilespmem:$0x1F540] =	vst v63  }
0x30: {  	_ =	swait.ge [sflag:s16], $0x3200  }
0x31: {  	[sflag:s16] =	ssyncset.done $0x0  }
0x32: {  	[sflag:s16] =	ssyncadd.s32 $0xFFFFCE00  }
0x33: {  	[spmem:s9] =	stream.linear.scatter [tilespmem:s18], [sflag:$0x5], $0x3200, $0x38;
	[tilespmem:$0x1F540] =	vst v63  }
0x34: {  	_ =	swait.ge [sflag:s16], $0x3200  }
0x35: {  	[sflag:s16] =	ssyncset.done $0x0  }
0x36: {  	[sflag:s16] =	ssyncadd.s32 $0xFFFFCE00  }
0x37: {  	[spmem:s10] =	stream.linear.scatter [tilespmem:s18], [sflag:$0x5], $0x3200, $0x38;
	[tilespmem:$0x1F540] =	vst v63  }
0x38: {  	_ =	swait.ge [sflag:s16], $0x3200  }
0x39: {  	[sflag:s16] =	ssyncset.done $0x0  }
0x3a: {  	[sflag:s16] =	ssyncadd.s32 $0xFFFFCE00  }
0x3b: {  	[spmem:s11] =	stream.linear.scatter [tilespmem:s18], [sflag:$0x5], $0x3200, $0x38;
	[tilespmem:$0x1F540] =	vst v63  }
0x3c: {  	_ =	swait.ge [sflag:s16], $0x3200  }
0x3d: {  	[sflag:s16] =	ssyncset.done $0x0  }
0x3e: {  	[sflag:s16] =	ssyncadd.s32 $0xFFFFCE00  }
0x3f: {  	[spmem:s12] =	stream.linear.scatter [tilespmem:s18], [sflag:$0x5], $0x3200, $0x38;
	[tilespmem:$0x1F540] =	vst v63  }
0x40: {  	_ =	swait.ge [sflag:s16], $0x3200  }
0x41: {  	[sflag:s16] =	ssyncset.done $0x0  }
0x42: {  	[sflag:s16] =	ssyncadd.s32 $0xFFFFCE00  }
0x43: {  	[spmem:s13] =	stream.linear.scatter [tilespmem:s18], [sflag:$0x5], $0x1400, $0x38;
	[tilespmem:$0x1F540] =	vst v63  }
0x44: {  	_ =	swait.ge [sflag:s16], $0x1400  }
0x45: {  	[sflag:s16] =	ssyncset.done $0x0  }
0x46: {  	[sflag:s16] =	ssyncadd.s32 $0xFFFFEC00  }
0x47: {  	[bflag:$0x0] =	sbarrier.arrive $0xFFFF  }
0x48: {  	[tilespmem:s18], [sflag:$0x1] =	stream.indirect.gather [hbm4b:s4+s19], $0x80, s29, s19, $0xb8;
	[tilespmem:$0x1F540] =	vst v63  }
0x49: {  	_ = 	snop  }
0x4a: {  	[tilespmem:s21], [sflag:$0x2] =	stream.indirect.gather [hbm4b:s4+s19], $0x80, s20, s19, $0xb8;
	[tilespmem:$0x1F540] =	vst v63  }
0x4b: {  	_ =	swait.ge [sflag:s22], $0x3200  }
0x4c: {  	[sflag:s22] =	ssyncset.done $0x0  }
0x4d: {  	s29 =	simm.s32 $0x28A0;
	[sflag:s22] =	ssyncadd.s32 $0xFFFFCE00  }
0x4e: {  	[spmem:s2] =	stream.indirect.scatter.add.f32 [tilespmem:s18], [sflag:$0x3], $0x80, s29, s19, $0xb8;
	[tilespmem:$0x1F540] =	vst v63  }
0x4f: {  	_ =	swait.ge [sflag:s23], $0x3200  }
0x50: {  	[sflag:s23] =	ssyncset.done $0x0  }
0x51: {  	s29 =	simm.s32 $0x2908;
	[sflag:s23] =	ssyncadd.s32 $0xFFFFCE00  }
0x52: {  	[spmem:s2] =	stream.indirect.scatter.add.f32 [tilespmem:s21], [sflag:$0x4], $0x80, s29, s19, $0xb8;
	[tilespmem:$0x1F540] =	vst v63  }
0x53: {  	_ =	swait.ge [sflag:s24], $0x3200  }
0x54: {  	[sflag:s24] =	ssyncset.done $0x0  }
0x55: {  	s29 =	simm.s32 $0xD0;
	[sflag:s24] =	ssyncadd.s32 $0xFFFFCE00  }
0x56: {  	[tilespmem:s18], [sflag:$0x1] =	stream.indirect.gather [hbm4b:s4+s19], $0x80, s29, s19, $0xb8;
	[tilespmem:$0x1F540] =	vst v63  }
0x57: {  	_ =	swait.ge [sflag:s25], $0x3200  }
0x58: {  	[sflag:s25] =	ssyncset.done $0x0  }
0x59: {  	s30 =	simm.s32 $0x138;
	s29 =	simm.s32 $0x340;
	[sflag:s25] =	ssyncadd.s32 $0xFFFFCE00  }
.LBB2_4:
0x5a: {  	[tilespmem:s21], [sflag:$0x2] =	stream.indirect.gather [hbm4b:s4+s19], $0x80, s30, s19, $0xb8;
	[tilespmem:$0x1F540] =	vst v63  }
0x5b: {  	s30 =	smov.u32 s29  }
0x5c: {  	p0 =	sne.s32 s29, $0x9C00;
	s29 =	sadd.s32 $0x340, s29;
	_ =	swait.ge [sflag:s22], $0x3200  }
0x5d: {  	s30 =	sshra.s32 s30, $0x2;
	[sflag:s22] =	ssyncset.done $0x0  }
0x5e: {  	s31 =	sadd.s32 $0x28A0, s30;
	[sflag:s22] =	ssyncadd.s32 $0xFFFFCE00  }
0x5f: {  	[spmem:s2] =	stream.indirect.scatter.add.f32 [tilespmem:s18], [sflag:$0x3], $0x80, s31, s19, $0xb8;
	[tilespmem:$0x1F540] =	vst v63  }
0x60: {  	_ =	swait.ge [sflag:s23], $0x3200  }
0x61: {  	[sflag:s23] =	ssyncset.done $0x0  }
0x62: {  	s31 =	sadd.s32 $0x2908, s30;
	[sflag:s23] =	ssyncadd.s32 $0xFFFFCE00  }
0x63: {  	[spmem:s2] =	stream.indirect.scatter.add.f32 [tilespmem:s21], [sflag:$0x4], $0x80, s31, s19, $0xb8;
	[tilespmem:$0x1F540] =	vst v63  }
0x64: {  	_ =	swait.ge [sflag:s24], $0x3200  }
0x65: {  	[sflag:s24] =	ssyncset.done $0x0  }
.Ltmp1:
0x66: {  	s31 =	sadd.s32 $0xD0, s30;
	[sflag:s24] =	ssyncadd.s32 $0xFFFFCE00;
	(pc) =	sbr.rel @p0 .LBB2_4-.Ltmp1, $4  }
0x67: {  	[tilespmem:s18], [sflag:$0x1] =	stream.indirect.gather [hbm4b:s4+s19], $0x80, s31, s19, $0xb8;
	[tilespmem:$0x1F540] =	vst v63  }
0x68: {  	_ =	swait.ge [sflag:s25], $0x3200  }
0x69: {  	[sflag:s25] =	ssyncset.done $0x0  }
0x6a: {  	s30 =	sadd.s32 $0x138, s30;
	[sflag:s25] =	ssyncadd.s32 $0xFFFFCE00  }
0x6b: {  	[tilespmem:s21], [sflag:$0x2] =	stream.indirect.gather [hbm4b:s4+s19], $0x80, s30, s19, $0xb8;
	[tilespmem:$0x1F540] =	vst v63  }
0x6c: {  	_ =	swait.ge [sflag:s22], $0x3200  }
0x6d: {  	[sflag:s22] =	ssyncset.done $0x0  }
0x6e: {  	[sflag:s22] =	ssyncadd.s32 $0xFFFFCE00  }
0x6f: {  	[spmem:s2] =	stream.indirect.scatter.add.f32 [tilespmem:s18], [sflag:$0x3], $0x80, s26, s19, $0xb8;
	[tilespmem:$0x1F540] =	vst v63  }
0x70: {  	_ =	swait.ge [sflag:s23], $0x3200  }
0x71: {  	[sflag:s23] =	ssyncset.done $0x0  }
0x72: {  	[sflag:s23] =	ssyncadd.s32 $0xFFFFCE00  }
0x73: {  	[spmem:s2] =	stream.indirect.scatter.add.f32 [tilespmem:s21], [sflag:$0x4], $0x80, s28, s19, $0xb8;
	[tilespmem:$0x1F540] =	vst v63  }
0x74: {  	_ =	swait.ge [sflag:s24], $0x3200  }
0x75: {  	[sflag:s24] =	ssyncset.done $0x0  }
0x76: {  	[sflag:s24] =	ssyncadd.s32 $0xFFFFCE00  }
0x77: {  	_ =	swait.ge [sflag:s25], $0x3200  }
0x78: {  	s29 =	sshll.u32 s1, $0x6;
	s3 =	sadd.s32 $0x1, s3;
	[sflag:s25] =	ssyncset.done $0x0  }
0x79: {  	s31 =	sshrl.u32 s7, $0x3;
	p0 =	sne.s32 s3, s15;
	[sflag:s25] =	ssyncadd.s32 $0xFFFFCE00  }
.Ltmp2:
0x7a: {  	s29 =	sor.u32 $0x1C05, s29;
	[bflag:$0x0] =	sbarrier.arrive $0xFFFF;
	(pc) =	sbr.rel @p0 .LBB2_1-.Ltmp2, $4  }
0x7b: {  	[hbm:s14], [sflag:s29] =	dma.local [spmem:s31], $0x2800  }
0x7c: {  	_ =	swait.ge [sflag:s16], $0x2800  }
0x7d: {  	[sflag:s16] =	ssyncset.done $0x0  }
0x7e: {  	[sflag:s16] =	ssyncadd.s32 $0xFFFFD800  }
0x7f: {  	_ =	sfence.sel $0x180000  }
0x80: {  	[bflag:$0x0] =	sbarrier.arrive $0xFFFF  }
0x81: {  	p0 =	sne.s32 s1, $0x0;
	_ =	strace $0x9000004A  }
0x82: {  	s0 =	sadd.s32 @!p0 $0x100000, s0;
	[bflag:$0x2] =	sbarrier.arrive $0xFFFF  }
0x83: {  	[sflag:s0] =	ssyncadd.tile.s32 @!p0 $0x1;
	_ =	shalt  }
.Lfunc_end2:
_tile_overlayer_lowered:
.L_overlay_start_2:
0x84: {  	(tag) =	ssettag $0x2  }
0x85: {  	s0 =	rddreg [dreg:$0x0];
	s2 =	stileid.u32  }
0x86: {  	s1 =	rddreg [dreg:$0x1];
	p0 =	sne.s32 s2, $0x0  }
0x87: {  	s3 =	rddreg [dreg:$0x2];
	[bflag:$0x3] =	sbarrier.arrive $0xFFFF;
	s2 =	simm.s32 @!p0 $0x1C05  }
0x88: {  	[timem:s3], [sflag:s2] =	dma.local @!p0 [hbm:s0], s1  }
0x89: {  	s0 =	simm.s32 @!p0 $0x5  }
0x8a: {  	_ =	swait.ge @!p0 [sflag:s0], s1  }
0x8b: {  	s1 =	ssub.s32 @!p0 $0x0, s1;
	[sflag:s0] =	ssyncset.done @!p0 $0x0  }
0x8c: {  	[sflag:s0] =	ssyncadd.s32 @!p0 s1  }
0x8d: {  	[bflag:$0x3] =	sbarrier.arrive $0xFFFF  }
0x8e: {  	_ =	shalt  }

// kernel: kernel.17.cloned.1.call-start
scs
__scs_entry_jumppad:
0x0: {  	(pc) =	sbr.rel $0x88, $3  }
0x1: {  	(tag) =	ssettag $0x0;
	lr =	simm.s32 $0x1  }
0x2: {  	[smem:$0x3F9B] =	sst lr;
	_ =	strace $0xD0000000  }
0x3: {  	_ = 	snop  }
0x4: {  	_ = 	snop  }
0x5: {  	_ = 	snop  }
0x6: {  	_ = 	snop  }
0x7: {  	_ = 	snop  }
__scs_overlays_trampoline_lowered:
0x8: {  	[smem:$0x3FAA] =	sst s0  }
0x9: {  	[smem:$0x3FAB] =	sst s1  }
0xa: {  	[smem:$0x3FAC] =	sst s2  }
0xb: {  	[smem:$0x3FAD] =	sst s3  }
0xc: {  	[smem:$0x3FAE] =	sst s4  }
0xd: {  	[smem:$0x3FAF] =	sst s5  }
0xe: {  	[smem:$0x3FB0] =	sst s6  }
0xf: {  	[smem:$0x3FB1] =	sst s7  }
0x10: {  	[smem:$0x3FB2] =	sst s8  }
0x11: {  	[smem:$0x3FB3] =	sst s9;
	s0 =	simm.s32 @!p0 $0x0  }
0x12: {  	s1 =	sld [smem:$0x3F99];
	s0 =	simm.s32 @p0 $0x1  }
0x13: {  	[smem:$0x3FB4] =	sst s0;
	s0 =	simm.s32 @!p1 $0x0  }
0x14: {  	s2 =	sld [smem:$0x3F98];
	s0 =	simm.s32 @p1 $0x1  }
0x15: {  	[smem:$0x3FB5] =	sst s0;
	s0 =	simm.s32 @!p2 $0x0  }
0x16: {  	s3 =	sld [smem:$0x3FDB];
	s0 =	simm.s32 @p2 $0x1  }
0x17: {  	s4 =	simm.s32 $0x1BF5;
	[smem:$0x3FB7] =	sst s0  }
0x18: {  	s0 =	sld [smem:$0x3F9A];
	_ =	swait.ge [sflag:s4], $0x0  }
0x19: {  	s7 =	sld [smem:$0x3F9B]  }
0x1a: {  	s8 =	sadd.s32 $0xFFFFE003, lr  }
0x1b: {  	s9 =	sadd.s32 $0xFFFFFEF7, lr;
	s5 =	simm.s32 $0xFFFFFFFF;
	p2 =	slt.u32 s8, $0xFFFFF086  }
0x1c: {  	p1 =	slt.u32 s9, $0xF7A;
	s5 =	simm.s32 @!p2 $0x0  }
0x1d: {  	s5 =	simm.s32 @p1 $0x1;
	p0 =	seq.s32 s7, s2  }
0x1e: {  	s7 =	smul.u32 @!p0 $0xF7A, s2;
	p2 =	seq.s32 @!p0 s5, $0x0  }
0x1f: {  	s9 =	smul.u32 $0xF7A, s1;
	s8 =	simm.s32 @!p0 $0x1BF5;
	p2 =	por !p2, p0  }
0x20: {  	[sflag:s8] =	ssyncset.s32 @!p0 $0xFFFFF086;
	s6 =	sadd.s32 @!p0 s3, s7;
	s7 =	simm.s32 @!p0 $0x108  }
0x21: {  	s3 =	sadd.s32 s3, s9;
	s6 =	sadd.s32 @!p0 $0x88, s6;
	s7 =	simm.s32 @p2 $0x1082  }
0x22: {  	[simem:s7], [sflag:s8] =	dma.local @!p0 [hbm:s6], $0xF7A  }
0x23: {  	s9 =	sor.u32 $0xD0000000, s2;
	s6 =	simm.s32 $0x108;
	_ =	swait.ge @!p0 [sflag:s8], $0x0  }
0x24: {  	s3 =	sadd.s32 $0x88, s3;
	s6 =	simm.s32 @!p1 $0x1082;
	[sflag:s4] =	ssyncset.s32 $0xFFFFF086  }
0x25: {  	[simem:s6], [sflag:s4] =	dma.local [hbm:s3], $0xF7A  }
0x26: {  	[smem:$0x3F9B] =	sst s1;
	(tag) =	ssettag s2;
	_ =	strace s9  }
0x27: {  	s1 =	sld [smem:$0x3FAB]  }
0x28: {  	s2 =	sld [smem:$0x3FAC]  }
0x29: {  	s4 =	sld [smem:$0x3FAE]  }
0x2a: {  	p0 =	seq.s32 s5, $0x0;
	s5 =	sld [smem:$0x3FAF]  }
0x2b: {  	s6 =	sld [smem:$0x3FB0]  }
0x2c: {  	s7 =	sld [smem:$0x3FB1]  }
0x2d: {  	s3 =	simm.s32 $0x108;
	s8 =	sld [smem:$0x3FB2]  }
0x2e: {  	s3 =	simm.s32 @!p0 $0x1082;
	s9 =	sld [smem:$0x3FB3]  }
0x2f: {  	lr =	sadd.s32 s0, s3;
	s0 =	sld [smem:$0x3FAA]  }
0x30: {  	s3 =	sld [smem:$0x3FAD]  }
0x31: {  	[smem:$0x3FB6] =	sst s10  }
0x32: {  	s10 =	sld [smem:$0x3FB4];
	_ =	sdelay $0x3  }
0x33: {  	p0 =	seq.s32 s10, $0x1;
	s10 =	sld [smem:$0x3FB6];
	_ =	sdelay $0x3  }
0x34: {  	[smem:$0x3FB6] =	sst s10  }
0x35: {  	s10 =	sld [smem:$0x3FB5];
	_ =	sdelay $0x3  }
0x36: {  	p1 =	seq.s32 s10, $0x1;
	s10 =	sld [smem:$0x3FB6];
	_ =	sdelay $0x3  }
0x37: {  	[smem:$0x3FB6] =	sst s10  }
0x38: {  	s10 =	sld [smem:$0x3FB7]  }
0x39: {  	_ = 	snop;
	(pc) =	sbr.ind lr, $3  }
0x3a: {  	_ = 	snop  }
0x3b: {  	_ = 	snop  }
0x3c: {  	p2 =	seq.s32 s10, $0x1;
	s10 =	sld [smem:$0x3FB6]  }
0x3d: {  	_ =	shalt  }
0x3e: {  	_ =	shalt  }
0x3f: {  	_ =	shalt  }
0x40: {  	_ =	shalt  }
0x41: {  	_ =	shalt  }
0x42: {  	_ =	shalt  }
0x43: {  	_ =	shalt  }
0x44: {  	_ =	shalt  }
0x45: {  	_ =	shalt  }
0x46: {  	_ =	shalt  }
0x47: {  	_ =	shalt  }
0x48: {  	_ =	shalt  }
0x49: {  	_ =	shalt  }
0x4a: {  	_ =	shalt  }
0x4b: {  	_ =	shalt  }
0x4c: {  	_ =	shalt  }
0x4d: {  	_ =	shalt  }
0x4e: {  	_ =	shalt  }
0x4f: {  	_ =	shalt  }
0x50: {  	_ =	shalt  }
0x51: {  	_ =	shalt  }
0x52: {  	_ =	shalt  }
0x53: {  	_ =	shalt  }
0x54: {  	_ =	shalt  }
0x55: {  	_ =	shalt  }
0x56: {  	_ =	shalt  }
0x57: {  	_ =	shalt  }
0x58: {  	_ =	shalt  }
0x59: {  	_ =	shalt  }
0x5a: {  	_ =	shalt  }
0x5b: {  	_ =	shalt  }
0x5c: {  	_ =	shalt  }
0x5d: {  	_ =	shalt  }
0x5e: {  	_ =	shalt  }
0x5f: {  	_ =	shalt  }
0x60: {  	_ =	shalt  }
0x61: {  	_ =	shalt  }
0x62: {  	_ =	shalt  }
0x63: {  	_ =	shalt  }
0x64: {  	_ =	shalt  }
0x65: {  	_ =	shalt  }
0x66: {  	_ =	shalt  }
0x67: {  	_ =	shalt  }
0x68: {  	_ =	shalt  }
0x69: {  	_ =	shalt  }
0x6a: {  	_ =	shalt  }
0x6b: {  	_ =	shalt  }
0x6c: {  	_ =	shalt  }
0x6d: {  	_ =	shalt  }
0x6e: {  	_ =	shalt  }
0x6f: {  	_ =	shalt  }
0x70: {  	_ =	shalt  }
0x71: {  	_ =	shalt  }
0x72: {  	_ =	shalt  }
0x73: {  	_ =	shalt  }
0x74: {  	_ =	shalt  }
0x75: {  	_ =	shalt  }
0x76: {  	_ =	shalt  }
0x77: {  	_ =	shalt  }
0x78: {  	_ =	shalt  }
0x79: {  	_ =	shalt  }
0x7a: {  	_ =	shalt  }
0x7b: {  	_ =	shalt  }
0x7c: {  	_ =	shalt  }
0x7d: {  	_ =	shalt  }
0x7e: {  	_ =	shalt  }
0x7f: {  	_ =	shalt  }
0x80: {  	_ =	shalt  }
0x81: {  	_ =	shalt  }
0x82: {  	_ =	shalt  }
0x83: {  	_ =	shalt  }
0x84: {  	_ =	shalt  }
0x85: {  	_ =	shalt  }
0x86: {  	_ =	shalt  }
0x87: {  	_ =	shalt  }
.Lfunc_end0:
.L_simem_size_0:
called_computation.2_lowered:
.L_overlay_start_0:
0x88: {  	s2 =	sld [smem:$0x3FD9]  }
0x89: {  	s3 =	sld [smem:$0x3FFE];
	_ =	sdelay $0x1  }
0x8a: {  	s1 =	srdreg.scid  }
0x8b: {  	s0 =	sand.u32 $0x1, s1  }
0x8c: {  	s17 =	sshll.u32 s0, $0xA;
	s2 =	sadd.s32 s3, s2  }
0x8d: {  	s2 =	sadd.s32 s2, s17  }
0x8e: {  	[smem:$0x3FC2] =	sst s2  }
0x8f: {  	_ = 	snop  }
0x90: {  	s2 =	sld [smem:$0x3FD0];
	(tm) =	ssettm $0x1  }
0x91: {  	s18 =	sld [smem:$0x3FFB];
	_ =	sdelay $0x3  }
0x92: {  	_ =	strace s18  }
0x93: {  	s3 =	sld [smem:$0x3FFC];
	_ =	sdelay $0x3  }
0x94: {  	_ =	strace s3  }
0x95: {  	s3 =	sld [smem:$0x3FFD];
	_ =	sdelay $0x3  }
0x96: {  	_ =	strace s3  }
0x97: {  	_ =	strace $0x8FFFFFFF  }
0x98: {  	s19 =	sld [smem:$0x3FDB];
	_ =	sdelay $0x1  }
0x99: {  	s4 =	simm.s32 $_scs_section_size  }
0x9a: {  	s5 =	simm.s32 $_size__tile_overlayer_lowered;
	s6 =	simm.s32 $_tile_overlayer_lowered  }
0x9b: {  	s22 =	simm.s32 $0x1BFF;
	s21 =	sshll.u32 s6, $0x1;
	s3 =	sadd.s32 s4, s19  }
0x9c: {  	s7 =	simm.s32 $0x0;
	s20 =	sshll.u32 s5, $0x1;
	s5 =	sadd.s32 s21, s3  }
0x9d: {  	[timem:s7], [sflag:s22] =	dma.local [hbm:s5], s20  }
0x9e: {  	_ =	swait.ge [sflag:s22], s20  }
0x9f: {  	s4 =	ssub.s32 $0x0, s20;
	[sflag:s22] =	ssyncset.done $0x0  }
0xa0: {  	[sflag:s22] =	ssyncadd.s32 s4;
	_ =	sdelay $0x1  }
0xa1: {  	s23 =	simm.s32 $0x1B8B  }
0xa2: {  	_ =	swait.ge [sflag:s23], $0x1  }
0xa3: {  	[sflag:s23] =	ssyncset.done $0x0  }
0xa4: {  	s25 =	simm.s32 $0x1B8E;
	s24 =	sld [smem:$0x3FFE];
	[sflag:s23] =	ssyncadd.s32 $0xFFFFFFFF  }
0xa5: {  	s26 =	simm.s32 $execute0_lowered;
	[smem:$0x3FD2] =	sst s25  }
0xa6: {  	s5 =	sshll.u32 s26, $0x1;
	_ =	strace $0x8000004C;
	[dreg:$0x1] =	wrdreg $0xFFFFFFFF  }
0xa7: {  	s28 =	simm.s32 $_size_execute0_lowered;
	s3 =	sadd.s32 s3, s5;
	[dreg:$0x0] =	wrdreg $0x0  }
0xa8: {  	s5 =	sshll.u32 s28, $0x1;
	[dreg:$0x2] =	wrdreg s3  }
0xa9: {  	[dreg:$0x3] =	wrdreg s5  }
0xaa: {  	[dreg:$0x4] =	wrdreg $0xC0  }
0xab: {  	_ =	task [dreg:s7], $0x5FFFF  }
0xac: {  	[dreg:$0x1] =	wrdreg $0xFFFFFFFF  }
0xad: {  	[dreg:$0x0] =	wrdreg $0x60  }
0xae: {  	[dreg:$0x2] =	wrdreg s2  }
0xaf: {  	[dreg:$0x3] =	wrdreg s24  }
0xb0: {  	[dreg:$0x4] =	wrdreg $0x83400  }
0xb1: {  	[dreg:$0x5] =	wrdreg $0x9  }
0xb2: {  	_ =	task.clear_ibuf [dreg:s7], $0x6FFFF;
	_ =	strace $0x9000004C  }
0xb3: {  	s29 =	simm.s32 $0x9;
	_ =	strace $0x8000004E  }
0xb4: {  	_ =	swait.ge [sflag:s29], $0x1  }
0xb5: {  	[sflag:s29] =	ssyncadd.s32 $0xFFFFFFFF  }
0xb6: {  	_ =	strace $0x9000004E  }
0xb7: {  	_ =	sfence  }
0xb8: {  	s30 =	sld [smem:$0x0];
	_ =	sdelay $0x2  }
0xb9: {  	s31 =	sshll.u32 s1, $0xD;
	s1 =	sshrl.u32 s1, $0x2  }
0xba: {  	s3 =	sand.u32 $0x4000, s31;
	s1 =	sadd.s32 s1, s30  }
0xbb: {  	s0 =	sor.u32 s3, s0;
	s1 =	sshll.u32 s1, $0x11  }
0xbc: {  	s0 =	sor.u32 s1, s0  }
0xbd: {  	s0 =	sadd.s32 $0x8F2B, s0  }
0xbe: {  	[sflag:s0] =	ssyncadd.remote.s32 $0x1  }
0xbf: {  	_ =	sfence.sel $0xFFFF  }
0xc0: {  	[dreg:$0x0] =	wrdreg $0xFFFFFFFF;
	(pc) =	sbr.abs _section_cstart, $3  }
0xc1: {  	[dreg:$0x1] =	wrdreg $0xFFFFFFFF  }
0xc2: {  	_ =	task.clear_ibuf [dreg:s7], $0x2FFFF;
	_ =	strace $0x9FFFFFFF  }
0xc3: {  	(tm) =	ssettm $0x7FFFFFFF  }
tec
execute0_lowered:
.L_overlay_start_1:
0x0: {  	(tag) =	ssettag $0x1  }
0x1: {  	s1 =	rddreg [dreg:$0x0]  }
0x2: {  	s5 =	rddreg [dreg:$0x1]  }
0x3: {  	s3 =	rddreg [dreg:$0x2];
	s4 =	srdreg.scid  }
0x4: {  	s0 =	rddreg [dreg:$0x3];
	s2 =	stileid.u32  }
0x5: {  	s16 =	simm.s32 $0x5;
	s17 =	simm.s32 $0x28A0;
	s18 =	simm.s32 $0x5140  }
0x6: {  	s19 =	simm.s32 $0x64;
	s20 =	simm.s32 $0x68;
	s21 =	simm.s32 $0x6A40  }
0x7: {  	s22 =	simm.s32 $0x1;
	s23 =	simm.s32 $0x2;
	s24 =	simm.s32 $0x3  }
0x8: {  	s25 =	simm.s32 $0x4;
	s26 =	simm.s32 $0x5070;
	s28 =	simm.s32 $0x50D8  }
0x9: {  	s6 =	sand.u32 $0x1, s4;
	s4 =	simm.s32 $0x0;
	s8 =	smul.u32 $0xA000, s2  }
0xa: {  	s10 =	smul.u32 $0x28000, s2;
	s7 =	sshll.u32 s6, $0x4;
	[smem:$0x7FF] =	sst s4  }
0xb: {  	s9 =	smul.u32 $0xA0000, s6;
	s6 =	ssub.s32 $0x2, s6;
	s7 =	sor.u32 s2, s7  }
0xc: {  	_ =	strace $0x8000004D;
	s11 =	sshrl.u32 s6, $0x1;
	s31 =	sshrl.u32 s10, $0x2  }
0xd: {  	s7 =	smul.u32 $0x514, s7;
	s9 =	sadd.s32 s8, s9;
	s13 =	sadd.s32 s31, s3  }
0xe: {  	s15 =	ssub.s32 s6, s11;
	s9 =	sshrl.u32 s9, $0x3;
	s10 =	sadd.s32 $0x4B00, s13  }
0xf: {  	s11 =	sadd.s32 $0x6400, s13;
	s12 =	sadd.s32 $0x7D00, s13;
	s15 =	smax.u32 s15, $0x1  }
0x10: {  	s7 =	sadd.s32 s7, s5;
	s14 =	sadd.s32 s9, s5;
	s9 =	sadd.s32 $0x3200, s13  }
0x11: {  	s5 =	sadd.s32 $0xD200, s7;
	s6 =	sadd.s32 $0x2E00, s7;
	s7 =	sadd.s32 s8, s3  }
0x12: {  	v0 =	vimm.f32 $0.0e+00;
	s8 =	sadd.s32 $0x1900, s13;
	s13 =	sadd.s32 $0x9600, s13;
	s14 =	sadd.s32 $0x3F600, s14  }
.LBB2_1:
0x13: {  	s30 =	simm.s32 $0x100;
	s29 =	simm.s32 $0x0  }
.LBB2_2:
0x14: {  	p0 =	sne.s32 s30, $0x6300;
	[tilespmem:s29+$0x5170] =	vst v0;
	s31 =	smov.u32 s30;
	s30 =	sadd.s32 $0x100, s30  }
.Ltmp0:
0x15: {  	[tilespmem:s29+$0x5160] =	vst v0;
	(pc) =	sbr.rel @p0 .LBB2_2-.Ltmp0, $3  }
0x16: {  	[tilespmem:s29+$0x5140] =	vst v0  }
0x17: {  	[tilespmem:s29+$0x5150] =	vst v0;
	_ =	sdelay $0x1  }
0x18: {  	s29 =	sshra.s32 s31, $0x2  }
0x19: {  	[tilespmem:s29+$0x5170] =	vst v0  }
0x1a: {  	[tilespmem:s29+$0x5160] =	vst v0  }
0x1b: {  	[tilespmem:s29+$0x5140] =	vst v0  }
0x1c: {  	[tilespmem:s29+$0x5150] =	vst v0;
	s29 =	simm.s32 $0x0  }
0x1d: {  	[tilespmem:s29], [sflag:$0x5] =	stream.linear.gather [hbm4b:s5+s29], $0x28A0, $0x38;
	[tilespmem:$0x12340] =	vst v63  }
0x1e: {  	_ =	swait.ge [sflag:s16], $0x28A0  }
0x1f: {  	[sflag:s16] =	ssyncset.done $0x0  }
0x20: {  	[sflag:s16] =	ssyncadd.s32 $0xFFFFD760  }
0x21: {  	[tilespmem:s17], [sflag:$0x5] =	stream.linear.gather [hbm4b:s6+s29], $0x28A0, $0x38;
	[tilespmem:$0x12340] =	vst v63  }
0x22: {  	_ =	swait.ge [sflag:s16], $0x28A0  }
0x23: {  	[sflag:s16] =	ssyncset.done $0x0  }
0x24: {  	[sflag:s16] =	ssyncadd.s32 $0xFFFFD760  }
0x25: {  	[spmem:s7] =	stream.linear.scatter [tilespmem:s18], [sflag:$0x5], $0x1900, $0x38;
	[tilespmem:$0x12340] =	vst v63  }
0x26: {  	_ =	swait.ge [sflag:s16], $0x1900  }
0x27: {  	[sflag:s16] =	ssyncset.done $0x0  }
0x28: {  	[sflag:s16] =	ssyncadd.s32 $0xFFFFE700  }
0x29: {  	[spmem:s8] =	stream.linear.scatter [tilespmem:s18], [sflag:$0x5], $0x1900, $0x38;
	[tilespmem:$0x12340] =	vst v63  }
0x2a: {  	_ =	swait.ge [sflag:s16], $0x1900  }
0x2b: {  	[sflag:s16] =	ssyncset.done $0x0  }
0x2c: {  	[sflag:s16] =	ssyncadd.s32 $0xFFFFE700  }
0x2d: {  	[spmem:s9] =	stream.linear.scatter [tilespmem:s18], [sflag:$0x5], $0x1900, $0x38;
	[tilespmem:$0x12340] =	vst v63  }
0x2e: {  	_ =	swait.ge [sflag:s16], $0x1900  }
0x2f: {  	[sflag:s16] =	ssyncset.done $0x0  }
0x30: {  	[sflag:s16] =	ssyncadd.s32 $0xFFFFE700  }
0x31: {  	[spmem:s10] =	stream.linear.scatter [tilespmem:s18], [sflag:$0x5], $0x1900, $0x38;
	[tilespmem:$0x12340] =	vst v63  }
0x32: {  	_ =	swait.ge [sflag:s16], $0x1900  }
0x33: {  	[sflag:s16] =	ssyncset.done $0x0  }
0x34: {  	[sflag:s16] =	ssyncadd.s32 $0xFFFFE700  }
0x35: {  	[spmem:s11] =	stream.linear.scatter [tilespmem:s18], [sflag:$0x5], $0x1900, $0x38;
	[tilespmem:$0x12340] =	vst v63  }
0x36: {  	_ =	swait.ge [sflag:s16], $0x1900  }
0x37: {  	[sflag:s16] =	ssyncset.done $0x0  }
0x38: {  	[sflag:s16] =	ssyncadd.s32 $0xFFFFE700  }
0x39: {  	[spmem:s12] =	stream.linear.scatter [tilespmem:s18], [sflag:$0x5], $0x1900, $0x38;
	[tilespmem:$0x12340] =	vst v63  }
0x3a: {  	_ =	swait.ge [sflag:s16], $0x1900  }
0x3b: {  	[sflag:s16] =	ssyncset.done $0x0  }
0x3c: {  	[sflag:s16] =	ssyncadd.s32 $0xFFFFE700  }
0x3d: {  	[spmem:s13] =	stream.linear.scatter [tilespmem:s18], [sflag:$0x5], $0xA00, $0x38;
	[tilespmem:$0x12340] =	vst v63  }
0x3e: {  	_ =	swait.ge [sflag:s16], $0xA00  }
0x3f: {  	[sflag:s16] =	ssyncset.done $0x0  }
0x40: {  	[sflag:s16] =	ssyncadd.s32 $0xFFFFF600  }
0x41: {  	[bflag:$0x0] =	sbarrier.arrive $0xFFFF  }
0x42: {  	[tilespmem:s18], [sflag:$0x1] =	stream.indirect.gather [hbm4b:s1+s19], $0x40, s29, s19, $0xb8;
	[tilespmem:$0x12340] =	vst v63  }
0x43: {  	_ = 	snop  }
0x44: {  	[tilespmem:s21], [sflag:$0x2] =	stream.indirect.gather [hbm4b:s1+s19], $0x40, s20, s19, $0xb8;
	[tilespmem:$0x12340] =	vst v63  }
0x45: {  	_ =	swait.ge [sflag:s22], $0x1900  }
0x46: {  	[sflag:s22] =	ssyncset.done $0x0  }
0x47: {  	s29 =	simm.s32 $0x28A0;
	[sflag:s22] =	ssyncadd.s32 $0xFFFFE700  }
0x48: {  	[spmem:s3] =	stream.indirect.scatter.add.f32 [tilespmem:s18], [sflag:$0x3], $0x40, s29, s19, $0xb8;
	[tilespmem:$0x12340] =	vst v63  }
0x49: {  	_ =	swait.ge [sflag:s23], $0x1900  }
0x4a: {  	[sflag:s23] =	ssyncset.done $0x0  }
0x4b: {  	s29 =	simm.s32 $0x2908;
	[sflag:s23] =	ssyncadd.s32 $0xFFFFE700  }
0x4c: {  	[spmem:s3] =	stream.indirect.scatter.add.f32 [tilespmem:s21], [sflag:$0x4], $0x40, s29, s19, $0xb8;
	[tilespmem:$0x12340] =	vst v63  }
0x4d: {  	_ =	swait.ge [sflag:s24], $0x1900  }
0x4e: {  	[sflag:s24] =	ssyncset.done $0x0  }
0x4f: {  	s29 =	simm.s32 $0xD0;
	[sflag:s24] =	ssyncadd.s32 $0xFFFFE700  }
0x50: {  	[tilespmem:s18], [sflag:$0x1] =	stream.indirect.gather [hbm4b:s1+s19], $0x40, s29, s19, $0xb8;
	[tilespmem:$0x12340] =	vst v63  }
0x51: {  	_ =	swait.ge [sflag:s25], $0x1900  }
0x52: {  	[sflag:s25] =	ssyncset.done $0x0  }
0x53: {  	s30 =	simm.s32 $0x138;
	s29 =	simm.s32 $0x340;
	[sflag:s25] =	ssyncadd.s32 $0xFFFFE700  }
.LBB2_4:
0x54: {  	[tilespmem:s21], [sflag:$0x2] =	stream.indirect.gather [hbm4b:s1+s19], $0x40, s30, s19, $0xb8;
	[tilespmem:$0x12340] =	vst v63  }
0x55: {  	s30 =	smov.u32 s29  }
0x56: {  	p0 =	sne.s32 s29, $0x9C00;
	s29 =	sadd.s32 $0x340, s29;
	_ =	swait.ge [sflag:s22], $0x1900  }
0x57: {  	s30 =	sshra.s32 s30, $0x2;
	[sflag:s22] =	ssyncset.done $0x0  }
0x58: {  	s31 =	sadd.s32 $0x28A0, s30;
	[sflag:s22] =	ssyncadd.s32 $0xFFFFE700  }
0x59: {  	[spmem:s3] =	stream.indirect.scatter.add.f32 [tilespmem:s18], [sflag:$0x3], $0x40, s31, s19, $0xb8;
	[tilespmem:$0x12340] =	vst v63  }
0x5a: {  	_ =	swait.ge [sflag:s23], $0x1900  }
0x5b: {  	[sflag:s23] =	ssyncset.done $0x0  }
0x5c: {  	s31 =	sadd.s32 $0x2908, s30;
	[sflag:s23] =	ssyncadd.s32 $0xFFFFE700  }
0x5d: {  	[spmem:s3] =	stream.indirect.scatter.add.f32 [tilespmem:s21], [sflag:$0x4], $0x40, s31, s19, $0xb8;
	[tilespmem:$0x12340] =	vst v63  }
0x5e: {  	_ =	swait.ge [sflag:s24], $0x1900  }
0x5f: {  	[sflag:s24] =	ssyncset.done $0x0  }
.Ltmp1:
0x60: {  	s31 =	sadd.s32 $0xD0, s30;
	[sflag:s24] =	ssyncadd.s32 $0xFFFFE700;
	(pc) =	sbr.rel @p0 .LBB2_4-.Ltmp1, $4  }
0x61: {  	[tilespmem:s18], [sflag:$0x1] =	stream.indirect.gather [hbm4b:s1+s19], $0x40, s31, s19, $0xb8;
	[tilespmem:$0x12340] =	vst v63  }
0x62: {  	_ =	swait.ge [sflag:s25], $0x1900  }
0x63: {  	[sflag:s25] =	ssyncset.done $0x0  }
0x64: {  	s30 =	sadd.s32 $0x138, s30;
	[sflag:s25] =	ssyncadd.s32 $0xFFFFE700  }
0x65: {  	[tilespmem:s21], [sflag:$0x2] =	stream.indirect.gather [hbm4b:s1+s19], $0x40, s30, s19, $0xb8;
	[tilespmem:$0x12340] =	vst v63  }
0x66: {  	_ =	swait.ge [sflag:s22], $0x1900  }
0x67: {  	[sflag:s22] =	ssyncset.done $0x0  }
0x68: {  	[sflag:s22] =	ssyncadd.s32 $0xFFFFE700  }
0x69: {  	[spmem:s3] =	stream.indirect.scatter.add.f32 [tilespmem:s18], [sflag:$0x3], $0x40, s26, s19, $0xb8;
	[tilespmem:$0x12340] =	vst v63  }
0x6a: {  	_ =	swait.ge [sflag:s23], $0x1900  }
0x6b: {  	[sflag:s23] =	ssyncset.done $0x0  }
0x6c: {  	[sflag:s23] =	ssyncadd.s32 $0xFFFFE700  }
0x6d: {  	[spmem:s3] =	stream.indirect.scatter.add.f32 [tilespmem:s21], [sflag:$0x4], $0x40, s28, s19, $0xb8;
	[tilespmem:$0x12340] =	vst v63  }
0x6e: {  	_ =	swait.ge [sflag:s24], $0x1900  }
0x6f: {  	[sflag:s24] =	ssyncset.done $0x0  }
0x70: {  	[sflag:s24] =	ssyncadd.s32 $0xFFFFE700  }
0x71: {  	_ =	swait.ge [sflag:s25], $0x1900  }
0x72: {  	s29 =	sshll.u32 s2, $0x6;
	s4 =	sadd.s32 $0x1, s4;
	[sflag:s25] =	ssyncset.done $0x0  }
0x73: {  	s31 =	sshrl.u32 s7, $0x3;
	p0 =	sne.s32 s4, s15;
	[sflag:s25] =	ssyncadd.s32 $0xFFFFE700  }
.Ltmp2:
0x74: {  	s29 =	sor.u32 $0x1C05, s29;
	[bflag:$0x0] =	sbarrier.arrive $0xFFFF;
	(pc) =	sbr.rel @p0 .LBB2_1-.Ltmp2, $4  }
0x75: {  	[hbm:s14], [sflag:s29] =	dma.local [spmem:s31], $0x1400  }
0x76: {  	_ =	swait.ge [sflag:s16], $0x1400  }
0x77: {  	[sflag:s16] =	ssyncset.done $0x0  }
0x78: {  	[sflag:s16] =	ssyncadd.s32 $0xFFFFEC00  }
0x79: {  	_ =	sfence.sel $0x180000  }
0x7a: {  	[bflag:$0x0] =	sbarrier.arrive $0xFFFF  }
0x7b: {  	p0 =	sne.s32 s2, $0x0;
	_ =	strace $0x9000004D  }
0x7c: {  	s0 =	sadd.s32 @!p0 $0x100000, s0;
	[bflag:$0x2] =	sbarrier.arrive $0xFFFF  }
0x7d: {  	[sflag:s0] =	ssyncadd.tile.s32 @!p0 $0x1;
	_ =	shalt  }
.Lfunc_end2:
_tile_overlayer_lowered:
.L_overlay_start_2:
0x7e: {  	(tag) =	ssettag $0x2  }
0x7f: {  	s0 =	rddreg [dreg:$0x0];
	s2 =	stileid.u32  }
0x80: {  	s1 =	rddreg [dreg:$0x1];
	p0 =	sne.s32 s2, $0x0  }
0x81: {  	s3 =	rddreg [dreg:$0x2];
	[bflag:$0x3] =	sbarrier.arrive $0xFFFF;
	s2 =	simm.s32 @!p0 $0x1C05  }
0x82: {  	[timem:s3], [sflag:s2] =	dma.local @!p0 [hbm:s0], s1  }
0x83: {  	s0 =	simm.s32 @!p0 $0x5  }
0x84: {  	_ =	swait.ge @!p0 [sflag:s0], s1  }
0x85: {  	s1 =	ssub.s32 @!p0 $0x0, s1;
	[sflag:s0] =	ssyncset.done @!p0 $0x0  }
0x86: {  	[sflag:s0] =	ssyncadd.s32 @!p0 s1  }
0x87: {  	[bflag:$0x3] =	sbarrier.arrive $0xFFFF  }
0x88: {  	_ =	shalt  }

// kernel: kernel.20.cloned.1.call-start
scs
__scs_entry_jumppad:
0x0: {  	(pc) =	sbr.rel $0x88, $3  }
0x1: {  	(tag) =	ssettag $0x0;
	lr =	simm.s32 $0x1  }
0x2: {  	[smem:$0x3F9B] =	sst lr;
	_ =	strace $0xD0000000  }
0x3: {  	_ = 	snop  }
0x4: {  	_ = 	snop  }
0x5: {  	_ = 	snop  }
0x6: {  	_ = 	snop  }
0x7: {  	_ = 	snop  }
__scs_overlays_trampoline_lowered:
0x8: {  	[smem:$0x3FAA] =	sst s0  }
0x9: {  	[smem:$0x3FAB] =	sst s1  }
0xa: {  	[smem:$0x3FAC] =	sst s2  }
0xb: {  	[smem:$0x3FAD] =	sst s3  }
0xc: {  	[smem:$0x3FAE] =	sst s4  }
0xd: {  	[smem:$0x3FAF] =	sst s5  }
0xe: {  	[smem:$0x3FB0] =	sst s6  }
0xf: {  	[smem:$0x3FB1] =	sst s7  }
0x10: {  	[smem:$0x3FB2] =	sst s8  }
0x11: {  	[smem:$0x3FB3] =	sst s9;
	s0 =	simm.s32 @!p0 $0x0  }
0x12: {  	s1 =	sld [smem:$0x3F99];
	s0 =	simm.s32 @p0 $0x1  }
0x13: {  	[smem:$0x3FB4] =	sst s0;
	s0 =	simm.s32 @!p1 $0x0  }
0x14: {  	s2 =	sld [smem:$0x3F98];
	s0 =	simm.s32 @p1 $0x1  }
0x15: {  	[smem:$0x3FB5] =	sst s0;
	s0 =	simm.s32 @!p2 $0x0  }
0x16: {  	s3 =	sld [smem:$0x3FDB];
	s0 =	simm.s32 @p2 $0x1  }
0x17: {  	s4 =	simm.s32 $0x1BF5;
	[smem:$0x3FB7] =	sst s0  }
0x18: {  	s0 =	sld [smem:$0x3F9A];
	_ =	swait.ge [sflag:s4], $0x0  }
0x19: {  	s7 =	sld [smem:$0x3F9B]  }
0x1a: {  	s8 =	sadd.s32 $0xFFFFE003, lr  }
0x1b: {  	s9 =	sadd.s32 $0xFFFFFEF7, lr;
	s5 =	simm.s32 $0xFFFFFFFF;
	p2 =	slt.u32 s8, $0xFFFFF086  }
0x1c: {  	p1 =	slt.u32 s9, $0xF7A;
	s5 =	simm.s32 @!p2 $0x0  }
0x1d: {  	s5 =	simm.s32 @p1 $0x1;
	p0 =	seq.s32 s7, s2  }
0x1e: {  	s7 =	smul.u32 @!p0 $0xF7A, s2;
	p2 =	seq.s32 @!p0 s5, $0x0  }
0x1f: {  	s9 =	smul.u32 $0xF7A, s1;
	s8 =	simm.s32 @!p0 $0x1BF5;
	p2 =	por !p2, p0  }
0x20: {  	[sflag:s8] =	ssyncset.s32 @!p0 $0xFFFFF086;
	s6 =	sadd.s32 @!p0 s3, s7;
	s7 =	simm.s32 @!p0 $0x108  }
0x21: {  	s3 =	sadd.s32 s3, s9;
	s6 =	sadd.s32 @!p0 $0x88, s6;
	s7 =	simm.s32 @p2 $0x1082  }
0x22: {  	[simem:s7], [sflag:s8] =	dma.local @!p0 [hbm:s6], $0xF7A  }
0x23: {  	s9 =	sor.u32 $0xD0000000, s2;
	s6 =	simm.s32 $0x108;
	_ =	swait.ge @!p0 [sflag:s8], $0x0  }
0x24: {  	s3 =	sadd.s32 $0x88, s3;
	s6 =	simm.s32 @!p1 $0x1082;
	[sflag:s4] =	ssyncset.s32 $0xFFFFF086  }
0x25: {  	[simem:s6], [sflag:s4] =	dma.local [hbm:s3], $0xF7A  }
0x26: {  	[smem:$0x3F9B] =	sst s1;
	(tag) =	ssettag s2;
	_ =	strace s9  }
0x27: {  	s1 =	sld [smem:$0x3FAB]  }
0x28: {  	s2 =	sld [smem:$0x3FAC]  }
0x29: {  	s4 =	sld [smem:$0x3FAE]  }
0x2a: {  	p0 =	seq.s32 s5, $0x0;
	s5 =	sld [smem:$0x3FAF]  }
0x2b: {  	s6 =	sld [smem:$0x3FB0]  }
0x2c: {  	s7 =	sld [smem:$0x3FB1]  }
0x2d: {  	s3 =	simm.s32 $0x108;
	s8 =	sld [smem:$0x3FB2]  }
0x2e: {  	s3 =	simm.s32 @!p0 $0x1082;
	s9 =	sld [smem:$0x3FB3]  }
0x2f: {  	lr =	sadd.s32 s0, s3;
	s0 =	sld [smem:$0x3FAA]  }
0x30: {  	s3 =	sld [smem:$0x3FAD]  }
0x31: {  	[smem:$0x3FB6] =	sst s10  }
0x32: {  	s10 =	sld [smem:$0x3FB4];
	_ =	sdelay $0x3  }
0x33: {  	p0 =	seq.s32 s10, $0x1;
	s10 =	sld [smem:$0x3FB6];
	_ =	sdelay $0x3  }
0x34: {  	[smem:$0x3FB6] =	sst s10  }
0x35: {  	s10 =	sld [smem:$0x3FB5];
	_ =	sdelay $0x3  }
0x36: {  	p1 =	seq.s32 s10, $0x1;
	s10 =	sld [smem:$0x3FB6];
	_ =	sdelay $0x3  }
0x37: {  	[smem:$0x3FB6] =	sst s10  }
0x38: {  	s10 =	sld [smem:$0x3FB7]  }
0x39: {  	_ = 	snop;
	(pc) =	sbr.ind lr, $3  }
0x3a: {  	_ = 	snop  }
0x3b: {  	_ = 	snop  }
0x3c: {  	p2 =	seq.s32 s10, $0x1;
	s10 =	sld [smem:$0x3FB6]  }
0x3d: {  	_ =	shalt  }
0x3e: {  	_ =	shalt  }
0x3f: {  	_ =	shalt  }
0x40: {  	_ =	shalt  }
0x41: {  	_ =	shalt  }
0x42: {  	_ =	shalt  }
0x43: {  	_ =	shalt  }
0x44: {  	_ =	shalt  }
0x45: {  	_ =	shalt  }
0x46: {  	_ =	shalt  }
0x47: {  	_ =	shalt  }
0x48: {  	_ =	shalt  }
0x49: {  	_ =	shalt  }
0x4a: {  	_ =	shalt  }
0x4b: {  	_ =	shalt  }
0x4c: {  	_ =	shalt  }
0x4d: {  	_ =	shalt  }
0x4e: {  	_ =	shalt  }
0x4f: {  	_ =	shalt  }
0x50: {  	_ =	shalt  }
0x51: {  	_ =	shalt  }
0x52: {  	_ =	shalt  }
0x53: {  	_ =	shalt  }
0x54: {  	_ =	shalt  }
0x55: {  	_ =	shalt  }
0x56: {  	_ =	shalt  }
0x57: {  	_ =	shalt  }
0x58: {  	_ =	shalt  }
0x59: {  	_ =	shalt  }
0x5a: {  	_ =	shalt  }
0x5b: {  	_ =	shalt  }
0x5c: {  	_ =	shalt  }
0x5d: {  	_ =	shalt  }
0x5e: {  	_ =	shalt  }
0x5f: {  	_ =	shalt  }
0x60: {  	_ =	shalt  }
0x61: {  	_ =	shalt  }
0x62: {  	_ =	shalt  }
0x63: {  	_ =	shalt  }
0x64: {  	_ =	shalt  }
0x65: {  	_ =	shalt  }
0x66: {  	_ =	shalt  }
0x67: {  	_ =	shalt  }
0x68: {  	_ =	shalt  }
0x69: {  	_ =	shalt  }
0x6a: {  	_ =	shalt  }
0x6b: {  	_ =	shalt  }
0x6c: {  	_ =	shalt  }
0x6d: {  	_ =	shalt  }
0x6e: {  	_ =	shalt  }
0x6f: {  	_ =	shalt  }
0x70: {  	_ =	shalt  }
0x71: {  	_ =	shalt  }
0x72: {  	_ =	shalt  }
0x73: {  	_ =	shalt  }
0x74: {  	_ =	shalt  }
0x75: {  	_ =	shalt  }
0x76: {  	_ =	shalt  }
0x77: {  	_ =	shalt  }
0x78: {  	_ =	shalt  }
0x79: {  	_ =	shalt  }
0x7a: {  	_ =	shalt  }
0x7b: {  	_ =	shalt  }
0x7c: {  	_ =	shalt  }
0x7d: {  	_ =	shalt  }
0x7e: {  	_ =	shalt  }
0x7f: {  	_ =	shalt  }
0x80: {  	_ =	shalt  }
0x81: {  	_ =	shalt  }
0x82: {  	_ =	shalt  }
0x83: {  	_ =	shalt  }
0x84: {  	_ =	shalt  }
0x85: {  	_ =	shalt  }
0x86: {  	_ =	shalt  }
0x87: {  	_ =	shalt  }
.Lfunc_end0:
.L_simem_size_0:
called_computation.3_lowered:
.L_overlay_start_0:
0x88: {  	s2 =	sld [smem:$0x3FD9]  }
0x89: {  	s3 =	sld [smem:$0x3FFE];
	_ =	sdelay $0x1  }
0x8a: {  	s1 =	srdreg.scid  }
0x8b: {  	s0 =	sand.u32 $0x1, s1  }
0x8c: {  	s17 =	sshll.u32 s0, $0xA;
	s2 =	sadd.s32 s3, s2  }
0x8d: {  	s2 =	sadd.s32 s2, s17  }
0x8e: {  	[smem:$0x3FC2] =	sst s2  }
0x8f: {  	_ = 	snop  }
0x90: {  	s2 =	sld [smem:$0x3FD0];
	(tm) =	ssettm $0x1  }
0x91: {  	s18 =	sld [smem:$0x3FFB];
	_ =	sdelay $0x3  }
0x92: {  	_ =	strace s18  }
0x93: {  	s3 =	sld [smem:$0x3FFC];
	_ =	sdelay $0x3  }
0x94: {  	_ =	strace s3  }
0x95: {  	s3 =	sld [smem:$0x3FFD];
	_ =	sdelay $0x3  }
0x96: {  	_ =	strace s3  }
0x97: {  	_ =	strace $0x8FFFFFFF  }
0x98: {  	s19 =	sld [smem:$0x3FDB];
	_ =	sdelay $0x1  }
0x99: {  	s4 =	simm.s32 $_scs_section_size  }
0x9a: {  	s5 =	simm.s32 $_size__tile_overlayer_lowered;
	s6 =	simm.s32 $_tile_overlayer_lowered  }
0x9b: {  	s22 =	simm.s32 $0x1BFF;
	s21 =	sshll.u32 s6, $0x1;
	s3 =	sadd.s32 s4, s19  }
0x9c: {  	s7 =	simm.s32 $0x0;
	s20 =	sshll.u32 s5, $0x1;
	s5 =	sadd.s32 s21, s3  }
0x9d: {  	[timem:s7], [sflag:s22] =	dma.local [hbm:s5], s20  }
0x9e: {  	_ =	swait.ge [sflag:s22], s20  }
0x9f: {  	s4 =	ssub.s32 $0x0, s20;
	[sflag:s22] =	ssyncset.done $0x0  }
0xa0: {  	[sflag:s22] =	ssyncadd.s32 s4;
	_ =	sdelay $0x1  }
0xa1: {  	s23 =	simm.s32 $0x1B8B  }
0xa2: {  	_ =	swait.ge [sflag:s23], $0x1  }
0xa3: {  	[sflag:s23] =	ssyncset.done $0x0  }
0xa4: {  	s25 =	simm.s32 $0x1B8E;
	s24 =	sld [smem:$0x3FFE];
	[sflag:s23] =	ssyncadd.s32 $0xFFFFFFFF  }
0xa5: {  	s26 =	simm.s32 $execute0_lowered;
	[smem:$0x3FD2] =	sst s25  }
0xa6: {  	s5 =	sshll.u32 s26, $0x1;
	_ =	strace $0x8000004F;
	[dreg:$0x1] =	wrdreg $0xFFFFFFFF  }
0xa7: {  	s28 =	simm.s32 $_size_execute0_lowered;
	s3 =	sadd.s32 s3, s5;
	[dreg:$0x0] =	wrdreg $0x0  }
0xa8: {  	s5 =	sshll.u32 s28, $0x1;
	[dreg:$0x2] =	wrdreg s3  }
0xa9: {  	[dreg:$0x3] =	wrdreg s5  }
0xaa: {  	[dreg:$0x4] =	wrdreg $0xC0  }
0xab: {  	_ =	task [dreg:s7], $0x5FFFF  }
0xac: {  	[dreg:$0x1] =	wrdreg $0xFFFFFFFF  }
0xad: {  	[dreg:$0x0] =	wrdreg $0x60  }
0xae: {  	[dreg:$0x2] =	wrdreg s2  }
0xaf: {  	[dreg:$0x3] =	wrdreg s24  }
0xb0: {  	[dreg:$0x4] =	wrdreg $0x83400  }
0xb1: {  	[dreg:$0x5] =	wrdreg $0x9  }
0xb2: {  	_ =	task.clear_ibuf [dreg:s7], $0x6FFFF;
	_ =	strace $0x9000004F  }
0xb3: {  	s29 =	simm.s32 $0x9;
	_ =	strace $0x80000051  }
0xb4: {  	_ =	swait.ge [sflag:s29], $0x1  }
0xb5: {  	[sflag:s29] =	ssyncadd.s32 $0xFFFFFFFF  }
0xb6: {  	_ =	strace $0x90000051  }
0xb7: {  	_ =	sfence  }
0xb8: {  	s30 =	sld [smem:$0x0];
	_ =	sdelay $0x2  }
0xb9: {  	s31 =	sshll.u32 s1, $0xD;
	s1 =	sshrl.u32 s1, $0x2  }
0xba: {  	s3 =	sand.u32 $0x4000, s31;
	s1 =	sadd.s32 s1, s30  }
0xbb: {  	s0 =	sor.u32 s3, s0;
	s1 =	sshll.u32 s1, $0x11  }
0xbc: {  	s0 =	sor.u32 s1, s0  }
0xbd: {  	s0 =	sadd.s32 $0x8F2B, s0  }
0xbe: {  	[sflag:s0] =	ssyncadd.remote.s32 $0x1  }
0xbf: {  	_ =	sfence.sel $0xFFFF  }
0xc0: {  	[dreg:$0x0] =	wrdreg $0xFFFFFFFF;
	(pc) =	sbr.abs _section_cstart, $3  }
0xc1: {  	[dreg:$0x1] =	wrdreg $0xFFFFFFFF  }
0xc2: {  	_ =	task.clear_ibuf [dreg:s7], $0x2FFFF;
	_ =	strace $0x9FFFFFFF  }
0xc3: {  	(tm) =	ssettm $0x7FFFFFFF  }
tec
execute0_lowered:
.L_overlay_start_1:
0x0: {  	(tag) =	ssettag $0x1  }
0x1: {  	s1 =	rddreg [dreg:$0x0]  }
0x2: {  	s5 =	rddreg [dreg:$0x1]  }
0x3: {  	s3 =	rddreg [dreg:$0x2];
	s4 =	srdreg.scid  }
0x4: {  	s0 =	rddreg [dreg:$0x3];
	s2 =	stileid.u32  }
0x5: {  	s16 =	simm.s32 $0x5;
	s17 =	simm.s32 $0x28A0;
	s18 =	simm.s32 $0x5140  }
0x6: {  	s19 =	simm.s32 $0x64;
	s20 =	simm.s32 $0x68;
	s21 =	simm.s32 $0x6A40  }
0x7: {  	s22 =	simm.s32 $0x1;
	s23 =	simm.s32 $0x2;
	s24 =	simm.s32 $0x3  }
0x8: {  	s25 =	simm.s32 $0x4;
	s26 =	simm.s32 $0x5070;
	s28 =	simm.s32 $0x50D8  }
0x9: {  	s6 =	sand.u32 $0x1, s4;
	s4 =	simm.s32 $0x0;
	s8 =	smul.u32 $0xA000, s2  }
0xa: {  	s10 =	smul.u32 $0x28000, s2;
	s7 =	sshll.u32 s6, $0x4;
	[smem:$0x7FF] =	sst s4  }
0xb: {  	s9 =	smul.u32 $0xA0000, s6;
	s6 =	ssub.s32 $0x2, s6;
	s7 =	sor.u32 s2, s7  }
0xc: {  	_ =	strace $0x80000050;
	s11 =	sshrl.u32 s6, $0x1;
	s31 =	sshrl.u32 s10, $0x2  }
0xd: {  	s7 =	smul.u32 $0x514, s7;
	s9 =	sadd.s32 s8, s9;
	s13 =	sadd.s32 s31, s3  }
0xe: {  	s15 =	ssub.s32 s6, s11;
	s9 =	sshrl.u32 s9, $0x3;
	s10 =	sadd.s32 $0x4B00, s13  }
0xf: {  	s11 =	sadd.s32 $0x6400, s13;
	s12 =	sadd.s32 $0x7D00, s13;
	s15 =	smax.u32 s15, $0x1  }
0x10: {  	s7 =	sadd.s32 s7, s5;
	s14 =	sadd.s32 s9, s5;
	s9 =	sadd.s32 $0x3200, s13  }
0x11: {  	s5 =	sadd.s32 $0x2E00, s7;
	s6 =	sadd.s32 $0xD200, s7;
	s7 =	sadd.s32 s8, s3  }
0x12: {  	v0 =	vimm.f32 $0.0e+00;
	s8 =	sadd.s32 $0x1900, s13;
	s13 =	sadd.s32 $0x9600, s13;
	s14 =	sadd.s32 $0x17600, s14  }
.LBB2_1:
0x13: {  	s30 =	simm.s32 $0x100;
	s29 =	simm.s32 $0x0  }
.LBB2_2:
0x14: {  	p0 =	sne.s32 s30, $0x6300;
	[tilespmem:s29+$0x5170] =	vst v0;
	s31 =	smov.u32 s30;
	s30 =	sadd.s32 $0x100, s30  }
.Ltmp0:
0x15: {  	[tilespmem:s29+$0x5160] =	vst v0;
	(pc) =	sbr.rel @p0 .LBB2_2-.Ltmp0, $3  }
0x16: {  	[tilespmem:s29+$0x5140] =	vst v0  }
0x17: {  	[tilespmem:s29+$0x5150] =	vst v0;
	_ =	sdelay $0x1  }
0x18: {  	s29 =	sshra.s32 s31, $0x2  }
0x19: {  	[tilespmem:s29+$0x5170] =	vst v0  }
0x1a: {  	[tilespmem:s29+$0x5160] =	vst v0  }
0x1b: {  	[tilespmem:s29+$0x5140] =	vst v0  }
0x1c: {  	[tilespmem:s29+$0x5150] =	vst v0;
	s29 =	simm.s32 $0x0  }
0x1d: {  	[tilespmem:s29], [sflag:$0x5] =	stream.linear.gather [hbm4b:s5+s29], $0x28A0, $0x38;
	[tilespmem:$0x12340] =	vst v63  }
0x1e: {  	_ =	swait.ge [sflag:s16], $0x28A0  }
0x1f: {  	[sflag:s16] =	ssyncset.done $0x0  }
0x20: {  	[sflag:s16] =	ssyncadd.s32 $0xFFFFD760  }
0x21: {  	[tilespmem:s17], [sflag:$0x5] =	stream.linear.gather [hbm4b:s6+s29], $0x28A0, $0x38;
	[tilespmem:$0x12340] =	vst v63  }
0x22: {  	_ =	swait.ge [sflag:s16], $0x28A0  }
0x23: {  	[sflag:s16] =	ssyncset.done $0x0  }
0x24: {  	[sflag:s16] =	ssyncadd.s32 $0xFFFFD760  }
0x25: {  	[spmem:s7] =	stream.linear.scatter [tilespmem:s18], [sflag:$0x5], $0x1900, $0x38;
	[tilespmem:$0x12340] =	vst v63  }
0x26: {  	_ =	swait.ge [sflag:s16], $0x1900  }
0x27: {  	[sflag:s16] =	ssyncset.done $0x0  }
0x28: {  	[sflag:s16] =	ssyncadd.s32 $0xFFFFE700  }
0x29: {  	[spmem:s8] =	stream.linear.scatter [tilespmem:s18], [sflag:$0x5], $0x1900, $0x38;
	[tilespmem:$0x12340] =	vst v63  }
0x2a: {  	_ =	swait.ge [sflag:s16], $0x1900  }
0x2b: {  	[sflag:s16] =	ssyncset.done $0x0  }
0x2c: {  	[sflag:s16] =	ssyncadd.s32 $0xFFFFE700  }
0x2d: {  	[spmem:s9] =	stream.linear.scatter [tilespmem:s18], [sflag:$0x5], $0x1900, $0x38;
	[tilespmem:$0x12340] =	vst v63  }
0x2e: {  	_ =	swait.ge [sflag:s16], $0x1900  }
0x2f: {  	[sflag:s16] =	ssyncset.done $0x0  }
0x30: {  	[sflag:s16] =	ssyncadd.s32 $0xFFFFE700  }
0x31: {  	[spmem:s10] =	stream.linear.scatter [tilespmem:s18], [sflag:$0x5], $0x1900, $0x38;
	[tilespmem:$0x12340] =	vst v63  }
0x32: {  	_ =	swait.ge [sflag:s16], $0x1900  }
0x33: {  	[sflag:s16] =	ssyncset.done $0x0  }
0x34: {  	[sflag:s16] =	ssyncadd.s32 $0xFFFFE700  }
0x35: {  	[spmem:s11] =	stream.linear.scatter [tilespmem:s18], [sflag:$0x5], $0x1900, $0x38;
	[tilespmem:$0x12340] =	vst v63  }
0x36: {  	_ =	swait.ge [sflag:s16], $0x1900  }
0x37: {  	[sflag:s16] =	ssyncset.done $0x0  }
0x38: {  	[sflag:s16] =	ssyncadd.s32 $0xFFFFE700  }
0x39: {  	[spmem:s12] =	stream.linear.scatter [tilespmem:s18], [sflag:$0x5], $0x1900, $0x38;
	[tilespmem:$0x12340] =	vst v63  }
0x3a: {  	_ =	swait.ge [sflag:s16], $0x1900  }
0x3b: {  	[sflag:s16] =	ssyncset.done $0x0  }
0x3c: {  	[sflag:s16] =	ssyncadd.s32 $0xFFFFE700  }
0x3d: {  	[spmem:s13] =	stream.linear.scatter [tilespmem:s18], [sflag:$0x5], $0xA00, $0x38;
	[tilespmem:$0x12340] =	vst v63  }
0x3e: {  	_ =	swait.ge [sflag:s16], $0xA00  }
0x3f: {  	[sflag:s16] =	ssyncset.done $0x0  }
0x40: {  	[sflag:s16] =	ssyncadd.s32 $0xFFFFF600  }
0x41: {  	[bflag:$0x0] =	sbarrier.arrive $0xFFFF  }
0x42: {  	[tilespmem:s18], [sflag:$0x1] =	stream.indirect.gather [hbm4b:s1+s19], $0x40, s29, s19, $0xb8;
	[tilespmem:$0x12340] =	vst v63  }
0x43: {  	_ = 	snop  }
0x44: {  	[tilespmem:s21], [sflag:$0x2] =	stream.indirect.gather [hbm4b:s1+s19], $0x40, s20, s19, $0xb8;
	[tilespmem:$0x12340] =	vst v63  }
0x45: {  	_ =	swait.ge [sflag:s22], $0x1900  }
0x46: {  	[sflag:s22] =	ssyncset.done $0x0  }
0x47: {  	s29 =	simm.s32 $0x28A0;
	[sflag:s22] =	ssyncadd.s32 $0xFFFFE700  }
0x48: {  	[spmem:s3] =	stream.indirect.scatter.add.f32 [tilespmem:s18], [sflag:$0x3], $0x40, s29, s19, $0xb8;
	[tilespmem:$0x12340] =	vst v63  }
0x49: {  	_ =	swait.ge [sflag:s23], $0x1900  }
0x4a: {  	[sflag:s23] =	ssyncset.done $0x0  }
0x4b: {  	s29 =	simm.s32 $0x2908;
	[sflag:s23] =	ssyncadd.s32 $0xFFFFE700  }
0x4c: {  	[spmem:s3] =	stream.indirect.scatter.add.f32 [tilespmem:s21], [sflag:$0x4], $0x40, s29, s19, $0xb8;
	[tilespmem:$0x12340] =	vst v63  }
0x4d: {  	_ =	swait.ge [sflag:s24], $0x1900  }
0x4e: {  	[sflag:s24] =	ssyncset.done $0x0  }
0x4f: {  	s29 =	simm.s32 $0xD0;
	[sflag:s24] =	ssyncadd.s32 $0xFFFFE700  }
0x50: {  	[tilespmem:s18], [sflag:$0x1] =	stream.indirect.gather [hbm4b:s1+s19], $0x40, s29, s19, $0xb8;
	[tilespmem:$0x12340] =	vst v63  }
0x51: {  	_ =	swait.ge [sflag:s25], $0x1900  }
0x52: {  	[sflag:s25] =	ssyncset.done $0x0  }
0x53: {  	s30 =	simm.s32 $0x138;
	s29 =	simm.s32 $0x340;
	[sflag:s25] =	ssyncadd.s32 $0xFFFFE700  }
.LBB2_4:
0x54: {  	[tilespmem:s21], [sflag:$0x2] =	stream.indirect.gather [hbm4b:s1+s19], $0x40, s30, s19, $0xb8;
	[tilespmem:$0x12340] =	vst v63  }
0x55: {  	s30 =	smov.u32 s29  }
0x56: {  	p0 =	sne.s32 s29, $0x9C00;
	s29 =	sadd.s32 $0x340, s29;
	_ =	swait.ge [sflag:s22], $0x1900  }
0x57: {  	s30 =	sshra.s32 s30, $0x2;
	[sflag:s22] =	ssyncset.done $0x0  }
0x58: {  	s31 =	sadd.s32 $0x28A0, s30;
	[sflag:s22] =	ssyncadd.s32 $0xFFFFE700  }
0x59: {  	[spmem:s3] =	stream.indirect.scatter.add.f32 [tilespmem:s18], [sflag:$0x3], $0x40, s31, s19, $0xb8;
	[tilespmem:$0x12340] =	vst v63  }
0x5a: {  	_ =	swait.ge [sflag:s23], $0x1900  }
0x5b: {  	[sflag:s23] =	ssyncset.done $0x0  }
0x5c: {  	s31 =	sadd.s32 $0x2908, s30;
	[sflag:s23] =	ssyncadd.s32 $0xFFFFE700  }
0x5d: {  	[spmem:s3] =	stream.indirect.scatter.add.f32 [tilespmem:s21], [sflag:$0x4], $0x40, s31, s19, $0xb8;
	[tilespmem:$0x12340] =	vst v63  }
0x5e: {  	_ =	swait.ge [sflag:s24], $0x1900  }
0x5f: {  	[sflag:s24] =	ssyncset.done $0x0  }
.Ltmp1:
0x60: {  	s31 =	sadd.s32 $0xD0, s30;
	[sflag:s24] =	ssyncadd.s32 $0xFFFFE700;
	(pc) =	sbr.rel @p0 .LBB2_4-.Ltmp1, $4  }
0x61: {  	[tilespmem:s18], [sflag:$0x1] =	stream.indirect.gather [hbm4b:s1+s19], $0x40, s31, s19, $0xb8;
	[tilespmem:$0x12340] =	vst v63  }
0x62: {  	_ =	swait.ge [sflag:s25], $0x1900  }
0x63: {  	[sflag:s25] =	ssyncset.done $0x0  }
0x64: {  	s30 =	sadd.s32 $0x138, s30;
	[sflag:s25] =	ssyncadd.s32 $0xFFFFE700  }
0x65: {  	[tilespmem:s21], [sflag:$0x2] =	stream.indirect.gather [hbm4b:s1+s19], $0x40, s30, s19, $0xb8;
	[tilespmem:$0x12340] =	vst v63  }
0x66: {  	_ =	swait.ge [sflag:s22], $0x1900  }
0x67: {  	[sflag:s22] =	ssyncset.done $0x0  }
0x68: {  	[sflag:s22] =	ssyncadd.s32 $0xFFFFE700  }
0x69: {  	[spmem:s3] =	stream.indirect.scatter.add.f32 [tilespmem:s18], [sflag:$0x3], $0x40, s26, s19, $0xb8;
	[tilespmem:$0x12340] =	vst v63  }
0x6a: {  	_ =	swait.ge [sflag:s23], $0x1900  }
0x6b: {  	[sflag:s23] =	ssyncset.done $0x0  }
0x6c: {  	[sflag:s23] =	ssyncadd.s32 $0xFFFFE700  }
0x6d: {  	[spmem:s3] =	stream.indirect.scatter.add.f32 [tilespmem:s21], [sflag:$0x4], $0x40, s28, s19, $0xb8;
	[tilespmem:$0x12340] =	vst v63  }
0x6e: {  	_ =	swait.ge [sflag:s24], $0x1900  }
0x6f: {  	[sflag:s24] =	ssyncset.done $0x0  }
0x70: {  	[sflag:s24] =	ssyncadd.s32 $0xFFFFE700  }
0x71: {  	_ =	swait.ge [sflag:s25], $0x1900  }
0x72: {  	s29 =	sshll.u32 s2, $0x6;
	s4 =	sadd.s32 $0x1, s4;
	[sflag:s25] =	ssyncset.done $0x0  }
0x73: {  	s31 =	sshrl.u32 s7, $0x3;
	p0 =	sne.s32 s4, s15;
	[sflag:s25] =	ssyncadd.s32 $0xFFFFE700  }
.Ltmp2:
0x74: {  	s29 =	sor.u32 $0x1C05, s29;
	[bflag:$0x0] =	sbarrier.arrive $0xFFFF;
	(pc) =	sbr.rel @p0 .LBB2_1-.Ltmp2, $4  }
0x75: {  	[hbm:s14], [sflag:s29] =	dma.local [spmem:s31], $0x1400  }
0x76: {  	_ =	swait.ge [sflag:s16], $0x1400  }
0x77: {  	[sflag:s16] =	ssyncset.done $0x0  }
0x78: {  	[sflag:s16] =	ssyncadd.s32 $0xFFFFEC00  }
0x79: {  	_ =	sfence.sel $0x180000  }
0x7a: {  	[bflag:$0x0] =	sbarrier.arrive $0xFFFF  }
0x7b: {  	p0 =	sne.s32 s2, $0x0;
	_ =	strace $0x90000050  }
0x7c: {  	s0 =	sadd.s32 @!p0 $0x100000, s0;
	[bflag:$0x2] =	sbarrier.arrive $0xFFFF  }
0x7d: {  	[sflag:s0] =	ssyncadd.tile.s32 @!p0 $0x1;
	_ =	shalt  }
.Lfunc_end2:
_tile_overlayer_lowered:
.L_overlay_start_2:
0x7e: {  	(tag) =	ssettag $0x2  }
0x7f: {  	s0 =	rddreg [dreg:$0x0];
	s2 =	stileid.u32  }
0x80: {  	s1 =	rddreg [dreg:$0x1];
	p0 =	sne.s32 s2, $0x0  }
0x81: {  	s3 =	rddreg [dreg:$0x2];
	[bflag:$0x3] =	sbarrier.arrive $0xFFFF;
	s2 =	simm.s32 @!p0 $0x1C05  }
0x82: {  	[timem:s3], [sflag:s2] =	dma.local @!p0 [hbm:s0], s1  }
0x83: {  	s0 =	simm.s32 @!p0 $0x5  }
0x84: {  	_ =	swait.ge @!p0 [sflag:s0], s1  }
0x85: {  	s1 =	ssub.s32 @!p0 $0x0, s1;
	[sflag:s0] =	ssyncset.done @!p0 $0x0  }
0x86: {  	[sflag:s0] =	ssyncadd.s32 @!p0 s1  }
0x87: {  	[bflag:$0x3] =	sbarrier.arrive $0xFFFF  }
0x88: {  	_ =	shalt  }

</sc_bundles>
